<compile_context>
chip_gen: v7x
topology: tpu7x:2x2x1
jax: 0.10.2.dev20260603
libtpu: 0.0.44.dev20260713+nightly
codegen_flags: <defaults>
</compile_context>

<pallas_src>
import functools
import math

import jax
import jax.numpy as jnp
from jax import lax
from jax.experimental import pallas as pl
from jax.experimental.pallas import tpu as pltpu
from jax.experimental.pallas import tpu_sc as plsc

D_MODEL = 64
SCALE = math.sqrt(D_MODEL)

NUM_CORES = 2
NUM_SUBCORES = 16
NUM_WORKERS = NUM_CORES * NUM_SUBCORES

GROUP = 128
SPLIT = 104


@functools.cache
def _make_gather(nb, nt, vocab, d):
    b_per_w = nb // NUM_WORKERS
    assert b_per_w % 4 == 0
    g0 = SPLIT
    g1 = nt - g0
    assert g1 <= GROUP and g0 % 8 == 0 and g1 % 8 == 0
    d2 = 2 * d
    n_slots = 2 * b_per_w
    DEPTH = 8
    mesh = plsc.VectorSubcoreMesh(
        core_axis_name="c",
        subcore_axis_name="s",
        num_cores=NUM_CORES,
        num_subcores=NUM_SUBCORES,
    )

    @functools.partial(
        pl.kernel,
        out_type=jax.ShapeDtypeStruct((nb * nt, d2), jnp.float32),
        mesh=mesh,
        scratch_types=[
            pltpu.VMEM((b_per_w, g0), jnp.int32),
            pltpu.VMEM((b_per_w, g1), jnp.int32),
            pltpu.VMEM((DEPTH, g0, d), jnp.float32),
        ]
        + [pltpu.SemaphoreType.DMA] * (2 * DEPTH),
        compiler_params=pltpu.CompilerParams(use_tc_tiling_on_sc=False),
    )
    def gather_kernel(table_hbm, idxa_hbm, idxb_hbm, out_hbm, idxa_v, idxb_v,
                      rows_v, *sems):
        sg = sems[:DEPTH]
        so = sems[DEPTH:]
        wid = lax.axis_index("s") * NUM_CORES + lax.axis_index("c")
        b_base = wid * b_per_w
        pltpu.sync_copy(idxa_hbm.at[pl.ds(b_base, b_per_w)], idxa_v)
        pltpu.sync_copy(idxb_hbm.at[pl.ds(b_base, b_per_w)], idxb_v)

        def gcp(j, half, buf, sem):
            idx_ref = idxa_v if half == 0 else idxb_v
            glen = g0 if half == 0 else g1
            return pltpu.make_async_copy(
                table_hbm.at[idx_ref.at[j // 2]],
                rows_v.at[buf, pl.ds(0, glen)],
                sem,
            )

        def scale_buf(buf, half):
            glen = g0 if half == 0 else g1
            def srow(i, carry):
                r = 4 * i
                for k in range(4):
                    for c in range(0, d, 16):
                        rows_v[buf, r + k, pl.ds(c, 16)] = (
                            rows_v[buf, r + k, pl.ds(c, 16)] * SCALE
                        )
                return carry

            lax.fori_loop(0, glen // 4, srow, 0)

        def ocp(j, half, buf, sem):
            glen = g0 if half == 0 else g1
            row0 = (b_base + j // 2) * nt + (0 if half == 0 else g0)
            return pltpu.make_async_copy(
                rows_v.at[buf, pl.ds(0, glen)],
                out_hbm.at[pl.ds(row0, glen), pl.ds(0, d)],
                sem,
            )

        for p in range(DEPTH - 1):
            gcp(p, p % 2, p, sg[p]).start()
        n_outer = n_slots // DEPTH

        def body(k, carry):
            for i in range(DEPTH):
                j = DEPTH * k + i
                half = i % 2
                gcp(j, half, i, sg[i]).wait()
                scale_buf(i, half)
                ocp(j, half, i, so[i]).start()
                pb = (i - 1) % DEPTH
                phalf = (i - 1) % 2
                if i == 0:
                    @pl.when(k > 0)
                    def _():
                        ocp(j - 1, phalf, pb, so[pb]).wait()

                    gcp(j + DEPTH - 1, phalf, pb, sg[pb]).start()
                else:
                    ocp(j - 1, phalf, pb, so[pb]).wait()

                    @pl.when(k < n_outer - 1)
                    def _():
                        gcp(j + DEPTH - 1, phalf, pb, sg[pb]).start()

            return carry

        lax.fori_loop(0, n_outer, body, 0)
        ocp(n_slots - 1, 1, DEPTH - 1, so[DEPTH - 1]).wait()

    return gather_kernel


def kernel(x, table):
    b, t = x.shape
    vocab, d = table.shape
    idx = x.astype(jnp.int32)
    idx_a = lax.slice(idx, (0, 0), (b, SPLIT))
    idx_b = lax.slice(idx, (0, SPLIT), (b, t))
    out2 = _make_gather(b, t, vocab, d)(table, idx_a, idx_b)
    out3 = out2.reshape(b, t, 2 * d)
    return lax.slice(out3, (0, 0, 0), (b, t, d))

# --- scband reference (transcript-rebuilt; emitter-appended) ---
"""Pipeline reference for scband-input-embedding-4638564679974 (READ-ONLY COPY).

The authoritative reference and input builder live on the scoring server;
editing this copy changes nothing except your own understanding.
"""

import jax, jax.numpy as jnp
import numpy as np
import math

VOCAB = 100000
D_MODEL = 64

def setup_inputs(seed: int = 0) -> dict:
    key = jax.random.key(seed)
    k1, k2 = jax.random.split(key)
    x = jax.random.randint(k1, (4096, 200), 0, VOCAB, dtype=jnp.int64 if jax.config.jax_enable_x64 else jnp.int32)
    table = jax.random.normal(k2, (VOCAB, D_MODEL), dtype=jnp.float32)
    return {"x": x, "table": table}

def reference(x, table):
    emb = jnp.take(table, x, axis=0)
    emb = emb * math.sqrt(D_MODEL)
    return emb

if __name__ == "__main__":
    import jax
    _d = setup_inputs()
    print(jax.jit(kernel)(*tuple(_d.values())))

</pallas_src>

<mosaic_0001>
#map = affine_map<(d0, d1) -> (0, 0)>
module attributes {stable_mosaic.version = 14 : i64} {
  func.func @gather_kernel(%arg0: i32, %arg1: i32, %arg2: memref<100000x64xf32, #tpu.memory_space<hbm>>, %arg3: memref<4096x104xi32, #tpu.memory_space<hbm>>, %arg4: memref<4096x96xi32, #tpu.memory_space<hbm>>, %arg5: memref<819200x128xf32, #tpu.memory_space<hbm>>, %arg6: memref<128x104xi32, #tpu.memory_space<vmem>>, %arg7: memref<128x96xi32, #tpu.memory_space<vmem>>, %arg8: memref<8x104x64xf32, #tpu.memory_space<vmem>>, %arg9: memref<!tpu.dma_semaphore, #tpu.memory_space<semaphore_mem>>, %arg10: memref<!tpu.dma_semaphore, #tpu.memory_space<semaphore_mem>>, %arg11: memref<!tpu.dma_semaphore, #tpu.memory_space<semaphore_mem>>, %arg12: memref<!tpu.dma_semaphore, #tpu.memory_space<semaphore_mem>>, %arg13: memref<!tpu.dma_semaphore, #tpu.memory_space<semaphore_mem>>, %arg14: memref<!tpu.dma_semaphore, #tpu.memory_space<semaphore_mem>>, %arg15: memref<!tpu.dma_semaphore, #tpu.memory_space<semaphore_mem>>, %arg16: memref<!tpu.dma_semaphore, #tpu.memory_space<semaphore_mem>>, %arg17: memref<!tpu.dma_semaphore, #tpu.memory_space<semaphore_mem>>, %arg18: memref<!tpu.dma_semaphore, #tpu.memory_space<semaphore_mem>>, %arg19: memref<!tpu.dma_semaphore, #tpu.memory_space<semaphore_mem>>, %arg20: memref<!tpu.dma_semaphore, #tpu.memory_space<semaphore_mem>>, %arg21: memref<!tpu.dma_semaphore, #tpu.memory_space<semaphore_mem>>, %arg22: memref<!tpu.dma_semaphore, #tpu.memory_space<semaphore_mem>>, %arg23: memref<!tpu.dma_semaphore, #tpu.memory_space<semaphore_mem>>, %arg24: memref<!tpu.dma_semaphore, #tpu.memory_space<semaphore_mem>>) attributes {dimension_semantics = [#tpu.dimension_semantics<core_parallel>, #tpu.dimension_semantics<subcore_parallel>], iteration_bounds = array<i64: 2, 16>, scalar_prefetch = 0 : i64, scratch_operands = 19 : i64, tpu.core_type = #tpu.core_type<sc_vector_subcore>, window_params = [{transform_indices = #map}, {transform_indices = #map}, {transform_indices = #map}, {transform_indices = #map}]} {
    %mul3A = arith.constant 2 : i32
    %mul3A_0 = arith.muli %arg1, %mul3A : i32
    %add3A = arith.addi %mul3A_0, %arg0 : i32
    %mul3A_1 = arith.constant 128 : i32
    %mul3A_2 = arith.muli %add3A, %mul3A_1 : i32
    "tpu.region"() ({
      %run_scoped3A = tpu.sem_alloc : memref<!tpu.dma_semaphore, #tpu.memory_space<semaphore_mem>>
      %dma_start3A_109 = arith.constant 0 : i32
      %dma_start3A_110 = tpu.memref_slice %arg3[%mul3A_2, %dma_start3A_109] : memref<4096x104xi32, #tpu.memory_space<hbm>> -> memref<128x104xi32, #tpu.memory_space<hbm>>
      %dma_start3A_111 = arith.constant 0 : i32
      %dma_start3A_112 = tpu.memref_slice %arg3[%mul3A_2, %dma_start3A_111] : memref<4096x104xi32, #tpu.memory_space<hbm>> -> memref<128x104xi32, #tpu.memory_space<hbm>>
      tpu.enqueue_dma source(%dma_start3A_112 : memref<128x104xi32, #tpu.memory_space<hbm>>) target(%arg6 : memref<128x104xi32, #tpu.memory_space<vmem>>) target_semaphore(%run_scoped3A : memref<!tpu.dma_semaphore, #tpu.memory_space<semaphore_mem>>)
      %dma_wait3A_113 = arith.constant 0 : i32
      %dma_wait3A_114 = tpu.memref_slice %arg3[%mul3A_2, %dma_wait3A_113] : memref<4096x104xi32, #tpu.memory_space<hbm>> -> memref<128x104xi32, #tpu.memory_space<hbm>>
      %dma_wait3A_115 = arith.constant 0 : i32
      %dma_wait3A_116 = tpu.memref_slice %arg3[%mul3A_2, %dma_wait3A_115] : memref<4096x104xi32, #tpu.memory_space<hbm>> -> memref<128x104xi32, #tpu.memory_space<hbm>>
      tpu.wait_dma2 semaphore(%run_scoped3A : memref<!tpu.dma_semaphore, #tpu.memory_space<semaphore_mem>>) src(%dma_wait3A_116 : memref<128x104xi32, #tpu.memory_space<hbm>>) dst(%arg6 : memref<128x104xi32, #tpu.memory_space<vmem>>)
      tpu.yield
    }) : () -> ()
    "tpu.region"() ({
      %run_scoped3A = tpu.sem_alloc : memref<!tpu.dma_semaphore, #tpu.memory_space<semaphore_mem>>
      %dma_start3A_109 = arith.constant 0 : i32
      %dma_start3A_110 = tpu.memref_slice %arg4[%mul3A_2, %dma_start3A_109] : memref<4096x96xi32, #tpu.memory_space<hbm>> -> memref<128x96xi32, #tpu.memory_space<hbm>>
      %dma_start3A_111 = arith.constant 0 : i32
      %dma_start3A_112 = tpu.memref_slice %arg4[%mul3A_2, %dma_start3A_111] : memref<4096x96xi32, #tpu.memory_space<hbm>> -> memref<128x96xi32, #tpu.memory_space<hbm>>
      tpu.enqueue_dma source(%dma_start3A_112 : memref<128x96xi32, #tpu.memory_space<hbm>>) target(%arg7 : memref<128x96xi32, #tpu.memory_space<vmem>>) target_semaphore(%run_scoped3A : memref<!tpu.dma_semaphore, #tpu.memory_space<semaphore_mem>>)
      %dma_wait3A_113 = arith.constant 0 : i32
      %dma_wait3A_114 = tpu.memref_slice %arg4[%mul3A_2, %dma_wait3A_113] : memref<4096x96xi32, #tpu.memory_space<hbm>> -> memref<128x96xi32, #tpu.memory_space<hbm>>
      %dma_wait3A_115 = arith.constant 0 : i32
      %dma_wait3A_116 = tpu.memref_slice %arg4[%mul3A_2, %dma_wait3A_115] : memref<4096x96xi32, #tpu.memory_space<hbm>> -> memref<128x96xi32, #tpu.memory_space<hbm>>
      tpu.wait_dma2 semaphore(%run_scoped3A : memref<!tpu.dma_semaphore, #tpu.memory_space<semaphore_mem>>) src(%dma_wait3A_116 : memref<128x96xi32, #tpu.memory_space<hbm>>) dst(%arg7 : memref<128x96xi32, #tpu.memory_space<vmem>>)
      tpu.yield
    }) : () -> ()
    %dma_start3A = arith.constant 0 : i32
    %dma_start3A_3 = arith.constant 0 : i32
    %dma_start3A_4 = arith.constant 0 : i32
    %dma_start3A_5 = arith.constant 0 : i32
    %dma_start3A_6 = tpu.memref_slice %arg8[%dma_start3A_3, %dma_start3A_4, %dma_start3A_5] : memref<8x104x64xf32, #tpu.memory_space<vmem>> -> memref<1x104x64xf32, #tpu.memory_space<vmem>>
    %dma_start3A_7 = tpu.memref_squeeze %dma_start3A_6 : memref<1x104x64xf32, #tpu.memory_space<vmem>> -> memref<104x64xf32, #tpu.memory_space<vmem>>
    %dma_start3A_8 = arith.constant 0 : i32
    %dma_start3A_9 = tpu.memref_slice %arg6[%dma_start3A, %dma_start3A_8] : memref<128x104xi32, #tpu.memory_space<vmem>> -> memref<1x104xi32, #tpu.memory_space<vmem>>
    %dma_start3A_10 = tpu.memref_squeeze %dma_start3A_9 : memref<1x104xi32, #tpu.memory_space<vmem>> -> memref<104xi32, #tpu.memory_space<vmem>>
    %dma_start3A_11 = arith.constant 0 : i32
    %dma_start3A_12 = arith.constant 0 : i32
    %dma_start3A_13 = tpu.memref_slice %arg2[%dma_start3A_11, %dma_start3A_12] : memref<100000x64xf32, #tpu.memory_space<hbm>> -> memref<100000x64xf32, #tpu.memory_space<hbm>>
    tpu.enqueue_indirect_dma source(%dma_start3A_13 : memref<100000x64xf32, #tpu.memory_space<hbm>>) target(%dma_start3A_7 : memref<104x64xf32, #tpu.memory_space<vmem>>) offsets(%dma_start3A_10 : memref<104xi32, #tpu.memory_space<vmem>>) semaphore(%arg9 : memref<!tpu.dma_semaphore, #tpu.memory_space<semaphore_mem>>)
    %dma_start3A_14 = arith.constant 0 : i32
    %dma_start3A_15 = arith.constant 1 : i32
    %dma_start3A_16 = arith.constant 0 : i32
    %dma_start3A_17 = arith.constant 0 : i32
    %dma_start3A_18 = tpu.memref_slice %arg8[%dma_start3A_15, %dma_start3A_16, %dma_start3A_17] : memref<8x104x64xf32, #tpu.memory_space<vmem>> -> memref<1x96x64xf32, #tpu.memory_space<vmem>>
    %dma_start3A_19 = tpu.memref_squeeze %dma_start3A_18 : memref<1x96x64xf32, #tpu.memory_space<vmem>> -> memref<96x64xf32, #tpu.memory_space<vmem>>
    %dma_start3A_20 = arith.constant 0 : i32
    %dma_start3A_21 = tpu.memref_slice %arg7[%dma_start3A_14, %dma_start3A_20] : memref<128x96xi32, #tpu.memory_space<vmem>> -> memref<1x96xi32, #tpu.memory_space<vmem>>
    %dma_start3A_22 = tpu.memref_squeeze %dma_start3A_21 : memref<1x96xi32, #tpu.memory_space<vmem>> -> memref<96xi32, #tpu.memory_space<vmem>>
    %dma_start3A_23 = arith.constant 0 : i32
    %dma_start3A_24 = arith.constant 0 : i32
    %dma_start3A_25 = tpu.memref_slice %arg2[%dma_start3A_23, %dma_start3A_24] : memref<100000x64xf32, #tpu.memory_space<hbm>> -> memref<100000x64xf32, #tpu.memory_space<hbm>>
    tpu.enqueue_indirect_dma source(%dma_start3A_25 : memref<100000x64xf32, #tpu.memory_space<hbm>>) target(%dma_start3A_19 : memref<96x64xf32, #tpu.memory_space<vmem>>) offsets(%dma_start3A_22 : memref<96xi32, #tpu.memory_space<vmem>>) semaphore(%arg10 : memref<!tpu.dma_semaphore, #tpu.memory_space<semaphore_mem>>)
    %dma_start3A_26 = arith.constant 1 : i32
    %dma_start3A_27 = arith.constant 2 : i32
    %dma_start3A_28 = arith.constant 0 : i32
    %dma_start3A_29 = arith.constant 0 : i32
    %dma_start3A_30 = tpu.memref_slice %arg8[%dma_start3A_27, %dma_start3A_28, %dma_start3A_29] : memref<8x104x64xf32, #tpu.memory_space<vmem>> -> memref<1x104x64xf32, #tpu.memory_space<vmem>>
    %dma_start3A_31 = tpu.memref_squeeze %dma_start3A_30 : memref<1x104x64xf32, #tpu.memory_space<vmem>> -> memref<104x64xf32, #tpu.memory_space<vmem>>
    %dma_start3A_32 = arith.constant 0 : i32
    %dma_start3A_33 = tpu.memref_slice %arg6[%dma_start3A_26, %dma_start3A_32] : memref<128x104xi32, #tpu.memory_space<vmem>> -> memref<1x104xi32, #tpu.memory_space<vmem>>
    %dma_start3A_34 = tpu.memref_squeeze %dma_start3A_33 : memref<1x104xi32, #tpu.memory_space<vmem>> -> memref<104xi32, #tpu.memory_space<vmem>>
    %dma_start3A_35 = arith.constant 0 : i32
    %dma_start3A_36 = arith.constant 0 : i32
    %dma_start3A_37 = tpu.memref_slice %arg2[%dma_start3A_35, %dma_start3A_36] : memref<100000x64xf32, #tpu.memory_space<hbm>> -> memref<100000x64xf32, #tpu.memory_space<hbm>>
    tpu.enqueue_indirect_dma source(%dma_start3A_37 : memref<100000x64xf32, #tpu.memory_space<hbm>>) target(%dma_start3A_31 : memref<104x64xf32, #tpu.memory_space<vmem>>) offsets(%dma_start3A_34 : memref<104xi32, #tpu.memory_space<vmem>>) semaphore(%arg11 : memref<!tpu.dma_semaphore, #tpu.memory_space<semaphore_mem>>)
    %dma_start3A_38 = arith.constant 1 : i32
    %dma_start3A_39 = arith.constant 3 : i32
    %dma_start3A_40 = arith.constant 0 : i32
    %dma_start3A_41 = arith.constant 0 : i32
    %dma_start3A_42 = tpu.memref_slice %arg8[%dma_start3A_39, %dma_start3A_40, %dma_start3A_41] : memref<8x104x64xf32, #tpu.memory_space<vmem>> -> memref<1x96x64xf32, #tpu.memory_space<vmem>>
    %dma_start3A_43 = tpu.memref_squeeze %dma_start3A_42 : memref<1x96x64xf32, #tpu.memory_space<vmem>> -> memref<96x64xf32, #tpu.memory_space<vmem>>
    %dma_start3A_44 = arith.constant 0 : i32
    %dma_start3A_45 = tpu.memref_slice %arg7[%dma_start3A_38, %dma_start3A_44] : memref<128x96xi32, #tpu.memory_space<vmem>> -> memref<1x96xi32, #tpu.memory_space<vmem>>
    %dma_start3A_46 = tpu.memref_squeeze %dma_start3A_45 : memref<1x96xi32, #tpu.memory_space<vmem>> -> memref<96xi32, #tpu.memory_space<vmem>>
    %dma_start3A_47 = arith.constant 0 : i32
    %dma_start3A_48 = arith.constant 0 : i32
    %dma_start3A_49 = tpu.memref_slice %arg2[%dma_start3A_47, %dma_start3A_48] : memref<100000x64xf32, #tpu.memory_space<hbm>> -> memref<100000x64xf32, #tpu.memory_space<hbm>>
    tpu.enqueue_indirect_dma source(%dma_start3A_49 : memref<100000x64xf32, #tpu.memory_space<hbm>>) target(%dma_start3A_43 : memref<96x64xf32, #tpu.memory_space<vmem>>) offsets(%dma_start3A_46 : memref<96xi32, #tpu.memory_space<vmem>>) semaphore(%arg12 : memref<!tpu.dma_semaphore, #tpu.memory_space<semaphore_mem>>)
    %dma_start3A_50 = arith.constant 2 : i32
    %dma_start3A_51 = arith.constant 4 : i32
    %dma_start3A_52 = arith.constant 0 : i32
    %dma_start3A_53 = arith.constant 0 : i32
    %dma_start3A_54 = tpu.memref_slice %arg8[%dma_start3A_51, %dma_start3A_52, %dma_start3A_53] : memref<8x104x64xf32, #tpu.memory_space<vmem>> -> memref<1x104x64xf32, #tpu.memory_space<vmem>>
    %dma_start3A_55 = tpu.memref_squeeze %dma_start3A_54 : memref<1x104x64xf32, #tpu.memory_space<vmem>> -> memref<104x64xf32, #tpu.memory_space<vmem>>
    %dma_start3A_56 = arith.constant 0 : i32
    %dma_start3A_57 = tpu.memref_slice %arg6[%dma_start3A_50, %dma_start3A_56] : memref<128x104xi32, #tpu.memory_space<vmem>> -> memref<1x104xi32, #tpu.memory_space<vmem>>
    %dma_start3A_58 = tpu.memref_squeeze %dma_start3A_57 : memref<1x104xi32, #tpu.memory_space<vmem>> -> memref<104xi32, #tpu.memory_space<vmem>>
    %dma_start3A_59 = arith.constant 0 : i32
    %dma_start3A_60 = arith.constant 0 : i32
    %dma_start3A_61 = tpu.memref_slice %arg2[%dma_start3A_59, %dma_start3A_60] : memref<100000x64xf32, #tpu.memory_space<hbm>> -> memref<100000x64xf32, #tpu.memory_space<hbm>>
    tpu.enqueue_indirect_dma source(%dma_start3A_61 : memref<100000x64xf32, #tpu.memory_space<hbm>>) target(%dma_start3A_55 : memref<104x64xf32, #tpu.memory_space<vmem>>) offsets(%dma_start3A_58 : memref<104xi32, #tpu.memory_space<vmem>>) semaphore(%arg13 : memref<!tpu.dma_semaphore, #tpu.memory_space<semaphore_mem>>)
    %dma_start3A_62 = arith.constant 2 : i32
    %dma_start3A_63 = arith.constant 5 : i32
    %dma_start3A_64 = arith.constant 0 : i32
    %dma_start3A_65 = arith.constant 0 : i32
    %dma_start3A_66 = tpu.memref_slice %arg8[%dma_start3A_63, %dma_start3A_64, %dma_start3A_65] : memref<8x104x64xf32, #tpu.memory_space<vmem>> -> memref<1x96x64xf32, #tpu.memory_space<vmem>>
    %dma_start3A_67 = tpu.memref_squeeze %dma_start3A_66 : memref<1x96x64xf32, #tpu.memory_space<vmem>> -> memref<96x64xf32, #tpu.memory_space<vmem>>
    %dma_start3A_68 = arith.constant 0 : i32
    %dma_start3A_69 = tpu.memref_slice %arg7[%dma_start3A_62, %dma_start3A_68] : memref<128x96xi32, #tpu.memory_space<vmem>> -> memref<1x96xi32, #tpu.memory_space<vmem>>
    %dma_start3A_70 = tpu.memref_squeeze %dma_start3A_69 : memref<1x96xi32, #tpu.memory_space<vmem>> -> memref<96xi32, #tpu.memory_space<vmem>>
    %dma_start3A_71 = arith.constant 0 : i32
    %dma_start3A_72 = arith.constant 0 : i32
    %dma_start3A_73 = tpu.memref_slice %arg2[%dma_start3A_71, %dma_start3A_72] : memref<100000x64xf32, #tpu.memory_space<hbm>> -> memref<100000x64xf32, #tpu.memory_space<hbm>>
    tpu.enqueue_indirect_dma source(%dma_start3A_73 : memref<100000x64xf32, #tpu.memory_space<hbm>>) target(%dma_start3A_67 : memref<96x64xf32, #tpu.memory_space<vmem>>) offsets(%dma_start3A_70 : memref<96xi32, #tpu.memory_space<vmem>>) semaphore(%arg14 : memref<!tpu.dma_semaphore, #tpu.memory_space<semaphore_mem>>)
    %dma_start3A_74 = arith.constant 3 : i32
    %dma_start3A_75 = arith.constant 6 : i32
    %dma_start3A_76 = arith.constant 0 : i32
    %dma_start3A_77 = arith.constant 0 : i32
    %dma_start3A_78 = tpu.memref_slice %arg8[%dma_start3A_75, %dma_start3A_76, %dma_start3A_77] : memref<8x104x64xf32, #tpu.memory_space<vmem>> -> memref<1x104x64xf32, #tpu.memory_space<vmem>>
    %dma_start3A_79 = tpu.memref_squeeze %dma_start3A_78 : memref<1x104x64xf32, #tpu.memory_space<vmem>> -> memref<104x64xf32, #tpu.memory_space<vmem>>
    %dma_start3A_80 = arith.constant 0 : i32
    %dma_start3A_81 = tpu.memref_slice %arg6[%dma_start3A_74, %dma_start3A_80] : memref<128x104xi32, #tpu.memory_space<vmem>> -> memref<1x104xi32, #tpu.memory_space<vmem>>
    %dma_start3A_82 = tpu.memref_squeeze %dma_start3A_81 : memref<1x104xi32, #tpu.memory_space<vmem>> -> memref<104xi32, #tpu.memory_space<vmem>>
    %dma_start3A_83 = arith.constant 0 : i32
    %dma_start3A_84 = arith.constant 0 : i32
    %dma_start3A_85 = tpu.memref_slice %arg2[%dma_start3A_83, %dma_start3A_84] : memref<100000x64xf32, #tpu.memory_space<hbm>> -> memref<100000x64xf32, #tpu.memory_space<hbm>>
    tpu.enqueue_indirect_dma source(%dma_start3A_85 : memref<100000x64xf32, #tpu.memory_space<hbm>>) target(%dma_start3A_79 : memref<104x64xf32, #tpu.memory_space<vmem>>) offsets(%dma_start3A_82 : memref<104xi32, #tpu.memory_space<vmem>>) semaphore(%arg15 : memref<!tpu.dma_semaphore, #tpu.memory_space<semaphore_mem>>)
    %scan3A = arith.constant 0 : i32
    %scan3A_86 = arith.constant 0 : i32
    %scan3A_87 = arith.constant 32 : i32
    %scan3A_88 = arith.addi %scan3A_86, %scan3A_87 : i32
    %scan3A_89 = arith.constant 1 : i32
    scf.for %scan3A_109 = %scan3A_86 to %scan3A_88 step %scan3A_89  : i32 {
      %mul3A_110 = arith.constant 8 : i32
      %mul3A_111 = arith.muli %mul3A_110, %scan3A_109 : i32
      %add3A_112 = arith.constant 0 : i32
      %add3A_113 = arith.addi %mul3A_111, %add3A_112 : i32
      %jit3A = arith.constant 2 : i32
      %div3A = arith.divsi %add3A_113, %jit3A : i32
      %sign3A = arith.constant 0 : i32
      %sign3A_114 = arith.cmpi sgt, %add3A_113, %sign3A : i32
      %sign3A_115 = arith.extui %sign3A_114 : i1 to i32
      %sign3A_116 = arith.constant 0 : i32
      %sign3A_117 = arith.cmpi slt, %add3A_113, %sign3A_116 : i32
      %sign3A_118 = arith.extui %sign3A_117 : i1 to i32
      %sign3A_119 = arith.subi %sign3A_115, %sign3A_118 : i32
      %sign3A_120 = arith.constant 0 : i32
      %sign3A_121 = arith.cmpi sgt, %jit3A, %sign3A_120 : i32
      %sign3A_122 = arith.extui %sign3A_121 : i1 to i32
      %sign3A_123 = arith.constant 0 : i32
      %sign3A_124 = arith.cmpi slt, %jit3A, %sign3A_123 : i32
      %sign3A_125 = arith.extui %sign3A_124 : i1 to i32
      %sign3A_126 = arith.subi %sign3A_122, %sign3A_125 : i32
      %ne3A = arith.cmpi ne, %sign3A_119, %sign3A_126 : i32
      %rem3A = arith.remsi %add3A_113, %jit3A : i32
      %ne3A_127 = arith.constant 0 : i32
      %ne3A_128 = arith.cmpi ne, %rem3A, %ne3A_127 : i32
      %and3A = arith.andi %ne3A, %ne3A_128 : i1
      %sub3A = arith.constant 1 : i32
      %sub3A_129 = arith.subi %div3A, %sub3A : i32
      %select_n3A = arith.select %and3A, %sub3A_129, %div3A : i32
      %dma_wait3A_130 = arith.constant 0 : i32
      %dma_wait3A_131 = arith.constant 0 : i32
      %dma_wait3A_132 = arith.constant 0 : i32
      %dma_wait3A_133 = tpu.memref_slice %arg8[%dma_wait3A_130, %dma_wait3A_131, %dma_wait3A_132] : memref<8x104x64xf32, #tpu.memory_space<vmem>> -> memref<1x104x64xf32, #tpu.memory_space<vmem>>
      %dma_wait3A_134 = tpu.memref_squeeze %dma_wait3A_133 : memref<1x104x64xf32, #tpu.memory_space<vmem>> -> memref<104x64xf32, #tpu.memory_space<vmem>>
      %dma_wait3A_135 = arith.constant 0 : i32
      %dma_wait3A_136 = tpu.memref_slice %arg6[%select_n3A, %dma_wait3A_135] : memref<128x104xi32, #tpu.memory_space<vmem>> -> memref<1x104xi32, #tpu.memory_space<vmem>>
      %dma_wait3A_137 = tpu.memref_squeeze %dma_wait3A_136 : memref<1x104xi32, #tpu.memory_space<vmem>> -> memref<104xi32, #tpu.memory_space<vmem>>
      %dma_wait3A_138 = arith.constant 0 : i32
      %dma_wait3A_139 = arith.constant 0 : i32
      %dma_wait3A_140 = tpu.memref_slice %arg2[%dma_wait3A_138, %dma_wait3A_139] : memref<100000x64xf32, #tpu.memory_space<hbm>> -> memref<100000x64xf32, #tpu.memory_space<hbm>>
      tpu.wait_indirect_dma semaphore(%arg9 : memref<!tpu.dma_semaphore, #tpu.memory_space<semaphore_mem>>) src(%dma_wait3A_140 : memref<100000x64xf32, #tpu.memory_space<hbm>>) dst(%dma_wait3A_134 : memref<104x64xf32, #tpu.memory_space<vmem>>)
      %scan3A_141 = arith.constant 0 : i32
      %scan3A_142 = arith.constant 0 : i32
      %scan3A_143 = arith.constant 26 : i32
      %scan3A_144 = arith.addi %scan3A_142, %scan3A_143 : i32
      %scan3A_145 = arith.constant 1 : i32
      scf.for %scan3A_1181 = %scan3A_142 to %scan3A_144 step %scan3A_145  : i32 {
        %mul3A_1182 = arith.constant 4 : i32
        %mul3A_1183 = arith.muli %mul3A_1182, %scan3A_1181 : i32
        %add3A_1184 = arith.constant 0 : i32
        %add3A_1185 = arith.addi %mul3A_1183, %add3A_1184 : i32
        %get3A = arith.constant 0 : i32
        %get3A_1186 = arith.index_cast %get3A : i32 to index
        %get3A_1187 = arith.index_cast %add3A_1185 : i32 to index
        %get3A_1188 = arith.constant 0 : index
        %get3A_1189 = tpu.vector_load %arg8[%get3A_1186, %get3A_1187, %get3A_1188] {strides = array<i32>} : memref<8x104x64xf32, #tpu.memory_space<vmem>>, vector<1x1x16xf32>,
        %get3A_1190 = vector.shape_cast %get3A_1189 : vector<1x1x16xf32> to vector<16xf32>
        %mul3A_1191 = arith.constant 8.000000e+00 : f32
        %mul3A_1192 = vector.broadcast %mul3A_1191 : f32 to vector<16xf32>
        %mul3A_1193 = arith.mulf %get3A_1190, %mul3A_1192 : vector<16xf32>
        %add3A_1194 = arith.constant 0 : i32
        %add3A_1195 = arith.addi %mul3A_1183, %add3A_1194 : i32
        %swap3A = arith.constant 0 : i32
        %swap3A_1196 = arith.index_cast %swap3A : i32 to index
        %swap3A_1197 = arith.index_cast %add3A_1195 : i32 to index
        %swap3A_1198 = arith.constant 0 : index
        %swap3A_1199 = tpu.vector_load %arg8[%swap3A_1196, %swap3A_1197, %swap3A_1198] {strides = array<i32>} : memref<8x104x64xf32, #tpu.memory_space<vmem>>, vector<1x1x16xf32>,
        %swap3A_1200 = vector.shape_cast %swap3A_1199 : vector<1x1x16xf32> to vector<16xf32>
        %swap3A_1201 = vector.shape_cast %mul3A_1193 : vector<16xf32> to vector<1x1x16xf32>
        tpu.vector_store %arg8[%swap3A_1196, %swap3A_1197, %swap3A_1198], %swap3A_1201 {strides = array<i32>} : memref<8x104x64xf32, #tpu.memory_space<vmem>>, vector<1x1x16xf32>,
        %add3A_1202 = arith.constant 0 : i32
        %add3A_1203 = arith.addi %mul3A_1183, %add3A_1202 : i32
        %get3A_1204 = arith.constant 0 : i32
        %get3A_1205 = arith.index_cast %get3A_1204 : i32 to index
        %get3A_1206 = arith.index_cast %add3A_1203 : i32 to index
        %get3A_1207 = arith.constant 16 : index
        %get3A_1208 = tpu.vector_load %arg8[%get3A_1205, %get3A_1206, %get3A_1207] {strides = array<i32>} : memref<8x104x64xf32, #tpu.memory_space<vmem>>, vector<1x1x16xf32>,
        %get3A_1209 = vector.shape_cast %get3A_1208 : vector<1x1x16xf32> to vector<16xf32>
        %mul3A_1210 = arith.constant 8.000000e+00 : f32
        %mul3A_1211 = vector.broadcast %mul3A_1210 : f32 to vector<16xf32>
        %mul3A_1212 = arith.mulf %get3A_1209, %mul3A_1211 : vector<16xf32>
        %add3A_1213 = arith.constant 0 : i32
        %add3A_1214 = arith.addi %mul3A_1183, %add3A_1213 : i32
        %swap3A_1215 = arith.constant 0 : i32
        %swap3A_1216 = arith.index_cast %swap3A_1215 : i32 to index
        %swap3A_1217 = arith.index_cast %add3A_1214 : i32 to index
        %swap3A_1218 = arith.constant 16 : index
        %swap3A_1219 = tpu.vector_load %arg8[%swap3A_1216, %swap3A_1217, %swap3A_1218] {strides = array<i32>} : memref<8x104x64xf32, #tpu.memory_space<vmem>>, vector<1x1x16xf32>,
        %swap3A_1220 = vector.shape_cast %swap3A_1219 : vector<1x1x16xf32> to vector<16xf32>
        %swap3A_1221 = vector.shape_cast %mul3A_1212 : vector<16xf32> to vector<1x1x16xf32>
        tpu.vector_store %arg8[%swap3A_1216, %swap3A_1217, %swap3A_1218], %swap3A_1221 {strides = array<i32>} : memref<8x104x64xf32, #tpu.memory_space<vmem>>, vector<1x1x16xf32>,
        %add3A_1222 = arith.constant 0 : i32
        %add3A_1223 = arith.addi %mul3A_1183, %add3A_1222 : i32
        %get3A_1224 = arith.constant 0 : i32
        %get3A_1225 = arith.index_cast %get3A_1224 : i32 to index
        %get3A_1226 = arith.index_cast %add3A_1223 : i32 to index
        %get3A_1227 = arith.constant 32 : index
        %get3A_1228 = tpu.vector_load %arg8[%get3A_1225, %get3A_1226, %get3A_1227] {strides = array<i32>} : memref<8x104x64xf32, #tpu.memory_space<vmem>>, vector<1x1x16xf32>,
        %get3A_1229 = vector.shape_cast %get3A_1228 : vector<1x1x16xf32> to vector<16xf32>
        %mul3A_1230 = arith.constant 8.000000e+00 : f32
        %mul3A_1231 = vector.broadcast %mul3A_1230 : f32 to vector<16xf32>
        %mul3A_1232 = arith.mulf %get3A_1229, %mul3A_1231 : vector<16xf32>
        %add3A_1233 = arith.constant 0 : i32
        %add3A_1234 = arith.addi %mul3A_1183, %add3A_1233 : i32
        %swap3A_1235 = arith.constant 0 : i32
        %swap3A_1236 = arith.index_cast %swap3A_1235 : i32 to index
        %swap3A_1237 = arith.index_cast %add3A_1234 : i32 to index
        %swap3A_1238 = arith.constant 32 : index
        %swap3A_1239 = tpu.vector_load %arg8[%swap3A_1236, %swap3A_1237, %swap3A_1238] {strides = array<i32>} : memref<8x104x64xf32, #tpu.memory_space<vmem>>, vector<1x1x16xf32>,
        %swap3A_1240 = vector.shape_cast %swap3A_1239 : vector<1x1x16xf32> to vector<16xf32>
        %swap3A_1241 = vector.shape_cast %mul3A_1232 : vector<16xf32> to vector<1x1x16xf32>
        tpu.vector_store %arg8[%swap3A_1236, %swap3A_1237, %swap3A_1238], %swap3A_1241 {strides = array<i32>} : memref<8x104x64xf32, #tpu.memory_space<vmem>>, vector<1x1x16xf32>,
        %add3A_1242 = arith.constant 0 : i32
        %add3A_1243 = arith.addi %mul3A_1183, %add3A_1242 : i32
        %get3A_1244 = arith.constant 0 : i32
        %get3A_1245 = arith.index_cast %get3A_1244 : i32 to index
        %get3A_1246 = arith.index_cast %add3A_1243 : i32 to index
        %get3A_1247 = arith.constant 48 : index
        %get3A_1248 = tpu.vector_load %arg8[%get3A_1245, %get3A_1246, %get3A_1247] {strides = array<i32>} : memref<8x104x64xf32, #tpu.memory_space<vmem>>, vector<1x1x16xf32>,
        %get3A_1249 = vector.shape_cast %get3A_1248 : vector<1x1x16xf32> to vector<16xf32>
        %mul3A_1250 = arith.constant 8.000000e+00 : f32
        %mul3A_1251 = vector.broadcast %mul3A_1250 : f32 to vector<16xf32>
        %mul3A_1252 = arith.mulf %get3A_1249, %mul3A_1251 : vector<16xf32>
        %add3A_1253 = arith.constant 0 : i32
        %add3A_1254 = arith.addi %mul3A_1183, %add3A_1253 : i32
        %swap3A_1255 = arith.constant 0 : i32
        %swap3A_1256 = arith.index_cast %swap3A_1255 : i32 to index
        %swap3A_1257 = arith.index_cast %add3A_1254 : i32 to index
        %swap3A_1258 = arith.constant 48 : index
        %swap3A_1259 = tpu.vector_load %arg8[%swap3A_1256, %swap3A_1257, %swap3A_1258] {strides = array<i32>} : memref<8x104x64xf32, #tpu.memory_space<vmem>>, vector<1x1x16xf32>,
        %swap3A_1260 = vector.shape_cast %swap3A_1259 : vector<1x1x16xf32> to vector<16xf32>
        %swap3A_1261 = vector.shape_cast %mul3A_1252 : vector<16xf32> to vector<1x1x16xf32>
        tpu.vector_store %arg8[%swap3A_1256, %swap3A_1257, %swap3A_1258], %swap3A_1261 {strides = array<i32>} : memref<8x104x64xf32, #tpu.memory_space<vmem>>, vector<1x1x16xf32>,
        %add3A_1262 = arith.constant 1 : i32
        %add3A_1263 = arith.addi %mul3A_1183, %add3A_1262 : i32
        %get3A_1264 = arith.constant 0 : i32
        %get3A_1265 = arith.index_cast %get3A_1264 : i32 to index
        %get3A_1266 = arith.index_cast %add3A_1263 : i32 to index
        %get3A_1267 = arith.constant 0 : index
        %get3A_1268 = tpu.vector_load %arg8[%get3A_1265, %get3A_1266, %get3A_1267] {strides = array<i32>} : memref<8x104x64xf32, #tpu.memory_space<vmem>>, vector<1x1x16xf32>,
        %get3A_1269 = vector.shape_cast %get3A_1268 : vector<1x1x16xf32> to vector<16xf32>
        %mul3A_1270 = arith.constant 8.000000e+00 : f32
        %mul3A_1271 = vector.broadcast %mul3A_1270 : f32 to vector<16xf32>
        %mul3A_1272 = arith.mulf %get3A_1269, %mul3A_1271 : vector<16xf32>
        %add3A_1273 = arith.constant 1 : i32
        %add3A_1274 = arith.addi %mul3A_1183, %add3A_1273 : i32
        %swap3A_1275 = arith.constant 0 : i32
        %swap3A_1276 = arith.index_cast %swap3A_1275 : i32 to index
        %swap3A_1277 = arith.index_cast %add3A_1274 : i32 to index
        %swap3A_1278 = arith.constant 0 : index
        %swap3A_1279 = tpu.vector_load %arg8[%swap3A_1276, %swap3A_1277, %swap3A_1278] {strides = array<i32>} : memref<8x104x64xf32, #tpu.memory_space<vmem>>, vector<1x1x16xf32>,
        %swap3A_1280 = vector.shape_cast %swap3A_1279 : vector<1x1x16xf32> to vector<16xf32>
        %swap3A_1281 = vector.shape_cast %mul3A_1272 : vector<16xf32> to vector<1x1x16xf32>
        tpu.vector_store %arg8[%swap3A_1276, %swap3A_1277, %swap3A_1278], %swap3A_1281 {strides = array<i32>} : memref<8x104x64xf32, #tpu.memory_space<vmem>>, vector<1x1x16xf32>,
        %add3A_1282 = arith.constant 1 : i32
        %add3A_1283 = arith.addi %mul3A_1183, %add3A_1282 : i32
        %get3A_1284 = arith.constant 0 : i32
        %get3A_1285 = arith.index_cast %get3A_1284 : i32 to index
        %get3A_1286 = arith.index_cast %add3A_1283 : i32 to index
        %get3A_1287 = arith.constant 16 : index
        %get3A_1288 = tpu.vector_load %arg8[%get3A_1285, %get3A_1286, %get3A_1287] {strides = array<i32>} : memref<8x104x64xf32, #tpu.memory_space<vmem>>, vector<1x1x16xf32>,
        %get3A_1289 = vector.shape_cast %get3A_1288 : vector<1x1x16xf32> to vector<16xf32>
        %mul3A_1290 = arith.constant 8.000000e+00 : f32
        %mul3A_1291 = vector.broadcast %mul3A_1290 : f32 to vector<16xf32>
        %mul3A_1292 = arith.mulf %get3A_1289, %mul3A_1291 : vector<16xf32>
        %add3A_1293 = arith.constant 1 : i32
        %add3A_1294 = arith.addi %mul3A_1183, %add3A_1293 : i32
        %swap3A_1295 = arith.constant 0 : i32
        %swap3A_1296 = arith.index_cast %swap3A_1295 : i32 to index
        %swap3A_1297 = arith.index_cast %add3A_1294 : i32 to index
        %swap3A_1298 = arith.constant 16 : index
        %swap3A_1299 = tpu.vector_load %arg8[%swap3A_1296, %swap3A_1297, %swap3A_1298] {strides = array<i32>} : memref<8x104x64xf32, #tpu.memory_space<vmem>>, vector<1x1x16xf32>,
        %swap3A_1300 = vector.shape_cast %swap3A_1299 : vector<1x1x16xf32> to vector<16xf32>
        %swap3A_1301 = vector.shape_cast %mul3A_1292 : vector<16xf32> to vector<1x1x16xf32>
        tpu.vector_store %arg8[%swap3A_1296, %swap3A_1297, %swap3A_1298], %swap3A_1301 {strides = array<i32>} : memref<8x104x64xf32, #tpu.memory_space<vmem>>, vector<1x1x16xf32>,
        %add3A_1302 = arith.constant 1 : i32
        %add3A_1303 = arith.addi %mul3A_1183, %add3A_1302 : i32
        %get3A_1304 = arith.constant 0 : i32
        %get3A_1305 = arith.index_cast %get3A_1304 : i32 to index
        %get3A_1306 = arith.index_cast %add3A_1303 : i32 to index
        %get3A_1307 = arith.constant 32 : index
        %get3A_1308 = tpu.vector_load %arg8[%get3A_1305, %get3A_1306, %get3A_1307] {strides = array<i32>} : memref<8x104x64xf32, #tpu.memory_space<vmem>>, vector<1x1x16xf32>,
        %get3A_1309 = vector.shape_cast %get3A_1308 : vector<1x1x16xf32> to vector<16xf32>
        %mul3A_1310 = arith.constant 8.000000e+00 : f32
        %mul3A_1311 = vector.broadcast %mul3A_1310 : f32 to vector<16xf32>
        %mul3A_1312 = arith.mulf %get3A_1309, %mul3A_1311 : vector<16xf32>
        %add3A_1313 = arith.constant 1 : i32
        %add3A_1314 = arith.addi %mul3A_1183, %add3A_1313 : i32
        %swap3A_1315 = arith.constant 0 : i32
        %swap3A_1316 = arith.index_cast %swap3A_1315 : i32 to index
        %swap3A_1317 = arith.index_cast %add3A_1314 : i32 to index
        %swap3A_1318 = arith.constant 32 : index
        %swap3A_1319 = tpu.vector_load %arg8[%swap3A_1316, %swap3A_1317, %swap3A_1318] {strides = array<i32>} : memref<8x104x64xf32, #tpu.memory_space<vmem>>, vector<1x1x16xf32>,
        %swap3A_1320 = vector.shape_cast %swap3A_1319 : vector<1x1x16xf32> to vector<16xf32>
        %swap3A_1321 = vector.shape_cast %mul3A_1312 : vector<16xf32> to vector<1x1x16xf32>
        tpu.vector_store %arg8[%swap3A_1316, %swap3A_1317, %swap3A_1318], %swap3A_1321 {strides = array<i32>} : memref<8x104x64xf32, #tpu.memory_space<vmem>>, vector<1x1x16xf32>,
        %add3A_1322 = arith.constant 1 : i32
        %add3A_1323 = arith.addi %mul3A_1183, %add3A_1322 : i32
        %get3A_1324 = arith.constant 0 : i32
        %get3A_1325 = arith.index_cast %get3A_1324 : i32 to index
        %get3A_1326 = arith.index_cast %add3A_1323 : i32 to index
        %get3A_1327 = arith.constant 48 : index
        %get3A_1328 = tpu.vector_load %arg8[%get3A_1325, %get3A_1326, %get3A_1327] {strides = array<i32>} : memref<8x104x64xf32, #tpu.memory_space<vmem>>, vector<1x1x16xf32>,
        %get3A_1329 = vector.shape_cast %get3A_1328 : vector<1x1x16xf32> to vector<16xf32>
        %mul3A_1330 = arith.constant 8.000000e+00 : f32
        %mul3A_1331 = vector.broadcast %mul3A_1330 : f32 to vector<16xf32>
        %mul3A_1332 = arith.mulf %get3A_1329, %mul3A_1331 : vector<16xf32>
        %add3A_1333 = arith.constant 1 : i32
        %add3A_1334 = arith.addi %mul3A_1183, %add3A_1333 : i32
        %swap3A_1335 = arith.constant 0 : i32
        %swap3A_1336 = arith.index_cast %swap3A_1335 : i32 to index
        %swap3A_1337 = arith.index_cast %add3A_1334 : i32 to index
        %swap3A_1338 = arith.constant 48 : index
        %swap3A_1339 = tpu.vector_load %arg8[%swap3A_1336, %swap3A_1337, %swap3A_1338] {strides = array<i32>} : memref<8x104x64xf32, #tpu.memory_space<vmem>>, vector<1x1x16xf32>,
        %swap3A_1340 = vector.shape_cast %swap3A_1339 : vector<1x1x16xf32> to vector<16xf32>
        %swap3A_1341 = vector.shape_cast %mul3A_1332 : vector<16xf32> to vector<1x1x16xf32>
        tpu.vector_store %arg8[%swap3A_1336, %swap3A_1337, %swap3A_1338], %swap3A_1341 {strides = array<i32>} : memref<8x104x64xf32, #tpu.memory_space<vmem>>, vector<1x1x16xf32>,
        %add3A_1342 = arith.constant 2 : i32
        %add3A_1343 = arith.addi %mul3A_1183, %add3A_1342 : i32
        %get3A_1344 = arith.constant 0 : i32
        %get3A_1345 = arith.index_cast %get3A_1344 : i32 to index
        %get3A_1346 = arith.index_cast %add3A_1343 : i32 to index
        %get3A_1347 = arith.constant 0 : index
        %get3A_1348 = tpu.vector_load %arg8[%get3A_1345, %get3A_1346, %get3A_1347] {strides = array<i32>} : memref<8x104x64xf32, #tpu.memory_space<vmem>>, vector<1x1x16xf32>,
        %get3A_1349 = vector.shape_cast %get3A_1348 : vector<1x1x16xf32> to vector<16xf32>
        %mul3A_1350 = arith.constant 8.000000e+00 : f32
        %mul3A_1351 = vector.broadcast %mul3A_1350 : f32 to vector<16xf32>
        %mul3A_1352 = arith.mulf %get3A_1349, %mul3A_1351 : vector<16xf32>
        %add3A_1353 = arith.constant 2 : i32
        %add3A_1354 = arith.addi %mul3A_1183, %add3A_1353 : i32
        %swap3A_1355 = arith.constant 0 : i32
        %swap3A_1356 = arith.index_cast %swap3A_1355 : i32 to index
        %swap3A_1357 = arith.index_cast %add3A_1354 : i32 to index
        %swap3A_1358 = arith.constant 0 : index
        %swap3A_1359 = tpu.vector_load %arg8[%swap3A_1356, %swap3A_1357, %swap3A_1358] {strides = array<i32>} : memref<8x104x64xf32, #tpu.memory_space<vmem>>, vector<1x1x16xf32>,
        %swap3A_1360 = vector.shape_cast %swap3A_1359 : vector<1x1x16xf32> to vector<16xf32>
        %swap3A_1361 = vector.shape_cast %mul3A_1352 : vector<16xf32> to vector<1x1x16xf32>
        tpu.vector_store %arg8[%swap3A_1356, %swap3A_1357, %swap3A_1358], %swap3A_1361 {strides = array<i32>} : memref<8x104x64xf32, #tpu.memory_space<vmem>>, vector<1x1x16xf32>,
        %add3A_1362 = arith.constant 2 : i32
        %add3A_1363 = arith.addi %mul3A_1183, %add3A_1362 : i32
        %get3A_1364 = arith.constant 0 : i32
        %get3A_1365 = arith.index_cast %get3A_1364 : i32 to index
        %get3A_1366 = arith.index_cast %add3A_1363 : i32 to index
        %get3A_1367 = arith.constant 16 : index
        %get3A_1368 = tpu.vector_load %arg8[%get3A_1365, %get3A_1366, %get3A_1367] {strides = array<i32>} : memref<8x104x64xf32, #tpu.memory_space<vmem>>, vector<1x1x16xf32>,
        %get3A_1369 = vector.shape_cast %get3A_1368 : vector<1x1x16xf32> to vector<16xf32>
        %mul3A_1370 = arith.constant 8.000000e+00 : f32
        %mul3A_1371 = vector.broadcast %mul3A_1370 : f32 to vector<16xf32>
        %mul3A_1372 = arith.mulf %get3A_1369, %mul3A_1371 : vector<16xf32>
        %add3A_1373 = arith.constant 2 : i32
        %add3A_1374 = arith.addi %mul3A_1183, %add3A_1373 : i32
        %swap3A_1375 = arith.constant 0 : i32
        %swap3A_1376 = arith.index_cast %swap3A_1375 : i32 to index
        %swap3A_1377 = arith.index_cast %add3A_1374 : i32 to index
        %swap3A_1378 = arith.constant 16 : index
        %swap3A_1379 = tpu.vector_load %arg8[%swap3A_1376, %swap3A_1377, %swap3A_1378] {strides = array<i32>} : memref<8x104x64xf32, #tpu.memory_space<vmem>>, vector<1x1x16xf32>,
        %swap3A_1380 = vector.shape_cast %swap3A_1379 : vector<1x1x16xf32> to vector<16xf32>
        %swap3A_1381 = vector.shape_cast %mul3A_1372 : vector<16xf32> to vector<1x1x16xf32>
        tpu.vector_store %arg8[%swap3A_1376, %swap3A_1377, %swap3A_1378], %swap3A_1381 {strides = array<i32>} : memref<8x104x64xf32, #tpu.memory_space<vmem>>, vector<1x1x16xf32>,
        %add3A_1382 = arith.constant 2 : i32
        %add3A_1383 = arith.addi %mul3A_1183, %add3A_1382 : i32
        %get3A_1384 = arith.constant 0 : i32
        %get3A_1385 = arith.index_cast %get3A_1384 : i32 to index
        %get3A_1386 = arith.index_cast %add3A_1383 : i32 to index
        %get3A_1387 = arith.constant 32 : index
        %get3A_1388 = tpu.vector_load %arg8[%get3A_1385, %get3A_1386, %get3A_1387] {strides = array<i32>} : memref<8x104x64xf32, #tpu.memory_space<vmem>>, vector<1x1x16xf32>,
        %get3A_1389 = vector.shape_cast %get3A_1388 : vector<1x1x16xf32> to vector<16xf32>
        %mul3A_1390 = arith.constant 8.000000e+00 : f32
        %mul3A_1391 = vector.broadcast %mul3A_1390 : f32 to vector<16xf32>
        %mul3A_1392 = arith.mulf %get3A_1389, %mul3A_1391 : vector<16xf32>
        %add3A_1393 = arith.constant 2 : i32
        %add3A_1394 = arith.addi %mul3A_1183, %add3A_1393 : i32
        %swap3A_1395 = arith.constant 0 : i32
        %swap3A_1396 = arith.index_cast %swap3A_1395 : i32 to index
        %swap3A_1397 = arith.index_cast %add3A_1394 : i32 to index
        %swap3A_1398 = arith.constant 32 : index
        %swap3A_1399 = tpu.vector_load %arg8[%swap3A_1396, %swap3A_1397, %swap3A_1398] {strides = array<i32>} : memref<8x104x64xf32, #tpu.memory_space<vmem>>, vector<1x1x16xf32>,
        %swap3A_1400 = vector.shape_cast %swap3A_1399 : vector<1x1x16xf32> to vector<16xf32>
        %swap3A_1401 = vector.shape_cast %mul3A_1392 : vector<16xf32> to vector<1x1x16xf32>
        tpu.vector_store %arg8[%swap3A_1396, %swap3A_1397, %swap3A_1398], %swap3A_1401 {strides = array<i32>} : memref<8x104x64xf32, #tpu.memory_space<vmem>>, vector<1x1x16xf32>,
        %add3A_1402 = arith.constant 2 : i32
        %add3A_1403 = arith.addi %mul3A_1183, %add3A_1402 : i32
        %get3A_1404 = arith.constant 0 : i32
        %get3A_1405 = arith.index_cast %get3A_1404 : i32 to index
        %get3A_1406 = arith.index_cast %add3A_1403 : i32 to index
        %get3A_1407 = arith.constant 48 : index
        %get3A_1408 = tpu.vector_load %arg8[%get3A_1405, %get3A_1406, %get3A_1407] {strides = array<i32>} : memref<8x104x64xf32, #tpu.memory_space<vmem>>, vector<1x1x16xf32>,
        %get3A_1409 = vector.shape_cast %get3A_1408 : vector<1x1x16xf32> to vector<16xf32>
        %mul3A_1410 = arith.constant 8.000000e+00 : f32
        %mul3A_1411 = vector.broadcast %mul3A_1410 : f32 to vector<16xf32>
        %mul3A_1412 = arith.mulf %get3A_1409, %mul3A_1411 : vector<16xf32>
        %add3A_1413 = arith.constant 2 : i32
        %add3A_1414 = arith.addi %mul3A_1183, %add3A_1413 : i32
        %swap3A_1415 = arith.constant 0 : i32
        %swap3A_1416 = arith.index_cast %swap3A_1415 : i32 to index
        %swap3A_1417 = arith.index_cast %add3A_1414 : i32 to index
        %swap3A_1418 = arith.constant 48 : index
        %swap3A_1419 = tpu.vector_load %arg8[%swap3A_1416, %swap3A_1417, %swap3A_1418] {strides = array<i32>} : memref<8x104x64xf32, #tpu.memory_space<vmem>>, vector<1x1x16xf32>,
        %swap3A_1420 = vector.shape_cast %swap3A_1419 : vector<1x1x16xf32> to vector<16xf32>
        %swap3A_1421 = vector.shape_cast %mul3A_1412 : vector<16xf32> to vector<1x1x16xf32>
        tpu.vector_store %arg8[%swap3A_1416, %swap3A_1417, %swap3A_1418], %swap3A_1421 {strides = array<i32>} : memref<8x104x64xf32, #tpu.memory_space<vmem>>, vector<1x1x16xf32>,
        %add3A_1422 = arith.constant 3 : i32
        %add3A_1423 = arith.addi %mul3A_1183, %add3A_1422 : i32
        %get3A_1424 = arith.constant 0 : i32
        %get3A_1425 = arith.index_cast %get3A_1424 : i32 to index
        %get3A_1426 = arith.index_cast %add3A_1423 : i32 to index
        %get3A_1427 = arith.constant 0 : index
        %get3A_1428 = tpu.vector_load %arg8[%get3A_1425, %get3A_1426, %get3A_1427] {strides = array<i32>} : memref<8x104x64xf32, #tpu.memory_space<vmem>>, vector<1x1x16xf32>,
        %get3A_1429 = vector.shape_cast %get3A_1428 : vector<1x1x16xf32> to vector<16xf32>
        %mul3A_1430 = arith.constant 8.000000e+00 : f32
        %mul3A_1431 = vector.broadcast %mul3A_1430 : f32 to vector<16xf32>
        %mul3A_1432 = arith.mulf %get3A_1429, %mul3A_1431 : vector<16xf32>
        %add3A_1433 = arith.constant 3 : i32
        %add3A_1434 = arith.addi %mul3A_1183, %add3A_1433 : i32
        %swap3A_1435 = arith.constant 0 : i32
        %swap3A_1436 = arith.index_cast %swap3A_1435 : i32 to index
        %swap3A_1437 = arith.index_cast %add3A_1434 : i32 to index
        %swap3A_1438 = arith.constant 0 : index
        %swap3A_1439 = tpu.vector_load %arg8[%swap3A_1436, %swap3A_1437, %swap3A_1438] {strides = array<i32>} : memref<8x104x64xf32, #tpu.memory_space<vmem>>, vector<1x1x16xf32>,
        %swap3A_1440 = vector.shape_cast %swap3A_1439 : vector<1x1x16xf32> to vector<16xf32>
        %swap3A_1441 = vector.shape_cast %mul3A_1432 : vector<16xf32> to vector<1x1x16xf32>
        tpu.vector_store %arg8[%swap3A_1436, %swap3A_1437, %swap3A_1438], %swap3A_1441 {strides = array<i32>} : memref<8x104x64xf32, #tpu.memory_space<vmem>>, vector<1x1x16xf32>,
        %add3A_1442 = arith.constant 3 : i32
        %add3A_1443 = arith.addi %mul3A_1183, %add3A_1442 : i32
        %get3A_1444 = arith.constant 0 : i32
        %get3A_1445 = arith.index_cast %get3A_1444 : i32 to index
        %get3A_1446 = arith.index_cast %add3A_1443 : i32 to index
        %get3A_1447 = arith.constant 16 : index
        %get3A_1448 = tpu.vector_load %arg8[%get3A_1445, %get3A_1446, %get3A_1447] {strides = array<i32>} : memref<8x104x64xf32, #tpu.memory_space<vmem>>, vector<1x1x16xf32>,
        %get3A_1449 = vector.shape_cast %get3A_1448 : vector<1x1x16xf32> to vector<16xf32>
        %mul3A_1450 = arith.constant 8.000000e+00 : f32
        %mul3A_1451 = vector.broadcast %mul3A_1450 : f32 to vector<16xf32>
        %mul3A_1452 = arith.mulf %get3A_1449, %mul3A_1451 : vector<16xf32>
        %add3A_1453 = arith.constant 3 : i32
        %add3A_1454 = arith.addi %mul3A_1183, %add3A_1453 : i32
        %swap3A_1455 = arith.constant 0 : i32
        %swap3A_1456 = arith.index_cast %swap3A_1455 : i32 to index
        %swap3A_1457 = arith.index_cast %add3A_1454 : i32 to index
        %swap3A_1458 = arith.constant 16 : index
        %swap3A_1459 = tpu.vector_load %arg8[%swap3A_1456, %swap3A_1457, %swap3A_1458] {strides = array<i32>} : memref<8x104x64xf32, #tpu.memory_space<vmem>>, vector<1x1x16xf32>,
        %swap3A_1460 = vector.shape_cast %swap3A_1459 : vector<1x1x16xf32> to vector<16xf32>
        %swap3A_1461 = vector.shape_cast %mul3A_1452 : vector<16xf32> to vector<1x1x16xf32>
        tpu.vector_store %arg8[%swap3A_1456, %swap3A_1457, %swap3A_1458], %swap3A_1461 {strides = array<i32>} : memref<8x104x64xf32, #tpu.memory_space<vmem>>, vector<1x1x16xf32>,
        %add3A_1462 = arith.constant 3 : i32
        %add3A_1463 = arith.addi %mul3A_1183, %add3A_1462 : i32
        %get3A_1464 = arith.constant 0 : i32
        %get3A_1465 = arith.index_cast %get3A_1464 : i32 to index
        %get3A_1466 = arith.index_cast %add3A_1463 : i32 to index
        %get3A_1467 = arith.constant 32 : index
        %get3A_1468 = tpu.vector_load %arg8[%get3A_1465, %get3A_1466, %get3A_1467] {strides = array<i32>} : memref<8x104x64xf32, #tpu.memory_space<vmem>>, vector<1x1x16xf32>,
        %get3A_1469 = vector.shape_cast %get3A_1468 : vector<1x1x16xf32> to vector<16xf32>
        %mul3A_1470 = arith.constant 8.000000e+00 : f32
        %mul3A_1471 = vector.broadcast %mul3A_1470 : f32 to vector<16xf32>
        %mul3A_1472 = arith.mulf %get3A_1469, %mul3A_1471 : vector<16xf32>
        %add3A_1473 = arith.constant 3 : i32
        %add3A_1474 = arith.addi %mul3A_1183, %add3A_1473 : i32
        %swap3A_1475 = arith.constant 0 : i32
        %swap3A_1476 = arith.index_cast %swap3A_1475 : i32 to index
        %swap3A_1477 = arith.index_cast %add3A_1474 : i32 to index
        %swap3A_1478 = arith.constant 32 : index
        %swap3A_1479 = tpu.vector_load %arg8[%swap3A_1476, %swap3A_1477, %swap3A_1478] {strides = array<i32>} : memref<8x104x64xf32, #tpu.memory_space<vmem>>, vector<1x1x16xf32>,
        %swap3A_1480 = vector.shape_cast %swap3A_1479 : vector<1x1x16xf32> to vector<16xf32>
        %swap3A_1481 = vector.shape_cast %mul3A_1472 : vector<16xf32> to vector<1x1x16xf32>
        tpu.vector_store %arg8[%swap3A_1476, %swap3A_1477, %swap3A_1478], %swap3A_1481 {strides = array<i32>} : memref<8x104x64xf32, #tpu.memory_space<vmem>>, vector<1x1x16xf32>,
        %add3A_1482 = arith.constant 3 : i32
        %add3A_1483 = arith.addi %mul3A_1183, %add3A_1482 : i32
        %get3A_1484 = arith.constant 0 : i32
        %get3A_1485 = arith.index_cast %get3A_1484 : i32 to index
        %get3A_1486 = arith.index_cast %add3A_1483 : i32 to index
        %get3A_1487 = arith.constant 48 : index
        %get3A_1488 = tpu.vector_load %arg8[%get3A_1485, %get3A_1486, %get3A_1487] {strides = array<i32>} : memref<8x104x64xf32, #tpu.memory_space<vmem>>, vector<1x1x16xf32>,
        %get3A_1489 = vector.shape_cast %get3A_1488 : vector<1x1x16xf32> to vector<16xf32>
        %mul3A_1490 = arith.constant 8.000000e+00 : f32
        %mul3A_1491 = vector.broadcast %mul3A_1490 : f32 to vector<16xf32>
        %mul3A_1492 = arith.mulf %get3A_1489, %mul3A_1491 : vector<16xf32>
        %add3A_1493 = arith.constant 3 : i32
        %add3A_1494 = arith.addi %mul3A_1183, %add3A_1493 : i32
        %swap3A_1495 = arith.constant 0 : i32
        %swap3A_1496 = arith.index_cast %swap3A_1495 : i32 to index
        %swap3A_1497 = arith.index_cast %add3A_1494 : i32 to index
        %swap3A_1498 = arith.constant 48 : index
        %swap3A_1499 = tpu.vector_load %arg8[%swap3A_1496, %swap3A_1497, %swap3A_1498] {strides = array<i32>} : memref<8x104x64xf32, #tpu.memory_space<vmem>>, vector<1x1x16xf32>,
        %swap3A_1500 = vector.shape_cast %swap3A_1499 : vector<1x1x16xf32> to vector<16xf32>
        %swap3A_1501 = vector.shape_cast %mul3A_1492 : vector<16xf32> to vector<1x1x16xf32>
        tpu.vector_store %arg8[%swap3A_1496, %swap3A_1497, %swap3A_1498], %swap3A_1501 {strides = array<i32>} : memref<8x104x64xf32, #tpu.memory_space<vmem>>, vector<1x1x16xf32>,
      }
      %scan3A_146 = arith.constant 26 : i32
      %jit3A_147 = arith.constant 2 : i32
      %div3A_148 = arith.divsi %add3A_113, %jit3A_147 : i32
      %sign3A_149 = arith.constant 0 : i32
      %sign3A_150 = arith.cmpi sgt, %add3A_113, %sign3A_149 : i32
      %sign3A_151 = arith.extui %sign3A_150 : i1 to i32
      %sign3A_152 = arith.constant 0 : i32
      %sign3A_153 = arith.cmpi slt, %add3A_113, %sign3A_152 : i32
      %sign3A_154 = arith.extui %sign3A_153 : i1 to i32
      %sign3A_155 = arith.subi %sign3A_151, %sign3A_154 : i32
      %sign3A_156 = arith.constant 0 : i32
      %sign3A_157 = arith.cmpi sgt, %jit3A_147, %sign3A_156 : i32
      %sign3A_158 = arith.extui %sign3A_157 : i1 to i32
      %sign3A_159 = arith.constant 0 : i32
      %sign3A_160 = arith.cmpi slt, %jit3A_147, %sign3A_159 : i32
      %sign3A_161 = arith.extui %sign3A_160 : i1 to i32
      %sign3A_162 = arith.subi %sign3A_158, %sign3A_161 : i32
      %ne3A_163 = arith.cmpi ne, %sign3A_155, %sign3A_162 : i32
      %rem3A_164 = arith.remsi %add3A_113, %jit3A_147 : i32
      %ne3A_165 = arith.constant 0 : i32
      %ne3A_166 = arith.cmpi ne, %rem3A_164, %ne3A_165 : i32
      %and3A_167 = arith.andi %ne3A_163, %ne3A_166 : i1
      %sub3A_168 = arith.constant 1 : i32
      %sub3A_169 = arith.subi %div3A_148, %sub3A_168 : i32
      %select_n3A_170 = arith.select %and3A_167, %sub3A_169, %div3A_148 : i32
      %add3A_171 = arith.addi %mul3A_2, %select_n3A_170 : i32
      %mul3A_172 = arith.constant 200 : i32
      %mul3A_173 = arith.muli %add3A_171, %mul3A_172 : i32
      %add3A_174 = arith.constant 0 : i32
      %add3A_175 = arith.addi %mul3A_173, %add3A_174 : i32
      %dma_start3A_176 = arith.constant 0 : i32
      %dma_start3A_177 = arith.constant 0 : i32
      %dma_start3A_178 = arith.constant 0 : i32
      %dma_start3A_179 = tpu.memref_slice %arg8[%dma_start3A_176, %dma_start3A_177, %dma_start3A_178] : memref<8x104x64xf32, #tpu.memory_space<vmem>> -> memref<1x104x64xf32, #tpu.memory_space<vmem>>
      %dma_start3A_180 = tpu.memref_squeeze %dma_start3A_179 : memref<1x104x64xf32, #tpu.memory_space<vmem>> -> memref<104x64xf32, #tpu.memory_space<vmem>>
      %dma_start3A_181 = arith.constant 0 : i32
      %dma_start3A_182 = tpu.memref_slice %arg5[%add3A_175, %dma_start3A_181] : memref<819200x128xf32, #tpu.memory_space<hbm>> -> memref<104x64xf32, #tpu.memory_space<hbm>>
      %dma_start3A_183 = arith.constant 0 : i32
      %dma_start3A_184 = tpu.memref_slice %arg5[%add3A_175, %dma_start3A_183] : memref<819200x128xf32, #tpu.memory_space<hbm>> -> memref<104x64xf32, #tpu.memory_space<hbm>>
      %dma_start3A_185 = arith.constant 0 : i32
      %dma_start3A_186 = arith.constant 0 : i32
      %dma_start3A_187 = tpu.memref_slice %arg8[%dma_start3A_176, %dma_start3A_185, %dma_start3A_186] : memref<8x104x64xf32, #tpu.memory_space<vmem>> -> memref<1x104x64xf32, #tpu.memory_space<vmem>>
      %dma_start3A_188 = tpu.memref_squeeze %dma_start3A_187 : memref<1x104x64xf32, #tpu.memory_space<vmem>> -> memref<104x64xf32, #tpu.memory_space<vmem>>
      tpu.enqueue_dma source(%dma_start3A_188 : memref<104x64xf32, #tpu.memory_space<vmem>>) target(%dma_start3A_184 : memref<104x64xf32, #tpu.memory_space<hbm>>) target_semaphore(%arg17 : memref<!tpu.dma_semaphore, #tpu.memory_space<semaphore_mem>>)
      %gt3A = arith.constant 0 : i32
      %gt3A_189 = arith.cmpi sgt, %scan3A_109, %gt3A : i32
      %convert_element_type3A = arith.extui %gt3A_189 : i1 to i32
      %cond3A = arith.constant 0 : i32
      %cond3A_190 = arith.cmpi ne, %convert_element_type3A, %cond3A : i32
      scf.if %cond3A_190 {
        %sub3A_1181 = arith.constant 1 : i32
        %sub3A_1182 = arith.subi %add3A_113, %sub3A_1181 : i32
        %jit3A_1183 = arith.constant 2 : i32
        %div3A_1184 = arith.divsi %sub3A_1182, %jit3A_1183 : i32
        %sign3A_1185 = arith.constant 0 : i32
        %sign3A_1186 = arith.cmpi sgt, %sub3A_1182, %sign3A_1185 : i32
        %sign3A_1187 = arith.extui %sign3A_1186 : i1 to i32
        %sign3A_1188 = arith.constant 0 : i32
        %sign3A_1189 = arith.cmpi slt, %sub3A_1182, %sign3A_1188 : i32
        %sign3A_1190 = arith.extui %sign3A_1189 : i1 to i32
        %sign3A_1191 = arith.subi %sign3A_1187, %sign3A_1190 : i32
        %sign3A_1192 = arith.constant 0 : i32
        %sign3A_1193 = arith.cmpi sgt, %jit3A_1183, %sign3A_1192 : i32
        %sign3A_1194 = arith.extui %sign3A_1193 : i1 to i32
        %sign3A_1195 = arith.constant 0 : i32
        %sign3A_1196 = arith.cmpi slt, %jit3A_1183, %sign3A_1195 : i32
        %sign3A_1197 = arith.extui %sign3A_1196 : i1 to i32
        %sign3A_1198 = arith.subi %sign3A_1194, %sign3A_1197 : i32
        %ne3A_1199 = arith.cmpi ne, %sign3A_1191, %sign3A_1198 : i32
        %rem3A_1200 = arith.remsi %sub3A_1182, %jit3A_1183 : i32
        %ne3A_1201 = arith.constant 0 : i32
        %ne3A_1202 = arith.cmpi ne, %rem3A_1200, %ne3A_1201 : i32
        %and3A_1203 = arith.andi %ne3A_1199, %ne3A_1202 : i1
        %sub3A_1204 = arith.constant 1 : i32
        %sub3A_1205 = arith.subi %div3A_1184, %sub3A_1204 : i32
        %select_n3A_1206 = arith.select %and3A_1203, %sub3A_1205, %div3A_1184 : i32
        %add3A_1207 = arith.addi %mul3A_2, %select_n3A_1206 : i32
        %mul3A_1208 = arith.constant 200 : i32
        %mul3A_1209 = arith.muli %add3A_1207, %mul3A_1208 : i32
        %add3A_1210 = arith.constant 104 : i32
        %add3A_1211 = arith.addi %mul3A_1209, %add3A_1210 : i32
        %dma_wait3A_1212 = arith.constant 7 : i32
        %dma_wait3A_1213 = arith.constant 0 : i32
        %dma_wait3A_1214 = arith.constant 0 : i32
        %dma_wait3A_1215 = tpu.memref_slice %arg8[%dma_wait3A_1212, %dma_wait3A_1213, %dma_wait3A_1214] : memref<8x104x64xf32, #tpu.memory_space<vmem>> -> memref<1x96x64xf32, #tpu.memory_space<vmem>>
        %dma_wait3A_1216 = tpu.memref_squeeze %dma_wait3A_1215 : memref<1x96x64xf32, #tpu.memory_space<vmem>> -> memref<96x64xf32, #tpu.memory_space<vmem>>
        %dma_wait3A_1217 = arith.constant 0 : i32
        %dma_wait3A_1218 = tpu.memref_slice %arg5[%add3A_1211, %dma_wait3A_1217] : memref<819200x128xf32, #tpu.memory_space<hbm>> -> memref<96x64xf32, #tpu.memory_space<hbm>>
        %dma_wait3A_1219 = arith.constant 0 : i32
        %dma_wait3A_1220 = tpu.memref_slice %arg5[%add3A_1211, %dma_wait3A_1219] : memref<819200x128xf32, #tpu.memory_space<hbm>> -> memref<96x64xf32, #tpu.memory_space<hbm>>
        %dma_wait3A_1221 = arith.constant 0 : i32
        %dma_wait3A_1222 = arith.constant 0 : i32
        %dma_wait3A_1223 = tpu.memref_slice %arg8[%dma_wait3A_1212, %dma_wait3A_1221, %dma_wait3A_1222] : memref<8x104x64xf32, #tpu.memory_space<vmem>> -> memref<1x96x64xf32, #tpu.memory_space<vmem>>
        %dma_wait3A_1224 = tpu.memref_squeeze %dma_wait3A_1223 : memref<1x96x64xf32, #tpu.memory_space<vmem>> -> memref<96x64xf32, #tpu.memory_space<vmem>>
        tpu.wait_dma2 semaphore(%arg24 : memref<!tpu.dma_semaphore, #tpu.memory_space<semaphore_mem>>) src(%dma_wait3A_1224 : memref<96x64xf32, #tpu.memory_space<vmem>>) dst(%dma_wait3A_1220 : memref<96x64xf32, #tpu.memory_space<hbm>>)
      } else {
      }
      %add3A_191 = arith.constant 8 : i32
      %add3A_192 = arith.addi %add3A_113, %add3A_191 : i32
      %sub3A_193 = arith.constant 1 : i32
      %sub3A_194 = arith.subi %add3A_192, %sub3A_193 : i32
      %jit3A_195 = arith.constant 2 : i32
      %div3A_196 = arith.divsi %sub3A_194, %jit3A_195 : i32
      %sign3A_197 = arith.constant 0 : i32
      %sign3A_198 = arith.cmpi sgt, %sub3A_194, %sign3A_197 : i32
      %sign3A_199 = arith.extui %sign3A_198 : i1 to i32
      %sign3A_200 = arith.constant 0 : i32
      %sign3A_201 = arith.cmpi slt, %sub3A_194, %sign3A_200 : i32
      %sign3A_202 = arith.extui %sign3A_201 : i1 to i32
      %sign3A_203 = arith.subi %sign3A_199, %sign3A_202 : i32
      %sign3A_204 = arith.constant 0 : i32
      %sign3A_205 = arith.cmpi sgt, %jit3A_195, %sign3A_204 : i32
      %sign3A_206 = arith.extui %sign3A_205 : i1 to i32
      %sign3A_207 = arith.constant 0 : i32
      %sign3A_208 = arith.cmpi slt, %jit3A_195, %sign3A_207 : i32
      %sign3A_209 = arith.extui %sign3A_208 : i1 to i32
      %sign3A_210 = arith.subi %sign3A_206, %sign3A_209 : i32
      %ne3A_211 = arith.cmpi ne, %sign3A_203, %sign3A_210 : i32
      %rem3A_212 = arith.remsi %sub3A_194, %jit3A_195 : i32
      %ne3A_213 = arith.constant 0 : i32
      %ne3A_214 = arith.cmpi ne, %rem3A_212, %ne3A_213 : i32
      %and3A_215 = arith.andi %ne3A_211, %ne3A_214 : i1
      %sub3A_216 = arith.constant 1 : i32
      %sub3A_217 = arith.subi %div3A_196, %sub3A_216 : i32
      %select_n3A_218 = arith.select %and3A_215, %sub3A_217, %div3A_196 : i32
      %dma_start3A_219 = arith.constant 7 : i32
      %dma_start3A_220 = arith.constant 0 : i32
      %dma_start3A_221 = arith.constant 0 : i32
      %dma_start3A_222 = tpu.memref_slice %arg8[%dma_start3A_219, %dma_start3A_220, %dma_start3A_221] : memref<8x104x64xf32, #tpu.memory_space<vmem>> -> memref<1x96x64xf32, #tpu.memory_space<vmem>>
      %dma_start3A_223 = tpu.memref_squeeze %dma_start3A_222 : memref<1x96x64xf32, #tpu.memory_space<vmem>> -> memref<96x64xf32, #tpu.memory_space<vmem>>
      %dma_start3A_224 = arith.constant 0 : i32
      %dma_start3A_225 = tpu.memref_slice %arg7[%select_n3A_218, %dma_start3A_224] : memref<128x96xi32, #tpu.memory_space<vmem>> -> memref<1x96xi32, #tpu.memory_space<vmem>>
      %dma_start3A_226 = tpu.memref_squeeze %dma_start3A_225 : memref<1x96xi32, #tpu.memory_space<vmem>> -> memref<96xi32, #tpu.memory_space<vmem>>
      %dma_start3A_227 = arith.constant 0 : i32
      %dma_start3A_228 = arith.constant 0 : i32
      %dma_start3A_229 = tpu.memref_slice %arg2[%dma_start3A_227, %dma_start3A_228] : memref<100000x64xf32, #tpu.memory_space<hbm>> -> memref<100000x64xf32, #tpu.memory_space<hbm>>
      tpu.enqueue_indirect_dma source(%dma_start3A_229 : memref<100000x64xf32, #tpu.memory_space<hbm>>) target(%dma_start3A_223 : memref<96x64xf32, #tpu.memory_space<vmem>>) offsets(%dma_start3A_226 : memref<96xi32, #tpu.memory_space<vmem>>) semaphore(%arg16 : memref<!tpu.dma_semaphore, #tpu.memory_space<semaphore_mem>>)
      %mul3A_230 = arith.constant 8 : i32
      %mul3A_231 = arith.muli %mul3A_230, %scan3A_109 : i32
      %add3A_232 = arith.constant 1 : i32
      %add3A_233 = arith.addi %mul3A_231, %add3A_232 : i32
      %jit3A_234 = arith.constant 2 : i32
      %div3A_235 = arith.divsi %add3A_233, %jit3A_234 : i32
      %sign3A_236 = arith.constant 0 : i32
      %sign3A_237 = arith.cmpi sgt, %add3A_233, %sign3A_236 : i32
      %sign3A_238 = arith.extui %sign3A_237 : i1 to i32
      %sign3A_239 = arith.constant 0 : i32
      %sign3A_240 = arith.cmpi slt, %add3A_233, %sign3A_239 : i32
      %sign3A_241 = arith.extui %sign3A_240 : i1 to i32
      %sign3A_242 = arith.subi %sign3A_238, %sign3A_241 : i32
      %sign3A_243 = arith.constant 0 : i32
      %sign3A_244 = arith.cmpi sgt, %jit3A_234, %sign3A_243 : i32
      %sign3A_245 = arith.extui %sign3A_244 : i1 to i32
      %sign3A_246 = arith.constant 0 : i32
      %sign3A_247 = arith.cmpi slt, %jit3A_234, %sign3A_246 : i32
      %sign3A_248 = arith.extui %sign3A_247 : i1 to i32
      %sign3A_249 = arith.subi %sign3A_245, %sign3A_248 : i32
      %ne3A_250 = arith.cmpi ne, %sign3A_242, %sign3A_249 : i32
      %rem3A_251 = arith.remsi %add3A_233, %jit3A_234 : i32
      %ne3A_252 = arith.constant 0 : i32
      %ne3A_253 = arith.cmpi ne, %rem3A_251, %ne3A_252 : i32
      %and3A_254 = arith.andi %ne3A_250, %ne3A_253 : i1
      %sub3A_255 = arith.constant 1 : i32
      %sub3A_256 = arith.subi %div3A_235, %sub3A_255 : i32
      %select_n3A_257 = arith.select %and3A_254, %sub3A_256, %div3A_235 : i32
      %dma_wait3A_258 = arith.constant 1 : i32
      %dma_wait3A_259 = arith.constant 0 : i32
      %dma_wait3A_260 = arith.constant 0 : i32
      %dma_wait3A_261 = tpu.memref_slice %arg8[%dma_wait3A_258, %dma_wait3A_259, %dma_wait3A_260] : memref<8x104x64xf32, #tpu.memory_space<vmem>> -> memref<1x96x64xf32, #tpu.memory_space<vmem>>
      %dma_wait3A_262 = tpu.memref_squeeze %dma_wait3A_261 : memref<1x96x64xf32, #tpu.memory_space<vmem>> -> memref<96x64xf32, #tpu.memory_space<vmem>>
      %dma_wait3A_263 = arith.constant 0 : i32
      %dma_wait3A_264 = tpu.memref_slice %arg7[%select_n3A_257, %dma_wait3A_263] : memref<128x96xi32, #tpu.memory_space<vmem>> -> memref<1x96xi32, #tpu.memory_space<vmem>>
      %dma_wait3A_265 = tpu.memref_squeeze %dma_wait3A_264 : memref<1x96xi32, #tpu.memory_space<vmem>> -> memref<96xi32, #tpu.memory_space<vmem>>
      %dma_wait3A_266 = arith.constant 0 : i32
      %dma_wait3A_267 = arith.constant 0 : i32
      %dma_wait3A_268 = tpu.memref_slice %arg2[%dma_wait3A_266, %dma_wait3A_267] : memref<100000x64xf32, #tpu.memory_space<hbm>> -> memref<100000x64xf32, #tpu.memory_space<hbm>>
      tpu.wait_indirect_dma semaphore(%arg10 : memref<!tpu.dma_semaphore, #tpu.memory_space<semaphore_mem>>) src(%dma_wait3A_268 : memref<100000x64xf32, #tpu.memory_space<hbm>>) dst(%dma_wait3A_262 : memref<96x64xf32, #tpu.memory_space<vmem>>)
      %scan3A_269 = arith.constant 0 : i32
      %scan3A_270 = arith.constant 0 : i32
      %scan3A_271 = arith.constant 24 : i32
      %scan3A_272 = arith.addi %scan3A_270, %scan3A_271 : i32
      %scan3A_273 = arith.constant 1 : i32
      scf.for %scan3A_1181 = %scan3A_270 to %scan3A_272 step %scan3A_273  : i32 {
        %mul3A_1182 = arith.constant 4 : i32
        %mul3A_1183 = arith.muli %mul3A_1182, %scan3A_1181 : i32
        %add3A_1184 = arith.constant 0 : i32
        %add3A_1185 = arith.addi %mul3A_1183, %add3A_1184 : i32
        %get3A = arith.constant 1 : i32
        %get3A_1186 = arith.index_cast %get3A : i32 to index
        %get3A_1187 = arith.index_cast %add3A_1185 : i32 to index
        %get3A_1188 = arith.constant 0 : index
        %get3A_1189 = tpu.vector_load %arg8[%get3A_1186, %get3A_1187, %get3A_1188] {strides = array<i32>} : memref<8x104x64xf32, #tpu.memory_space<vmem>>, vector<1x1x16xf32>,
        %get3A_1190 = vector.shape_cast %get3A_1189 : vector<1x1x16xf32> to vector<16xf32>
        %mul3A_1191 = arith.constant 8.000000e+00 : f32
        %mul3A_1192 = vector.broadcast %mul3A_1191 : f32 to vector<16xf32>
        %mul3A_1193 = arith.mulf %get3A_1190, %mul3A_1192 : vector<16xf32>
        %add3A_1194 = arith.constant 0 : i32
        %add3A_1195 = arith.addi %mul3A_1183, %add3A_1194 : i32
        %swap3A = arith.constant 1 : i32
        %swap3A_1196 = arith.index_cast %swap3A : i32 to index
        %swap3A_1197 = arith.index_cast %add3A_1195 : i32 to index
        %swap3A_1198 = arith.constant 0 : index
        %swap3A_1199 = tpu.vector_load %arg8[%swap3A_1196, %swap3A_1197, %swap3A_1198] {strides = array<i32>} : memref<8x104x64xf32, #tpu.memory_space<vmem>>, vector<1x1x16xf32>,
        %swap3A_1200 = vector.shape_cast %swap3A_1199 : vector<1x1x16xf32> to vector<16xf32>
        %swap3A_1201 = vector.shape_cast %mul3A_1193 : vector<16xf32> to vector<1x1x16xf32>
        tpu.vector_store %arg8[%swap3A_1196, %swap3A_1197, %swap3A_1198], %swap3A_1201 {strides = array<i32>} : memref<8x104x64xf32, #tpu.memory_space<vmem>>, vector<1x1x16xf32>,
        %add3A_1202 = arith.constant 0 : i32
        %add3A_1203 = arith.addi %mul3A_1183, %add3A_1202 : i32
        %get3A_1204 = arith.constant 1 : i32
        %get3A_1205 = arith.index_cast %get3A_1204 : i32 to index
        %get3A_1206 = arith.index_cast %add3A_1203 : i32 to index
        %get3A_1207 = arith.constant 16 : index
        %get3A_1208 = tpu.vector_load %arg8[%get3A_1205, %get3A_1206, %get3A_1207] {strides = array<i32>} : memref<8x104x64xf32, #tpu.memory_space<vmem>>, vector<1x1x16xf32>,
        %get3A_1209 = vector.shape_cast %get3A_1208 : vector<1x1x16xf32> to vector<16xf32>
        %mul3A_1210 = arith.constant 8.000000e+00 : f32
        %mul3A_1211 = vector.broadcast %mul3A_1210 : f32 to vector<16xf32>
        %mul3A_1212 = arith.mulf %get3A_1209, %mul3A_1211 : vector<16xf32>
        %add3A_1213 = arith.constant 0 : i32
        %add3A_1214 = arith.addi %mul3A_1183, %add3A_1213 : i32
        %swap3A_1215 = arith.constant 1 : i32
        %swap3A_1216 = arith.index_cast %swap3A_1215 : i32 to index
        %swap3A_1217 = arith.index_cast %add3A_1214 : i32 to index
        %swap3A_1218 = arith.constant 16 : index
        %swap3A_1219 = tpu.vector_load %arg8[%swap3A_1216, %swap3A_1217, %swap3A_1218] {strides = array<i32>} : memref<8x104x64xf32, #tpu.memory_space<vmem>>, vector<1x1x16xf32>,
        %swap3A_1220 = vector.shape_cast %swap3A_1219 : vector<1x1x16xf32> to vector<16xf32>
        %swap3A_1221 = vector.shape_cast %mul3A_1212 : vector<16xf32> to vector<1x1x16xf32>
        tpu.vector_store %arg8[%swap3A_1216, %swap3A_1217, %swap3A_1218], %swap3A_1221 {strides = array<i32>} : memref<8x104x64xf32, #tpu.memory_space<vmem>>, vector<1x1x16xf32>,
        %add3A_1222 = arith.constant 0 : i32
        %add3A_1223 = arith.addi %mul3A_1183, %add3A_1222 : i32
        %get3A_1224 = arith.constant 1 : i32
        %get3A_1225 = arith.index_cast %get3A_1224 : i32 to index
        %get3A_1226 = arith.index_cast %add3A_1223 : i32 to index
        %get3A_1227 = arith.constant 32 : index
        %get3A_1228 = tpu.vector_load %arg8[%get3A_1225, %get3A_1226, %get3A_1227] {strides = array<i32>} : memref<8x104x64xf32, #tpu.memory_space<vmem>>, vector<1x1x16xf32>,
        %get3A_1229 = vector.shape_cast %get3A_1228 : vector<1x1x16xf32> to vector<16xf32>
        %mul3A_1230 = arith.constant 8.000000e+00 : f32
        %mul3A_1231 = vector.broadcast %mul3A_1230 : f32 to vector<16xf32>
        %mul3A_1232 = arith.mulf %get3A_1229, %mul3A_1231 : vector<16xf32>
        %add3A_1233 = arith.constant 0 : i32
        %add3A_1234 = arith.addi %mul3A_1183, %add3A_1233 : i32
        %swap3A_1235 = arith.constant 1 : i32
        %swap3A_1236 = arith.index_cast %swap3A_1235 : i32 to index
        %swap3A_1237 = arith.index_cast %add3A_1234 : i32 to index
        %swap3A_1238 = arith.constant 32 : index
        %swap3A_1239 = tpu.vector_load %arg8[%swap3A_1236, %swap3A_1237, %swap3A_1238] {strides = array<i32>} : memref<8x104x64xf32, #tpu.memory_space<vmem>>, vector<1x1x16xf32>,
        %swap3A_1240 = vector.shape_cast %swap3A_1239 : vector<1x1x16xf32> to vector<16xf32>
        %swap3A_1241 = vector.shape_cast %mul3A_1232 : vector<16xf32> to vector<1x1x16xf32>
        tpu.vector_store %arg8[%swap3A_1236, %swap3A_1237, %swap3A_1238], %swap3A_1241 {strides = array<i32>} : memref<8x104x64xf32, #tpu.memory_space<vmem>>, vector<1x1x16xf32>,
        %add3A_1242 = arith.constant 0 : i32
        %add3A_1243 = arith.addi %mul3A_1183, %add3A_1242 : i32
        %get3A_1244 = arith.constant 1 : i32
        %get3A_1245 = arith.index_cast %get3A_1244 : i32 to index
        %get3A_1246 = arith.index_cast %add3A_1243 : i32 to index
        %get3A_1247 = arith.constant 48 : index
        %get3A_1248 = tpu.vector_load %arg8[%get3A_1245, %get3A_1246, %get3A_1247] {strides = array<i32>} : memref<8x104x64xf32, #tpu.memory_space<vmem>>, vector<1x1x16xf32>,
        %get3A_1249 = vector.shape_cast %get3A_1248 : vector<1x1x16xf32> to vector<16xf32>
        %mul3A_1250 = arith.constant 8.000000e+00 : f32
        %mul3A_1251 = vector.broadcast %mul3A_1250 : f32 to vector<16xf32>
        %mul3A_1252 = arith.mulf %get3A_1249, %mul3A_1251 : vector<16xf32>
        %add3A_1253 = arith.constant 0 : i32
        %add3A_1254 = arith.addi %mul3A_1183, %add3A_1253 : i32
        %swap3A_1255 = arith.constant 1 : i32
        %swap3A_1256 = arith.index_cast %swap3A_1255 : i32 to index
        %swap3A_1257 = arith.index_cast %add3A_1254 : i32 to index
        %swap3A_1258 = arith.constant 48 : index
        %swap3A_1259 = tpu.vector_load %arg8[%swap3A_1256, %swap3A_1257, %swap3A_1258] {strides = array<i32>} : memref<8x104x64xf32, #tpu.memory_space<vmem>>, vector<1x1x16xf32>,
        %swap3A_1260 = vector.shape_cast %swap3A_1259 : vector<1x1x16xf32> to vector<16xf32>
        %swap3A_1261 = vector.shape_cast %mul3A_1252 : vector<16xf32> to vector<1x1x16xf32>
        tpu.vector_store %arg8[%swap3A_1256, %swap3A_1257, %swap3A_1258], %swap3A_1261 {strides = array<i32>} : memref<8x104x64xf32, #tpu.memory_space<vmem>>, vector<1x1x16xf32>,
        %add3A_1262 = arith.constant 1 : i32
        %add3A_1263 = arith.addi %mul3A_1183, %add3A_1262 : i32
        %get3A_1264 = arith.constant 1 : i32
        %get3A_1265 = arith.index_cast %get3A_1264 : i32 to index
        %get3A_1266 = arith.index_cast %add3A_1263 : i32 to index
        %get3A_1267 = arith.constant 0 : index
        %get3A_1268 = tpu.vector_load %arg8[%get3A_1265, %get3A_1266, %get3A_1267] {strides = array<i32>} : memref<8x104x64xf32, #tpu.memory_space<vmem>>, vector<1x1x16xf32>,
        %get3A_1269 = vector.shape_cast %get3A_1268 : vector<1x1x16xf32> to vector<16xf32>
        %mul3A_1270 = arith.constant 8.000000e+00 : f32
        %mul3A_1271 = vector.broadcast %mul3A_1270 : f32 to vector<16xf32>
        %mul3A_1272 = arith.mulf %get3A_1269, %mul3A_1271 : vector<16xf32>
        %add3A_1273 = arith.constant 1 : i32
        %add3A_1274 = arith.addi %mul3A_1183, %add3A_1273 : i32
        %swap3A_1275 = arith.constant 1 : i32
        %swap3A_1276 = arith.index_cast %swap3A_1275 : i32 to index
        %swap3A_1277 = arith.index_cast %add3A_1274 : i32 to index
        %swap3A_1278 = arith.constant 0 : index
        %swap3A_1279 = tpu.vector_load %arg8[%swap3A_1276, %swap3A_1277, %swap3A_1278] {strides = array<i32>} : memref<8x104x64xf32, #tpu.memory_space<vmem>>, vector<1x1x16xf32>,
        %swap3A_1280 = vector.shape_cast %swap3A_1279 : vector<1x1x16xf32> to vector<16xf32>
        %swap3A_1281 = vector.shape_cast %mul3A_1272 : vector<16xf32> to vector<1x1x16xf32>
        tpu.vector_store %arg8[%swap3A_1276, %swap3A_1277, %swap3A_1278], %swap3A_1281 {strides = array<i32>} : memref<8x104x64xf32, #tpu.memory_space<vmem>>, vector<1x1x16xf32>,
        %add3A_1282 = arith.constant 1 : i32
        %add3A_1283 = arith.addi %mul3A_1183, %add3A_1282 : i32
        %get3A_1284 = arith.constant 1 : i32
        %get3A_1285 = arith.index_cast %get3A_1284 : i32 to index
        %get3A_1286 = arith.index_cast %add3A_1283 : i32 to index
        %get3A_1287 = arith.constant 16 : index
        %get3A_1288 = tpu.vector_load %arg8[%get3A_1285, %get3A_1286, %get3A_1287] {strides = array<i32>} : memref<8x104x64xf32, #tpu.memory_space<vmem>>, vector<1x1x16xf32>,
        %get3A_1289 = vector.shape_cast %get3A_1288 : vector<1x1x16xf32> to vector<16xf32>
        %mul3A_1290 = arith.constant 8.000000e+00 : f32
        %mul3A_1291 = vector.broadcast %mul3A_1290 : f32 to vector<16xf32>
        %mul3A_1292 = arith.mulf %get3A_1289, %mul3A_1291 : vector<16xf32>
        %add3A_1293 = arith.constant 1 : i32
        %add3A_1294 = arith.addi %mul3A_1183, %add3A_1293 : i32
        %swap3A_1295 = arith.constant 1 : i32
        %swap3A_1296 = arith.index_cast %swap3A_1295 : i32 to index
        %swap3A_1297 = arith.index_cast %add3A_1294 : i32 to index
        %swap3A_1298 = arith.constant 16 : index
        %swap3A_1299 = tpu.vector_load %arg8[%swap3A_1296, %swap3A_1297, %swap3A_1298] {strides = array<i32>} : memref<8x104x64xf32, #tpu.memory_space<vmem>>, vector<1x1x16xf32>,
        %swap3A_1300 = vector.shape_cast %swap3A_1299 : vector<1x1x16xf32> to vector<16xf32>
        %swap3A_1301 = vector.shape_cast %mul3A_1292 : vector<16xf32> to vector<1x1x16xf32>
        tpu.vector_store %arg8[%swap3A_1296, %swap3A_1297, %swap3A_1298], %swap3A_1301 {strides = array<i32>} : memref<8x104x64xf32, #tpu.memory_space<vmem>>, vector<1x1x16xf32>,
        %add3A_1302 = arith.constant 1 : i32
        %add3A_1303 = arith.addi %mul3A_1183, %add3A_1302 : i32
        %get3A_1304 = arith.constant 1 : i32
        %get3A_1305 = arith.index_cast %get3A_1304 : i32 to index
        %get3A_1306 = arith.index_cast %add3A_1303 : i32 to index
        %get3A_1307 = arith.constant 32 : index
        %get3A_1308 = tpu.vector_load %arg8[%get3A_1305, %get3A_1306, %get3A_1307] {strides = array<i32>} : memref<8x104x64xf32, #tpu.memory_space<vmem>>, vector<1x1x16xf32>,
        %get3A_1309 = vector.shape_cast %get3A_1308 : vector<1x1x16xf32> to vector<16xf32>
        %mul3A_1310 = arith.constant 8.000000e+00 : f32
        %mul3A_1311 = vector.broadcast %mul3A_1310 : f32 to vector<16xf32>
        %mul3A_1312 = arith.mulf %get3A_1309, %mul3A_1311 : vector<16xf32>
        %add3A_1313 = arith.constant 1 : i32
        %add3A_1314 = arith.addi %mul3A_1183, %add3A_1313 : i32
        %swap3A_1315 = arith.constant 1 : i32
        %swap3A_1316 = arith.index_cast %swap3A_1315 : i32 to index
        %swap3A_1317 = arith.index_cast %add3A_1314 : i32 to index
        %swap3A_1318 = arith.constant 32 : index
        %swap3A_1319 = tpu.vector_load %arg8[%swap3A_1316, %swap3A_1317, %swap3A_1318] {strides = array<i32>} : memref<8x104x64xf32, #tpu.memory_space<vmem>>, vector<1x1x16xf32>,
        %swap3A_1320 = vector.shape_cast %swap3A_1319 : vector<1x1x16xf32> to vector<16xf32>
        %swap3A_1321 = vector.shape_cast %mul3A_1312 : vector<16xf32> to vector<1x1x16xf32>
        tpu.vector_store %arg8[%swap3A_1316, %swap3A_1317, %swap3A_1318], %swap3A_1321 {strides = array<i32>} : memref<8x104x64xf32, #tpu.memory_space<vmem>>, vector<1x1x16xf32>,
        %add3A_1322 = arith.constant 1 : i32
        %add3A_1323 = arith.addi %mul3A_1183, %add3A_1322 : i32
        %get3A_1324 = arith.constant 1 : i32
        %get3A_1325 = arith.index_cast %get3A_1324 : i32 to index
        %get3A_1326 = arith.index_cast %add3A_1323 : i32 to index
        %get3A_1327 = arith.constant 48 : index
        %get3A_1328 = tpu.vector_load %arg8[%get3A_1325, %get3A_1326, %get3A_1327] {strides = array<i32>} : memref<8x104x64xf32, #tpu.memory_space<vmem>>, vector<1x1x16xf32>,
        %get3A_1329 = vector.shape_cast %get3A_1328 : vector<1x1x16xf32> to vector<16xf32>
        %mul3A_1330 = arith.constant 8.000000e+00 : f32
        %mul3A_1331 = vector.broadcast %mul3A_1330 : f32 to vector<16xf32>
        %mul3A_1332 = arith.mulf %get3A_1329, %mul3A_1331 : vector<16xf32>
        %add3A_1333 = arith.constant 1 : i32
        %add3A_1334 = arith.addi %mul3A_1183, %add3A_1333 : i32
        %swap3A_1335 = arith.constant 1 : i32
        %swap3A_1336 = arith.index_cast %swap3A_1335 : i32 to index
        %swap3A_1337 = arith.index_cast %add3A_1334 : i32 to index
        %swap3A_1338 = arith.constant 48 : index
        %swap3A_1339 = tpu.vector_load %arg8[%swap3A_1336, %swap3A_1337, %swap3A_1338] {strides = array<i32>} : memref<8x104x64xf32, #tpu.memory_space<vmem>>, vector<1x1x16xf32>,
        %swap3A_1340 = vector.shape_cast %swap3A_1339 : vector<1x1x16xf32> to vector<16xf32>
        %swap3A_1341 = vector.shape_cast %mul3A_1332 : vector<16xf32> to vector<1x1x16xf32>
        tpu.vector_store %arg8[%swap3A_1336, %swap3A_1337, %swap3A_1338], %swap3A_1341 {strides = array<i32>} : memref<8x104x64xf32, #tpu.memory_space<vmem>>, vector<1x1x16xf32>,
        %add3A_1342 = arith.constant 2 : i32
        %add3A_1343 = arith.addi %mul3A_1183, %add3A_1342 : i32
        %get3A_1344 = arith.constant 1 : i32
        %get3A_1345 = arith.index_cast %get3A_1344 : i32 to index
        %get3A_1346 = arith.index_cast %add3A_1343 : i32 to index
        %get3A_1347 = arith.constant 0 : index
        %get3A_1348 = tpu.vector_load %arg8[%get3A_1345, %get3A_1346, %get3A_1347] {strides = array<i32>} : memref<8x104x64xf32, #tpu.memory_space<vmem>>, vector<1x1x16xf32>,
        %get3A_1349 = vector.shape_cast %get3A_1348 : vector<1x1x16xf32> to vector<16xf32>
        %mul3A_1350 = arith.constant 8.000000e+00 : f32
        %mul3A_1351 = vector.broadcast %mul3A_1350 : f32 to vector<16xf32>
        %mul3A_1352 = arith.mulf %get3A_1349, %mul3A_1351 : vector<16xf32>
        %add3A_1353 = arith.constant 2 : i32
        %add3A_1354 = arith.addi %mul3A_1183, %add3A_1353 : i32
        %swap3A_1355 = arith.constant 1 : i32
        %swap3A_1356 = arith.index_cast %swap3A_1355 : i32 to index
        %swap3A_1357 = arith.index_cast %add3A_1354 : i32 to index
        %swap3A_1358 = arith.constant 0 : index
        %swap3A_1359 = tpu.vector_load %arg8[%swap3A_1356, %swap3A_1357, %swap3A_1358] {strides = array<i32>} : memref<8x104x64xf32, #tpu.memory_space<vmem>>, vector<1x1x16xf32>,
        %swap3A_1360 = vector.shape_cast %swap3A_1359 : vector<1x1x16xf32> to vector<16xf32>
        %swap3A_1361 = vector.shape_cast %mul3A_1352 : vector<16xf32> to vector<1x1x16xf32>
        tpu.vector_store %arg8[%swap3A_1356, %swap3A_1357, %swap3A_1358], %swap3A_1361 {strides = array<i32>} : memref<8x104x64xf32, #tpu.memory_space<vmem>>, vector<1x1x16xf32>,
        %add3A_1362 = arith.constant 2 : i32
        %add3A_1363 = arith.addi %mul3A_1183, %add3A_1362 : i32
        %get3A_1364 = arith.constant 1 : i32
        %get3A_1365 = arith.index_cast %get3A_1364 : i32 to index
        %get3A_1366 = arith.index_cast %add3A_1363 : i32 to index
        %get3A_1367 = arith.constant 16 : index
        %get3A_1368 = tpu.vector_load %arg8[%get3A_1365, %get3A_1366, %get3A_1367] {strides = array<i32>} : memref<8x104x64xf32, #tpu.memory_space<vmem>>, vector<1x1x16xf32>,
        %get3A_1369 = vector.shape_cast %get3A_1368 : vector<1x1x16xf32> to vector<16xf32>
        %mul3A_1370 = arith.constant 8.000000e+00 : f32
        %mul3A_1371 = vector.broadcast %mul3A_1370 : f32 to vector<16xf32>
        %mul3A_1372 = arith.mulf %get3A_1369, %mul3A_1371 : vector<16xf32>
        %add3A_1373 = arith.constant 2 : i32
        %add3A_1374 = arith.addi %mul3A_1183, %add3A_1373 : i32
        %swap3A_1375 = arith.constant 1 : i32
        %swap3A_1376 = arith.index_cast %swap3A_1375 : i32 to index
        %swap3A_1377 = arith.index_cast %add3A_1374 : i32 to index
        %swap3A_1378 = arith.constant 16 : index
        %swap3A_1379 = tpu.vector_load %arg8[%swap3A_1376, %swap3A_1377, %swap3A_1378] {strides = array<i32>} : memref<8x104x64xf32, #tpu.memory_space<vmem>>, vector<1x1x16xf32>,
        %swap3A_1380 = vector.shape_cast %swap3A_1379 : vector<1x1x16xf32> to vector<16xf32>
        %swap3A_1381 = vector.shape_cast %mul3A_1372 : vector<16xf32> to vector<1x1x16xf32>
        tpu.vector_store %arg8[%swap3A_1376, %swap3A_1377, %swap3A_1378], %swap3A_1381 {strides = array<i32>} : memref<8x104x64xf32, #tpu.memory_space<vmem>>, vector<1x1x16xf32>,
        %add3A_1382 = arith.constant 2 : i32
        %add3A_1383 = arith.addi %mul3A_1183, %add3A_1382 : i32
        %get3A_1384 = arith.constant 1 : i32
        %get3A_1385 = arith.index_cast %get3A_1384 : i32 to index
        %get3A_1386 = arith.index_cast %add3A_1383 : i32 to index
        %get3A_1387 = arith.constant 32 : index
        %get3A_1388 = tpu.vector_load %arg8[%get3A_1385, %get3A_1386, %get3A_1387] {strides = array<i32>} : memref<8x104x64xf32, #tpu.memory_space<vmem>>, vector<1x1x16xf32>,
        %get3A_1389 = vector.shape_cast %get3A_1388 : vector<1x1x16xf32> to vector<16xf32>
        %mul3A_1390 = arith.constant 8.000000e+00 : f32
        %mul3A_1391 = vector.broadcast %mul3A_1390 : f32 to vector<16xf32>
        %mul3A_1392 = arith.mulf %get3A_1389, %mul3A_1391 : vector<16xf32>
        %add3A_1393 = arith.constant 2 : i32
        %add3A_1394 = arith.addi %mul3A_1183, %add3A_1393 : i32
        %swap3A_1395 = arith.constant 1 : i32
        %swap3A_1396 = arith.index_cast %swap3A_1395 : i32 to index
        %swap3A_1397 = arith.index_cast %add3A_1394 : i32 to index
        %swap3A_1398 = arith.constant 32 : index
        %swap3A_1399 = tpu.vector_load %arg8[%swap3A_1396, %swap3A_1397, %swap3A_1398] {strides = array<i32>} : memref<8x104x64xf32, #tpu.memory_space<vmem>>, vector<1x1x16xf32>,
        %swap3A_1400 = vector.shape_cast %swap3A_1399 : vector<1x1x16xf32> to vector<16xf32>
        %swap3A_1401 = vector.shape_cast %mul3A_1392 : vector<16xf32> to vector<1x1x16xf32>
        tpu.vector_store %arg8[%swap3A_1396, %swap3A_1397, %swap3A_1398], %swap3A_1401 {strides = array<i32>} : memref<8x104x64xf32, #tpu.memory_space<vmem>>, vector<1x1x16xf32>,
        %add3A_1402 = arith.constant 2 : i32
        %add3A_1403 = arith.addi %mul3A_1183, %add3A_1402 : i32
        %get3A_1404 = arith.constant 1 : i32
        %get3A_1405 = arith.index_cast %get3A_1404 : i32 to index
        %get3A_1406 = arith.index_cast %add3A_1403 : i32 to index
        %get3A_1407 = arith.constant 48 : index
        %get3A_1408 = tpu.vector_load %arg8[%get3A_1405, %get3A_1406, %get3A_1407] {strides = array<i32>} : memref<8x104x64xf32, #tpu.memory_space<vmem>>, vector<1x1x16xf32>,
        %get3A_1409 = vector.shape_cast %get3A_1408 : vector<1x1x16xf32> to vector<16xf32>
        %mul3A_1410 = arith.constant 8.000000e+00 : f32
        %mul3A_1411 = vector.broadcast %mul3A_1410 : f32 to vector<16xf32>
        %mul3A_1412 = arith.mulf %get3A_1409, %mul3A_1411 : vector<16xf32>
        %add3A_1413 = arith.constant 2 : i32
        %add3A_1414 = arith.addi %mul3A_1183, %add3A_1413 : i32
        %swap3A_1415 = arith.constant 1 : i32
        %swap3A_1416 = arith.index_cast %swap3A_1415 : i32 to index
        %swap3A_1417 = arith.index_cast %add3A_1414 : i32 to index
        %swap3A_1418 = arith.constant 48 : index
        %swap3A_1419 = tpu.vector_load %arg8[%swap3A_1416, %swap3A_1417, %swap3A_1418] {strides = array<i32>} : memref<8x104x64xf32, #tpu.memory_space<vmem>>, vector<1x1x16xf32>,
        %swap3A_1420 = vector.shape_cast %swap3A_1419 : vector<1x1x16xf32> to vector<16xf32>
        %swap3A_1421 = vector.shape_cast %mul3A_1412 : vector<16xf32> to vector<1x1x16xf32>
        tpu.vector_store %arg8[%swap3A_1416, %swap3A_1417, %swap3A_1418], %swap3A_1421 {strides = array<i32>} : memref<8x104x64xf32, #tpu.memory_space<vmem>>, vector<1x1x16xf32>,
        %add3A_1422 = arith.constant 3 : i32
        %add3A_1423 = arith.addi %mul3A_1183, %add3A_1422 : i32
        %get3A_1424 = arith.constant 1 : i32
        %get3A_1425 = arith.index_cast %get3A_1424 : i32 to index
        %get3A_1426 = arith.index_cast %add3A_1423 : i32 to index
        %get3A_1427 = arith.constant 0 : index
        %get3A_1428 = tpu.vector_load %arg8[%get3A_1425, %get3A_1426, %get3A_1427] {strides = array<i32>} : memref<8x104x64xf32, #tpu.memory_space<vmem>>, vector<1x1x16xf32>,
        %get3A_1429 = vector.shape_cast %get3A_1428 : vector<1x1x16xf32> to vector<16xf32>
        %mul3A_1430 = arith.constant 8.000000e+00 : f32
        %mul3A_1431 = vector.broadcast %mul3A_1430 : f32 to vector<16xf32>
        %mul3A_1432 = arith.mulf %get3A_1429, %mul3A_1431 : vector<16xf32>
        %add3A_1433 = arith.constant 3 : i32
        %add3A_1434 = arith.addi %mul3A_1183, %add3A_1433 : i32
        %swap3A_1435 = arith.constant 1 : i32
        %swap3A_1436 = arith.index_cast %swap3A_1435 : i32 to index
        %swap3A_1437 = arith.index_cast %add3A_1434 : i32 to index
        %swap3A_1438 = arith.constant 0 : index
        %swap3A_1439 = tpu.vector_load %arg8[%swap3A_1436, %swap3A_1437, %swap3A_1438] {strides = array<i32>} : memref<8x104x64xf32, #tpu.memory_space<vmem>>, vector<1x1x16xf32>,
        %swap3A_1440 = vector.shape_cast %swap3A_1439 : vector<1x1x16xf32> to vector<16xf32>
        %swap3A_1441 = vector.shape_cast %mul3A_1432 : vector<16xf32> to vector<1x1x16xf32>
        tpu.vector_store %arg8[%swap3A_1436, %swap3A_1437, %swap3A_1438], %swap3A_1441 {strides = array<i32>} : memref<8x104x64xf32, #tpu.memory_space<vmem>>, vector<1x1x16xf32>,
        %add3A_1442 = arith.constant 3 : i32
        %add3A_1443 = arith.addi %mul3A_1183, %add3A_1442 : i32
        %get3A_1444 = arith.constant 1 : i32
        %get3A_1445 = arith.index_cast %get3A_1444 : i32 to index
        %get3A_1446 = arith.index_cast %add3A_1443 : i32 to index
        %get3A_1447 = arith.constant 16 : index
        %get3A_1448 = tpu.vector_load %arg8[%get3A_1445, %get3A_1446, %get3A_1447] {strides = array<i32>} : memref<8x104x64xf32, #tpu.memory_space<vmem>>, vector<1x1x16xf32>,
        %get3A_1449 = vector.shape_cast %get3A_1448 : vector<1x1x16xf32> to vector<16xf32>
        %mul3A_1450 = arith.constant 8.000000e+00 : f32
        %mul3A_1451 = vector.broadcast %mul3A_1450 : f32 to vector<16xf32>
        %mul3A_1452 = arith.mulf %get3A_1449, %mul3A_1451 : vector<16xf32>
        %add3A_1453 = arith.constant 3 : i32
        %add3A_1454 = arith.addi %mul3A_1183, %add3A_1453 : i32
        %swap3A_1455 = arith.constant 1 : i32
        %swap3A_1456 = arith.index_cast %swap3A_1455 : i32 to index
        %swap3A_1457 = arith.index_cast %add3A_1454 : i32 to index
        %swap3A_1458 = arith.constant 16 : index
        %swap3A_1459 = tpu.vector_load %arg8[%swap3A_1456, %swap3A_1457, %swap3A_1458] {strides = array<i32>} : memref<8x104x64xf32, #tpu.memory_space<vmem>>, vector<1x1x16xf32>,
        %swap3A_1460 = vector.shape_cast %swap3A_1459 : vector<1x1x16xf32> to vector<16xf32>
        %swap3A_1461 = vector.shape_cast %mul3A_1452 : vector<16xf32> to vector<1x1x16xf32>
        tpu.vector_store %arg8[%swap3A_1456, %swap3A_1457, %swap3A_1458], %swap3A_1461 {strides = array<i32>} : memref<8x104x64xf32, #tpu.memory_space<vmem>>, vector<1x1x16xf32>,
        %add3A_1462 = arith.constant 3 : i32
        %add3A_1463 = arith.addi %mul3A_1183, %add3A_1462 : i32
        %get3A_1464 = arith.constant 1 : i32
        %get3A_1465 = arith.index_cast %get3A_1464 : i32 to index
        %get3A_1466 = arith.index_cast %add3A_1463 : i32 to index
        %get3A_1467 = arith.constant 32 : index
        %get3A_1468 = tpu.vector_load %arg8[%get3A_1465, %get3A_1466, %get3A_1467] {strides = array<i32>} : memref<8x104x64xf32, #tpu.memory_space<vmem>>, vector<1x1x16xf32>,
        %get3A_1469 = vector.shape_cast %get3A_1468 : vector<1x1x16xf32> to vector<16xf32>
        %mul3A_1470 = arith.constant 8.000000e+00 : f32
        %mul3A_1471 = vector.broadcast %mul3A_1470 : f32 to vector<16xf32>
        %mul3A_1472 = arith.mulf %get3A_1469, %mul3A_1471 : vector<16xf32>
        %add3A_1473 = arith.constant 3 : i32
        %add3A_1474 = arith.addi %mul3A_1183, %add3A_1473 : i32
        %swap3A_1475 = arith.constant 1 : i32
        %swap3A_1476 = arith.index_cast %swap3A_1475 : i32 to index
        %swap3A_1477 = arith.index_cast %add3A_1474 : i32 to index
        %swap3A_1478 = arith.constant 32 : index
        %swap3A_1479 = tpu.vector_load %arg8[%swap3A_1476, %swap3A_1477, %swap3A_1478] {strides = array<i32>} : memref<8x104x64xf32, #tpu.memory_space<vmem>>, vector<1x1x16xf32>,
        %swap3A_1480 = vector.shape_cast %swap3A_1479 : vector<1x1x16xf32> to vector<16xf32>
        %swap3A_1481 = vector.shape_cast %mul3A_1472 : vector<16xf32> to vector<1x1x16xf32>
        tpu.vector_store %arg8[%swap3A_1476, %swap3A_1477, %swap3A_1478], %swap3A_1481 {strides = array<i32>} : memref<8x104x64xf32, #tpu.memory_space<vmem>>, vector<1x1x16xf32>,
        %add3A_1482 = arith.constant 3 : i32
        %add3A_1483 = arith.addi %mul3A_1183, %add3A_1482 : i32
        %get3A_1484 = arith.constant 1 : i32
        %get3A_1485 = arith.index_cast %get3A_1484 : i32 to index
        %get3A_1486 = arith.index_cast %add3A_1483 : i32 to index
        %get3A_1487 = arith.constant 48 : index
        %get3A_1488 = tpu.vector_load %arg8[%get3A_1485, %get3A_1486, %get3A_1487] {strides = array<i32>} : memref<8x104x64xf32, #tpu.memory_space<vmem>>, vector<1x1x16xf32>,
        %get3A_1489 = vector.shape_cast %get3A_1488 : vector<1x1x16xf32> to vector<16xf32>
        %mul3A_1490 = arith.constant 8.000000e+00 : f32
        %mul3A_1491 = vector.broadcast %mul3A_1490 : f32 to vector<16xf32>
        %mul3A_1492 = arith.mulf %get3A_1489, %mul3A_1491 : vector<16xf32>
        %add3A_1493 = arith.constant 3 : i32
        %add3A_1494 = arith.addi %mul3A_1183, %add3A_1493 : i32
        %swap3A_1495 = arith.constant 1 : i32
        %swap3A_1496 = arith.index_cast %swap3A_1495 : i32 to index
        %swap3A_1497 = arith.index_cast %add3A_1494 : i32 to index
        %swap3A_1498 = arith.constant 48 : index
        %swap3A_1499 = tpu.vector_load %arg8[%swap3A_1496, %swap3A_1497, %swap3A_1498] {strides = array<i32>} : memref<8x104x64xf32, #tpu.memory_space<vmem>>, vector<1x1x16xf32>,
        %swap3A_1500 = vector.shape_cast %swap3A_1499 : vector<1x1x16xf32> to vector<16xf32>
        %swap3A_1501 = vector.shape_cast %mul3A_1492 : vector<16xf32> to vector<1x1x16xf32>
        tpu.vector_store %arg8[%swap3A_1496, %swap3A_1497, %swap3A_1498], %swap3A_1501 {strides = array<i32>} : memref<8x104x64xf32, #tpu.memory_space<vmem>>, vector<1x1x16xf32>,
      }
      %scan3A_274 = arith.constant 24 : i32
      %jit3A_275 = arith.constant 2 : i32
      %div3A_276 = arith.divsi %add3A_233, %jit3A_275 : i32
      %sign3A_277 = arith.constant 0 : i32
      %sign3A_278 = arith.cmpi sgt, %add3A_233, %sign3A_277 : i32
      %sign3A_279 = arith.extui %sign3A_278 : i1 to i32
      %sign3A_280 = arith.constant 0 : i32
      %sign3A_281 = arith.cmpi slt, %add3A_233, %sign3A_280 : i32
      %sign3A_282 = arith.extui %sign3A_281 : i1 to i32
      %sign3A_283 = arith.subi %sign3A_279, %sign3A_282 : i32
      %sign3A_284 = arith.constant 0 : i32
      %sign3A_285 = arith.cmpi sgt, %jit3A_275, %sign3A_284 : i32
      %sign3A_286 = arith.extui %sign3A_285 : i1 to i32
      %sign3A_287 = arith.constant 0 : i32
      %sign3A_288 = arith.cmpi slt, %jit3A_275, %sign3A_287 : i32
      %sign3A_289 = arith.extui %sign3A_288 : i1 to i32
      %sign3A_290 = arith.subi %sign3A_286, %sign3A_289 : i32
      %ne3A_291 = arith.cmpi ne, %sign3A_283, %sign3A_290 : i32
      %rem3A_292 = arith.remsi %add3A_233, %jit3A_275 : i32
      %ne3A_293 = arith.constant 0 : i32
      %ne3A_294 = arith.cmpi ne, %rem3A_292, %ne3A_293 : i32
      %and3A_295 = arith.andi %ne3A_291, %ne3A_294 : i1
      %sub3A_296 = arith.constant 1 : i32
      %sub3A_297 = arith.subi %div3A_276, %sub3A_296 : i32
      %select_n3A_298 = arith.select %and3A_295, %sub3A_297, %div3A_276 : i32
      %add3A_299 = arith.addi %mul3A_2, %select_n3A_298 : i32
      %mul3A_300 = arith.constant 200 : i32
      %mul3A_301 = arith.muli %add3A_299, %mul3A_300 : i32
      %add3A_302 = arith.constant 104 : i32
      %add3A_303 = arith.addi %mul3A_301, %add3A_302 : i32
      %dma_start3A_304 = arith.constant 1 : i32
      %dma_start3A_305 = arith.constant 0 : i32
      %dma_start3A_306 = arith.constant 0 : i32
      %dma_start3A_307 = tpu.memref_slice %arg8[%dma_start3A_304, %dma_start3A_305, %dma_start3A_306] : memref<8x104x64xf32, #tpu.memory_space<vmem>> -> memref<1x96x64xf32, #tpu.memory_space<vmem>>
      %dma_start3A_308 = tpu.memref_squeeze %dma_start3A_307 : memref<1x96x64xf32, #tpu.memory_space<vmem>> -> memref<96x64xf32, #tpu.memory_space<vmem>>
      %dma_start3A_309 = arith.constant 0 : i32
      %dma_start3A_310 = tpu.memref_slice %arg5[%add3A_303, %dma_start3A_309] : memref<819200x128xf32, #tpu.memory_space<hbm>> -> memref<96x64xf32, #tpu.memory_space<hbm>>
      %dma_start3A_311 = arith.constant 0 : i32
      %dma_start3A_312 = tpu.memref_slice %arg5[%add3A_303, %dma_start3A_311] : memref<819200x128xf32, #tpu.memory_space<hbm>> -> memref<96x64xf32, #tpu.memory_space<hbm>>
      %dma_start3A_313 = arith.constant 0 : i32
      %dma_start3A_314 = arith.constant 0 : i32
      %dma_start3A_315 = tpu.memref_slice %arg8[%dma_start3A_304, %dma_start3A_313, %dma_start3A_314] : memref<8x104x64xf32, #tpu.memory_space<vmem>> -> memref<1x96x64xf32, #tpu.memory_space<vmem>>
      %dma_start3A_316 = tpu.memref_squeeze %dma_start3A_315 : memref<1x96x64xf32, #tpu.memory_space<vmem>> -> memref<96x64xf32, #tpu.memory_space<vmem>>
      tpu.enqueue_dma source(%dma_start3A_316 : memref<96x64xf32, #tpu.memory_space<vmem>>) target(%dma_start3A_312 : memref<96x64xf32, #tpu.memory_space<hbm>>) target_semaphore(%arg18 : memref<!tpu.dma_semaphore, #tpu.memory_space<semaphore_mem>>)
      %sub3A_317 = arith.constant 1 : i32
      %sub3A_318 = arith.subi %add3A_233, %sub3A_317 : i32
      %jit3A_319 = arith.constant 2 : i32
      %div3A_320 = arith.divsi %sub3A_318, %jit3A_319 : i32
      %sign3A_321 = arith.constant 0 : i32
      %sign3A_322 = arith.cmpi sgt, %sub3A_318, %sign3A_321 : i32
      %sign3A_323 = arith.extui %sign3A_322 : i1 to i32
      %sign3A_324 = arith.constant 0 : i32
      %sign3A_325 = arith.cmpi slt, %sub3A_318, %sign3A_324 : i32
      %sign3A_326 = arith.extui %sign3A_325 : i1 to i32
      %sign3A_327 = arith.subi %sign3A_323, %sign3A_326 : i32
      %sign3A_328 = arith.constant 0 : i32
      %sign3A_329 = arith.cmpi sgt, %jit3A_319, %sign3A_328 : i32
      %sign3A_330 = arith.extui %sign3A_329 : i1 to i32
      %sign3A_331 = arith.constant 0 : i32
      %sign3A_332 = arith.cmpi slt, %jit3A_319, %sign3A_331 : i32
      %sign3A_333 = arith.extui %sign3A_332 : i1 to i32
      %sign3A_334 = arith.subi %sign3A_330, %sign3A_333 : i32
      %ne3A_335 = arith.cmpi ne, %sign3A_327, %sign3A_334 : i32
      %rem3A_336 = arith.remsi %sub3A_318, %jit3A_319 : i32
      %ne3A_337 = arith.constant 0 : i32
      %ne3A_338 = arith.cmpi ne, %rem3A_336, %ne3A_337 : i32
      %and3A_339 = arith.andi %ne3A_335, %ne3A_338 : i1
      %sub3A_340 = arith.constant 1 : i32
      %sub3A_341 = arith.subi %div3A_320, %sub3A_340 : i32
      %select_n3A_342 = arith.select %and3A_339, %sub3A_341, %div3A_320 : i32
      %add3A_343 = arith.addi %mul3A_2, %select_n3A_342 : i32
      %mul3A_344 = arith.constant 200 : i32
      %mul3A_345 = arith.muli %add3A_343, %mul3A_344 : i32
      %add3A_346 = arith.constant 0 : i32
      %add3A_347 = arith.addi %mul3A_345, %add3A_346 : i32
      %dma_wait3A_348 = arith.constant 0 : i32
      %dma_wait3A_349 = arith.constant 0 : i32
      %dma_wait3A_350 = arith.constant 0 : i32
      %dma_wait3A_351 = tpu.memref_slice %arg8[%dma_wait3A_348, %dma_wait3A_349, %dma_wait3A_350] : memref<8x104x64xf32, #tpu.memory_space<vmem>> -> memref<1x104x64xf32, #tpu.memory_space<vmem>>
      %dma_wait3A_352 = tpu.memref_squeeze %dma_wait3A_351 : memref<1x104x64xf32, #tpu.memory_space<vmem>> -> memref<104x64xf32, #tpu.memory_space<vmem>>
      %dma_wait3A_353 = arith.constant 0 : i32
      %dma_wait3A_354 = tpu.memref_slice %arg5[%add3A_347, %dma_wait3A_353] : memref<819200x128xf32, #tpu.memory_space<hbm>> -> memref<104x64xf32, #tpu.memory_space<hbm>>
      %dma_wait3A_355 = arith.constant 0 : i32
      %dma_wait3A_356 = tpu.memref_slice %arg5[%add3A_347, %dma_wait3A_355] : memref<819200x128xf32, #tpu.memory_space<hbm>> -> memref<104x64xf32, #tpu.memory_space<hbm>>
      %dma_wait3A_357 = arith.constant 0 : i32
      %dma_wait3A_358 = arith.constant 0 : i32
      %dma_wait3A_359 = tpu.memref_slice %arg8[%dma_wait3A_348, %dma_wait3A_357, %dma_wait3A_358] : memref<8x104x64xf32, #tpu.memory_space<vmem>> -> memref<1x104x64xf32, #tpu.memory_space<vmem>>
      %dma_wait3A_360 = tpu.memref_squeeze %dma_wait3A_359 : memref<1x104x64xf32, #tpu.memory_space<vmem>> -> memref<104x64xf32, #tpu.memory_space<vmem>>
      tpu.wait_dma2 semaphore(%arg17 : memref<!tpu.dma_semaphore, #tpu.memory_space<semaphore_mem>>) src(%dma_wait3A_360 : memref<104x64xf32, #tpu.memory_space<vmem>>) dst(%dma_wait3A_356 : memref<104x64xf32, #tpu.memory_space<hbm>>)
      %lt3A = arith.constant 31 : i32
      %lt3A_361 = arith.cmpi slt, %scan3A_109, %lt3A : i32
      %convert_element_type3A_362 = arith.extui %lt3A_361 : i1 to i32
      %cond3A_363 = arith.constant 0 : i32
      %cond3A_364 = arith.cmpi ne, %convert_element_type3A_362, %cond3A_363 : i32
      scf.if %cond3A_364 {
        %add3A_1181 = arith.constant 8 : i32
        %add3A_1182 = arith.addi %add3A_233, %add3A_1181 : i32
        %sub3A_1183 = arith.constant 1 : i32
        %sub3A_1184 = arith.subi %add3A_1182, %sub3A_1183 : i32
        %jit3A_1185 = arith.constant 2 : i32
        %div3A_1186 = arith.divsi %sub3A_1184, %jit3A_1185 : i32
        %sign3A_1187 = arith.constant 0 : i32
        %sign3A_1188 = arith.cmpi sgt, %sub3A_1184, %sign3A_1187 : i32
        %sign3A_1189 = arith.extui %sign3A_1188 : i1 to i32
        %sign3A_1190 = arith.constant 0 : i32
        %sign3A_1191 = arith.cmpi slt, %sub3A_1184, %sign3A_1190 : i32
        %sign3A_1192 = arith.extui %sign3A_1191 : i1 to i32
        %sign3A_1193 = arith.subi %sign3A_1189, %sign3A_1192 : i32
        %sign3A_1194 = arith.constant 0 : i32
        %sign3A_1195 = arith.cmpi sgt, %jit3A_1185, %sign3A_1194 : i32
        %sign3A_1196 = arith.extui %sign3A_1195 : i1 to i32
        %sign3A_1197 = arith.constant 0 : i32
        %sign3A_1198 = arith.cmpi slt, %jit3A_1185, %sign3A_1197 : i32
        %sign3A_1199 = arith.extui %sign3A_1198 : i1 to i32
        %sign3A_1200 = arith.subi %sign3A_1196, %sign3A_1199 : i32
        %ne3A_1201 = arith.cmpi ne, %sign3A_1193, %sign3A_1200 : i32
        %rem3A_1202 = arith.remsi %sub3A_1184, %jit3A_1185 : i32
        %ne3A_1203 = arith.constant 0 : i32
        %ne3A_1204 = arith.cmpi ne, %rem3A_1202, %ne3A_1203 : i32
        %and3A_1205 = arith.andi %ne3A_1201, %ne3A_1204 : i1
        %sub3A_1206 = arith.constant 1 : i32
        %sub3A_1207 = arith.subi %div3A_1186, %sub3A_1206 : i32
        %select_n3A_1208 = arith.select %and3A_1205, %sub3A_1207, %div3A_1186 : i32
        %dma_start3A_1209 = arith.constant 0 : i32
        %dma_start3A_1210 = arith.constant 0 : i32
        %dma_start3A_1211 = arith.constant 0 : i32
        %dma_start3A_1212 = tpu.memref_slice %arg8[%dma_start3A_1209, %dma_start3A_1210, %dma_start3A_1211] : memref<8x104x64xf32, #tpu.memory_space<vmem>> -> memref<1x104x64xf32, #tpu.memory_space<vmem>>
        %dma_start3A_1213 = tpu.memref_squeeze %dma_start3A_1212 : memref<1x104x64xf32, #tpu.memory_space<vmem>> -> memref<104x64xf32, #tpu.memory_space<vmem>>
        %dma_start3A_1214 = arith.constant 0 : i32
        %dma_start3A_1215 = tpu.memref_slice %arg6[%select_n3A_1208, %dma_start3A_1214] : memref<128x104xi32, #tpu.memory_space<vmem>> -> memref<1x104xi32, #tpu.memory_space<vmem>>
        %dma_start3A_1216 = tpu.memref_squeeze %dma_start3A_1215 : memref<1x104xi32, #tpu.memory_space<vmem>> -> memref<104xi32, #tpu.memory_space<vmem>>
        %dma_start3A_1217 = arith.constant 0 : i32
        %dma_start3A_1218 = arith.constant 0 : i32
        %dma_start3A_1219 = tpu.memref_slice %arg2[%dma_start3A_1217, %dma_start3A_1218] : memref<100000x64xf32, #tpu.memory_space<hbm>> -> memref<100000x64xf32, #tpu.memory_space<hbm>>
        tpu.enqueue_indirect_dma source(%dma_start3A_1219 : memref<100000x64xf32, #tpu.memory_space<hbm>>) target(%dma_start3A_1213 : memref<104x64xf32, #tpu.memory_space<vmem>>) offsets(%dma_start3A_1216 : memref<104xi32, #tpu.memory_space<vmem>>) semaphore(%arg9 : memref<!tpu.dma_semaphore, #tpu.memory_space<semaphore_mem>>)
      } else {
      }
      %mul3A_365 = arith.constant 8 : i32
      %mul3A_366 = arith.muli %mul3A_365, %scan3A_109 : i32
      %add3A_367 = arith.constant 2 : i32
      %add3A_368 = arith.addi %mul3A_366, %add3A_367 : i32
      %jit3A_369 = arith.constant 2 : i32
      %div3A_370 = arith.divsi %add3A_368, %jit3A_369 : i32
      %sign3A_371 = arith.constant 0 : i32
      %sign3A_372 = arith.cmpi sgt, %add3A_368, %sign3A_371 : i32
      %sign3A_373 = arith.extui %sign3A_372 : i1 to i32
      %sign3A_374 = arith.constant 0 : i32
      %sign3A_375 = arith.cmpi slt, %add3A_368, %sign3A_374 : i32
      %sign3A_376 = arith.extui %sign3A_375 : i1 to i32
      %sign3A_377 = arith.subi %sign3A_373, %sign3A_376 : i32
      %sign3A_378 = arith.constant 0 : i32
      %sign3A_379 = arith.cmpi sgt, %jit3A_369, %sign3A_378 : i32
      %sign3A_380 = arith.extui %sign3A_379 : i1 to i32
      %sign3A_381 = arith.constant 0 : i32
      %sign3A_382 = arith.cmpi slt, %jit3A_369, %sign3A_381 : i32
      %sign3A_383 = arith.extui %sign3A_382 : i1 to i32
      %sign3A_384 = arith.subi %sign3A_380, %sign3A_383 : i32
      %ne3A_385 = arith.cmpi ne, %sign3A_377, %sign3A_384 : i32
      %rem3A_386 = arith.remsi %add3A_368, %jit3A_369 : i32
      %ne3A_387 = arith.constant 0 : i32
      %ne3A_388 = arith.cmpi ne, %rem3A_386, %ne3A_387 : i32
      %and3A_389 = arith.andi %ne3A_385, %ne3A_388 : i1
      %sub3A_390 = arith.constant 1 : i32
      %sub3A_391 = arith.subi %div3A_370, %sub3A_390 : i32
      %select_n3A_392 = arith.select %and3A_389, %sub3A_391, %div3A_370 : i32
      %dma_wait3A_393 = arith.constant 2 : i32
      %dma_wait3A_394 = arith.constant 0 : i32
      %dma_wait3A_395 = arith.constant 0 : i32
      %dma_wait3A_396 = tpu.memref_slice %arg8[%dma_wait3A_393, %dma_wait3A_394, %dma_wait3A_395] : memref<8x104x64xf32, #tpu.memory_space<vmem>> -> memref<1x104x64xf32, #tpu.memory_space<vmem>>
      %dma_wait3A_397 = tpu.memref_squeeze %dma_wait3A_396 : memref<1x104x64xf32, #tpu.memory_space<vmem>> -> memref<104x64xf32, #tpu.memory_space<vmem>>
      %dma_wait3A_398 = arith.constant 0 : i32
      %dma_wait3A_399 = tpu.memref_slice %arg6[%select_n3A_392, %dma_wait3A_398] : memref<128x104xi32, #tpu.memory_space<vmem>> -> memref<1x104xi32, #tpu.memory_space<vmem>>
      %dma_wait3A_400 = tpu.memref_squeeze %dma_wait3A_399 : memref<1x104xi32, #tpu.memory_space<vmem>> -> memref<104xi32, #tpu.memory_space<vmem>>
      %dma_wait3A_401 = arith.constant 0 : i32
      %dma_wait3A_402 = arith.constant 0 : i32
      %dma_wait3A_403 = tpu.memref_slice %arg2[%dma_wait3A_401, %dma_wait3A_402] : memref<100000x64xf32, #tpu.memory_space<hbm>> -> memref<100000x64xf32, #tpu.memory_space<hbm>>
      tpu.wait_indirect_dma semaphore(%arg11 : memref<!tpu.dma_semaphore, #tpu.memory_space<semaphore_mem>>) src(%dma_wait3A_403 : memref<100000x64xf32, #tpu.memory_space<hbm>>) dst(%dma_wait3A_397 : memref<104x64xf32, #tpu.memory_space<vmem>>)
      %scan3A_404 = arith.constant 0 : i32
      %scan3A_405 = arith.constant 0 : i32
      %scan3A_406 = arith.constant 26 : i32
      %scan3A_407 = arith.addi %scan3A_405, %scan3A_406 : i32
      %scan3A_408 = arith.constant 1 : i32
      scf.for %scan3A_1181 = %scan3A_405 to %scan3A_407 step %scan3A_408  : i32 {
        %mul3A_1182 = arith.constant 4 : i32
        %mul3A_1183 = arith.muli %mul3A_1182, %scan3A_1181 : i32
        %add3A_1184 = arith.constant 0 : i32
        %add3A_1185 = arith.addi %mul3A_1183, %add3A_1184 : i32
        %get3A = arith.constant 2 : i32
        %get3A_1186 = arith.index_cast %get3A : i32 to index
        %get3A_1187 = arith.index_cast %add3A_1185 : i32 to index
        %get3A_1188 = arith.constant 0 : index
        %get3A_1189 = tpu.vector_load %arg8[%get3A_1186, %get3A_1187, %get3A_1188] {strides = array<i32>} : memref<8x104x64xf32, #tpu.memory_space<vmem>>, vector<1x1x16xf32>,
        %get3A_1190 = vector.shape_cast %get3A_1189 : vector<1x1x16xf32> to vector<16xf32>
        %mul3A_1191 = arith.constant 8.000000e+00 : f32
        %mul3A_1192 = vector.broadcast %mul3A_1191 : f32 to vector<16xf32>
        %mul3A_1193 = arith.mulf %get3A_1190, %mul3A_1192 : vector<16xf32>
        %add3A_1194 = arith.constant 0 : i32
        %add3A_1195 = arith.addi %mul3A_1183, %add3A_1194 : i32
        %swap3A = arith.constant 2 : i32
        %swap3A_1196 = arith.index_cast %swap3A : i32 to index
        %swap3A_1197 = arith.index_cast %add3A_1195 : i32 to index
        %swap3A_1198 = arith.constant 0 : index
        %swap3A_1199 = tpu.vector_load %arg8[%swap3A_1196, %swap3A_1197, %swap3A_1198] {strides = array<i32>} : memref<8x104x64xf32, #tpu.memory_space<vmem>>, vector<1x1x16xf32>,
        %swap3A_1200 = vector.shape_cast %swap3A_1199 : vector<1x1x16xf32> to vector<16xf32>
        %swap3A_1201 = vector.shape_cast %mul3A_1193 : vector<16xf32> to vector<1x1x16xf32>
        tpu.vector_store %arg8[%swap3A_1196, %swap3A_1197, %swap3A_1198], %swap3A_1201 {strides = array<i32>} : memref<8x104x64xf32, #tpu.memory_space<vmem>>, vector<1x1x16xf32>,
        %add3A_1202 = arith.constant 0 : i32
        %add3A_1203 = arith.addi %mul3A_1183, %add3A_1202 : i32
        %get3A_1204 = arith.constant 2 : i32
        %get3A_1205 = arith.index_cast %get3A_1204 : i32 to index
        %get3A_1206 = arith.index_cast %add3A_1203 : i32 to index
        %get3A_1207 = arith.constant 16 : index
        %get3A_1208 = tpu.vector_load %arg8[%get3A_1205, %get3A_1206, %get3A_1207] {strides = array<i32>} : memref<8x104x64xf32, #tpu.memory_space<vmem>>, vector<1x1x16xf32>,
        %get3A_1209 = vector.shape_cast %get3A_1208 : vector<1x1x16xf32> to vector<16xf32>
        %mul3A_1210 = arith.constant 8.000000e+00 : f32
        %mul3A_1211 = vector.broadcast %mul3A_1210 : f32 to vector<16xf32>
        %mul3A_1212 = arith.mulf %get3A_1209, %mul3A_1211 : vector<16xf32>
        %add3A_1213 = arith.constant 0 : i32
        %add3A_1214 = arith.addi %mul3A_1183, %add3A_1213 : i32
        %swap3A_1215 = arith.constant 2 : i32
        %swap3A_1216 = arith.index_cast %swap3A_1215 : i32 to index
        %swap3A_1217 = arith.index_cast %add3A_1214 : i32 to index
        %swap3A_1218 = arith.constant 16 : index
        %swap3A_1219 = tpu.vector_load %arg8[%swap3A_1216, %swap3A_1217, %swap3A_1218] {strides = array<i32>} : memref<8x104x64xf32, #tpu.memory_space<vmem>>, vector<1x1x16xf32>,
        %swap3A_1220 = vector.shape_cast %swap3A_1219 : vector<1x1x16xf32> to vector<16xf32>
        %swap3A_1221 = vector.shape_cast %mul3A_1212 : vector<16xf32> to vector<1x1x16xf32>
        tpu.vector_store %arg8[%swap3A_1216, %swap3A_1217, %swap3A_1218], %swap3A_1221 {strides = array<i32>} : memref<8x104x64xf32, #tpu.memory_space<vmem>>, vector<1x1x16xf32>,
        %add3A_1222 = arith.constant 0 : i32
        %add3A_1223 = arith.addi %mul3A_1183, %add3A_1222 : i32
        %get3A_1224 = arith.constant 2 : i32
        %get3A_1225 = arith.index_cast %get3A_1224 : i32 to index
        %get3A_1226 = arith.index_cast %add3A_1223 : i32 to index
        %get3A_1227 = arith.constant 32 : index
        %get3A_1228 = tpu.vector_load %arg8[%get3A_1225, %get3A_1226, %get3A_1227] {strides = array<i32>} : memref<8x104x64xf32, #tpu.memory_space<vmem>>, vector<1x1x16xf32>,
        %get3A_1229 = vector.shape_cast %get3A_1228 : vector<1x1x16xf32> to vector<16xf32>
        %mul3A_1230 = arith.constant 8.000000e+00 : f32
        %mul3A_1231 = vector.broadcast %mul3A_1230 : f32 to vector<16xf32>
        %mul3A_1232 = arith.mulf %get3A_1229, %mul3A_1231 : vector<16xf32>
        %add3A_1233 = arith.constant 0 : i32
        %add3A_1234 = arith.addi %mul3A_1183, %add3A_1233 : i32
        %swap3A_1235 = arith.constant 2 : i32
        %swap3A_1236 = arith.index_cast %swap3A_1235 : i32 to index
        %swap3A_1237 = arith.index_cast %add3A_1234 : i32 to index
        %swap3A_1238 = arith.constant 32 : index
        %swap3A_1239 = tpu.vector_load %arg8[%swap3A_1236, %swap3A_1237, %swap3A_1238] {strides = array<i32>} : memref<8x104x64xf32, #tpu.memory_space<vmem>>, vector<1x1x16xf32>,
        %swap3A_1240 = vector.shape_cast %swap3A_1239 : vector<1x1x16xf32> to vector<16xf32>
        %swap3A_1241 = vector.shape_cast %mul3A_1232 : vector<16xf32> to vector<1x1x16xf32>
        tpu.vector_store %arg8[%swap3A_1236, %swap3A_1237, %swap3A_1238], %swap3A_1241 {strides = array<i32>} : memref<8x104x64xf32, #tpu.memory_space<vmem>>, vector<1x1x16xf32>,
        %add3A_1242 = arith.constant 0 : i32
        %add3A_1243 = arith.addi %mul3A_1183, %add3A_1242 : i32
        %get3A_1244 = arith.constant 2 : i32
        %get3A_1245 = arith.index_cast %get3A_1244 : i32 to index
        %get3A_1246 = arith.index_cast %add3A_1243 : i32 to index
        %get3A_1247 = arith.constant 48 : index
        %get3A_1248 = tpu.vector_load %arg8[%get3A_1245, %get3A_1246, %get3A_1247] {strides = array<i32>} : memref<8x104x64xf32, #tpu.memory_space<vmem>>, vector<1x1x16xf32>,
        %get3A_1249 = vector.shape_cast %get3A_1248 : vector<1x1x16xf32> to vector<16xf32>
        %mul3A_1250 = arith.constant 8.000000e+00 : f32
        %mul3A_1251 = vector.broadcast %mul3A_1250 : f32 to vector<16xf32>
        %mul3A_1252 = arith.mulf %get3A_1249, %mul3A_1251 : vector<16xf32>
        %add3A_1253 = arith.constant 0 : i32
        %add3A_1254 = arith.addi %mul3A_1183, %add3A_1253 : i32
        %swap3A_1255 = arith.constant 2 : i32
        %swap3A_1256 = arith.index_cast %swap3A_1255 : i32 to index
        %swap3A_1257 = arith.index_cast %add3A_1254 : i32 to index
        %swap3A_1258 = arith.constant 48 : index
        %swap3A_1259 = tpu.vector_load %arg8[%swap3A_1256, %swap3A_1257, %swap3A_1258] {strides = array<i32>} : memref<8x104x64xf32, #tpu.memory_space<vmem>>, vector<1x1x16xf32>,
        %swap3A_1260 = vector.shape_cast %swap3A_1259 : vector<1x1x16xf32> to vector<16xf32>
        %swap3A_1261 = vector.shape_cast %mul3A_1252 : vector<16xf32> to vector<1x1x16xf32>
        tpu.vector_store %arg8[%swap3A_1256, %swap3A_1257, %swap3A_1258], %swap3A_1261 {strides = array<i32>} : memref<8x104x64xf32, #tpu.memory_space<vmem>>, vector<1x1x16xf32>,
        %add3A_1262 = arith.constant 1 : i32
        %add3A_1263 = arith.addi %mul3A_1183, %add3A_1262 : i32
        %get3A_1264 = arith.constant 2 : i32
        %get3A_1265 = arith.index_cast %get3A_1264 : i32 to index
        %get3A_1266 = arith.index_cast %add3A_1263 : i32 to index
        %get3A_1267 = arith.constant 0 : index
        %get3A_1268 = tpu.vector_load %arg8[%get3A_1265, %get3A_1266, %get3A_1267] {strides = array<i32>} : memref<8x104x64xf32, #tpu.memory_space<vmem>>, vector<1x1x16xf32>,
        %get3A_1269 = vector.shape_cast %get3A_1268 : vector<1x1x16xf32> to vector<16xf32>
        %mul3A_1270 = arith.constant 8.000000e+00 : f32
        %mul3A_1271 = vector.broadcast %mul3A_1270 : f32 to vector<16xf32>
        %mul3A_1272 = arith.mulf %get3A_1269, %mul3A_1271 : vector<16xf32>
        %add3A_1273 = arith.constant 1 : i32
        %add3A_1274 = arith.addi %mul3A_1183, %add3A_1273 : i32
        %swap3A_1275 = arith.constant 2 : i32
        %swap3A_1276 = arith.index_cast %swap3A_1275 : i32 to index
        %swap3A_1277 = arith.index_cast %add3A_1274 : i32 to index
        %swap3A_1278 = arith.constant 0 : index
        %swap3A_1279 = tpu.vector_load %arg8[%swap3A_1276, %swap3A_1277, %swap3A_1278] {strides = array<i32>} : memref<8x104x64xf32, #tpu.memory_space<vmem>>, vector<1x1x16xf32>,
        %swap3A_1280 = vector.shape_cast %swap3A_1279 : vector<1x1x16xf32> to vector<16xf32>
        %swap3A_1281 = vector.shape_cast %mul3A_1272 : vector<16xf32> to vector<1x1x16xf32>
        tpu.vector_store %arg8[%swap3A_1276, %swap3A_1277, %swap3A_1278], %swap3A_1281 {strides = array<i32>} : memref<8x104x64xf32, #tpu.memory_space<vmem>>, vector<1x1x16xf32>,
        %add3A_1282 = arith.constant 1 : i32
        %add3A_1283 = arith.addi %mul3A_1183, %add3A_1282 : i32
        %get3A_1284 = arith.constant 2 : i32
        %get3A_1285 = arith.index_cast %get3A_1284 : i32 to index
        %get3A_1286 = arith.index_cast %add3A_1283 : i32 to index
        %get3A_1287 = arith.constant 16 : index
        %get3A_1288 = tpu.vector_load %arg8[%get3A_1285, %get3A_1286, %get3A_1287] {strides = array<i32>} : memref<8x104x64xf32, #tpu.memory_space<vmem>>, vector<1x1x16xf32>,
        %get3A_1289 = vector.shape_cast %get3A_1288 : vector<1x1x16xf32> to vector<16xf32>
        %mul3A_1290 = arith.constant 8.000000e+00 : f32
        %mul3A_1291 = vector.broadcast %mul3A_1290 : f32 to vector<16xf32>
        %mul3A_1292 = arith.mulf %get3A_1289, %mul3A_1291 : vector<16xf32>
        %add3A_1293 = arith.constant 1 : i32
        %add3A_1294 = arith.addi %mul3A_1183, %add3A_1293 : i32
        %swap3A_1295 = arith.constant 2 : i32
        %swap3A_1296 = arith.index_cast %swap3A_1295 : i32 to index
        %swap3A_1297 = arith.index_cast %add3A_1294 : i32 to index
        %swap3A_1298 = arith.constant 16 : index
        %swap3A_1299 = tpu.vector_load %arg8[%swap3A_1296, %swap3A_1297, %swap3A_1298] {strides = array<i32>} : memref<8x104x64xf32, #tpu.memory_space<vmem>>, vector<1x1x16xf32>,
        %swap3A_1300 = vector.shape_cast %swap3A_1299 : vector<1x1x16xf32> to vector<16xf32>
        %swap3A_1301 = vector.shape_cast %mul3A_1292 : vector<16xf32> to vector<1x1x16xf32>
        tpu.vector_store %arg8[%swap3A_1296, %swap3A_1297, %swap3A_1298], %swap3A_1301 {strides = array<i32>} : memref<8x104x64xf32, #tpu.memory_space<vmem>>, vector<1x1x16xf32>,
        %add3A_1302 = arith.constant 1 : i32
        %add3A_1303 = arith.addi %mul3A_1183, %add3A_1302 : i32
        %get3A_1304 = arith.constant 2 : i32
        %get3A_1305 = arith.index_cast %get3A_1304 : i32 to index
        %get3A_1306 = arith.index_cast %add3A_1303 : i32 to index
        %get3A_1307 = arith.constant 32 : index
        %get3A_1308 = tpu.vector_load %arg8[%get3A_1305, %get3A_1306, %get3A_1307] {strides = array<i32>} : memref<8x104x64xf32, #tpu.memory_space<vmem>>, vector<1x1x16xf32>,
        %get3A_1309 = vector.shape_cast %get3A_1308 : vector<1x1x16xf32> to vector<16xf32>
        %mul3A_1310 = arith.constant 8.000000e+00 : f32
        %mul3A_1311 = vector.broadcast %mul3A_1310 : f32 to vector<16xf32>
        %mul3A_1312 = arith.mulf %get3A_1309, %mul3A_1311 : vector<16xf32>
        %add3A_1313 = arith.constant 1 : i32
        %add3A_1314 = arith.addi %mul3A_1183, %add3A_1313 : i32
        %swap3A_1315 = arith.constant 2 : i32
        %swap3A_1316 = arith.index_cast %swap3A_1315 : i32 to index
        %swap3A_1317 = arith.index_cast %add3A_1314 : i32 to index
        %swap3A_1318 = arith.constant 32 : index
        %swap3A_1319 = tpu.vector_load %arg8[%swap3A_1316, %swap3A_1317, %swap3A_1318] {strides = array<i32>} : memref<8x104x64xf32, #tpu.memory_space<vmem>>, vector<1x1x16xf32>,
        %swap3A_1320 = vector.shape_cast %swap3A_1319 : vector<1x1x16xf32> to vector<16xf32>
        %swap3A_1321 = vector.shape_cast %mul3A_1312 : vector<16xf32> to vector<1x1x16xf32>
        tpu.vector_store %arg8[%swap3A_1316, %swap3A_1317, %swap3A_1318], %swap3A_1321 {strides = array<i32>} : memref<8x104x64xf32, #tpu.memory_space<vmem>>, vector<1x1x16xf32>,
        %add3A_1322 = arith.constant 1 : i32
        %add3A_1323 = arith.addi %mul3A_1183, %add3A_1322 : i32
        %get3A_1324 = arith.constant 2 : i32
        %get3A_1325 = arith.index_cast %get3A_1324 : i32 to index
        %get3A_1326 = arith.index_cast %add3A_1323 : i32 to index
        %get3A_1327 = arith.constant 48 : index
        %get3A_1328 = tpu.vector_load %arg8[%get3A_1325, %get3A_1326, %get3A_1327] {strides = array<i32>} : memref<8x104x64xf32, #tpu.memory_space<vmem>>, vector<1x1x16xf32>,
        %get3A_1329 = vector.shape_cast %get3A_1328 : vector<1x1x16xf32> to vector<16xf32>
        %mul3A_1330 = arith.constant 8.000000e+00 : f32
        %mul3A_1331 = vector.broadcast %mul3A_1330 : f32 to vector<16xf32>
        %mul3A_1332 = arith.mulf %get3A_1329, %mul3A_1331 : vector<16xf32>
        %add3A_1333 = arith.constant 1 : i32
        %add3A_1334 = arith.addi %mul3A_1183, %add3A_1333 : i32
        %swap3A_1335 = arith.constant 2 : i32
        %swap3A_1336 = arith.index_cast %swap3A_1335 : i32 to index
        %swap3A_1337 = arith.index_cast %add3A_1334 : i32 to index
        %swap3A_1338 = arith.constant 48 : index
        %swap3A_1339 = tpu.vector_load %arg8[%swap3A_1336, %swap3A_1337, %swap3A_1338] {strides = array<i32>} : memref<8x104x64xf32, #tpu.memory_space<vmem>>, vector<1x1x16xf32>,
        %swap3A_1340 = vector.shape_cast %swap3A_1339 : vector<1x1x16xf32> to vector<16xf32>
        %swap3A_1341 = vector.shape_cast %mul3A_1332 : vector<16xf32> to vector<1x1x16xf32>
        tpu.vector_store %arg8[%swap3A_1336, %swap3A_1337, %swap3A_1338], %swap3A_1341 {strides = array<i32>} : memref<8x104x64xf32, #tpu.memory_space<vmem>>, vector<1x1x16xf32>,
        %add3A_1342 = arith.constant 2 : i32
        %add3A_1343 = arith.addi %mul3A_1183, %add3A_1342 : i32
        %get3A_1344 = arith.constant 2 : i32
        %get3A_1345 = arith.index_cast %get3A_1344 : i32 to index
        %get3A_1346 = arith.index_cast %add3A_1343 : i32 to index
        %get3A_1347 = arith.constant 0 : index
        %get3A_1348 = tpu.vector_load %arg8[%get3A_1345, %get3A_1346, %get3A_1347] {strides = array<i32>} : memref<8x104x64xf32, #tpu.memory_space<vmem>>, vector<1x1x16xf32>,
        %get3A_1349 = vector.shape_cast %get3A_1348 : vector<1x1x16xf32> to vector<16xf32>
        %mul3A_1350 = arith.constant 8.000000e+00 : f32
        %mul3A_1351 = vector.broadcast %mul3A_1350 : f32 to vector<16xf32>
        %mul3A_1352 = arith.mulf %get3A_1349, %mul3A_1351 : vector<16xf32>
        %add3A_1353 = arith.constant 2 : i32
        %add3A_1354 = arith.addi %mul3A_1183, %add3A_1353 : i32
        %swap3A_1355 = arith.constant 2 : i32
        %swap3A_1356 = arith.index_cast %swap3A_1355 : i32 to index
        %swap3A_1357 = arith.index_cast %add3A_1354 : i32 to index
        %swap3A_1358 = arith.constant 0 : index
        %swap3A_1359 = tpu.vector_load %arg8[%swap3A_1356, %swap3A_1357, %swap3A_1358] {strides = array<i32>} : memref<8x104x64xf32, #tpu.memory_space<vmem>>, vector<1x1x16xf32>,
        %swap3A_1360 = vector.shape_cast %swap3A_1359 : vector<1x1x16xf32> to vector<16xf32>
        %swap3A_1361 = vector.shape_cast %mul3A_1352 : vector<16xf32> to vector<1x1x16xf32>
        tpu.vector_store %arg8[%swap3A_1356, %swap3A_1357, %swap3A_1358], %swap3A_1361 {strides = array<i32>} : memref<8x104x64xf32, #tpu.memory_space<vmem>>, vector<1x1x16xf32>,
        %add3A_1362 = arith.constant 2 : i32
        %add3A_1363 = arith.addi %mul3A_1183, %add3A_1362 : i32
        %get3A_1364 = arith.constant 2 : i32
        %get3A_1365 = arith.index_cast %get3A_1364 : i32 to index
        %get3A_1366 = arith.index_cast %add3A_1363 : i32 to index
        %get3A_1367 = arith.constant 16 : index
        %get3A_1368 = tpu.vector_load %arg8[%get3A_1365, %get3A_1366, %get3A_1367] {strides = array<i32>} : memref<8x104x64xf32, #tpu.memory_space<vmem>>, vector<1x1x16xf32>,
        %get3A_1369 = vector.shape_cast %get3A_1368 : vector<1x1x16xf32> to vector<16xf32>
        %mul3A_1370 = arith.constant 8.000000e+00 : f32
        %mul3A_1371 = vector.broadcast %mul3A_1370 : f32 to vector<16xf32>
        %mul3A_1372 = arith.mulf %get3A_1369, %mul3A_1371 : vector<16xf32>
        %add3A_1373 = arith.constant 2 : i32
        %add3A_1374 = arith.addi %mul3A_1183, %add3A_1373 : i32
        %swap3A_1375 = arith.constant 2 : i32
        %swap3A_1376 = arith.index_cast %swap3A_1375 : i32 to index
        %swap3A_1377 = arith.index_cast %add3A_1374 : i32 to index
        %swap3A_1378 = arith.constant 16 : index
        %swap3A_1379 = tpu.vector_load %arg8[%swap3A_1376, %swap3A_1377, %swap3A_1378] {strides = array<i32>} : memref<8x104x64xf32, #tpu.memory_space<vmem>>, vector<1x1x16xf32>,
        %swap3A_1380 = vector.shape_cast %swap3A_1379 : vector<1x1x16xf32> to vector<16xf32>
        %swap3A_1381 = vector.shape_cast %mul3A_1372 : vector<16xf32> to vector<1x1x16xf32>
        tpu.vector_store %arg8[%swap3A_1376, %swap3A_1377, %swap3A_1378], %swap3A_1381 {strides = array<i32>} : memref<8x104x64xf32, #tpu.memory_space<vmem>>, vector<1x1x16xf32>,
        %add3A_1382 = arith.constant 2 : i32
        %add3A_1383 = arith.addi %mul3A_1183, %add3A_1382 : i32
        %get3A_1384 = arith.constant 2 : i32
        %get3A_1385 = arith.index_cast %get3A_1384 : i32 to index
        %get3A_1386 = arith.index_cast %add3A_1383 : i32 to index
        %get3A_1387 = arith.constant 32 : index
        %get3A_1388 = tpu.vector_load %arg8[%get3A_1385, %get3A_1386, %get3A_1387] {strides = array<i32>} : memref<8x104x64xf32, #tpu.memory_space<vmem>>, vector<1x1x16xf32>,
        %get3A_1389 = vector.shape_cast %get3A_1388 : vector<1x1x16xf32> to vector<16xf32>
        %mul3A_1390 = arith.constant 8.000000e+00 : f32
        %mul3A_1391 = vector.broadcast %mul3A_1390 : f32 to vector<16xf32>
        %mul3A_1392 = arith.mulf %get3A_1389, %mul3A_1391 : vector<16xf32>
        %add3A_1393 = arith.constant 2 : i32
        %add3A_1394 = arith.addi %mul3A_1183, %add3A_1393 : i32
        %swap3A_1395 = arith.constant 2 : i32
        %swap3A_1396 = arith.index_cast %swap3A_1395 : i32 to index
        %swap3A_1397 = arith.index_cast %add3A_1394 : i32 to index
        %swap3A_1398 = arith.constant 32 : index
        %swap3A_1399 = tpu.vector_load %arg8[%swap3A_1396, %swap3A_1397, %swap3A_1398] {strides = array<i32>} : memref<8x104x64xf32, #tpu.memory_space<vmem>>, vector<1x1x16xf32>,
        %swap3A_1400 = vector.shape_cast %swap3A_1399 : vector<1x1x16xf32> to vector<16xf32>
        %swap3A_1401 = vector.shape_cast %mul3A_1392 : vector<16xf32> to vector<1x1x16xf32>
        tpu.vector_store %arg8[%swap3A_1396, %swap3A_1397, %swap3A_1398], %swap3A_1401 {strides = array<i32>} : memref<8x104x64xf32, #tpu.memory_space<vmem>>, vector<1x1x16xf32>,
        %add3A_1402 = arith.constant 2 : i32
        %add3A_1403 = arith.addi %mul3A_1183, %add3A_1402 : i32
        %get3A_1404 = arith.constant 2 : i32
        %get3A_1405 = arith.index_cast %get3A_1404 : i32 to index
        %get3A_1406 = arith.index_cast %add3A_1403 : i32 to index
        %get3A_1407 = arith.constant 48 : index
        %get3A_1408 = tpu.vector_load %arg8[%get3A_1405, %get3A_1406, %get3A_1407] {strides = array<i32>} : memref<8x104x64xf32, #tpu.memory_space<vmem>>, vector<1x1x16xf32>,
        %get3A_1409 = vector.shape_cast %get3A_1408 : vector<1x1x16xf32> to vector<16xf32>
        %mul3A_1410 = arith.constant 8.000000e+00 : f32
        %mul3A_1411 = vector.broadcast %mul3A_1410 : f32 to vector<16xf32>
        %mul3A_1412 = arith.mulf %get3A_1409, %mul3A_1411 : vector<16xf32>
        %add3A_1413 = arith.constant 2 : i32
        %add3A_1414 = arith.addi %mul3A_1183, %add3A_1413 : i32
        %swap3A_1415 = arith.constant 2 : i32
        %swap3A_1416 = arith.index_cast %swap3A_1415 : i32 to index
        %swap3A_1417 = arith.index_cast %add3A_1414 : i32 to index
        %swap3A_1418 = arith.constant 48 : index
        %swap3A_1419 = tpu.vector_load %arg8[%swap3A_1416, %swap3A_1417, %swap3A_1418] {strides = array<i32>} : memref<8x104x64xf32, #tpu.memory_space<vmem>>, vector<1x1x16xf32>,
        %swap3A_1420 = vector.shape_cast %swap3A_1419 : vector<1x1x16xf32> to vector<16xf32>
        %swap3A_1421 = vector.shape_cast %mul3A_1412 : vector<16xf32> to vector<1x1x16xf32>
        tpu.vector_store %arg8[%swap3A_1416, %swap3A_1417, %swap3A_1418], %swap3A_1421 {strides = array<i32>} : memref<8x104x64xf32, #tpu.memory_space<vmem>>, vector<1x1x16xf32>,
        %add3A_1422 = arith.constant 3 : i32
        %add3A_1423 = arith.addi %mul3A_1183, %add3A_1422 : i32
        %get3A_1424 = arith.constant 2 : i32
        %get3A_1425 = arith.index_cast %get3A_1424 : i32 to index
        %get3A_1426 = arith.index_cast %add3A_1423 : i32 to index
        %get3A_1427 = arith.constant 0 : index
        %get3A_1428 = tpu.vector_load %arg8[%get3A_1425, %get3A_1426, %get3A_1427] {strides = array<i32>} : memref<8x104x64xf32, #tpu.memory_space<vmem>>, vector<1x1x16xf32>,
        %get3A_1429 = vector.shape_cast %get3A_1428 : vector<1x1x16xf32> to vector<16xf32>
        %mul3A_1430 = arith.constant 8.000000e+00 : f32
        %mul3A_1431 = vector.broadcast %mul3A_1430 : f32 to vector<16xf32>
        %mul3A_1432 = arith.mulf %get3A_1429, %mul3A_1431 : vector<16xf32>
        %add3A_1433 = arith.constant 3 : i32
        %add3A_1434 = arith.addi %mul3A_1183, %add3A_1433 : i32
        %swap3A_1435 = arith.constant 2 : i32
        %swap3A_1436 = arith.index_cast %swap3A_1435 : i32 to index
        %swap3A_1437 = arith.index_cast %add3A_1434 : i32 to index
        %swap3A_1438 = arith.constant 0 : index
        %swap3A_1439 = tpu.vector_load %arg8[%swap3A_1436, %swap3A_1437, %swap3A_1438] {strides = array<i32>} : memref<8x104x64xf32, #tpu.memory_space<vmem>>, vector<1x1x16xf32>,
        %swap3A_1440 = vector.shape_cast %swap3A_1439 : vector<1x1x16xf32> to vector<16xf32>
        %swap3A_1441 = vector.shape_cast %mul3A_1432 : vector<16xf32> to vector<1x1x16xf32>
        tpu.vector_store %arg8[%swap3A_1436, %swap3A_1437, %swap3A_1438], %swap3A_1441 {strides = array<i32>} : memref<8x104x64xf32, #tpu.memory_space<vmem>>, vector<1x1x16xf32>,
        %add3A_1442 = arith.constant 3 : i32
        %add3A_1443 = arith.addi %mul3A_1183, %add3A_1442 : i32
        %get3A_1444 = arith.constant 2 : i32
        %get3A_1445 = arith.index_cast %get3A_1444 : i32 to index
        %get3A_1446 = arith.index_cast %add3A_1443 : i32 to index
        %get3A_1447 = arith.constant 16 : index
        %get3A_1448 = tpu.vector_load %arg8[%get3A_1445, %get3A_1446, %get3A_1447] {strides = array<i32>} : memref<8x104x64xf32, #tpu.memory_space<vmem>>, vector<1x1x16xf32>,
        %get3A_1449 = vector.shape_cast %get3A_1448 : vector<1x1x16xf32> to vector<16xf32>
        %mul3A_1450 = arith.constant 8.000000e+00 : f32
        %mul3A_1451 = vector.broadcast %mul3A_1450 : f32 to vector<16xf32>
        %mul3A_1452 = arith.mulf %get3A_1449, %mul3A_1451 : vector<16xf32>
        %add3A_1453 = arith.constant 3 : i32
        %add3A_1454 = arith.addi %mul3A_1183, %add3A_1453 : i32
        %swap3A_1455 = arith.constant 2 : i32
        %swap3A_1456 = arith.index_cast %swap3A_1455 : i32 to index
        %swap3A_1457 = arith.index_cast %add3A_1454 : i32 to index
        %swap3A_1458 = arith.constant 16 : index
        %swap3A_1459 = tpu.vector_load %arg8[%swap3A_1456, %swap3A_1457, %swap3A_1458] {strides = array<i32>} : memref<8x104x64xf32, #tpu.memory_space<vmem>>, vector<1x1x16xf32>,
        %swap3A_1460 = vector.shape_cast %swap3A_1459 : vector<1x1x16xf32> to vector<16xf32>
        %swap3A_1461 = vector.shape_cast %mul3A_1452 : vector<16xf32> to vector<1x1x16xf32>
        tpu.vector_store %arg8[%swap3A_1456, %swap3A_1457, %swap3A_1458], %swap3A_1461 {strides = array<i32>} : memref<8x104x64xf32, #tpu.memory_space<vmem>>, vector<1x1x16xf32>,
        %add3A_1462 = arith.constant 3 : i32
        %add3A_1463 = arith.addi %mul3A_1183, %add3A_1462 : i32
        %get3A_1464 = arith.constant 2 : i32
        %get3A_1465 = arith.index_cast %get3A_1464 : i32 to index
        %get3A_1466 = arith.index_cast %add3A_1463 : i32 to index
        %get3A_1467 = arith.constant 32 : index
        %get3A_1468 = tpu.vector_load %arg8[%get3A_1465, %get3A_1466, %get3A_1467] {strides = array<i32>} : memref<8x104x64xf32, #tpu.memory_space<vmem>>, vector<1x1x16xf32>,
        %get3A_1469 = vector.shape_cast %get3A_1468 : vector<1x1x16xf32> to vector<16xf32>
        %mul3A_1470 = arith.constant 8.000000e+00 : f32
        %mul3A_1471 = vector.broadcast %mul3A_1470 : f32 to vector<16xf32>
        %mul3A_1472 = arith.mulf %get3A_1469, %mul3A_1471 : vector<16xf32>
        %add3A_1473 = arith.constant 3 : i32
        %add3A_1474 = arith.addi %mul3A_1183, %add3A_1473 : i32
        %swap3A_1475 = arith.constant 2 : i32
        %swap3A_1476 = arith.index_cast %swap3A_1475 : i32 to index
        %swap3A_1477 = arith.index_cast %add3A_1474 : i32 to index
        %swap3A_1478 = arith.constant 32 : index
        %swap3A_1479 = tpu.vector_load %arg8[%swap3A_1476, %swap3A_1477, %swap3A_1478] {strides = array<i32>} : memref<8x104x64xf32, #tpu.memory_space<vmem>>, vector<1x1x16xf32>,
        %swap3A_1480 = vector.shape_cast %swap3A_1479 : vector<1x1x16xf32> to vector<16xf32>
        %swap3A_1481 = vector.shape_cast %mul3A_1472 : vector<16xf32> to vector<1x1x16xf32>
        tpu.vector_store %arg8[%swap3A_1476, %swap3A_1477, %swap3A_1478], %swap3A_1481 {strides = array<i32>} : memref<8x104x64xf32, #tpu.memory_space<vmem>>, vector<1x1x16xf32>,
        %add3A_1482 = arith.constant 3 : i32
        %add3A_1483 = arith.addi %mul3A_1183, %add3A_1482 : i32
        %get3A_1484 = arith.constant 2 : i32
        %get3A_1485 = arith.index_cast %get3A_1484 : i32 to index
        %get3A_1486 = arith.index_cast %add3A_1483 : i32 to index
        %get3A_1487 = arith.constant 48 : index
        %get3A_1488 = tpu.vector_load %arg8[%get3A_1485, %get3A_1486, %get3A_1487] {strides = array<i32>} : memref<8x104x64xf32, #tpu.memory_space<vmem>>, vector<1x1x16xf32>,
        %get3A_1489 = vector.shape_cast %get3A_1488 : vector<1x1x16xf32> to vector<16xf32>
        %mul3A_1490 = arith.constant 8.000000e+00 : f32
        %mul3A_1491 = vector.broadcast %mul3A_1490 : f32 to vector<16xf32>
        %mul3A_1492 = arith.mulf %get3A_1489, %mul3A_1491 : vector<16xf32>
        %add3A_1493 = arith.constant 3 : i32
        %add3A_1494 = arith.addi %mul3A_1183, %add3A_1493 : i32
        %swap3A_1495 = arith.constant 2 : i32
        %swap3A_1496 = arith.index_cast %swap3A_1495 : i32 to index
        %swap3A_1497 = arith.index_cast %add3A_1494 : i32 to index
        %swap3A_1498 = arith.constant 48 : index
        %swap3A_1499 = tpu.vector_load %arg8[%swap3A_1496, %swap3A_1497, %swap3A_1498] {strides = array<i32>} : memref<8x104x64xf32, #tpu.memory_space<vmem>>, vector<1x1x16xf32>,
        %swap3A_1500 = vector.shape_cast %swap3A_1499 : vector<1x1x16xf32> to vector<16xf32>
        %swap3A_1501 = vector.shape_cast %mul3A_1492 : vector<16xf32> to vector<1x1x16xf32>
        tpu.vector_store %arg8[%swap3A_1496, %swap3A_1497, %swap3A_1498], %swap3A_1501 {strides = array<i32>} : memref<8x104x64xf32, #tpu.memory_space<vmem>>, vector<1x1x16xf32>,
      }
      %scan3A_409 = arith.constant 26 : i32
      %jit3A_410 = arith.constant 2 : i32
      %div3A_411 = arith.divsi %add3A_368, %jit3A_410 : i32
      %sign3A_412 = arith.constant 0 : i32
      %sign3A_413 = arith.cmpi sgt, %add3A_368, %sign3A_412 : i32
      %sign3A_414 = arith.extui %sign3A_413 : i1 to i32
      %sign3A_415 = arith.constant 0 : i32
      %sign3A_416 = arith.cmpi slt, %add3A_368, %sign3A_415 : i32
      %sign3A_417 = arith.extui %sign3A_416 : i1 to i32
      %sign3A_418 = arith.subi %sign3A_414, %sign3A_417 : i32
      %sign3A_419 = arith.constant 0 : i32
      %sign3A_420 = arith.cmpi sgt, %jit3A_410, %sign3A_419 : i32
      %sign3A_421 = arith.extui %sign3A_420 : i1 to i32
      %sign3A_422 = arith.constant 0 : i32
      %sign3A_423 = arith.cmpi slt, %jit3A_410, %sign3A_422 : i32
      %sign3A_424 = arith.extui %sign3A_423 : i1 to i32
      %sign3A_425 = arith.subi %sign3A_421, %sign3A_424 : i32
      %ne3A_426 = arith.cmpi ne, %sign3A_418, %sign3A_425 : i32
      %rem3A_427 = arith.remsi %add3A_368, %jit3A_410 : i32
      %ne3A_428 = arith.constant 0 : i32
      %ne3A_429 = arith.cmpi ne, %rem3A_427, %ne3A_428 : i32
      %and3A_430 = arith.andi %ne3A_426, %ne3A_429 : i1
      %sub3A_431 = arith.constant 1 : i32
      %sub3A_432 = arith.subi %div3A_411, %sub3A_431 : i32
      %select_n3A_433 = arith.select %and3A_430, %sub3A_432, %div3A_411 : i32
      %add3A_434 = arith.addi %mul3A_2, %select_n3A_433 : i32
      %mul3A_435 = arith.constant 200 : i32
      %mul3A_436 = arith.muli %add3A_434, %mul3A_435 : i32
      %add3A_437 = arith.constant 0 : i32
      %add3A_438 = arith.addi %mul3A_436, %add3A_437 : i32
      %dma_start3A_439 = arith.constant 2 : i32
      %dma_start3A_440 = arith.constant 0 : i32
      %dma_start3A_441 = arith.constant 0 : i32
      %dma_start3A_442 = tpu.memref_slice %arg8[%dma_start3A_439, %dma_start3A_440, %dma_start3A_441] : memref<8x104x64xf32, #tpu.memory_space<vmem>> -> memref<1x104x64xf32, #tpu.memory_space<vmem>>
      %dma_start3A_443 = tpu.memref_squeeze %dma_start3A_442 : memref<1x104x64xf32, #tpu.memory_space<vmem>> -> memref<104x64xf32, #tpu.memory_space<vmem>>
      %dma_start3A_444 = arith.constant 0 : i32
      %dma_start3A_445 = tpu.memref_slice %arg5[%add3A_438, %dma_start3A_444] : memref<819200x128xf32, #tpu.memory_space<hbm>> -> memref<104x64xf32, #tpu.memory_space<hbm>>
      %dma_start3A_446 = arith.constant 0 : i32
      %dma_start3A_447 = tpu.memref_slice %arg5[%add3A_438, %dma_start3A_446] : memref<819200x128xf32, #tpu.memory_space<hbm>> -> memref<104x64xf32, #tpu.memory_space<hbm>>
      %dma_start3A_448 = arith.constant 0 : i32
      %dma_start3A_449 = arith.constant 0 : i32
      %dma_start3A_450 = tpu.memref_slice %arg8[%dma_start3A_439, %dma_start3A_448, %dma_start3A_449] : memref<8x104x64xf32, #tpu.memory_space<vmem>> -> memref<1x104x64xf32, #tpu.memory_space<vmem>>
      %dma_start3A_451 = tpu.memref_squeeze %dma_start3A_450 : memref<1x104x64xf32, #tpu.memory_space<vmem>> -> memref<104x64xf32, #tpu.memory_space<vmem>>
      tpu.enqueue_dma source(%dma_start3A_451 : memref<104x64xf32, #tpu.memory_space<vmem>>) target(%dma_start3A_447 : memref<104x64xf32, #tpu.memory_space<hbm>>) target_semaphore(%arg19 : memref<!tpu.dma_semaphore, #tpu.memory_space<semaphore_mem>>)
      %sub3A_452 = arith.constant 1 : i32
      %sub3A_453 = arith.subi %add3A_368, %sub3A_452 : i32
      %jit3A_454 = arith.constant 2 : i32
      %div3A_455 = arith.divsi %sub3A_453, %jit3A_454 : i32
      %sign3A_456 = arith.constant 0 : i32
      %sign3A_457 = arith.cmpi sgt, %sub3A_453, %sign3A_456 : i32
      %sign3A_458 = arith.extui %sign3A_457 : i1 to i32
      %sign3A_459 = arith.constant 0 : i32
      %sign3A_460 = arith.cmpi slt, %sub3A_453, %sign3A_459 : i32
      %sign3A_461 = arith.extui %sign3A_460 : i1 to i32
      %sign3A_462 = arith.subi %sign3A_458, %sign3A_461 : i32
      %sign3A_463 = arith.constant 0 : i32
      %sign3A_464 = arith.cmpi sgt, %jit3A_454, %sign3A_463 : i32
      %sign3A_465 = arith.extui %sign3A_464 : i1 to i32
      %sign3A_466 = arith.constant 0 : i32
      %sign3A_467 = arith.cmpi slt, %jit3A_454, %sign3A_466 : i32
      %sign3A_468 = arith.extui %sign3A_467 : i1 to i32
      %sign3A_469 = arith.subi %sign3A_465, %sign3A_468 : i32
      %ne3A_470 = arith.cmpi ne, %sign3A_462, %sign3A_469 : i32
      %rem3A_471 = arith.remsi %sub3A_453, %jit3A_454 : i32
      %ne3A_472 = arith.constant 0 : i32
      %ne3A_473 = arith.cmpi ne, %rem3A_471, %ne3A_472 : i32
      %and3A_474 = arith.andi %ne3A_470, %ne3A_473 : i1
      %sub3A_475 = arith.constant 1 : i32
      %sub3A_476 = arith.subi %div3A_455, %sub3A_475 : i32
      %select_n3A_477 = arith.select %and3A_474, %sub3A_476, %div3A_455 : i32
      %add3A_478 = arith.addi %mul3A_2, %select_n3A_477 : i32
      %mul3A_479 = arith.constant 200 : i32
      %mul3A_480 = arith.muli %add3A_478, %mul3A_479 : i32
      %add3A_481 = arith.constant 104 : i32
      %add3A_482 = arith.addi %mul3A_480, %add3A_481 : i32
      %dma_wait3A_483 = arith.constant 1 : i32
      %dma_wait3A_484 = arith.constant 0 : i32
      %dma_wait3A_485 = arith.constant 0 : i32
      %dma_wait3A_486 = tpu.memref_slice %arg8[%dma_wait3A_483, %dma_wait3A_484, %dma_wait3A_485] : memref<8x104x64xf32, #tpu.memory_space<vmem>> -> memref<1x96x64xf32, #tpu.memory_space<vmem>>
      %dma_wait3A_487 = tpu.memref_squeeze %dma_wait3A_486 : memref<1x96x64xf32, #tpu.memory_space<vmem>> -> memref<96x64xf32, #tpu.memory_space<vmem>>
      %dma_wait3A_488 = arith.constant 0 : i32
      %dma_wait3A_489 = tpu.memref_slice %arg5[%add3A_482, %dma_wait3A_488] : memref<819200x128xf32, #tpu.memory_space<hbm>> -> memref<96x64xf32, #tpu.memory_space<hbm>>
      %dma_wait3A_490 = arith.constant 0 : i32
      %dma_wait3A_491 = tpu.memref_slice %arg5[%add3A_482, %dma_wait3A_490] : memref<819200x128xf32, #tpu.memory_space<hbm>> -> memref<96x64xf32, #tpu.memory_space<hbm>>
      %dma_wait3A_492 = arith.constant 0 : i32
      %dma_wait3A_493 = arith.constant 0 : i32
      %dma_wait3A_494 = tpu.memref_slice %arg8[%dma_wait3A_483, %dma_wait3A_492, %dma_wait3A_493] : memref<8x104x64xf32, #tpu.memory_space<vmem>> -> memref<1x96x64xf32, #tpu.memory_space<vmem>>
      %dma_wait3A_495 = tpu.memref_squeeze %dma_wait3A_494 : memref<1x96x64xf32, #tpu.memory_space<vmem>> -> memref<96x64xf32, #tpu.memory_space<vmem>>
      tpu.wait_dma2 semaphore(%arg18 : memref<!tpu.dma_semaphore, #tpu.memory_space<semaphore_mem>>) src(%dma_wait3A_495 : memref<96x64xf32, #tpu.memory_space<vmem>>) dst(%dma_wait3A_491 : memref<96x64xf32, #tpu.memory_space<hbm>>)
      %lt3A_496 = arith.constant 31 : i32
      %lt3A_497 = arith.cmpi slt, %scan3A_109, %lt3A_496 : i32
      %convert_element_type3A_498 = arith.extui %lt3A_497 : i1 to i32
      %cond3A_499 = arith.constant 0 : i32
      %cond3A_500 = arith.cmpi ne, %convert_element_type3A_498, %cond3A_499 : i32
      scf.if %cond3A_500 {
        %add3A_1181 = arith.constant 8 : i32
        %add3A_1182 = arith.addi %add3A_368, %add3A_1181 : i32
        %sub3A_1183 = arith.constant 1 : i32
        %sub3A_1184 = arith.subi %add3A_1182, %sub3A_1183 : i32
        %jit3A_1185 = arith.constant 2 : i32
        %div3A_1186 = arith.divsi %sub3A_1184, %jit3A_1185 : i32
        %sign3A_1187 = arith.constant 0 : i32
        %sign3A_1188 = arith.cmpi sgt, %sub3A_1184, %sign3A_1187 : i32
        %sign3A_1189 = arith.extui %sign3A_1188 : i1 to i32
        %sign3A_1190 = arith.constant 0 : i32
        %sign3A_1191 = arith.cmpi slt, %sub3A_1184, %sign3A_1190 : i32
        %sign3A_1192 = arith.extui %sign3A_1191 : i1 to i32
        %sign3A_1193 = arith.subi %sign3A_1189, %sign3A_1192 : i32
        %sign3A_1194 = arith.constant 0 : i32
        %sign3A_1195 = arith.cmpi sgt, %jit3A_1185, %sign3A_1194 : i32
        %sign3A_1196 = arith.extui %sign3A_1195 : i1 to i32
        %sign3A_1197 = arith.constant 0 : i32
        %sign3A_1198 = arith.cmpi slt, %jit3A_1185, %sign3A_1197 : i32
        %sign3A_1199 = arith.extui %sign3A_1198 : i1 to i32
        %sign3A_1200 = arith.subi %sign3A_1196, %sign3A_1199 : i32
        %ne3A_1201 = arith.cmpi ne, %sign3A_1193, %sign3A_1200 : i32
        %rem3A_1202 = arith.remsi %sub3A_1184, %jit3A_1185 : i32
        %ne3A_1203 = arith.constant 0 : i32
        %ne3A_1204 = arith.cmpi ne, %rem3A_1202, %ne3A_1203 : i32
        %and3A_1205 = arith.andi %ne3A_1201, %ne3A_1204 : i1
        %sub3A_1206 = arith.constant 1 : i32
        %sub3A_1207 = arith.subi %div3A_1186, %sub3A_1206 : i32
        %select_n3A_1208 = arith.select %and3A_1205, %sub3A_1207, %div3A_1186 : i32
        %dma_start3A_1209 = arith.constant 1 : i32
        %dma_start3A_1210 = arith.constant 0 : i32
        %dma_start3A_1211 = arith.constant 0 : i32
        %dma_start3A_1212 = tpu.memref_slice %arg8[%dma_start3A_1209, %dma_start3A_1210, %dma_start3A_1211] : memref<8x104x64xf32, #tpu.memory_space<vmem>> -> memref<1x96x64xf32, #tpu.memory_space<vmem>>
        %dma_start3A_1213 = tpu.memref_squeeze %dma_start3A_1212 : memref<1x96x64xf32, #tpu.memory_space<vmem>> -> memref<96x64xf32, #tpu.memory_space<vmem>>
        %dma_start3A_1214 = arith.constant 0 : i32
        %dma_start3A_1215 = tpu.memref_slice %arg7[%select_n3A_1208, %dma_start3A_1214] : memref<128x96xi32, #tpu.memory_space<vmem>> -> memref<1x96xi32, #tpu.memory_space<vmem>>
        %dma_start3A_1216 = tpu.memref_squeeze %dma_start3A_1215 : memref<1x96xi32, #tpu.memory_space<vmem>> -> memref<96xi32, #tpu.memory_space<vmem>>
        %dma_start3A_1217 = arith.constant 0 : i32
        %dma_start3A_1218 = arith.constant 0 : i32
        %dma_start3A_1219 = tpu.memref_slice %arg2[%dma_start3A_1217, %dma_start3A_1218] : memref<100000x64xf32, #tpu.memory_space<hbm>> -> memref<100000x64xf32, #tpu.memory_space<hbm>>
        tpu.enqueue_indirect_dma source(%dma_start3A_1219 : memref<100000x64xf32, #tpu.memory_space<hbm>>) target(%dma_start3A_1213 : memref<96x64xf32, #tpu.memory_space<vmem>>) offsets(%dma_start3A_1216 : memref<96xi32, #tpu.memory_space<vmem>>) semaphore(%arg10 : memref<!tpu.dma_semaphore, #tpu.memory_space<semaphore_mem>>)
      } else {
      }
      %mul3A_501 = arith.constant 8 : i32
      %mul3A_502 = arith.muli %mul3A_501, %scan3A_109 : i32
      %add3A_503 = arith.constant 3 : i32
      %add3A_504 = arith.addi %mul3A_502, %add3A_503 : i32
      %jit3A_505 = arith.constant 2 : i32
      %div3A_506 = arith.divsi %add3A_504, %jit3A_505 : i32
      %sign3A_507 = arith.constant 0 : i32
      %sign3A_508 = arith.cmpi sgt, %add3A_504, %sign3A_507 : i32
      %sign3A_509 = arith.extui %sign3A_508 : i1 to i32
      %sign3A_510 = arith.constant 0 : i32
      %sign3A_511 = arith.cmpi slt, %add3A_504, %sign3A_510 : i32
      %sign3A_512 = arith.extui %sign3A_511 : i1 to i32
      %sign3A_513 = arith.subi %sign3A_509, %sign3A_512 : i32
      %sign3A_514 = arith.constant 0 : i32
      %sign3A_515 = arith.cmpi sgt, %jit3A_505, %sign3A_514 : i32
      %sign3A_516 = arith.extui %sign3A_515 : i1 to i32
      %sign3A_517 = arith.constant 0 : i32
      %sign3A_518 = arith.cmpi slt, %jit3A_505, %sign3A_517 : i32
      %sign3A_519 = arith.extui %sign3A_518 : i1 to i32
      %sign3A_520 = arith.subi %sign3A_516, %sign3A_519 : i32
      %ne3A_521 = arith.cmpi ne, %sign3A_513, %sign3A_520 : i32
      %rem3A_522 = arith.remsi %add3A_504, %jit3A_505 : i32
      %ne3A_523 = arith.constant 0 : i32
      %ne3A_524 = arith.cmpi ne, %rem3A_522, %ne3A_523 : i32
      %and3A_525 = arith.andi %ne3A_521, %ne3A_524 : i1
      %sub3A_526 = arith.constant 1 : i32
      %sub3A_527 = arith.subi %div3A_506, %sub3A_526 : i32
      %select_n3A_528 = arith.select %and3A_525, %sub3A_527, %div3A_506 : i32
      %dma_wait3A_529 = arith.constant 3 : i32
      %dma_wait3A_530 = arith.constant 0 : i32
      %dma_wait3A_531 = arith.constant 0 : i32
      %dma_wait3A_532 = tpu.memref_slice %arg8[%dma_wait3A_529, %dma_wait3A_530, %dma_wait3A_531] : memref<8x104x64xf32, #tpu.memory_space<vmem>> -> memref<1x96x64xf32, #tpu.memory_space<vmem>>
      %dma_wait3A_533 = tpu.memref_squeeze %dma_wait3A_532 : memref<1x96x64xf32, #tpu.memory_space<vmem>> -> memref<96x64xf32, #tpu.memory_space<vmem>>
      %dma_wait3A_534 = arith.constant 0 : i32
      %dma_wait3A_535 = tpu.memref_slice %arg7[%select_n3A_528, %dma_wait3A_534] : memref<128x96xi32, #tpu.memory_space<vmem>> -> memref<1x96xi32, #tpu.memory_space<vmem>>
      %dma_wait3A_536 = tpu.memref_squeeze %dma_wait3A_535 : memref<1x96xi32, #tpu.memory_space<vmem>> -> memref<96xi32, #tpu.memory_space<vmem>>
      %dma_wait3A_537 = arith.constant 0 : i32
      %dma_wait3A_538 = arith.constant 0 : i32
      %dma_wait3A_539 = tpu.memref_slice %arg2[%dma_wait3A_537, %dma_wait3A_538] : memref<100000x64xf32, #tpu.memory_space<hbm>> -> memref<100000x64xf32, #tpu.memory_space<hbm>>
      tpu.wait_indirect_dma semaphore(%arg12 : memref<!tpu.dma_semaphore, #tpu.memory_space<semaphore_mem>>) src(%dma_wait3A_539 : memref<100000x64xf32, #tpu.memory_space<hbm>>) dst(%dma_wait3A_533 : memref<96x64xf32, #tpu.memory_space<vmem>>)
      %scan3A_540 = arith.constant 0 : i32
      %scan3A_541 = arith.constant 0 : i32
      %scan3A_542 = arith.constant 24 : i32
      %scan3A_543 = arith.addi %scan3A_541, %scan3A_542 : i32
      %scan3A_544 = arith.constant 1 : i32
      scf.for %scan3A_1181 = %scan3A_541 to %scan3A_543 step %scan3A_544  : i32 {
        %mul3A_1182 = arith.constant 4 : i32
        %mul3A_1183 = arith.muli %mul3A_1182, %scan3A_1181 : i32
        %add3A_1184 = arith.constant 0 : i32
        %add3A_1185 = arith.addi %mul3A_1183, %add3A_1184 : i32
        %get3A = arith.constant 3 : i32
        %get3A_1186 = arith.index_cast %get3A : i32 to index
        %get3A_1187 = arith.index_cast %add3A_1185 : i32 to index
        %get3A_1188 = arith.constant 0 : index
        %get3A_1189 = tpu.vector_load %arg8[%get3A_1186, %get3A_1187, %get3A_1188] {strides = array<i32>} : memref<8x104x64xf32, #tpu.memory_space<vmem>>, vector<1x1x16xf32>,
        %get3A_1190 = vector.shape_cast %get3A_1189 : vector<1x1x16xf32> to vector<16xf32>
        %mul3A_1191 = arith.constant 8.000000e+00 : f32
        %mul3A_1192 = vector.broadcast %mul3A_1191 : f32 to vector<16xf32>
        %mul3A_1193 = arith.mulf %get3A_1190, %mul3A_1192 : vector<16xf32>
        %add3A_1194 = arith.constant 0 : i32
        %add3A_1195 = arith.addi %mul3A_1183, %add3A_1194 : i32
        %swap3A = arith.constant 3 : i32
        %swap3A_1196 = arith.index_cast %swap3A : i32 to index
        %swap3A_1197 = arith.index_cast %add3A_1195 : i32 to index
        %swap3A_1198 = arith.constant 0 : index
        %swap3A_1199 = tpu.vector_load %arg8[%swap3A_1196, %swap3A_1197, %swap3A_1198] {strides = array<i32>} : memref<8x104x64xf32, #tpu.memory_space<vmem>>, vector<1x1x16xf32>,
        %swap3A_1200 = vector.shape_cast %swap3A_1199 : vector<1x1x16xf32> to vector<16xf32>
        %swap3A_1201 = vector.shape_cast %mul3A_1193 : vector<16xf32> to vector<1x1x16xf32>
        tpu.vector_store %arg8[%swap3A_1196, %swap3A_1197, %swap3A_1198], %swap3A_1201 {strides = array<i32>} : memref<8x104x64xf32, #tpu.memory_space<vmem>>, vector<1x1x16xf32>,
        %add3A_1202 = arith.constant 0 : i32
        %add3A_1203 = arith.addi %mul3A_1183, %add3A_1202 : i32
        %get3A_1204 = arith.constant 3 : i32
        %get3A_1205 = arith.index_cast %get3A_1204 : i32 to index
        %get3A_1206 = arith.index_cast %add3A_1203 : i32 to index
        %get3A_1207 = arith.constant 16 : index
        %get3A_1208 = tpu.vector_load %arg8[%get3A_1205, %get3A_1206, %get3A_1207] {strides = array<i32>} : memref<8x104x64xf32, #tpu.memory_space<vmem>>, vector<1x1x16xf32>,
        %get3A_1209 = vector.shape_cast %get3A_1208 : vector<1x1x16xf32> to vector<16xf32>
        %mul3A_1210 = arith.constant 8.000000e+00 : f32
        %mul3A_1211 = vector.broadcast %mul3A_1210 : f32 to vector<16xf32>
        %mul3A_1212 = arith.mulf %get3A_1209, %mul3A_1211 : vector<16xf32>
        %add3A_1213 = arith.constant 0 : i32
        %add3A_1214 = arith.addi %mul3A_1183, %add3A_1213 : i32
        %swap3A_1215 = arith.constant 3 : i32
        %swap3A_1216 = arith.index_cast %swap3A_1215 : i32 to index
        %swap3A_1217 = arith.index_cast %add3A_1214 : i32 to index
        %swap3A_1218 = arith.constant 16 : index
        %swap3A_1219 = tpu.vector_load %arg8[%swap3A_1216, %swap3A_1217, %swap3A_1218] {strides = array<i32>} : memref<8x104x64xf32, #tpu.memory_space<vmem>>, vector<1x1x16xf32>,
        %swap3A_1220 = vector.shape_cast %swap3A_1219 : vector<1x1x16xf32> to vector<16xf32>
        %swap3A_1221 = vector.shape_cast %mul3A_1212 : vector<16xf32> to vector<1x1x16xf32>
        tpu.vector_store %arg8[%swap3A_1216, %swap3A_1217, %swap3A_1218], %swap3A_1221 {strides = array<i32>} : memref<8x104x64xf32, #tpu.memory_space<vmem>>, vector<1x1x16xf32>,
        %add3A_1222 = arith.constant 0 : i32
        %add3A_1223 = arith.addi %mul3A_1183, %add3A_1222 : i32
        %get3A_1224 = arith.constant 3 : i32
        %get3A_1225 = arith.index_cast %get3A_1224 : i32 to index
        %get3A_1226 = arith.index_cast %add3A_1223 : i32 to index
        %get3A_1227 = arith.constant 32 : index
        %get3A_1228 = tpu.vector_load %arg8[%get3A_1225, %get3A_1226, %get3A_1227] {strides = array<i32>} : memref<8x104x64xf32, #tpu.memory_space<vmem>>, vector<1x1x16xf32>,
        %get3A_1229 = vector.shape_cast %get3A_1228 : vector<1x1x16xf32> to vector<16xf32>
        %mul3A_1230 = arith.constant 8.000000e+00 : f32
        %mul3A_1231 = vector.broadcast %mul3A_1230 : f32 to vector<16xf32>
        %mul3A_1232 = arith.mulf %get3A_1229, %mul3A_1231 : vector<16xf32>
        %add3A_1233 = arith.constant 0 : i32
        %add3A_1234 = arith.addi %mul3A_1183, %add3A_1233 : i32
        %swap3A_1235 = arith.constant 3 : i32
        %swap3A_1236 = arith.index_cast %swap3A_1235 : i32 to index
        %swap3A_1237 = arith.index_cast %add3A_1234 : i32 to index
        %swap3A_1238 = arith.constant 32 : index
        %swap3A_1239 = tpu.vector_load %arg8[%swap3A_1236, %swap3A_1237, %swap3A_1238] {strides = array<i32>} : memref<8x104x64xf32, #tpu.memory_space<vmem>>, vector<1x1x16xf32>,
        %swap3A_1240 = vector.shape_cast %swap3A_1239 : vector<1x1x16xf32> to vector<16xf32>
        %swap3A_1241 = vector.shape_cast %mul3A_1232 : vector<16xf32> to vector<1x1x16xf32>
        tpu.vector_store %arg8[%swap3A_1236, %swap3A_1237, %swap3A_1238], %swap3A_1241 {strides = array<i32>} : memref<8x104x64xf32, #tpu.memory_space<vmem>>, vector<1x1x16xf32>,
        %add3A_1242 = arith.constant 0 : i32
        %add3A_1243 = arith.addi %mul3A_1183, %add3A_1242 : i32
        %get3A_1244 = arith.constant 3 : i32
        %get3A_1245 = arith.index_cast %get3A_1244 : i32 to index
        %get3A_1246 = arith.index_cast %add3A_1243 : i32 to index
        %get3A_1247 = arith.constant 48 : index
        %get3A_1248 = tpu.vector_load %arg8[%get3A_1245, %get3A_1246, %get3A_1247] {strides = array<i32>} : memref<8x104x64xf32, #tpu.memory_space<vmem>>, vector<1x1x16xf32>,
        %get3A_1249 = vector.shape_cast %get3A_1248 : vector<1x1x16xf32> to vector<16xf32>
        %mul3A_1250 = arith.constant 8.000000e+00 : f32
        %mul3A_1251 = vector.broadcast %mul3A_1250 : f32 to vector<16xf32>
        %mul3A_1252 = arith.mulf %get3A_1249, %mul3A_1251 : vector<16xf32>
        %add3A_1253 = arith.constant 0 : i32
        %add3A_1254 = arith.addi %mul3A_1183, %add3A_1253 : i32
        %swap3A_1255 = arith.constant 3 : i32
        %swap3A_1256 = arith.index_cast %swap3A_1255 : i32 to index
        %swap3A_1257 = arith.index_cast %add3A_1254 : i32 to index
        %swap3A_1258 = arith.constant 48 : index
        %swap3A_1259 = tpu.vector_load %arg8[%swap3A_1256, %swap3A_1257, %swap3A_1258] {strides = array<i32>} : memref<8x104x64xf32, #tpu.memory_space<vmem>>, vector<1x1x16xf32>,
        %swap3A_1260 = vector.shape_cast %swap3A_1259 : vector<1x1x16xf32> to vector<16xf32>
        %swap3A_1261 = vector.shape_cast %mul3A_1252 : vector<16xf32> to vector<1x1x16xf32>
        tpu.vector_store %arg8[%swap3A_1256, %swap3A_1257, %swap3A_1258], %swap3A_1261 {strides = array<i32>} : memref<8x104x64xf32, #tpu.memory_space<vmem>>, vector<1x1x16xf32>,
        %add3A_1262 = arith.constant 1 : i32
        %add3A_1263 = arith.addi %mul3A_1183, %add3A_1262 : i32
        %get3A_1264 = arith.constant 3 : i32
        %get3A_1265 = arith.index_cast %get3A_1264 : i32 to index
        %get3A_1266 = arith.index_cast %add3A_1263 : i32 to index
        %get3A_1267 = arith.constant 0 : index
        %get3A_1268 = tpu.vector_load %arg8[%get3A_1265, %get3A_1266, %get3A_1267] {strides = array<i32>} : memref<8x104x64xf32, #tpu.memory_space<vmem>>, vector<1x1x16xf32>,
        %get3A_1269 = vector.shape_cast %get3A_1268 : vector<1x1x16xf32> to vector<16xf32>
        %mul3A_1270 = arith.constant 8.000000e+00 : f32
        %mul3A_1271 = vector.broadcast %mul3A_1270 : f32 to vector<16xf32>
        %mul3A_1272 = arith.mulf %get3A_1269, %mul3A_1271 : vector<16xf32>
        %add3A_1273 = arith.constant 1 : i32
        %add3A_1274 = arith.addi %mul3A_1183, %add3A_1273 : i32
        %swap3A_1275 = arith.constant 3 : i32
        %swap3A_1276 = arith.index_cast %swap3A_1275 : i32 to index
        %swap3A_1277 = arith.index_cast %add3A_1274 : i32 to index
        %swap3A_1278 = arith.constant 0 : index
        %swap3A_1279 = tpu.vector_load %arg8[%swap3A_1276, %swap3A_1277, %swap3A_1278] {strides = array<i32>} : memref<8x104x64xf32, #tpu.memory_space<vmem>>, vector<1x1x16xf32>,
        %swap3A_1280 = vector.shape_cast %swap3A_1279 : vector<1x1x16xf32> to vector<16xf32>
        %swap3A_1281 = vector.shape_cast %mul3A_1272 : vector<16xf32> to vector<1x1x16xf32>
        tpu.vector_store %arg8[%swap3A_1276, %swap3A_1277, %swap3A_1278], %swap3A_1281 {strides = array<i32>} : memref<8x104x64xf32, #tpu.memory_space<vmem>>, vector<1x1x16xf32>,
        %add3A_1282 = arith.constant 1 : i32
        %add3A_1283 = arith.addi %mul3A_1183, %add3A_1282 : i32
        %get3A_1284 = arith.constant 3 : i32
        %get3A_1285 = arith.index_cast %get3A_1284 : i32 to index
        %get3A_1286 = arith.index_cast %add3A_1283 : i32 to index
        %get3A_1287 = arith.constant 16 : index
        %get3A_1288 = tpu.vector_load %arg8[%get3A_1285, %get3A_1286, %get3A_1287] {strides = array<i32>} : memref<8x104x64xf32, #tpu.memory_space<vmem>>, vector<1x1x16xf32>,
        %get3A_1289 = vector.shape_cast %get3A_1288 : vector<1x1x16xf32> to vector<16xf32>
        %mul3A_1290 = arith.constant 8.000000e+00 : f32
        %mul3A_1291 = vector.broadcast %mul3A_1290 : f32 to vector<16xf32>
        %mul3A_1292 = arith.mulf %get3A_1289, %mul3A_1291 : vector<16xf32>
        %add3A_1293 = arith.constant 1 : i32
        %add3A_1294 = arith.addi %mul3A_1183, %add3A_1293 : i32
        %swap3A_1295 = arith.constant 3 : i32
        %swap3A_1296 = arith.index_cast %swap3A_1295 : i32 to index
        %swap3A_1297 = arith.index_cast %add3A_1294 : i32 to index
        %swap3A_1298 = arith.constant 16 : index
        %swap3A_1299 = tpu.vector_load %arg8[%swap3A_1296, %swap3A_1297, %swap3A_1298] {strides = array<i32>} : memref<8x104x64xf32, #tpu.memory_space<vmem>>, vector<1x1x16xf32>,
        %swap3A_1300 = vector.shape_cast %swap3A_1299 : vector<1x1x16xf32> to vector<16xf32>
        %swap3A_1301 = vector.shape_cast %mul3A_1292 : vector<16xf32> to vector<1x1x16xf32>
        tpu.vector_store %arg8[%swap3A_1296, %swap3A_1297, %swap3A_1298], %swap3A_1301 {strides = array<i32>} : memref<8x104x64xf32, #tpu.memory_space<vmem>>, vector<1x1x16xf32>,
        %add3A_1302 = arith.constant 1 : i32
        %add3A_1303 = arith.addi %mul3A_1183, %add3A_1302 : i32
        %get3A_1304 = arith.constant 3 : i32
        %get3A_1305 = arith.index_cast %get3A_1304 : i32 to index
        %get3A_1306 = arith.index_cast %add3A_1303 : i32 to index
        %get3A_1307 = arith.constant 32 : index
        %get3A_1308 = tpu.vector_load %arg8[%get3A_1305, %get3A_1306, %get3A_1307] {strides = array<i32>} : memref<8x104x64xf32, #tpu.memory_space<vmem>>, vector<1x1x16xf32>,
        %get3A_1309 = vector.shape_cast %get3A_1308 : vector<1x1x16xf32> to vector<16xf32>
        %mul3A_1310 = arith.constant 8.000000e+00 : f32
        %mul3A_1311 = vector.broadcast %mul3A_1310 : f32 to vector<16xf32>
        %mul3A_1312 = arith.mulf %get3A_1309, %mul3A_1311 : vector<16xf32>
        %add3A_1313 = arith.constant 1 : i32
        %add3A_1314 = arith.addi %mul3A_1183, %add3A_1313 : i32
        %swap3A_1315 = arith.constant 3 : i32
        %swap3A_1316 = arith.index_cast %swap3A_1315 : i32 to index
        %swap3A_1317 = arith.index_cast %add3A_1314 : i32 to index
        %swap3A_1318 = arith.constant 32 : index
        %swap3A_1319 = tpu.vector_load %arg8[%swap3A_1316, %swap3A_1317, %swap3A_1318] {strides = array<i32>} : memref<8x104x64xf32, #tpu.memory_space<vmem>>, vector<1x1x16xf32>,
        %swap3A_1320 = vector.shape_cast %swap3A_1319 : vector<1x1x16xf32> to vector<16xf32>
        %swap3A_1321 = vector.shape_cast %mul3A_1312 : vector<16xf32> to vector<1x1x16xf32>
        tpu.vector_store %arg8[%swap3A_1316, %swap3A_1317, %swap3A_1318], %swap3A_1321 {strides = array<i32>} : memref<8x104x64xf32, #tpu.memory_space<vmem>>, vector<1x1x16xf32>,
        %add3A_1322 = arith.constant 1 : i32
        %add3A_1323 = arith.addi %mul3A_1183, %add3A_1322 : i32
        %get3A_1324 = arith.constant 3 : i32
        %get3A_1325 = arith.index_cast %get3A_1324 : i32 to index
        %get3A_1326 = arith.index_cast %add3A_1323 : i32 to index
        %get3A_1327 = arith.constant 48 : index
        %get3A_1328 = tpu.vector_load %arg8[%get3A_1325, %get3A_1326, %get3A_1327] {strides = array<i32>} : memref<8x104x64xf32, #tpu.memory_space<vmem>>, vector<1x1x16xf32>,
        %get3A_1329 = vector.shape_cast %get3A_1328 : vector<1x1x16xf32> to vector<16xf32>
        %mul3A_1330 = arith.constant 8.000000e+00 : f32
        %mul3A_1331 = vector.broadcast %mul3A_1330 : f32 to vector<16xf32>
        %mul3A_1332 = arith.mulf %get3A_1329, %mul3A_1331 : vector<16xf32>
        %add3A_1333 = arith.constant 1 : i32
        %add3A_1334 = arith.addi %mul3A_1183, %add3A_1333 : i32
        %swap3A_1335 = arith.constant 3 : i32
        %swap3A_1336 = arith.index_cast %swap3A_1335 : i32 to index
        %swap3A_1337 = arith.index_cast %add3A_1334 : i32 to index
        %swap3A_1338 = arith.constant 48 : index
        %swap3A_1339 = tpu.vector_load %arg8[%swap3A_1336, %swap3A_1337, %swap3A_1338] {strides = array<i32>} : memref<8x104x64xf32, #tpu.memory_space<vmem>>, vector<1x1x16xf32>,
        %swap3A_1340 = vector.shape_cast %swap3A_1339 : vector<1x1x16xf32> to vector<16xf32>
        %swap3A_1341 = vector.shape_cast %mul3A_1332 : vector<16xf32> to vector<1x1x16xf32>
        tpu.vector_store %arg8[%swap3A_1336, %swap3A_1337, %swap3A_1338], %swap3A_1341 {strides = array<i32>} : memref<8x104x64xf32, #tpu.memory_space<vmem>>, vector<1x1x16xf32>,
        %add3A_1342 = arith.constant 2 : i32
        %add3A_1343 = arith.addi %mul3A_1183, %add3A_1342 : i32
        %get3A_1344 = arith.constant 3 : i32
        %get3A_1345 = arith.index_cast %get3A_1344 : i32 to index
        %get3A_1346 = arith.index_cast %add3A_1343 : i32 to index
        %get3A_1347 = arith.constant 0 : index
        %get3A_1348 = tpu.vector_load %arg8[%get3A_1345, %get3A_1346, %get3A_1347] {strides = array<i32>} : memref<8x104x64xf32, #tpu.memory_space<vmem>>, vector<1x1x16xf32>,
        %get3A_1349 = vector.shape_cast %get3A_1348 : vector<1x1x16xf32> to vector<16xf32>
        %mul3A_1350 = arith.constant 8.000000e+00 : f32
        %mul3A_1351 = vector.broadcast %mul3A_1350 : f32 to vector<16xf32>
        %mul3A_1352 = arith.mulf %get3A_1349, %mul3A_1351 : vector<16xf32>
        %add3A_1353 = arith.constant 2 : i32
        %add3A_1354 = arith.addi %mul3A_1183, %add3A_1353 : i32
        %swap3A_1355 = arith.constant 3 : i32
        %swap3A_1356 = arith.index_cast %swap3A_1355 : i32 to index
        %swap3A_1357 = arith.index_cast %add3A_1354 : i32 to index
        %swap3A_1358 = arith.constant 0 : index
        %swap3A_1359 = tpu.vector_load %arg8[%swap3A_1356, %swap3A_1357, %swap3A_1358] {strides = array<i32>} : memref<8x104x64xf32, #tpu.memory_space<vmem>>, vector<1x1x16xf32>,
        %swap3A_1360 = vector.shape_cast %swap3A_1359 : vector<1x1x16xf32> to vector<16xf32>
        %swap3A_1361 = vector.shape_cast %mul3A_1352 : vector<16xf32> to vector<1x1x16xf32>
        tpu.vector_store %arg8[%swap3A_1356, %swap3A_1357, %swap3A_1358], %swap3A_1361 {strides = array<i32>} : memref<8x104x64xf32, #tpu.memory_space<vmem>>, vector<1x1x16xf32>,
        %add3A_1362 = arith.constant 2 : i32
        %add3A_1363 = arith.addi %mul3A_1183, %add3A_1362 : i32
        %get3A_1364 = arith.constant 3 : i32
        %get3A_1365 = arith.index_cast %get3A_1364 : i32 to index
        %get3A_1366 = arith.index_cast %add3A_1363 : i32 to index
        %get3A_1367 = arith.constant 16 : index
        %get3A_1368 = tpu.vector_load %arg8[%get3A_1365, %get3A_1366, %get3A_1367] {strides = array<i32>} : memref<8x104x64xf32, #tpu.memory_space<vmem>>, vector<1x1x16xf32>,
        %get3A_1369 = vector.shape_cast %get3A_1368 : vector<1x1x16xf32> to vector<16xf32>
        %mul3A_1370 = arith.constant 8.000000e+00 : f32
        %mul3A_1371 = vector.broadcast %mul3A_1370 : f32 to vector<16xf32>
        %mul3A_1372 = arith.mulf %get3A_1369, %mul3A_1371 : vector<16xf32>
        %add3A_1373 = arith.constant 2 : i32
        %add3A_1374 = arith.addi %mul3A_1183, %add3A_1373 : i32
        %swap3A_1375 = arith.constant 3 : i32
        %swap3A_1376 = arith.index_cast %swap3A_1375 : i32 to index
        %swap3A_1377 = arith.index_cast %add3A_1374 : i32 to index
        %swap3A_1378 = arith.constant 16 : index
        %swap3A_1379 = tpu.vector_load %arg8[%swap3A_1376, %swap3A_1377, %swap3A_1378] {strides = array<i32>} : memref<8x104x64xf32, #tpu.memory_space<vmem>>, vector<1x1x16xf32>,
        %swap3A_1380 = vector.shape_cast %swap3A_1379 : vector<1x1x16xf32> to vector<16xf32>
        %swap3A_1381 = vector.shape_cast %mul3A_1372 : vector<16xf32> to vector<1x1x16xf32>
        tpu.vector_store %arg8[%swap3A_1376, %swap3A_1377, %swap3A_1378], %swap3A_1381 {strides = array<i32>} : memref<8x104x64xf32, #tpu.memory_space<vmem>>, vector<1x1x16xf32>,
        %add3A_1382 = arith.constant 2 : i32
        %add3A_1383 = arith.addi %mul3A_1183, %add3A_1382 : i32
        %get3A_1384 = arith.constant 3 : i32
        %get3A_1385 = arith.index_cast %get3A_1384 : i32 to index
        %get3A_1386 = arith.index_cast %add3A_1383 : i32 to index
        %get3A_1387 = arith.constant 32 : index
        %get3A_1388 = tpu.vector_load %arg8[%get3A_1385, %get3A_1386, %get3A_1387] {strides = array<i32>} : memref<8x104x64xf32, #tpu.memory_space<vmem>>, vector<1x1x16xf32>,
        %get3A_1389 = vector.shape_cast %get3A_1388 : vector<1x1x16xf32> to vector<16xf32>
        %mul3A_1390 = arith.constant 8.000000e+00 : f32
        %mul3A_1391 = vector.broadcast %mul3A_1390 : f32 to vector<16xf32>
        %mul3A_1392 = arith.mulf %get3A_1389, %mul3A_1391 : vector<16xf32>
        %add3A_1393 = arith.constant 2 : i32
        %add3A_1394 = arith.addi %mul3A_1183, %add3A_1393 : i32
        %swap3A_1395 = arith.constant 3 : i32
        %swap3A_1396 = arith.index_cast %swap3A_1395 : i32 to index
        %swap3A_1397 = arith.index_cast %add3A_1394 : i32 to index
        %swap3A_1398 = arith.constant 32 : index
        %swap3A_1399 = tpu.vector_load %arg8[%swap3A_1396, %swap3A_1397, %swap3A_1398] {strides = array<i32>} : memref<8x104x64xf32, #tpu.memory_space<vmem>>, vector<1x1x16xf32>,
        %swap3A_1400 = vector.shape_cast %swap3A_1399 : vector<1x1x16xf32> to vector<16xf32>
        %swap3A_1401 = vector.shape_cast %mul3A_1392 : vector<16xf32> to vector<1x1x16xf32>
        tpu.vector_store %arg8[%swap3A_1396, %swap3A_1397, %swap3A_1398], %swap3A_1401 {strides = array<i32>} : memref<8x104x64xf32, #tpu.memory_space<vmem>>, vector<1x1x16xf32>,
        %add3A_1402 = arith.constant 2 : i32
        %add3A_1403 = arith.addi %mul3A_1183, %add3A_1402 : i32
        %get3A_1404 = arith.constant 3 : i32
        %get3A_1405 = arith.index_cast %get3A_1404 : i32 to index
        %get3A_1406 = arith.index_cast %add3A_1403 : i32 to index
        %get3A_1407 = arith.constant 48 : index
        %get3A_1408 = tpu.vector_load %arg8[%get3A_1405, %get3A_1406, %get3A_1407] {strides = array<i32>} : memref<8x104x64xf32, #tpu.memory_space<vmem>>, vector<1x1x16xf32>,
        %get3A_1409 = vector.shape_cast %get3A_1408 : vector<1x1x16xf32> to vector<16xf32>
        %mul3A_1410 = arith.constant 8.000000e+00 : f32
        %mul3A_1411 = vector.broadcast %mul3A_1410 : f32 to vector<16xf32>
        %mul3A_1412 = arith.mulf %get3A_1409, %mul3A_1411 : vector<16xf32>
        %add3A_1413 = arith.constant 2 : i32
        %add3A_1414 = arith.addi %mul3A_1183, %add3A_1413 : i32
        %swap3A_1415 = arith.constant 3 : i32
        %swap3A_1416 = arith.index_cast %swap3A_1415 : i32 to index
        %swap3A_1417 = arith.index_cast %add3A_1414 : i32 to index
        %swap3A_1418 = arith.constant 48 : index
        %swap3A_1419 = tpu.vector_load %arg8[%swap3A_1416, %swap3A_1417, %swap3A_1418] {strides = array<i32>} : memref<8x104x64xf32, #tpu.memory_space<vmem>>, vector<1x1x16xf32>,
        %swap3A_1420 = vector.shape_cast %swap3A_1419 : vector<1x1x16xf32> to vector<16xf32>
        %swap3A_1421 = vector.shape_cast %mul3A_1412 : vector<16xf32> to vector<1x1x16xf32>
        tpu.vector_store %arg8[%swap3A_1416, %swap3A_1417, %swap3A_1418], %swap3A_1421 {strides = array<i32>} : memref<8x104x64xf32, #tpu.memory_space<vmem>>, vector<1x1x16xf32>,
        %add3A_1422 = arith.constant 3 : i32
        %add3A_1423 = arith.addi %mul3A_1183, %add3A_1422 : i32
        %get3A_1424 = arith.constant 3 : i32
        %get3A_1425 = arith.index_cast %get3A_1424 : i32 to index
        %get3A_1426 = arith.index_cast %add3A_1423 : i32 to index
        %get3A_1427 = arith.constant 0 : index
        %get3A_1428 = tpu.vector_load %arg8[%get3A_1425, %get3A_1426, %get3A_1427] {strides = array<i32>} : memref<8x104x64xf32, #tpu.memory_space<vmem>>, vector<1x1x16xf32>,
        %get3A_1429 = vector.shape_cast %get3A_1428 : vector<1x1x16xf32> to vector<16xf32>
        %mul3A_1430 = arith.constant 8.000000e+00 : f32
        %mul3A_1431 = vector.broadcast %mul3A_1430 : f32 to vector<16xf32>
        %mul3A_1432 = arith.mulf %get3A_1429, %mul3A_1431 : vector<16xf32>
        %add3A_1433 = arith.constant 3 : i32
        %add3A_1434 = arith.addi %mul3A_1183, %add3A_1433 : i32
        %swap3A_1435 = arith.constant 3 : i32
        %swap3A_1436 = arith.index_cast %swap3A_1435 : i32 to index
        %swap3A_1437 = arith.index_cast %add3A_1434 : i32 to index
        %swap3A_1438 = arith.constant 0 : index
        %swap3A_1439 = tpu.vector_load %arg8[%swap3A_1436, %swap3A_1437, %swap3A_1438] {strides = array<i32>} : memref<8x104x64xf32, #tpu.memory_space<vmem>>, vector<1x1x16xf32>,
        %swap3A_1440 = vector.shape_cast %swap3A_1439 : vector<1x1x16xf32> to vector<16xf32>
        %swap3A_1441 = vector.shape_cast %mul3A_1432 : vector<16xf32> to vector<1x1x16xf32>
        tpu.vector_store %arg8[%swap3A_1436, %swap3A_1437, %swap3A_1438], %swap3A_1441 {strides = array<i32>} : memref<8x104x64xf32, #tpu.memory_space<vmem>>, vector<1x1x16xf32>,
        %add3A_1442 = arith.constant 3 : i32
        %add3A_1443 = arith.addi %mul3A_1183, %add3A_1442 : i32
        %get3A_1444 = arith.constant 3 : i32
        %get3A_1445 = arith.index_cast %get3A_1444 : i32 to index
        %get3A_1446 = arith.index_cast %add3A_1443 : i32 to index
        %get3A_1447 = arith.constant 16 : index
        %get3A_1448 = tpu.vector_load %arg8[%get3A_1445, %get3A_1446, %get3A_1447] {strides = array<i32>} : memref<8x104x64xf32, #tpu.memory_space<vmem>>, vector<1x1x16xf32>,
        %get3A_1449 = vector.shape_cast %get3A_1448 : vector<1x1x16xf32> to vector<16xf32>
        %mul3A_1450 = arith.constant 8.000000e+00 : f32
        %mul3A_1451 = vector.broadcast %mul3A_1450 : f32 to vector<16xf32>
        %mul3A_1452 = arith.mulf %get3A_1449, %mul3A_1451 : vector<16xf32>
        %add3A_1453 = arith.constant 3 : i32
        %add3A_1454 = arith.addi %mul3A_1183, %add3A_1453 : i32
        %swap3A_1455 = arith.constant 3 : i32
        %swap3A_1456 = arith.index_cast %swap3A_1455 : i32 to index
        %swap3A_1457 = arith.index_cast %add3A_1454 : i32 to index
        %swap3A_1458 = arith.constant 16 : index
        %swap3A_1459 = tpu.vector_load %arg8[%swap3A_1456, %swap3A_1457, %swap3A_1458] {strides = array<i32>} : memref<8x104x64xf32, #tpu.memory_space<vmem>>, vector<1x1x16xf32>,
        %swap3A_1460 = vector.shape_cast %swap3A_1459 : vector<1x1x16xf32> to vector<16xf32>
        %swap3A_1461 = vector.shape_cast %mul3A_1452 : vector<16xf32> to vector<1x1x16xf32>
        tpu.vector_store %arg8[%swap3A_1456, %swap3A_1457, %swap3A_1458], %swap3A_1461 {strides = array<i32>} : memref<8x104x64xf32, #tpu.memory_space<vmem>>, vector<1x1x16xf32>,
        %add3A_1462 = arith.constant 3 : i32
        %add3A_1463 = arith.addi %mul3A_1183, %add3A_1462 : i32
        %get3A_1464 = arith.constant 3 : i32
        %get3A_1465 = arith.index_cast %get3A_1464 : i32 to index
        %get3A_1466 = arith.index_cast %add3A_1463 : i32 to index
        %get3A_1467 = arith.constant 32 : index
        %get3A_1468 = tpu.vector_load %arg8[%get3A_1465, %get3A_1466, %get3A_1467] {strides = array<i32>} : memref<8x104x64xf32, #tpu.memory_space<vmem>>, vector<1x1x16xf32>,
        %get3A_1469 = vector.shape_cast %get3A_1468 : vector<1x1x16xf32> to vector<16xf32>
        %mul3A_1470 = arith.constant 8.000000e+00 : f32
        %mul3A_1471 = vector.broadcast %mul3A_1470 : f32 to vector<16xf32>
        %mul3A_1472 = arith.mulf %get3A_1469, %mul3A_1471 : vector<16xf32>
        %add3A_1473 = arith.constant 3 : i32
        %add3A_1474 = arith.addi %mul3A_1183, %add3A_1473 : i32
        %swap3A_1475 = arith.constant 3 : i32
        %swap3A_1476 = arith.index_cast %swap3A_1475 : i32 to index
        %swap3A_1477 = arith.index_cast %add3A_1474 : i32 to index
        %swap3A_1478 = arith.constant 32 : index
        %swap3A_1479 = tpu.vector_load %arg8[%swap3A_1476, %swap3A_1477, %swap3A_1478] {strides = array<i32>} : memref<8x104x64xf32, #tpu.memory_space<vmem>>, vector<1x1x16xf32>,
        %swap3A_1480 = vector.shape_cast %swap3A_1479 : vector<1x1x16xf32> to vector<16xf32>
        %swap3A_1481 = vector.shape_cast %mul3A_1472 : vector<16xf32> to vector<1x1x16xf32>
        tpu.vector_store %arg8[%swap3A_1476, %swap3A_1477, %swap3A_1478], %swap3A_1481 {strides = array<i32>} : memref<8x104x64xf32, #tpu.memory_space<vmem>>, vector<1x1x16xf32>,
        %add3A_1482 = arith.constant 3 : i32
        %add3A_1483 = arith.addi %mul3A_1183, %add3A_1482 : i32
        %get3A_1484 = arith.constant 3 : i32
        %get3A_1485 = arith.index_cast %get3A_1484 : i32 to index
        %get3A_1486 = arith.index_cast %add3A_1483 : i32 to index
        %get3A_1487 = arith.constant 48 : index
        %get3A_1488 = tpu.vector_load %arg8[%get3A_1485, %get3A_1486, %get3A_1487] {strides = array<i32>} : memref<8x104x64xf32, #tpu.memory_space<vmem>>, vector<1x1x16xf32>,
        %get3A_1489 = vector.shape_cast %get3A_1488 : vector<1x1x16xf32> to vector<16xf32>
        %mul3A_1490 = arith.constant 8.000000e+00 : f32
        %mul3A_1491 = vector.broadcast %mul3A_1490 : f32 to vector<16xf32>
        %mul3A_1492 = arith.mulf %get3A_1489, %mul3A_1491 : vector<16xf32>
        %add3A_1493 = arith.constant 3 : i32
        %add3A_1494 = arith.addi %mul3A_1183, %add3A_1493 : i32
        %swap3A_1495 = arith.constant 3 : i32
        %swap3A_1496 = arith.index_cast %swap3A_1495 : i32 to index
        %swap3A_1497 = arith.index_cast %add3A_1494 : i32 to index
        %swap3A_1498 = arith.constant 48 : index
        %swap3A_1499 = tpu.vector_load %arg8[%swap3A_1496, %swap3A_1497, %swap3A_1498] {strides = array<i32>} : memref<8x104x64xf32, #tpu.memory_space<vmem>>, vector<1x1x16xf32>,
        %swap3A_1500 = vector.shape_cast %swap3A_1499 : vector<1x1x16xf32> to vector<16xf32>
        %swap3A_1501 = vector.shape_cast %mul3A_1492 : vector<16xf32> to vector<1x1x16xf32>
        tpu.vector_store %arg8[%swap3A_1496, %swap3A_1497, %swap3A_1498], %swap3A_1501 {strides = array<i32>} : memref<8x104x64xf32, #tpu.memory_space<vmem>>, vector<1x1x16xf32>,
      }
      %scan3A_545 = arith.constant 24 : i32
      %jit3A_546 = arith.constant 2 : i32
      %div3A_547 = arith.divsi %add3A_504, %jit3A_546 : i32
      %sign3A_548 = arith.constant 0 : i32
      %sign3A_549 = arith.cmpi sgt, %add3A_504, %sign3A_548 : i32
      %sign3A_550 = arith.extui %sign3A_549 : i1 to i32
      %sign3A_551 = arith.constant 0 : i32
      %sign3A_552 = arith.cmpi slt, %add3A_504, %sign3A_551 : i32
      %sign3A_553 = arith.extui %sign3A_552 : i1 to i32
      %sign3A_554 = arith.subi %sign3A_550, %sign3A_553 : i32
      %sign3A_555 = arith.constant 0 : i32
      %sign3A_556 = arith.cmpi sgt, %jit3A_546, %sign3A_555 : i32
      %sign3A_557 = arith.extui %sign3A_556 : i1 to i32
      %sign3A_558 = arith.constant 0 : i32
      %sign3A_559 = arith.cmpi slt, %jit3A_546, %sign3A_558 : i32
      %sign3A_560 = arith.extui %sign3A_559 : i1 to i32
      %sign3A_561 = arith.subi %sign3A_557, %sign3A_560 : i32
      %ne3A_562 = arith.cmpi ne, %sign3A_554, %sign3A_561 : i32
      %rem3A_563 = arith.remsi %add3A_504, %jit3A_546 : i32
      %ne3A_564 = arith.constant 0 : i32
      %ne3A_565 = arith.cmpi ne, %rem3A_563, %ne3A_564 : i32
      %and3A_566 = arith.andi %ne3A_562, %ne3A_565 : i1
      %sub3A_567 = arith.constant 1 : i32
      %sub3A_568 = arith.subi %div3A_547, %sub3A_567 : i32
      %select_n3A_569 = arith.select %and3A_566, %sub3A_568, %div3A_547 : i32
      %add3A_570 = arith.addi %mul3A_2, %select_n3A_569 : i32
      %mul3A_571 = arith.constant 200 : i32
      %mul3A_572 = arith.muli %add3A_570, %mul3A_571 : i32
      %add3A_573 = arith.constant 104 : i32
      %add3A_574 = arith.addi %mul3A_572, %add3A_573 : i32
      %dma_start3A_575 = arith.constant 3 : i32
      %dma_start3A_576 = arith.constant 0 : i32
      %dma_start3A_577 = arith.constant 0 : i32
      %dma_start3A_578 = tpu.memref_slice %arg8[%dma_start3A_575, %dma_start3A_576, %dma_start3A_577] : memref<8x104x64xf32, #tpu.memory_space<vmem>> -> memref<1x96x64xf32, #tpu.memory_space<vmem>>
      %dma_start3A_579 = tpu.memref_squeeze %dma_start3A_578 : memref<1x96x64xf32, #tpu.memory_space<vmem>> -> memref<96x64xf32, #tpu.memory_space<vmem>>
      %dma_start3A_580 = arith.constant 0 : i32
      %dma_start3A_581 = tpu.memref_slice %arg5[%add3A_574, %dma_start3A_580] : memref<819200x128xf32, #tpu.memory_space<hbm>> -> memref<96x64xf32, #tpu.memory_space<hbm>>
      %dma_start3A_582 = arith.constant 0 : i32
      %dma_start3A_583 = tpu.memref_slice %arg5[%add3A_574, %dma_start3A_582] : memref<819200x128xf32, #tpu.memory_space<hbm>> -> memref<96x64xf32, #tpu.memory_space<hbm>>
      %dma_start3A_584 = arith.constant 0 : i32
      %dma_start3A_585 = arith.constant 0 : i32
      %dma_start3A_586 = tpu.memref_slice %arg8[%dma_start3A_575, %dma_start3A_584, %dma_start3A_585] : memref<8x104x64xf32, #tpu.memory_space<vmem>> -> memref<1x96x64xf32, #tpu.memory_space<vmem>>
      %dma_start3A_587 = tpu.memref_squeeze %dma_start3A_586 : memref<1x96x64xf32, #tpu.memory_space<vmem>> -> memref<96x64xf32, #tpu.memory_space<vmem>>
      tpu.enqueue_dma source(%dma_start3A_587 : memref<96x64xf32, #tpu.memory_space<vmem>>) target(%dma_start3A_583 : memref<96x64xf32, #tpu.memory_space<hbm>>) target_semaphore(%arg20 : memref<!tpu.dma_semaphore, #tpu.memory_space<semaphore_mem>>)
      %sub3A_588 = arith.constant 1 : i32
      %sub3A_589 = arith.subi %add3A_504, %sub3A_588 : i32
      %jit3A_590 = arith.constant 2 : i32
      %div3A_591 = arith.divsi %sub3A_589, %jit3A_590 : i32
      %sign3A_592 = arith.constant 0 : i32
      %sign3A_593 = arith.cmpi sgt, %sub3A_589, %sign3A_592 : i32
      %sign3A_594 = arith.extui %sign3A_593 : i1 to i32
      %sign3A_595 = arith.constant 0 : i32
      %sign3A_596 = arith.cmpi slt, %sub3A_589, %sign3A_595 : i32
      %sign3A_597 = arith.extui %sign3A_596 : i1 to i32
      %sign3A_598 = arith.subi %sign3A_594, %sign3A_597 : i32
      %sign3A_599 = arith.constant 0 : i32
      %sign3A_600 = arith.cmpi sgt, %jit3A_590, %sign3A_599 : i32
      %sign3A_601 = arith.extui %sign3A_600 : i1 to i32
      %sign3A_602 = arith.constant 0 : i32
      %sign3A_603 = arith.cmpi slt, %jit3A_590, %sign3A_602 : i32
      %sign3A_604 = arith.extui %sign3A_603 : i1 to i32
      %sign3A_605 = arith.subi %sign3A_601, %sign3A_604 : i32
      %ne3A_606 = arith.cmpi ne, %sign3A_598, %sign3A_605 : i32
      %rem3A_607 = arith.remsi %sub3A_589, %jit3A_590 : i32
      %ne3A_608 = arith.constant 0 : i32
      %ne3A_609 = arith.cmpi ne, %rem3A_607, %ne3A_608 : i32
      %and3A_610 = arith.andi %ne3A_606, %ne3A_609 : i1
      %sub3A_611 = arith.constant 1 : i32
      %sub3A_612 = arith.subi %div3A_591, %sub3A_611 : i32
      %select_n3A_613 = arith.select %and3A_610, %sub3A_612, %div3A_591 : i32
      %add3A_614 = arith.addi %mul3A_2, %select_n3A_613 : i32
      %mul3A_615 = arith.constant 200 : i32
      %mul3A_616 = arith.muli %add3A_614, %mul3A_615 : i32
      %add3A_617 = arith.constant 0 : i32
      %add3A_618 = arith.addi %mul3A_616, %add3A_617 : i32
      %dma_wait3A_619 = arith.constant 2 : i32
      %dma_wait3A_620 = arith.constant 0 : i32
      %dma_wait3A_621 = arith.constant 0 : i32
      %dma_wait3A_622 = tpu.memref_slice %arg8[%dma_wait3A_619, %dma_wait3A_620, %dma_wait3A_621] : memref<8x104x64xf32, #tpu.memory_space<vmem>> -> memref<1x104x64xf32, #tpu.memory_space<vmem>>
      %dma_wait3A_623 = tpu.memref_squeeze %dma_wait3A_622 : memref<1x104x64xf32, #tpu.memory_space<vmem>> -> memref<104x64xf32, #tpu.memory_space<vmem>>
      %dma_wait3A_624 = arith.constant 0 : i32
      %dma_wait3A_625 = tpu.memref_slice %arg5[%add3A_618, %dma_wait3A_624] : memref<819200x128xf32, #tpu.memory_space<hbm>> -> memref<104x64xf32, #tpu.memory_space<hbm>>
      %dma_wait3A_626 = arith.constant 0 : i32
      %dma_wait3A_627 = tpu.memref_slice %arg5[%add3A_618, %dma_wait3A_626] : memref<819200x128xf32, #tpu.memory_space<hbm>> -> memref<104x64xf32, #tpu.memory_space<hbm>>
      %dma_wait3A_628 = arith.constant 0 : i32
      %dma_wait3A_629 = arith.constant 0 : i32
      %dma_wait3A_630 = tpu.memref_slice %arg8[%dma_wait3A_619, %dma_wait3A_628, %dma_wait3A_629] : memref<8x104x64xf32, #tpu.memory_space<vmem>> -> memref<1x104x64xf32, #tpu.memory_space<vmem>>
      %dma_wait3A_631 = tpu.memref_squeeze %dma_wait3A_630 : memref<1x104x64xf32, #tpu.memory_space<vmem>> -> memref<104x64xf32, #tpu.memory_space<vmem>>
      tpu.wait_dma2 semaphore(%arg19 : memref<!tpu.dma_semaphore, #tpu.memory_space<semaphore_mem>>) src(%dma_wait3A_631 : memref<104x64xf32, #tpu.memory_space<vmem>>) dst(%dma_wait3A_627 : memref<104x64xf32, #tpu.memory_space<hbm>>)
      %lt3A_632 = arith.constant 31 : i32
      %lt3A_633 = arith.cmpi slt, %scan3A_109, %lt3A_632 : i32
      %convert_element_type3A_634 = arith.extui %lt3A_633 : i1 to i32
      %cond3A_635 = arith.constant 0 : i32
      %cond3A_636 = arith.cmpi ne, %convert_element_type3A_634, %cond3A_635 : i32
      scf.if %cond3A_636 {
        %add3A_1181 = arith.constant 8 : i32
        %add3A_1182 = arith.addi %add3A_504, %add3A_1181 : i32
        %sub3A_1183 = arith.constant 1 : i32
        %sub3A_1184 = arith.subi %add3A_1182, %sub3A_1183 : i32
        %jit3A_1185 = arith.constant 2 : i32
        %div3A_1186 = arith.divsi %sub3A_1184, %jit3A_1185 : i32
        %sign3A_1187 = arith.constant 0 : i32
        %sign3A_1188 = arith.cmpi sgt, %sub3A_1184, %sign3A_1187 : i32
        %sign3A_1189 = arith.extui %sign3A_1188 : i1 to i32
        %sign3A_1190 = arith.constant 0 : i32
        %sign3A_1191 = arith.cmpi slt, %sub3A_1184, %sign3A_1190 : i32
        %sign3A_1192 = arith.extui %sign3A_1191 : i1 to i32
        %sign3A_1193 = arith.subi %sign3A_1189, %sign3A_1192 : i32
        %sign3A_1194 = arith.constant 0 : i32
        %sign3A_1195 = arith.cmpi sgt, %jit3A_1185, %sign3A_1194 : i32
        %sign3A_1196 = arith.extui %sign3A_1195 : i1 to i32
        %sign3A_1197 = arith.constant 0 : i32
        %sign3A_1198 = arith.cmpi slt, %jit3A_1185, %sign3A_1197 : i32
        %sign3A_1199 = arith.extui %sign3A_1198 : i1 to i32
        %sign3A_1200 = arith.subi %sign3A_1196, %sign3A_1199 : i32
        %ne3A_1201 = arith.cmpi ne, %sign3A_1193, %sign3A_1200 : i32
        %rem3A_1202 = arith.remsi %sub3A_1184, %jit3A_1185 : i32
        %ne3A_1203 = arith.constant 0 : i32
        %ne3A_1204 = arith.cmpi ne, %rem3A_1202, %ne3A_1203 : i32
        %and3A_1205 = arith.andi %ne3A_1201, %ne3A_1204 : i1
        %sub3A_1206 = arith.constant 1 : i32
        %sub3A_1207 = arith.subi %div3A_1186, %sub3A_1206 : i32
        %select_n3A_1208 = arith.select %and3A_1205, %sub3A_1207, %div3A_1186 : i32
        %dma_start3A_1209 = arith.constant 2 : i32
        %dma_start3A_1210 = arith.constant 0 : i32
        %dma_start3A_1211 = arith.constant 0 : i32
        %dma_start3A_1212 = tpu.memref_slice %arg8[%dma_start3A_1209, %dma_start3A_1210, %dma_start3A_1211] : memref<8x104x64xf32, #tpu.memory_space<vmem>> -> memref<1x104x64xf32, #tpu.memory_space<vmem>>
        %dma_start3A_1213 = tpu.memref_squeeze %dma_start3A_1212 : memref<1x104x64xf32, #tpu.memory_space<vmem>> -> memref<104x64xf32, #tpu.memory_space<vmem>>
        %dma_start3A_1214 = arith.constant 0 : i32
        %dma_start3A_1215 = tpu.memref_slice %arg6[%select_n3A_1208, %dma_start3A_1214] : memref<128x104xi32, #tpu.memory_space<vmem>> -> memref<1x104xi32, #tpu.memory_space<vmem>>
        %dma_start3A_1216 = tpu.memref_squeeze %dma_start3A_1215 : memref<1x104xi32, #tpu.memory_space<vmem>> -> memref<104xi32, #tpu.memory_space<vmem>>
        %dma_start3A_1217 = arith.constant 0 : i32
        %dma_start3A_1218 = arith.constant 0 : i32
        %dma_start3A_1219 = tpu.memref_slice %arg2[%dma_start3A_1217, %dma_start3A_1218] : memref<100000x64xf32, #tpu.memory_space<hbm>> -> memref<100000x64xf32, #tpu.memory_space<hbm>>
        tpu.enqueue_indirect_dma source(%dma_start3A_1219 : memref<100000x64xf32, #tpu.memory_space<hbm>>) target(%dma_start3A_1213 : memref<104x64xf32, #tpu.memory_space<vmem>>) offsets(%dma_start3A_1216 : memref<104xi32, #tpu.memory_space<vmem>>) semaphore(%arg11 : memref<!tpu.dma_semaphore, #tpu.memory_space<semaphore_mem>>)
      } else {
      }
      %mul3A_637 = arith.constant 8 : i32
      %mul3A_638 = arith.muli %mul3A_637, %scan3A_109 : i32
      %add3A_639 = arith.constant 4 : i32
      %add3A_640 = arith.addi %mul3A_638, %add3A_639 : i32
      %jit3A_641 = arith.constant 2 : i32
      %div3A_642 = arith.divsi %add3A_640, %jit3A_641 : i32
      %sign3A_643 = arith.constant 0 : i32
      %sign3A_644 = arith.cmpi sgt, %add3A_640, %sign3A_643 : i32
      %sign3A_645 = arith.extui %sign3A_644 : i1 to i32
      %sign3A_646 = arith.constant 0 : i32
      %sign3A_647 = arith.cmpi slt, %add3A_640, %sign3A_646 : i32
      %sign3A_648 = arith.extui %sign3A_647 : i1 to i32
      %sign3A_649 = arith.subi %sign3A_645, %sign3A_648 : i32
      %sign3A_650 = arith.constant 0 : i32
      %sign3A_651 = arith.cmpi sgt, %jit3A_641, %sign3A_650 : i32
      %sign3A_652 = arith.extui %sign3A_651 : i1 to i32
      %sign3A_653 = arith.constant 0 : i32
      %sign3A_654 = arith.cmpi slt, %jit3A_641, %sign3A_653 : i32
      %sign3A_655 = arith.extui %sign3A_654 : i1 to i32
      %sign3A_656 = arith.subi %sign3A_652, %sign3A_655 : i32
      %ne3A_657 = arith.cmpi ne, %sign3A_649, %sign3A_656 : i32
      %rem3A_658 = arith.remsi %add3A_640, %jit3A_641 : i32
      %ne3A_659 = arith.constant 0 : i32
      %ne3A_660 = arith.cmpi ne, %rem3A_658, %ne3A_659 : i32
      %and3A_661 = arith.andi %ne3A_657, %ne3A_660 : i1
      %sub3A_662 = arith.constant 1 : i32
      %sub3A_663 = arith.subi %div3A_642, %sub3A_662 : i32
      %select_n3A_664 = arith.select %and3A_661, %sub3A_663, %div3A_642 : i32
      %dma_wait3A_665 = arith.constant 4 : i32
      %dma_wait3A_666 = arith.constant 0 : i32
      %dma_wait3A_667 = arith.constant 0 : i32
      %dma_wait3A_668 = tpu.memref_slice %arg8[%dma_wait3A_665, %dma_wait3A_666, %dma_wait3A_667] : memref<8x104x64xf32, #tpu.memory_space<vmem>> -> memref<1x104x64xf32, #tpu.memory_space<vmem>>
      %dma_wait3A_669 = tpu.memref_squeeze %dma_wait3A_668 : memref<1x104x64xf32, #tpu.memory_space<vmem>> -> memref<104x64xf32, #tpu.memory_space<vmem>>
      %dma_wait3A_670 = arith.constant 0 : i32
      %dma_wait3A_671 = tpu.memref_slice %arg6[%select_n3A_664, %dma_wait3A_670] : memref<128x104xi32, #tpu.memory_space<vmem>> -> memref<1x104xi32, #tpu.memory_space<vmem>>
      %dma_wait3A_672 = tpu.memref_squeeze %dma_wait3A_671 : memref<1x104xi32, #tpu.memory_space<vmem>> -> memref<104xi32, #tpu.memory_space<vmem>>
      %dma_wait3A_673 = arith.constant 0 : i32
      %dma_wait3A_674 = arith.constant 0 : i32
      %dma_wait3A_675 = tpu.memref_slice %arg2[%dma_wait3A_673, %dma_wait3A_674] : memref<100000x64xf32, #tpu.memory_space<hbm>> -> memref<100000x64xf32, #tpu.memory_space<hbm>>
      tpu.wait_indirect_dma semaphore(%arg13 : memref<!tpu.dma_semaphore, #tpu.memory_space<semaphore_mem>>) src(%dma_wait3A_675 : memref<100000x64xf32, #tpu.memory_space<hbm>>) dst(%dma_wait3A_669 : memref<104x64xf32, #tpu.memory_space<vmem>>)
      %scan3A_676 = arith.constant 0 : i32
      %scan3A_677 = arith.constant 0 : i32
      %scan3A_678 = arith.constant 26 : i32
      %scan3A_679 = arith.addi %scan3A_677, %scan3A_678 : i32
      %scan3A_680 = arith.constant 1 : i32
      scf.for %scan3A_1181 = %scan3A_677 to %scan3A_679 step %scan3A_680  : i32 {
        %mul3A_1182 = arith.constant 4 : i32
        %mul3A_1183 = arith.muli %mul3A_1182, %scan3A_1181 : i32
        %add3A_1184 = arith.constant 0 : i32
        %add3A_1185 = arith.addi %mul3A_1183, %add3A_1184 : i32
        %get3A = arith.constant 4 : i32
        %get3A_1186 = arith.index_cast %get3A : i32 to index
        %get3A_1187 = arith.index_cast %add3A_1185 : i32 to index
        %get3A_1188 = arith.constant 0 : index
        %get3A_1189 = tpu.vector_load %arg8[%get3A_1186, %get3A_1187, %get3A_1188] {strides = array<i32>} : memref<8x104x64xf32, #tpu.memory_space<vmem>>, vector<1x1x16xf32>,
        %get3A_1190 = vector.shape_cast %get3A_1189 : vector<1x1x16xf32> to vector<16xf32>
        %mul3A_1191 = arith.constant 8.000000e+00 : f32
        %mul3A_1192 = vector.broadcast %mul3A_1191 : f32 to vector<16xf32>
        %mul3A_1193 = arith.mulf %get3A_1190, %mul3A_1192 : vector<16xf32>
        %add3A_1194 = arith.constant 0 : i32
        %add3A_1195 = arith.addi %mul3A_1183, %add3A_1194 : i32
        %swap3A = arith.constant 4 : i32
        %swap3A_1196 = arith.index_cast %swap3A : i32 to index
        %swap3A_1197 = arith.index_cast %add3A_1195 : i32 to index
        %swap3A_1198 = arith.constant 0 : index
        %swap3A_1199 = tpu.vector_load %arg8[%swap3A_1196, %swap3A_1197, %swap3A_1198] {strides = array<i32>} : memref<8x104x64xf32, #tpu.memory_space<vmem>>, vector<1x1x16xf32>,
        %swap3A_1200 = vector.shape_cast %swap3A_1199 : vector<1x1x16xf32> to vector<16xf32>
        %swap3A_1201 = vector.shape_cast %mul3A_1193 : vector<16xf32> to vector<1x1x16xf32>
        tpu.vector_store %arg8[%swap3A_1196, %swap3A_1197, %swap3A_1198], %swap3A_1201 {strides = array<i32>} : memref<8x104x64xf32, #tpu.memory_space<vmem>>, vector<1x1x16xf32>,
        %add3A_1202 = arith.constant 0 : i32
        %add3A_1203 = arith.addi %mul3A_1183, %add3A_1202 : i32
        %get3A_1204 = arith.constant 4 : i32
        %get3A_1205 = arith.index_cast %get3A_1204 : i32 to index
        %get3A_1206 = arith.index_cast %add3A_1203 : i32 to index
        %get3A_1207 = arith.constant 16 : index
        %get3A_1208 = tpu.vector_load %arg8[%get3A_1205, %get3A_1206, %get3A_1207] {strides = array<i32>} : memref<8x104x64xf32, #tpu.memory_space<vmem>>, vector<1x1x16xf32>,
        %get3A_1209 = vector.shape_cast %get3A_1208 : vector<1x1x16xf32> to vector<16xf32>
        %mul3A_1210 = arith.constant 8.000000e+00 : f32
        %mul3A_1211 = vector.broadcast %mul3A_1210 : f32 to vector<16xf32>
        %mul3A_1212 = arith.mulf %get3A_1209, %mul3A_1211 : vector<16xf32>
        %add3A_1213 = arith.constant 0 : i32
        %add3A_1214 = arith.addi %mul3A_1183, %add3A_1213 : i32
        %swap3A_1215 = arith.constant 4 : i32
        %swap3A_1216 = arith.index_cast %swap3A_1215 : i32 to index
        %swap3A_1217 = arith.index_cast %add3A_1214 : i32 to index
        %swap3A_1218 = arith.constant 16 : index
        %swap3A_1219 = tpu.vector_load %arg8[%swap3A_1216, %swap3A_1217, %swap3A_1218] {strides = array<i32>} : memref<8x104x64xf32, #tpu.memory_space<vmem>>, vector<1x1x16xf32>,
        %swap3A_1220 = vector.shape_cast %swap3A_1219 : vector<1x1x16xf32> to vector<16xf32>
        %swap3A_1221 = vector.shape_cast %mul3A_1212 : vector<16xf32> to vector<1x1x16xf32>
        tpu.vector_store %arg8[%swap3A_1216, %swap3A_1217, %swap3A_1218], %swap3A_1221 {strides = array<i32>} : memref<8x104x64xf32, #tpu.memory_space<vmem>>, vector<1x1x16xf32>,
        %add3A_1222 = arith.constant 0 : i32
        %add3A_1223 = arith.addi %mul3A_1183, %add3A_1222 : i32
        %get3A_1224 = arith.constant 4 : i32
        %get3A_1225 = arith.index_cast %get3A_1224 : i32 to index
        %get3A_1226 = arith.index_cast %add3A_1223 : i32 to index
        %get3A_1227 = arith.constant 32 : index
        %get3A_1228 = tpu.vector_load %arg8[%get3A_1225, %get3A_1226, %get3A_1227] {strides = array<i32>} : memref<8x104x64xf32, #tpu.memory_space<vmem>>, vector<1x1x16xf32>,
        %get3A_1229 = vector.shape_cast %get3A_1228 : vector<1x1x16xf32> to vector<16xf32>
        %mul3A_1230 = arith.constant 8.000000e+00 : f32
        %mul3A_1231 = vector.broadcast %mul3A_1230 : f32 to vector<16xf32>
        %mul3A_1232 = arith.mulf %get3A_1229, %mul3A_1231 : vector<16xf32>
        %add3A_1233 = arith.constant 0 : i32
        %add3A_1234 = arith.addi %mul3A_1183, %add3A_1233 : i32
        %swap3A_1235 = arith.constant 4 : i32
        %swap3A_1236 = arith.index_cast %swap3A_1235 : i32 to index
        %swap3A_1237 = arith.index_cast %add3A_1234 : i32 to index
        %swap3A_1238 = arith.constant 32 : index
        %swap3A_1239 = tpu.vector_load %arg8[%swap3A_1236, %swap3A_1237, %swap3A_1238] {strides = array<i32>} : memref<8x104x64xf32, #tpu.memory_space<vmem>>, vector<1x1x16xf32>,
        %swap3A_1240 = vector.shape_cast %swap3A_1239 : vector<1x1x16xf32> to vector<16xf32>
        %swap3A_1241 = vector.shape_cast %mul3A_1232 : vector<16xf32> to vector<1x1x16xf32>
        tpu.vector_store %arg8[%swap3A_1236, %swap3A_1237, %swap3A_1238], %swap3A_1241 {strides = array<i32>} : memref<8x104x64xf32, #tpu.memory_space<vmem>>, vector<1x1x16xf32>,
        %add3A_1242 = arith.constant 0 : i32
        %add3A_1243 = arith.addi %mul3A_1183, %add3A_1242 : i32
        %get3A_1244 = arith.constant 4 : i32
        %get3A_1245 = arith.index_cast %get3A_1244 : i32 to index
        %get3A_1246 = arith.index_cast %add3A_1243 : i32 to index
        %get3A_1247 = arith.constant 48 : index
        %get3A_1248 = tpu.vector_load %arg8[%get3A_1245, %get3A_1246, %get3A_1247] {strides = array<i32>} : memref<8x104x64xf32, #tpu.memory_space<vmem>>, vector<1x1x16xf32>,
        %get3A_1249 = vector.shape_cast %get3A_1248 : vector<1x1x16xf32> to vector<16xf32>
        %mul3A_1250 = arith.constant 8.000000e+00 : f32
        %mul3A_1251 = vector.broadcast %mul3A_1250 : f32 to vector<16xf32>
        %mul3A_1252 = arith.mulf %get3A_1249, %mul3A_1251 : vector<16xf32>
        %add3A_1253 = arith.constant 0 : i32
        %add3A_1254 = arith.addi %mul3A_1183, %add3A_1253 : i32
        %swap3A_1255 = arith.constant 4 : i32
        %swap3A_1256 = arith.index_cast %swap3A_1255 : i32 to index
        %swap3A_1257 = arith.index_cast %add3A_1254 : i32 to index
        %swap3A_1258 = arith.constant 48 : index
        %swap3A_1259 = tpu.vector_load %arg8[%swap3A_1256, %swap3A_1257, %swap3A_1258] {strides = array<i32>} : memref<8x104x64xf32, #tpu.memory_space<vmem>>, vector<1x1x16xf32>,
        %swap3A_1260 = vector.shape_cast %swap3A_1259 : vector<1x1x16xf32> to vector<16xf32>
        %swap3A_1261 = vector.shape_cast %mul3A_1252 : vector<16xf32> to vector<1x1x16xf32>
        tpu.vector_store %arg8[%swap3A_1256, %swap3A_1257, %swap3A_1258], %swap3A_1261 {strides = array<i32>} : memref<8x104x64xf32, #tpu.memory_space<vmem>>, vector<1x1x16xf32>,
        %add3A_1262 = arith.constant 1 : i32
        %add3A_1263 = arith.addi %mul3A_1183, %add3A_1262 : i32
        %get3A_1264 = arith.constant 4 : i32
        %get3A_1265 = arith.index_cast %get3A_1264 : i32 to index
        %get3A_1266 = arith.index_cast %add3A_1263 : i32 to index
        %get3A_1267 = arith.constant 0 : index
        %get3A_1268 = tpu.vector_load %arg8[%get3A_1265, %get3A_1266, %get3A_1267] {strides = array<i32>} : memref<8x104x64xf32, #tpu.memory_space<vmem>>, vector<1x1x16xf32>,
        %get3A_1269 = vector.shape_cast %get3A_1268 : vector<1x1x16xf32> to vector<16xf32>
        %mul3A_1270 = arith.constant 8.000000e+00 : f32
        %mul3A_1271 = vector.broadcast %mul3A_1270 : f32 to vector<16xf32>
        %mul3A_1272 = arith.mulf %get3A_1269, %mul3A_1271 : vector<16xf32>
        %add3A_1273 = arith.constant 1 : i32
        %add3A_1274 = arith.addi %mul3A_1183, %add3A_1273 : i32
        %swap3A_1275 = arith.constant 4 : i32
        %swap3A_1276 = arith.index_cast %swap3A_1275 : i32 to index
        %swap3A_1277 = arith.index_cast %add3A_1274 : i32 to index
        %swap3A_1278 = arith.constant 0 : index
        %swap3A_1279 = tpu.vector_load %arg8[%swap3A_1276, %swap3A_1277, %swap3A_1278] {strides = array<i32>} : memref<8x104x64xf32, #tpu.memory_space<vmem>>, vector<1x1x16xf32>,
        %swap3A_1280 = vector.shape_cast %swap3A_1279 : vector<1x1x16xf32> to vector<16xf32>
        %swap3A_1281 = vector.shape_cast %mul3A_1272 : vector<16xf32> to vector<1x1x16xf32>
        tpu.vector_store %arg8[%swap3A_1276, %swap3A_1277, %swap3A_1278], %swap3A_1281 {strides = array<i32>} : memref<8x104x64xf32, #tpu.memory_space<vmem>>, vector<1x1x16xf32>,
        %add3A_1282 = arith.constant 1 : i32
        %add3A_1283 = arith.addi %mul3A_1183, %add3A_1282 : i32
        %get3A_1284 = arith.constant 4 : i32
        %get3A_1285 = arith.index_cast %get3A_1284 : i32 to index
        %get3A_1286 = arith.index_cast %add3A_1283 : i32 to index
        %get3A_1287 = arith.constant 16 : index
        %get3A_1288 = tpu.vector_load %arg8[%get3A_1285, %get3A_1286, %get3A_1287] {strides = array<i32>} : memref<8x104x64xf32, #tpu.memory_space<vmem>>, vector<1x1x16xf32>,
        %get3A_1289 = vector.shape_cast %get3A_1288 : vector<1x1x16xf32> to vector<16xf32>
        %mul3A_1290 = arith.constant 8.000000e+00 : f32
        %mul3A_1291 = vector.broadcast %mul3A_1290 : f32 to vector<16xf32>
        %mul3A_1292 = arith.mulf %get3A_1289, %mul3A_1291 : vector<16xf32>
        %add3A_1293 = arith.constant 1 : i32
        %add3A_1294 = arith.addi %mul3A_1183, %add3A_1293 : i32
        %swap3A_1295 = arith.constant 4 : i32
        %swap3A_1296 = arith.index_cast %swap3A_1295 : i32 to index
        %swap3A_1297 = arith.index_cast %add3A_1294 : i32 to index
        %swap3A_1298 = arith.constant 16 : index
        %swap3A_1299 = tpu.vector_load %arg8[%swap3A_1296, %swap3A_1297, %swap3A_1298] {strides = array<i32>} : memref<8x104x64xf32, #tpu.memory_space<vmem>>, vector<1x1x16xf32>,
        %swap3A_1300 = vector.shape_cast %swap3A_1299 : vector<1x1x16xf32> to vector<16xf32>
        %swap3A_1301 = vector.shape_cast %mul3A_1292 : vector<16xf32> to vector<1x1x16xf32>
        tpu.vector_store %arg8[%swap3A_1296, %swap3A_1297, %swap3A_1298], %swap3A_1301 {strides = array<i32>} : memref<8x104x64xf32, #tpu.memory_space<vmem>>, vector<1x1x16xf32>,
        %add3A_1302 = arith.constant 1 : i32
        %add3A_1303 = arith.addi %mul3A_1183, %add3A_1302 : i32
        %get3A_1304 = arith.constant 4 : i32
        %get3A_1305 = arith.index_cast %get3A_1304 : i32 to index
        %get3A_1306 = arith.index_cast %add3A_1303 : i32 to index
        %get3A_1307 = arith.constant 32 : index
        %get3A_1308 = tpu.vector_load %arg8[%get3A_1305, %get3A_1306, %get3A_1307] {strides = array<i32>} : memref<8x104x64xf32, #tpu.memory_space<vmem>>, vector<1x1x16xf32>,
        %get3A_1309 = vector.shape_cast %get3A_1308 : vector<1x1x16xf32> to vector<16xf32>
        %mul3A_1310 = arith.constant 8.000000e+00 : f32
        %mul3A_1311 = vector.broadcast %mul3A_1310 : f32 to vector<16xf32>
        %mul3A_1312 = arith.mulf %get3A_1309, %mul3A_1311 : vector<16xf32>
        %add3A_1313 = arith.constant 1 : i32
        %add3A_1314 = arith.addi %mul3A_1183, %add3A_1313 : i32
        %swap3A_1315 = arith.constant 4 : i32
        %swap3A_1316 = arith.index_cast %swap3A_1315 : i32 to index
        %swap3A_1317 = arith.index_cast %add3A_1314 : i32 to index
        %swap3A_1318 = arith.constant 32 : index
        %swap3A_1319 = tpu.vector_load %arg8[%swap3A_1316, %swap3A_1317, %swap3A_1318] {strides = array<i32>} : memref<8x104x64xf32, #tpu.memory_space<vmem>>, vector<1x1x16xf32>,
        %swap3A_1320 = vector.shape_cast %swap3A_1319 : vector<1x1x16xf32> to vector<16xf32>
        %swap3A_1321 = vector.shape_cast %mul3A_1312 : vector<16xf32> to vector<1x1x16xf32>
        tpu.vector_store %arg8[%swap3A_1316, %swap3A_1317, %swap3A_1318], %swap3A_1321 {strides = array<i32>} : memref<8x104x64xf32, #tpu.memory_space<vmem>>, vector<1x1x16xf32>,
        %add3A_1322 = arith.constant 1 : i32
        %add3A_1323 = arith.addi %mul3A_1183, %add3A_1322 : i32
        %get3A_1324 = arith.constant 4 : i32
        %get3A_1325 = arith.index_cast %get3A_1324 : i32 to index
        %get3A_1326 = arith.index_cast %add3A_1323 : i32 to index
        %get3A_1327 = arith.constant 48 : index
        %get3A_1328 = tpu.vector_load %arg8[%get3A_1325, %get3A_1326, %get3A_1327] {strides = array<i32>} : memref<8x104x64xf32, #tpu.memory_space<vmem>>, vector<1x1x16xf32>,
        %get3A_1329 = vector.shape_cast %get3A_1328 : vector<1x1x16xf32> to vector<16xf32>
        %mul3A_1330 = arith.constant 8.000000e+00 : f32
        %mul3A_1331 = vector.broadcast %mul3A_1330 : f32 to vector<16xf32>
        %mul3A_1332 = arith.mulf %get3A_1329, %mul3A_1331 : vector<16xf32>
        %add3A_1333 = arith.constant 1 : i32
        %add3A_1334 = arith.addi %mul3A_1183, %add3A_1333 : i32
        %swap3A_1335 = arith.constant 4 : i32
        %swap3A_1336 = arith.index_cast %swap3A_1335 : i32 to index
        %swap3A_1337 = arith.index_cast %add3A_1334 : i32 to index
        %swap3A_1338 = arith.constant 48 : index
        %swap3A_1339 = tpu.vector_load %arg8[%swap3A_1336, %swap3A_1337, %swap3A_1338] {strides = array<i32>} : memref<8x104x64xf32, #tpu.memory_space<vmem>>, vector<1x1x16xf32>,
        %swap3A_1340 = vector.shape_cast %swap3A_1339 : vector<1x1x16xf32> to vector<16xf32>
        %swap3A_1341 = vector.shape_cast %mul3A_1332 : vector<16xf32> to vector<1x1x16xf32>
        tpu.vector_store %arg8[%swap3A_1336, %swap3A_1337, %swap3A_1338], %swap3A_1341 {strides = array<i32>} : memref<8x104x64xf32, #tpu.memory_space<vmem>>, vector<1x1x16xf32>,
        %add3A_1342 = arith.constant 2 : i32
        %add3A_1343 = arith.addi %mul3A_1183, %add3A_1342 : i32
        %get3A_1344 = arith.constant 4 : i32
        %get3A_1345 = arith.index_cast %get3A_1344 : i32 to index
        %get3A_1346 = arith.index_cast %add3A_1343 : i32 to index
        %get3A_1347 = arith.constant 0 : index
        %get3A_1348 = tpu.vector_load %arg8[%get3A_1345, %get3A_1346, %get3A_1347] {strides = array<i32>} : memref<8x104x64xf32, #tpu.memory_space<vmem>>, vector<1x1x16xf32>,
        %get3A_1349 = vector.shape_cast %get3A_1348 : vector<1x1x16xf32> to vector<16xf32>
        %mul3A_1350 = arith.constant 8.000000e+00 : f32
        %mul3A_1351 = vector.broadcast %mul3A_1350 : f32 to vector<16xf32>
        %mul3A_1352 = arith.mulf %get3A_1349, %mul3A_1351 : vector<16xf32>
        %add3A_1353 = arith.constant 2 : i32
        %add3A_1354 = arith.addi %mul3A_1183, %add3A_1353 : i32
        %swap3A_1355 = arith.constant 4 : i32
        %swap3A_1356 = arith.index_cast %swap3A_1355 : i32 to index
        %swap3A_1357 = arith.index_cast %add3A_1354 : i32 to index
        %swap3A_1358 = arith.constant 0 : index
        %swap3A_1359 = tpu.vector_load %arg8[%swap3A_1356, %swap3A_1357, %swap3A_1358] {strides = array<i32>} : memref<8x104x64xf32, #tpu.memory_space<vmem>>, vector<1x1x16xf32>,
        %swap3A_1360 = vector.shape_cast %swap3A_1359 : vector<1x1x16xf32> to vector<16xf32>
        %swap3A_1361 = vector.shape_cast %mul3A_1352 : vector<16xf32> to vector<1x1x16xf32>
        tpu.vector_store %arg8[%swap3A_1356, %swap3A_1357, %swap3A_1358], %swap3A_1361 {strides = array<i32>} : memref<8x104x64xf32, #tpu.memory_space<vmem>>, vector<1x1x16xf32>,
        %add3A_1362 = arith.constant 2 : i32
        %add3A_1363 = arith.addi %mul3A_1183, %add3A_1362 : i32
        %get3A_1364 = arith.constant 4 : i32
        %get3A_1365 = arith.index_cast %get3A_1364 : i32 to index
        %get3A_1366 = arith.index_cast %add3A_1363 : i32 to index
        %get3A_1367 = arith.constant 16 : index
        %get3A_1368 = tpu.vector_load %arg8[%get3A_1365, %get3A_1366, %get3A_1367] {strides = array<i32>} : memref<8x104x64xf32, #tpu.memory_space<vmem>>, vector<1x1x16xf32>,
        %get3A_1369 = vector.shape_cast %get3A_1368 : vector<1x1x16xf32> to vector<16xf32>
        %mul3A_1370 = arith.constant 8.000000e+00 : f32
        %mul3A_1371 = vector.broadcast %mul3A_1370 : f32 to vector<16xf32>
        %mul3A_1372 = arith.mulf %get3A_1369, %mul3A_1371 : vector<16xf32>
        %add3A_1373 = arith.constant 2 : i32
        %add3A_1374 = arith.addi %mul3A_1183, %add3A_1373 : i32
        %swap3A_1375 = arith.constant 4 : i32
        %swap3A_1376 = arith.index_cast %swap3A_1375 : i32 to index
        %swap3A_1377 = arith.index_cast %add3A_1374 : i32 to index
        %swap3A_1378 = arith.constant 16 : index
        %swap3A_1379 = tpu.vector_load %arg8[%swap3A_1376, %swap3A_1377, %swap3A_1378] {strides = array<i32>} : memref<8x104x64xf32, #tpu.memory_space<vmem>>, vector<1x1x16xf32>,
        %swap3A_1380 = vector.shape_cast %swap3A_1379 : vector<1x1x16xf32> to vector<16xf32>
        %swap3A_1381 = vector.shape_cast %mul3A_1372 : vector<16xf32> to vector<1x1x16xf32>
        tpu.vector_store %arg8[%swap3A_1376, %swap3A_1377, %swap3A_1378], %swap3A_1381 {strides = array<i32>} : memref<8x104x64xf32, #tpu.memory_space<vmem>>, vector<1x1x16xf32>,
        %add3A_1382 = arith.constant 2 : i32
        %add3A_1383 = arith.addi %mul3A_1183, %add3A_1382 : i32
        %get3A_1384 = arith.constant 4 : i32
        %get3A_1385 = arith.index_cast %get3A_1384 : i32 to index
        %get3A_1386 = arith.index_cast %add3A_1383 : i32 to index
        %get3A_1387 = arith.constant 32 : index
        %get3A_1388 = tpu.vector_load %arg8[%get3A_1385, %get3A_1386, %get3A_1387] {strides = array<i32>} : memref<8x104x64xf32, #tpu.memory_space<vmem>>, vector<1x1x16xf32>,
        %get3A_1389 = vector.shape_cast %get3A_1388 : vector<1x1x16xf32> to vector<16xf32>
        %mul3A_1390 = arith.constant 8.000000e+00 : f32
        %mul3A_1391 = vector.broadcast %mul3A_1390 : f32 to vector<16xf32>
        %mul3A_1392 = arith.mulf %get3A_1389, %mul3A_1391 : vector<16xf32>
        %add3A_1393 = arith.constant 2 : i32
        %add3A_1394 = arith.addi %mul3A_1183, %add3A_1393 : i32
        %swap3A_1395 = arith.constant 4 : i32
        %swap3A_1396 = arith.index_cast %swap3A_1395 : i32 to index
        %swap3A_1397 = arith.index_cast %add3A_1394 : i32 to index
        %swap3A_1398 = arith.constant 32 : index
        %swap3A_1399 = tpu.vector_load %arg8[%swap3A_1396, %swap3A_1397, %swap3A_1398] {strides = array<i32>} : memref<8x104x64xf32, #tpu.memory_space<vmem>>, vector<1x1x16xf32>,
        %swap3A_1400 = vector.shape_cast %swap3A_1399 : vector<1x1x16xf32> to vector<16xf32>
        %swap3A_1401 = vector.shape_cast %mul3A_1392 : vector<16xf32> to vector<1x1x16xf32>
        tpu.vector_store %arg8[%swap3A_1396, %swap3A_1397, %swap3A_1398], %swap3A_1401 {strides = array<i32>} : memref<8x104x64xf32, #tpu.memory_space<vmem>>, vector<1x1x16xf32>,
        %add3A_1402 = arith.constant 2 : i32
        %add3A_1403 = arith.addi %mul3A_1183, %add3A_1402 : i32
        %get3A_1404 = arith.constant 4 : i32
        %get3A_1405 = arith.index_cast %get3A_1404 : i32 to index
        %get3A_1406 = arith.index_cast %add3A_1403 : i32 to index
        %get3A_1407 = arith.constant 48 : index
        %get3A_1408 = tpu.vector_load %arg8[%get3A_1405, %get3A_1406, %get3A_1407] {strides = array<i32>} : memref<8x104x64xf32, #tpu.memory_space<vmem>>, vector<1x1x16xf32>,
        %get3A_1409 = vector.shape_cast %get3A_1408 : vector<1x1x16xf32> to vector<16xf32>
        %mul3A_1410 = arith.constant 8.000000e+00 : f32
        %mul3A_1411 = vector.broadcast %mul3A_1410 : f32 to vector<16xf32>
        %mul3A_1412 = arith.mulf %get3A_1409, %mul3A_1411 : vector<16xf32>
        %add3A_1413 = arith.constant 2 : i32
        %add3A_1414 = arith.addi %mul3A_1183, %add3A_1413 : i32
        %swap3A_1415 = arith.constant 4 : i32
        %swap3A_1416 = arith.index_cast %swap3A_1415 : i32 to index
        %swap3A_1417 = arith.index_cast %add3A_1414 : i32 to index
        %swap3A_1418 = arith.constant 48 : index
        %swap3A_1419 = tpu.vector_load %arg8[%swap3A_1416, %swap3A_1417, %swap3A_1418] {strides = array<i32>} : memref<8x104x64xf32, #tpu.memory_space<vmem>>, vector<1x1x16xf32>,
        %swap3A_1420 = vector.shape_cast %swap3A_1419 : vector<1x1x16xf32> to vector<16xf32>
        %swap3A_1421 = vector.shape_cast %mul3A_1412 : vector<16xf32> to vector<1x1x16xf32>
        tpu.vector_store %arg8[%swap3A_1416, %swap3A_1417, %swap3A_1418], %swap3A_1421 {strides = array<i32>} : memref<8x104x64xf32, #tpu.memory_space<vmem>>, vector<1x1x16xf32>,
        %add3A_1422 = arith.constant 3 : i32
        %add3A_1423 = arith.addi %mul3A_1183, %add3A_1422 : i32
        %get3A_1424 = arith.constant 4 : i32
        %get3A_1425 = arith.index_cast %get3A_1424 : i32 to index
        %get3A_1426 = arith.index_cast %add3A_1423 : i32 to index
        %get3A_1427 = arith.constant 0 : index
        %get3A_1428 = tpu.vector_load %arg8[%get3A_1425, %get3A_1426, %get3A_1427] {strides = array<i32>} : memref<8x104x64xf32, #tpu.memory_space<vmem>>, vector<1x1x16xf32>,
        %get3A_1429 = vector.shape_cast %get3A_1428 : vector<1x1x16xf32> to vector<16xf32>
        %mul3A_1430 = arith.constant 8.000000e+00 : f32
        %mul3A_1431 = vector.broadcast %mul3A_1430 : f32 to vector<16xf32>
        %mul3A_1432 = arith.mulf %get3A_1429, %mul3A_1431 : vector<16xf32>
        %add3A_1433 = arith.constant 3 : i32
        %add3A_1434 = arith.addi %mul3A_1183, %add3A_1433 : i32
        %swap3A_1435 = arith.constant 4 : i32
        %swap3A_1436 = arith.index_cast %swap3A_1435 : i32 to index
        %swap3A_1437 = arith.index_cast %add3A_1434 : i32 to index
        %swap3A_1438 = arith.constant 0 : index
        %swap3A_1439 = tpu.vector_load %arg8[%swap3A_1436, %swap3A_1437, %swap3A_1438] {strides = array<i32>} : memref<8x104x64xf32, #tpu.memory_space<vmem>>, vector<1x1x16xf32>,
        %swap3A_1440 = vector.shape_cast %swap3A_1439 : vector<1x1x16xf32> to vector<16xf32>
        %swap3A_1441 = vector.shape_cast %mul3A_1432 : vector<16xf32> to vector<1x1x16xf32>
        tpu.vector_store %arg8[%swap3A_1436, %swap3A_1437, %swap3A_1438], %swap3A_1441 {strides = array<i32>} : memref<8x104x64xf32, #tpu.memory_space<vmem>>, vector<1x1x16xf32>,
        %add3A_1442 = arith.constant 3 : i32
        %add3A_1443 = arith.addi %mul3A_1183, %add3A_1442 : i32
        %get3A_1444 = arith.constant 4 : i32
        %get3A_1445 = arith.index_cast %get3A_1444 : i32 to index
        %get3A_1446 = arith.index_cast %add3A_1443 : i32 to index
        %get3A_1447 = arith.constant 16 : index
        %get3A_1448 = tpu.vector_load %arg8[%get3A_1445, %get3A_1446, %get3A_1447] {strides = array<i32>} : memref<8x104x64xf32, #tpu.memory_space<vmem>>, vector<1x1x16xf32>,
        %get3A_1449 = vector.shape_cast %get3A_1448 : vector<1x1x16xf32> to vector<16xf32>
        %mul3A_1450 = arith.constant 8.000000e+00 : f32
        %mul3A_1451 = vector.broadcast %mul3A_1450 : f32 to vector<16xf32>
        %mul3A_1452 = arith.mulf %get3A_1449, %mul3A_1451 : vector<16xf32>
        %add3A_1453 = arith.constant 3 : i32
        %add3A_1454 = arith.addi %mul3A_1183, %add3A_1453 : i32
        %swap3A_1455 = arith.constant 4 : i32
        %swap3A_1456 = arith.index_cast %swap3A_1455 : i32 to index
        %swap3A_1457 = arith.index_cast %add3A_1454 : i32 to index
        %swap3A_1458 = arith.constant 16 : index
        %swap3A_1459 = tpu.vector_load %arg8[%swap3A_1456, %swap3A_1457, %swap3A_1458] {strides = array<i32>} : memref<8x104x64xf32, #tpu.memory_space<vmem>>, vector<1x1x16xf32>,
        %swap3A_1460 = vector.shape_cast %swap3A_1459 : vector<1x1x16xf32> to vector<16xf32>
        %swap3A_1461 = vector.shape_cast %mul3A_1452 : vector<16xf32> to vector<1x1x16xf32>
        tpu.vector_store %arg8[%swap3A_1456, %swap3A_1457, %swap3A_1458], %swap3A_1461 {strides = array<i32>} : memref<8x104x64xf32, #tpu.memory_space<vmem>>, vector<1x1x16xf32>,
        %add3A_1462 = arith.constant 3 : i32
        %add3A_1463 = arith.addi %mul3A_1183, %add3A_1462 : i32
        %get3A_1464 = arith.constant 4 : i32
        %get3A_1465 = arith.index_cast %get3A_1464 : i32 to index
        %get3A_1466 = arith.index_cast %add3A_1463 : i32 to index
        %get3A_1467 = arith.constant 32 : index
        %get3A_1468 = tpu.vector_load %arg8[%get3A_1465, %get3A_1466, %get3A_1467] {strides = array<i32>} : memref<8x104x64xf32, #tpu.memory_space<vmem>>, vector<1x1x16xf32>,
        %get3A_1469 = vector.shape_cast %get3A_1468 : vector<1x1x16xf32> to vector<16xf32>
        %mul3A_1470 = arith.constant 8.000000e+00 : f32
        %mul3A_1471 = vector.broadcast %mul3A_1470 : f32 to vector<16xf32>
        %mul3A_1472 = arith.mulf %get3A_1469, %mul3A_1471 : vector<16xf32>
        %add3A_1473 = arith.constant 3 : i32
        %add3A_1474 = arith.addi %mul3A_1183, %add3A_1473 : i32
        %swap3A_1475 = arith.constant 4 : i32
        %swap3A_1476 = arith.index_cast %swap3A_1475 : i32 to index
        %swap3A_1477 = arith.index_cast %add3A_1474 : i32 to index
        %swap3A_1478 = arith.constant 32 : index
        %swap3A_1479 = tpu.vector_load %arg8[%swap3A_1476, %swap3A_1477, %swap3A_1478] {strides = array<i32>} : memref<8x104x64xf32, #tpu.memory_space<vmem>>, vector<1x1x16xf32>,
        %swap3A_1480 = vector.shape_cast %swap3A_1479 : vector<1x1x16xf32> to vector<16xf32>
        %swap3A_1481 = vector.shape_cast %mul3A_1472 : vector<16xf32> to vector<1x1x16xf32>
        tpu.vector_store %arg8[%swap3A_1476, %swap3A_1477, %swap3A_1478], %swap3A_1481 {strides = array<i32>} : memref<8x104x64xf32, #tpu.memory_space<vmem>>, vector<1x1x16xf32>,
        %add3A_1482 = arith.constant 3 : i32
        %add3A_1483 = arith.addi %mul3A_1183, %add3A_1482 : i32
        %get3A_1484 = arith.constant 4 : i32
        %get3A_1485 = arith.index_cast %get3A_1484 : i32 to index
        %get3A_1486 = arith.index_cast %add3A_1483 : i32 to index
        %get3A_1487 = arith.constant 48 : index
        %get3A_1488 = tpu.vector_load %arg8[%get3A_1485, %get3A_1486, %get3A_1487] {strides = array<i32>} : memref<8x104x64xf32, #tpu.memory_space<vmem>>, vector<1x1x16xf32>,
        %get3A_1489 = vector.shape_cast %get3A_1488 : vector<1x1x16xf32> to vector<16xf32>
        %mul3A_1490 = arith.constant 8.000000e+00 : f32
        %mul3A_1491 = vector.broadcast %mul3A_1490 : f32 to vector<16xf32>
        %mul3A_1492 = arith.mulf %get3A_1489, %mul3A_1491 : vector<16xf32>
        %add3A_1493 = arith.constant 3 : i32
        %add3A_1494 = arith.addi %mul3A_1183, %add3A_1493 : i32
        %swap3A_1495 = arith.constant 4 : i32
        %swap3A_1496 = arith.index_cast %swap3A_1495 : i32 to index
        %swap3A_1497 = arith.index_cast %add3A_1494 : i32 to index
        %swap3A_1498 = arith.constant 48 : index
        %swap3A_1499 = tpu.vector_load %arg8[%swap3A_1496, %swap3A_1497, %swap3A_1498] {strides = array<i32>} : memref<8x104x64xf32, #tpu.memory_space<vmem>>, vector<1x1x16xf32>,
        %swap3A_1500 = vector.shape_cast %swap3A_1499 : vector<1x1x16xf32> to vector<16xf32>
        %swap3A_1501 = vector.shape_cast %mul3A_1492 : vector<16xf32> to vector<1x1x16xf32>
        tpu.vector_store %arg8[%swap3A_1496, %swap3A_1497, %swap3A_1498], %swap3A_1501 {strides = array<i32>} : memref<8x104x64xf32, #tpu.memory_space<vmem>>, vector<1x1x16xf32>,
      }
      %scan3A_681 = arith.constant 26 : i32
      %jit3A_682 = arith.constant 2 : i32
      %div3A_683 = arith.divsi %add3A_640, %jit3A_682 : i32
      %sign3A_684 = arith.constant 0 : i32
      %sign3A_685 = arith.cmpi sgt, %add3A_640, %sign3A_684 : i32
      %sign3A_686 = arith.extui %sign3A_685 : i1 to i32
      %sign3A_687 = arith.constant 0 : i32
      %sign3A_688 = arith.cmpi slt, %add3A_640, %sign3A_687 : i32
      %sign3A_689 = arith.extui %sign3A_688 : i1 to i32
      %sign3A_690 = arith.subi %sign3A_686, %sign3A_689 : i32
      %sign3A_691 = arith.constant 0 : i32
      %sign3A_692 = arith.cmpi sgt, %jit3A_682, %sign3A_691 : i32
      %sign3A_693 = arith.extui %sign3A_692 : i1 to i32
      %sign3A_694 = arith.constant 0 : i32
      %sign3A_695 = arith.cmpi slt, %jit3A_682, %sign3A_694 : i32
      %sign3A_696 = arith.extui %sign3A_695 : i1 to i32
      %sign3A_697 = arith.subi %sign3A_693, %sign3A_696 : i32
      %ne3A_698 = arith.cmpi ne, %sign3A_690, %sign3A_697 : i32
      %rem3A_699 = arith.remsi %add3A_640, %jit3A_682 : i32
      %ne3A_700 = arith.constant 0 : i32
      %ne3A_701 = arith.cmpi ne, %rem3A_699, %ne3A_700 : i32
      %and3A_702 = arith.andi %ne3A_698, %ne3A_701 : i1
      %sub3A_703 = arith.constant 1 : i32
      %sub3A_704 = arith.subi %div3A_683, %sub3A_703 : i32
      %select_n3A_705 = arith.select %and3A_702, %sub3A_704, %div3A_683 : i32
      %add3A_706 = arith.addi %mul3A_2, %select_n3A_705 : i32
      %mul3A_707 = arith.constant 200 : i32
      %mul3A_708 = arith.muli %add3A_706, %mul3A_707 : i32
      %add3A_709 = arith.constant 0 : i32
      %add3A_710 = arith.addi %mul3A_708, %add3A_709 : i32
      %dma_start3A_711 = arith.constant 4 : i32
      %dma_start3A_712 = arith.constant 0 : i32
      %dma_start3A_713 = arith.constant 0 : i32
      %dma_start3A_714 = tpu.memref_slice %arg8[%dma_start3A_711, %dma_start3A_712, %dma_start3A_713] : memref<8x104x64xf32, #tpu.memory_space<vmem>> -> memref<1x104x64xf32, #tpu.memory_space<vmem>>
      %dma_start3A_715 = tpu.memref_squeeze %dma_start3A_714 : memref<1x104x64xf32, #tpu.memory_space<vmem>> -> memref<104x64xf32, #tpu.memory_space<vmem>>
      %dma_start3A_716 = arith.constant 0 : i32
      %dma_start3A_717 = tpu.memref_slice %arg5[%add3A_710, %dma_start3A_716] : memref<819200x128xf32, #tpu.memory_space<hbm>> -> memref<104x64xf32, #tpu.memory_space<hbm>>
      %dma_start3A_718 = arith.constant 0 : i32
      %dma_start3A_719 = tpu.memref_slice %arg5[%add3A_710, %dma_start3A_718] : memref<819200x128xf32, #tpu.memory_space<hbm>> -> memref<104x64xf32, #tpu.memory_space<hbm>>
      %dma_start3A_720 = arith.constant 0 : i32
      %dma_start3A_721 = arith.constant 0 : i32
      %dma_start3A_722 = tpu.memref_slice %arg8[%dma_start3A_711, %dma_start3A_720, %dma_start3A_721] : memref<8x104x64xf32, #tpu.memory_space<vmem>> -> memref<1x104x64xf32, #tpu.memory_space<vmem>>
      %dma_start3A_723 = tpu.memref_squeeze %dma_start3A_722 : memref<1x104x64xf32, #tpu.memory_space<vmem>> -> memref<104x64xf32, #tpu.memory_space<vmem>>
      tpu.enqueue_dma source(%dma_start3A_723 : memref<104x64xf32, #tpu.memory_space<vmem>>) target(%dma_start3A_719 : memref<104x64xf32, #tpu.memory_space<hbm>>) target_semaphore(%arg21 : memref<!tpu.dma_semaphore, #tpu.memory_space<semaphore_mem>>)
      %sub3A_724 = arith.constant 1 : i32
      %sub3A_725 = arith.subi %add3A_640, %sub3A_724 : i32
      %jit3A_726 = arith.constant 2 : i32
      %div3A_727 = arith.divsi %sub3A_725, %jit3A_726 : i32
      %sign3A_728 = arith.constant 0 : i32
      %sign3A_729 = arith.cmpi sgt, %sub3A_725, %sign3A_728 : i32
      %sign3A_730 = arith.extui %sign3A_729 : i1 to i32
      %sign3A_731 = arith.constant 0 : i32
      %sign3A_732 = arith.cmpi slt, %sub3A_725, %sign3A_731 : i32
      %sign3A_733 = arith.extui %sign3A_732 : i1 to i32
      %sign3A_734 = arith.subi %sign3A_730, %sign3A_733 : i32
      %sign3A_735 = arith.constant 0 : i32
      %sign3A_736 = arith.cmpi sgt, %jit3A_726, %sign3A_735 : i32
      %sign3A_737 = arith.extui %sign3A_736 : i1 to i32
      %sign3A_738 = arith.constant 0 : i32
      %sign3A_739 = arith.cmpi slt, %jit3A_726, %sign3A_738 : i32
      %sign3A_740 = arith.extui %sign3A_739 : i1 to i32
      %sign3A_741 = arith.subi %sign3A_737, %sign3A_740 : i32
      %ne3A_742 = arith.cmpi ne, %sign3A_734, %sign3A_741 : i32
      %rem3A_743 = arith.remsi %sub3A_725, %jit3A_726 : i32
      %ne3A_744 = arith.constant 0 : i32
      %ne3A_745 = arith.cmpi ne, %rem3A_743, %ne3A_744 : i32
      %and3A_746 = arith.andi %ne3A_742, %ne3A_745 : i1
      %sub3A_747 = arith.constant 1 : i32
      %sub3A_748 = arith.subi %div3A_727, %sub3A_747 : i32
      %select_n3A_749 = arith.select %and3A_746, %sub3A_748, %div3A_727 : i32
      %add3A_750 = arith.addi %mul3A_2, %select_n3A_749 : i32
      %mul3A_751 = arith.constant 200 : i32
      %mul3A_752 = arith.muli %add3A_750, %mul3A_751 : i32
      %add3A_753 = arith.constant 104 : i32
      %add3A_754 = arith.addi %mul3A_752, %add3A_753 : i32
      %dma_wait3A_755 = arith.constant 3 : i32
      %dma_wait3A_756 = arith.constant 0 : i32
      %dma_wait3A_757 = arith.constant 0 : i32
      %dma_wait3A_758 = tpu.memref_slice %arg8[%dma_wait3A_755, %dma_wait3A_756, %dma_wait3A_757] : memref<8x104x64xf32, #tpu.memory_space<vmem>> -> memref<1x96x64xf32, #tpu.memory_space<vmem>>
      %dma_wait3A_759 = tpu.memref_squeeze %dma_wait3A_758 : memref<1x96x64xf32, #tpu.memory_space<vmem>> -> memref<96x64xf32, #tpu.memory_space<vmem>>
      %dma_wait3A_760 = arith.constant 0 : i32
      %dma_wait3A_761 = tpu.memref_slice %arg5[%add3A_754, %dma_wait3A_760] : memref<819200x128xf32, #tpu.memory_space<hbm>> -> memref<96x64xf32, #tpu.memory_space<hbm>>
      %dma_wait3A_762 = arith.constant 0 : i32
      %dma_wait3A_763 = tpu.memref_slice %arg5[%add3A_754, %dma_wait3A_762] : memref<819200x128xf32, #tpu.memory_space<hbm>> -> memref<96x64xf32, #tpu.memory_space<hbm>>
      %dma_wait3A_764 = arith.constant 0 : i32
      %dma_wait3A_765 = arith.constant 0 : i32
      %dma_wait3A_766 = tpu.memref_slice %arg8[%dma_wait3A_755, %dma_wait3A_764, %dma_wait3A_765] : memref<8x104x64xf32, #tpu.memory_space<vmem>> -> memref<1x96x64xf32, #tpu.memory_space<vmem>>
      %dma_wait3A_767 = tpu.memref_squeeze %dma_wait3A_766 : memref<1x96x64xf32, #tpu.memory_space<vmem>> -> memref<96x64xf32, #tpu.memory_space<vmem>>
      tpu.wait_dma2 semaphore(%arg20 : memref<!tpu.dma_semaphore, #tpu.memory_space<semaphore_mem>>) src(%dma_wait3A_767 : memref<96x64xf32, #tpu.memory_space<vmem>>) dst(%dma_wait3A_763 : memref<96x64xf32, #tpu.memory_space<hbm>>)
      %lt3A_768 = arith.constant 31 : i32
      %lt3A_769 = arith.cmpi slt, %scan3A_109, %lt3A_768 : i32
      %convert_element_type3A_770 = arith.extui %lt3A_769 : i1 to i32
      %cond3A_771 = arith.constant 0 : i32
      %cond3A_772 = arith.cmpi ne, %convert_element_type3A_770, %cond3A_771 : i32
      scf.if %cond3A_772 {
        %add3A_1181 = arith.constant 8 : i32
        %add3A_1182 = arith.addi %add3A_640, %add3A_1181 : i32
        %sub3A_1183 = arith.constant 1 : i32
        %sub3A_1184 = arith.subi %add3A_1182, %sub3A_1183 : i32
        %jit3A_1185 = arith.constant 2 : i32
        %div3A_1186 = arith.divsi %sub3A_1184, %jit3A_1185 : i32
        %sign3A_1187 = arith.constant 0 : i32
        %sign3A_1188 = arith.cmpi sgt, %sub3A_1184, %sign3A_1187 : i32
        %sign3A_1189 = arith.extui %sign3A_1188 : i1 to i32
        %sign3A_1190 = arith.constant 0 : i32
        %sign3A_1191 = arith.cmpi slt, %sub3A_1184, %sign3A_1190 : i32
        %sign3A_1192 = arith.extui %sign3A_1191 : i1 to i32
        %sign3A_1193 = arith.subi %sign3A_1189, %sign3A_1192 : i32
        %sign3A_1194 = arith.constant 0 : i32
        %sign3A_1195 = arith.cmpi sgt, %jit3A_1185, %sign3A_1194 : i32
        %sign3A_1196 = arith.extui %sign3A_1195 : i1 to i32
        %sign3A_1197 = arith.constant 0 : i32
        %sign3A_1198 = arith.cmpi slt, %jit3A_1185, %sign3A_1197 : i32
        %sign3A_1199 = arith.extui %sign3A_1198 : i1 to i32
        %sign3A_1200 = arith.subi %sign3A_1196, %sign3A_1199 : i32
        %ne3A_1201 = arith.cmpi ne, %sign3A_1193, %sign3A_1200 : i32
        %rem3A_1202 = arith.remsi %sub3A_1184, %jit3A_1185 : i32
        %ne3A_1203 = arith.constant 0 : i32
        %ne3A_1204 = arith.cmpi ne, %rem3A_1202, %ne3A_1203 : i32
        %and3A_1205 = arith.andi %ne3A_1201, %ne3A_1204 : i1
        %sub3A_1206 = arith.constant 1 : i32
        %sub3A_1207 = arith.subi %div3A_1186, %sub3A_1206 : i32
        %select_n3A_1208 = arith.select %and3A_1205, %sub3A_1207, %div3A_1186 : i32
        %dma_start3A_1209 = arith.constant 3 : i32
        %dma_start3A_1210 = arith.constant 0 : i32
        %dma_start3A_1211 = arith.constant 0 : i32
        %dma_start3A_1212 = tpu.memref_slice %arg8[%dma_start3A_1209, %dma_start3A_1210, %dma_start3A_1211] : memref<8x104x64xf32, #tpu.memory_space<vmem>> -> memref<1x96x64xf32, #tpu.memory_space<vmem>>
        %dma_start3A_1213 = tpu.memref_squeeze %dma_start3A_1212 : memref<1x96x64xf32, #tpu.memory_space<vmem>> -> memref<96x64xf32, #tpu.memory_space<vmem>>
        %dma_start3A_1214 = arith.constant 0 : i32
        %dma_start3A_1215 = tpu.memref_slice %arg7[%select_n3A_1208, %dma_start3A_1214] : memref<128x96xi32, #tpu.memory_space<vmem>> -> memref<1x96xi32, #tpu.memory_space<vmem>>
        %dma_start3A_1216 = tpu.memref_squeeze %dma_start3A_1215 : memref<1x96xi32, #tpu.memory_space<vmem>> -> memref<96xi32, #tpu.memory_space<vmem>>
        %dma_start3A_1217 = arith.constant 0 : i32
        %dma_start3A_1218 = arith.constant 0 : i32
        %dma_start3A_1219 = tpu.memref_slice %arg2[%dma_start3A_1217, %dma_start3A_1218] : memref<100000x64xf32, #tpu.memory_space<hbm>> -> memref<100000x64xf32, #tpu.memory_space<hbm>>
        tpu.enqueue_indirect_dma source(%dma_start3A_1219 : memref<100000x64xf32, #tpu.memory_space<hbm>>) target(%dma_start3A_1213 : memref<96x64xf32, #tpu.memory_space<vmem>>) offsets(%dma_start3A_1216 : memref<96xi32, #tpu.memory_space<vmem>>) semaphore(%arg12 : memref<!tpu.dma_semaphore, #tpu.memory_space<semaphore_mem>>)
      } else {
      }
      %mul3A_773 = arith.constant 8 : i32
      %mul3A_774 = arith.muli %mul3A_773, %scan3A_109 : i32
      %add3A_775 = arith.constant 5 : i32
      %add3A_776 = arith.addi %mul3A_774, %add3A_775 : i32
      %jit3A_777 = arith.constant 2 : i32
      %div3A_778 = arith.divsi %add3A_776, %jit3A_777 : i32
      %sign3A_779 = arith.constant 0 : i32
      %sign3A_780 = arith.cmpi sgt, %add3A_776, %sign3A_779 : i32
      %sign3A_781 = arith.extui %sign3A_780 : i1 to i32
      %sign3A_782 = arith.constant 0 : i32
      %sign3A_783 = arith.cmpi slt, %add3A_776, %sign3A_782 : i32
      %sign3A_784 = arith.extui %sign3A_783 : i1 to i32
      %sign3A_785 = arith.subi %sign3A_781, %sign3A_784 : i32
      %sign3A_786 = arith.constant 0 : i32
      %sign3A_787 = arith.cmpi sgt, %jit3A_777, %sign3A_786 : i32
      %sign3A_788 = arith.extui %sign3A_787 : i1 to i32
      %sign3A_789 = arith.constant 0 : i32
      %sign3A_790 = arith.cmpi slt, %jit3A_777, %sign3A_789 : i32
      %sign3A_791 = arith.extui %sign3A_790 : i1 to i32
      %sign3A_792 = arith.subi %sign3A_788, %sign3A_791 : i32
      %ne3A_793 = arith.cmpi ne, %sign3A_785, %sign3A_792 : i32
      %rem3A_794 = arith.remsi %add3A_776, %jit3A_777 : i32
      %ne3A_795 = arith.constant 0 : i32
      %ne3A_796 = arith.cmpi ne, %rem3A_794, %ne3A_795 : i32
      %and3A_797 = arith.andi %ne3A_793, %ne3A_796 : i1
      %sub3A_798 = arith.constant 1 : i32
      %sub3A_799 = arith.subi %div3A_778, %sub3A_798 : i32
      %select_n3A_800 = arith.select %and3A_797, %sub3A_799, %div3A_778 : i32
      %dma_wait3A_801 = arith.constant 5 : i32
      %dma_wait3A_802 = arith.constant 0 : i32
      %dma_wait3A_803 = arith.constant 0 : i32
      %dma_wait3A_804 = tpu.memref_slice %arg8[%dma_wait3A_801, %dma_wait3A_802, %dma_wait3A_803] : memref<8x104x64xf32, #tpu.memory_space<vmem>> -> memref<1x96x64xf32, #tpu.memory_space<vmem>>
      %dma_wait3A_805 = tpu.memref_squeeze %dma_wait3A_804 : memref<1x96x64xf32, #tpu.memory_space<vmem>> -> memref<96x64xf32, #tpu.memory_space<vmem>>
      %dma_wait3A_806 = arith.constant 0 : i32
      %dma_wait3A_807 = tpu.memref_slice %arg7[%select_n3A_800, %dma_wait3A_806] : memref<128x96xi32, #tpu.memory_space<vmem>> -> memref<1x96xi32, #tpu.memory_space<vmem>>
      %dma_wait3A_808 = tpu.memref_squeeze %dma_wait3A_807 : memref<1x96xi32, #tpu.memory_space<vmem>> -> memref<96xi32, #tpu.memory_space<vmem>>
      %dma_wait3A_809 = arith.constant 0 : i32
      %dma_wait3A_810 = arith.constant 0 : i32
      %dma_wait3A_811 = tpu.memref_slice %arg2[%dma_wait3A_809, %dma_wait3A_810] : memref<100000x64xf32, #tpu.memory_space<hbm>> -> memref<100000x64xf32, #tpu.memory_space<hbm>>
      tpu.wait_indirect_dma semaphore(%arg14 : memref<!tpu.dma_semaphore, #tpu.memory_space<semaphore_mem>>) src(%dma_wait3A_811 : memref<100000x64xf32, #tpu.memory_space<hbm>>) dst(%dma_wait3A_805 : memref<96x64xf32, #tpu.memory_space<vmem>>)
      %scan3A_812 = arith.constant 0 : i32
      %scan3A_813 = arith.constant 0 : i32
      %scan3A_814 = arith.constant 24 : i32
      %scan3A_815 = arith.addi %scan3A_813, %scan3A_814 : i32
      %scan3A_816 = arith.constant 1 : i32
      scf.for %scan3A_1181 = %scan3A_813 to %scan3A_815 step %scan3A_816  : i32 {
        %mul3A_1182 = arith.constant 4 : i32
        %mul3A_1183 = arith.muli %mul3A_1182, %scan3A_1181 : i32
        %add3A_1184 = arith.constant 0 : i32
        %add3A_1185 = arith.addi %mul3A_1183, %add3A_1184 : i32
        %get3A = arith.constant 5 : i32
        %get3A_1186 = arith.index_cast %get3A : i32 to index
        %get3A_1187 = arith.index_cast %add3A_1185 : i32 to index
        %get3A_1188 = arith.constant 0 : index
        %get3A_1189 = tpu.vector_load %arg8[%get3A_1186, %get3A_1187, %get3A_1188] {strides = array<i32>} : memref<8x104x64xf32, #tpu.memory_space<vmem>>, vector<1x1x16xf32>,
        %get3A_1190 = vector.shape_cast %get3A_1189 : vector<1x1x16xf32> to vector<16xf32>
        %mul3A_1191 = arith.constant 8.000000e+00 : f32
        %mul3A_1192 = vector.broadcast %mul3A_1191 : f32 to vector<16xf32>
        %mul3A_1193 = arith.mulf %get3A_1190, %mul3A_1192 : vector<16xf32>
        %add3A_1194 = arith.constant 0 : i32
        %add3A_1195 = arith.addi %mul3A_1183, %add3A_1194 : i32
        %swap3A = arith.constant 5 : i32
        %swap3A_1196 = arith.index_cast %swap3A : i32 to index
        %swap3A_1197 = arith.index_cast %add3A_1195 : i32 to index
        %swap3A_1198 = arith.constant 0 : index
        %swap3A_1199 = tpu.vector_load %arg8[%swap3A_1196, %swap3A_1197, %swap3A_1198] {strides = array<i32>} : memref<8x104x64xf32, #tpu.memory_space<vmem>>, vector<1x1x16xf32>,
        %swap3A_1200 = vector.shape_cast %swap3A_1199 : vector<1x1x16xf32> to vector<16xf32>
        %swap3A_1201 = vector.shape_cast %mul3A_1193 : vector<16xf32> to vector<1x1x16xf32>
        tpu.vector_store %arg8[%swap3A_1196, %swap3A_1197, %swap3A_1198], %swap3A_1201 {strides = array<i32>} : memref<8x104x64xf32, #tpu.memory_space<vmem>>, vector<1x1x16xf32>,
        %add3A_1202 = arith.constant 0 : i32
        %add3A_1203 = arith.addi %mul3A_1183, %add3A_1202 : i32
        %get3A_1204 = arith.constant 5 : i32
        %get3A_1205 = arith.index_cast %get3A_1204 : i32 to index
        %get3A_1206 = arith.index_cast %add3A_1203 : i32 to index
        %get3A_1207 = arith.constant 16 : index
        %get3A_1208 = tpu.vector_load %arg8[%get3A_1205, %get3A_1206, %get3A_1207] {strides = array<i32>} : memref<8x104x64xf32, #tpu.memory_space<vmem>>, vector<1x1x16xf32>,
        %get3A_1209 = vector.shape_cast %get3A_1208 : vector<1x1x16xf32> to vector<16xf32>
        %mul3A_1210 = arith.constant 8.000000e+00 : f32
        %mul3A_1211 = vector.broadcast %mul3A_1210 : f32 to vector<16xf32>
        %mul3A_1212 = arith.mulf %get3A_1209, %mul3A_1211 : vector<16xf32>
        %add3A_1213 = arith.constant 0 : i32
        %add3A_1214 = arith.addi %mul3A_1183, %add3A_1213 : i32
        %swap3A_1215 = arith.constant 5 : i32
        %swap3A_1216 = arith.index_cast %swap3A_1215 : i32 to index
        %swap3A_1217 = arith.index_cast %add3A_1214 : i32 to index
        %swap3A_1218 = arith.constant 16 : index
        %swap3A_1219 = tpu.vector_load %arg8[%swap3A_1216, %swap3A_1217, %swap3A_1218] {strides = array<i32>} : memref<8x104x64xf32, #tpu.memory_space<vmem>>, vector<1x1x16xf32>,
        %swap3A_1220 = vector.shape_cast %swap3A_1219 : vector<1x1x16xf32> to vector<16xf32>
        %swap3A_1221 = vector.shape_cast %mul3A_1212 : vector<16xf32> to vector<1x1x16xf32>
        tpu.vector_store %arg8[%swap3A_1216, %swap3A_1217, %swap3A_1218], %swap3A_1221 {strides = array<i32>} : memref<8x104x64xf32, #tpu.memory_space<vmem>>, vector<1x1x16xf32>,
        %add3A_1222 = arith.constant 0 : i32
        %add3A_1223 = arith.addi %mul3A_1183, %add3A_1222 : i32
        %get3A_1224 = arith.constant 5 : i32
        %get3A_1225 = arith.index_cast %get3A_1224 : i32 to index
        %get3A_1226 = arith.index_cast %add3A_1223 : i32 to index
        %get3A_1227 = arith.constant 32 : index
        %get3A_1228 = tpu.vector_load %arg8[%get3A_1225, %get3A_1226, %get3A_1227] {strides = array<i32>} : memref<8x104x64xf32, #tpu.memory_space<vmem>>, vector<1x1x16xf32>,
        %get3A_1229 = vector.shape_cast %get3A_1228 : vector<1x1x16xf32> to vector<16xf32>
        %mul3A_1230 = arith.constant 8.000000e+00 : f32
        %mul3A_1231 = vector.broadcast %mul3A_1230 : f32 to vector<16xf32>
        %mul3A_1232 = arith.mulf %get3A_1229, %mul3A_1231 : vector<16xf32>
        %add3A_1233 = arith.constant 0 : i32
        %add3A_1234 = arith.addi %mul3A_1183, %add3A_1233 : i32
        %swap3A_1235 = arith.constant 5 : i32
        %swap3A_1236 = arith.index_cast %swap3A_1235 : i32 to index
        %swap3A_1237 = arith.index_cast %add3A_1234 : i32 to index
        %swap3A_1238 = arith.constant 32 : index
        %swap3A_1239 = tpu.vector_load %arg8[%swap3A_1236, %swap3A_1237, %swap3A_1238] {strides = array<i32>} : memref<8x104x64xf32, #tpu.memory_space<vmem>>, vector<1x1x16xf32>,
        %swap3A_1240 = vector.shape_cast %swap3A_1239 : vector<1x1x16xf32> to vector<16xf32>
        %swap3A_1241 = vector.shape_cast %mul3A_1232 : vector<16xf32> to vector<1x1x16xf32>
        tpu.vector_store %arg8[%swap3A_1236, %swap3A_1237, %swap3A_1238], %swap3A_1241 {strides = array<i32>} : memref<8x104x64xf32, #tpu.memory_space<vmem>>, vector<1x1x16xf32>,
        %add3A_1242 = arith.constant 0 : i32
        %add3A_1243 = arith.addi %mul3A_1183, %add3A_1242 : i32
        %get3A_1244 = arith.constant 5 : i32
        %get3A_1245 = arith.index_cast %get3A_1244 : i32 to index
        %get3A_1246 = arith.index_cast %add3A_1243 : i32 to index
        %get3A_1247 = arith.constant 48 : index
        %get3A_1248 = tpu.vector_load %arg8[%get3A_1245, %get3A_1246, %get3A_1247] {strides = array<i32>} : memref<8x104x64xf32, #tpu.memory_space<vmem>>, vector<1x1x16xf32>,
        %get3A_1249 = vector.shape_cast %get3A_1248 : vector<1x1x16xf32> to vector<16xf32>
        %mul3A_1250 = arith.constant 8.000000e+00 : f32
        %mul3A_1251 = vector.broadcast %mul3A_1250 : f32 to vector<16xf32>
        %mul3A_1252 = arith.mulf %get3A_1249, %mul3A_1251 : vector<16xf32>
        %add3A_1253 = arith.constant 0 : i32
        %add3A_1254 = arith.addi %mul3A_1183, %add3A_1253 : i32
        %swap3A_1255 = arith.constant 5 : i32
        %swap3A_1256 = arith.index_cast %swap3A_1255 : i32 to index
        %swap3A_1257 = arith.index_cast %add3A_1254 : i32 to index
        %swap3A_1258 = arith.constant 48 : index
        %swap3A_1259 = tpu.vector_load %arg8[%swap3A_1256, %swap3A_1257, %swap3A_1258] {strides = array<i32>} : memref<8x104x64xf32, #tpu.memory_space<vmem>>, vector<1x1x16xf32>,
        %swap3A_1260 = vector.shape_cast %swap3A_1259 : vector<1x1x16xf32> to vector<16xf32>
        %swap3A_1261 = vector.shape_cast %mul3A_1252 : vector<16xf32> to vector<1x1x16xf32>
        tpu.vector_store %arg8[%swap3A_1256, %swap3A_1257, %swap3A_1258], %swap3A_1261 {strides = array<i32>} : memref<8x104x64xf32, #tpu.memory_space<vmem>>, vector<1x1x16xf32>,
        %add3A_1262 = arith.constant 1 : i32
        %add3A_1263 = arith.addi %mul3A_1183, %add3A_1262 : i32
        %get3A_1264 = arith.constant 5 : i32
        %get3A_1265 = arith.index_cast %get3A_1264 : i32 to index
        %get3A_1266 = arith.index_cast %add3A_1263 : i32 to index
        %get3A_1267 = arith.constant 0 : index
        %get3A_1268 = tpu.vector_load %arg8[%get3A_1265, %get3A_1266, %get3A_1267] {strides = array<i32>} : memref<8x104x64xf32, #tpu.memory_space<vmem>>, vector<1x1x16xf32>,
        %get3A_1269 = vector.shape_cast %get3A_1268 : vector<1x1x16xf32> to vector<16xf32>
        %mul3A_1270 = arith.constant 8.000000e+00 : f32
        %mul3A_1271 = vector.broadcast %mul3A_1270 : f32 to vector<16xf32>
        %mul3A_1272 = arith.mulf %get3A_1269, %mul3A_1271 : vector<16xf32>
        %add3A_1273 = arith.constant 1 : i32
        %add3A_1274 = arith.addi %mul3A_1183, %add3A_1273 : i32
        %swap3A_1275 = arith.constant 5 : i32
        %swap3A_1276 = arith.index_cast %swap3A_1275 : i32 to index
        %swap3A_1277 = arith.index_cast %add3A_1274 : i32 to index
        %swap3A_1278 = arith.constant 0 : index
        %swap3A_1279 = tpu.vector_load %arg8[%swap3A_1276, %swap3A_1277, %swap3A_1278] {strides = array<i32>} : memref<8x104x64xf32, #tpu.memory_space<vmem>>, vector<1x1x16xf32>,
        %swap3A_1280 = vector.shape_cast %swap3A_1279 : vector<1x1x16xf32> to vector<16xf32>
        %swap3A_1281 = vector.shape_cast %mul3A_1272 : vector<16xf32> to vector<1x1x16xf32>
        tpu.vector_store %arg8[%swap3A_1276, %swap3A_1277, %swap3A_1278], %swap3A_1281 {strides = array<i32>} : memref<8x104x64xf32, #tpu.memory_space<vmem>>, vector<1x1x16xf32>,
        %add3A_1282 = arith.constant 1 : i32
        %add3A_1283 = arith.addi %mul3A_1183, %add3A_1282 : i32
        %get3A_1284 = arith.constant 5 : i32
        %get3A_1285 = arith.index_cast %get3A_1284 : i32 to index
        %get3A_1286 = arith.index_cast %add3A_1283 : i32 to index
        %get3A_1287 = arith.constant 16 : index
        %get3A_1288 = tpu.vector_load %arg8[%get3A_1285, %get3A_1286, %get3A_1287] {strides = array<i32>} : memref<8x104x64xf32, #tpu.memory_space<vmem>>, vector<1x1x16xf32>,
        %get3A_1289 = vector.shape_cast %get3A_1288 : vector<1x1x16xf32> to vector<16xf32>
        %mul3A_1290 = arith.constant 8.000000e+00 : f32
        %mul3A_1291 = vector.broadcast %mul3A_1290 : f32 to vector<16xf32>
        %mul3A_1292 = arith.mulf %get3A_1289, %mul3A_1291 : vector<16xf32>
        %add3A_1293 = arith.constant 1 : i32
        %add3A_1294 = arith.addi %mul3A_1183, %add3A_1293 : i32
        %swap3A_1295 = arith.constant 5 : i32
        %swap3A_1296 = arith.index_cast %swap3A_1295 : i32 to index
        %swap3A_1297 = arith.index_cast %add3A_1294 : i32 to index
        %swap3A_1298 = arith.constant 16 : index
        %swap3A_1299 = tpu.vector_load %arg8[%swap3A_1296, %swap3A_1297, %swap3A_1298] {strides = array<i32>} : memref<8x104x64xf32, #tpu.memory_space<vmem>>, vector<1x1x16xf32>,
        %swap3A_1300 = vector.shape_cast %swap3A_1299 : vector<1x1x16xf32> to vector<16xf32>
        %swap3A_1301 = vector.shape_cast %mul3A_1292 : vector<16xf32> to vector<1x1x16xf32>
        tpu.vector_store %arg8[%swap3A_1296, %swap3A_1297, %swap3A_1298], %swap3A_1301 {strides = array<i32>} : memref<8x104x64xf32, #tpu.memory_space<vmem>>, vector<1x1x16xf32>,
        %add3A_1302 = arith.constant 1 : i32
        %add3A_1303 = arith.addi %mul3A_1183, %add3A_1302 : i32
        %get3A_1304 = arith.constant 5 : i32
        %get3A_1305 = arith.index_cast %get3A_1304 : i32 to index
        %get3A_1306 = arith.index_cast %add3A_1303 : i32 to index
        %get3A_1307 = arith.constant 32 : index
        %get3A_1308 = tpu.vector_load %arg8[%get3A_1305, %get3A_1306, %get3A_1307] {strides = array<i32>} : memref<8x104x64xf32, #tpu.memory_space<vmem>>, vector<1x1x16xf32>,
        %get3A_1309 = vector.shape_cast %get3A_1308 : vector<1x1x16xf32> to vector<16xf32>
        %mul3A_1310 = arith.constant 8.000000e+00 : f32
        %mul3A_1311 = vector.broadcast %mul3A_1310 : f32 to vector<16xf32>
        %mul3A_1312 = arith.mulf %get3A_1309, %mul3A_1311 : vector<16xf32>
        %add3A_1313 = arith.constant 1 : i32
        %add3A_1314 = arith.addi %mul3A_1183, %add3A_1313 : i32
        %swap3A_1315 = arith.constant 5 : i32
        %swap3A_1316 = arith.index_cast %swap3A_1315 : i32 to index
        %swap3A_1317 = arith.index_cast %add3A_1314 : i32 to index
        %swap3A_1318 = arith.constant 32 : index
        %swap3A_1319 = tpu.vector_load %arg8[%swap3A_1316, %swap3A_1317, %swap3A_1318] {strides = array<i32>} : memref<8x104x64xf32, #tpu.memory_space<vmem>>, vector<1x1x16xf32>,
        %swap3A_1320 = vector.shape_cast %swap3A_1319 : vector<1x1x16xf32> to vector<16xf32>
        %swap3A_1321 = vector.shape_cast %mul3A_1312 : vector<16xf32> to vector<1x1x16xf32>
        tpu.vector_store %arg8[%swap3A_1316, %swap3A_1317, %swap3A_1318], %swap3A_1321 {strides = array<i32>} : memref<8x104x64xf32, #tpu.memory_space<vmem>>, vector<1x1x16xf32>,
        %add3A_1322 = arith.constant 1 : i32
        %add3A_1323 = arith.addi %mul3A_1183, %add3A_1322 : i32
        %get3A_1324 = arith.constant 5 : i32
        %get3A_1325 = arith.index_cast %get3A_1324 : i32 to index
        %get3A_1326 = arith.index_cast %add3A_1323 : i32 to index
        %get3A_1327 = arith.constant 48 : index
        %get3A_1328 = tpu.vector_load %arg8[%get3A_1325, %get3A_1326, %get3A_1327] {strides = array<i32>} : memref<8x104x64xf32, #tpu.memory_space<vmem>>, vector<1x1x16xf32>,
        %get3A_1329 = vector.shape_cast %get3A_1328 : vector<1x1x16xf32> to vector<16xf32>
        %mul3A_1330 = arith.constant 8.000000e+00 : f32
        %mul3A_1331 = vector.broadcast %mul3A_1330 : f32 to vector<16xf32>
        %mul3A_1332 = arith.mulf %get3A_1329, %mul3A_1331 : vector<16xf32>
        %add3A_1333 = arith.constant 1 : i32
        %add3A_1334 = arith.addi %mul3A_1183, %add3A_1333 : i32
        %swap3A_1335 = arith.constant 5 : i32
        %swap3A_1336 = arith.index_cast %swap3A_1335 : i32 to index
        %swap3A_1337 = arith.index_cast %add3A_1334 : i32 to index
        %swap3A_1338 = arith.constant 48 : index
        %swap3A_1339 = tpu.vector_load %arg8[%swap3A_1336, %swap3A_1337, %swap3A_1338] {strides = array<i32>} : memref<8x104x64xf32, #tpu.memory_space<vmem>>, vector<1x1x16xf32>,
        %swap3A_1340 = vector.shape_cast %swap3A_1339 : vector<1x1x16xf32> to vector<16xf32>
        %swap3A_1341 = vector.shape_cast %mul3A_1332 : vector<16xf32> to vector<1x1x16xf32>
        tpu.vector_store %arg8[%swap3A_1336, %swap3A_1337, %swap3A_1338], %swap3A_1341 {strides = array<i32>} : memref<8x104x64xf32, #tpu.memory_space<vmem>>, vector<1x1x16xf32>,
        %add3A_1342 = arith.constant 2 : i32
        %add3A_1343 = arith.addi %mul3A_1183, %add3A_1342 : i32
        %get3A_1344 = arith.constant 5 : i32
        %get3A_1345 = arith.index_cast %get3A_1344 : i32 to index
        %get3A_1346 = arith.index_cast %add3A_1343 : i32 to index
        %get3A_1347 = arith.constant 0 : index
        %get3A_1348 = tpu.vector_load %arg8[%get3A_1345, %get3A_1346, %get3A_1347] {strides = array<i32>} : memref<8x104x64xf32, #tpu.memory_space<vmem>>, vector<1x1x16xf32>,
        %get3A_1349 = vector.shape_cast %get3A_1348 : vector<1x1x16xf32> to vector<16xf32>
        %mul3A_1350 = arith.constant 8.000000e+00 : f32
        %mul3A_1351 = vector.broadcast %mul3A_1350 : f32 to vector<16xf32>
        %mul3A_1352 = arith.mulf %get3A_1349, %mul3A_1351 : vector<16xf32>
        %add3A_1353 = arith.constant 2 : i32
        %add3A_1354 = arith.addi %mul3A_1183, %add3A_1353 : i32
        %swap3A_1355 = arith.constant 5 : i32
        %swap3A_1356 = arith.index_cast %swap3A_1355 : i32 to index
        %swap3A_1357 = arith.index_cast %add3A_1354 : i32 to index
        %swap3A_1358 = arith.constant 0 : index
        %swap3A_1359 = tpu.vector_load %arg8[%swap3A_1356, %swap3A_1357, %swap3A_1358] {strides = array<i32>} : memref<8x104x64xf32, #tpu.memory_space<vmem>>, vector<1x1x16xf32>,
        %swap3A_1360 = vector.shape_cast %swap3A_1359 : vector<1x1x16xf32> to vector<16xf32>
        %swap3A_1361 = vector.shape_cast %mul3A_1352 : vector<16xf32> to vector<1x1x16xf32>
        tpu.vector_store %arg8[%swap3A_1356, %swap3A_1357, %swap3A_1358], %swap3A_1361 {strides = array<i32>} : memref<8x104x64xf32, #tpu.memory_space<vmem>>, vector<1x1x16xf32>,
        %add3A_1362 = arith.constant 2 : i32
        %add3A_1363 = arith.addi %mul3A_1183, %add3A_1362 : i32
        %get3A_1364 = arith.constant 5 : i32
        %get3A_1365 = arith.index_cast %get3A_1364 : i32 to index
        %get3A_1366 = arith.index_cast %add3A_1363 : i32 to index
        %get3A_1367 = arith.constant 16 : index
        %get3A_1368 = tpu.vector_load %arg8[%get3A_1365, %get3A_1366, %get3A_1367] {strides = array<i32>} : memref<8x104x64xf32, #tpu.memory_space<vmem>>, vector<1x1x16xf32>,
        %get3A_1369 = vector.shape_cast %get3A_1368 : vector<1x1x16xf32> to vector<16xf32>
        %mul3A_1370 = arith.constant 8.000000e+00 : f32
        %mul3A_1371 = vector.broadcast %mul3A_1370 : f32 to vector<16xf32>
        %mul3A_1372 = arith.mulf %get3A_1369, %mul3A_1371 : vector<16xf32>
        %add3A_1373 = arith.constant 2 : i32
        %add3A_1374 = arith.addi %mul3A_1183, %add3A_1373 : i32
        %swap3A_1375 = arith.constant 5 : i32
        %swap3A_1376 = arith.index_cast %swap3A_1375 : i32 to index
        %swap3A_1377 = arith.index_cast %add3A_1374 : i32 to index
        %swap3A_1378 = arith.constant 16 : index
        %swap3A_1379 = tpu.vector_load %arg8[%swap3A_1376, %swap3A_1377, %swap3A_1378] {strides = array<i32>} : memref<8x104x64xf32, #tpu.memory_space<vmem>>, vector<1x1x16xf32>,
        %swap3A_1380 = vector.shape_cast %swap3A_1379 : vector<1x1x16xf32> to vector<16xf32>
        %swap3A_1381 = vector.shape_cast %mul3A_1372 : vector<16xf32> to vector<1x1x16xf32>
        tpu.vector_store %arg8[%swap3A_1376, %swap3A_1377, %swap3A_1378], %swap3A_1381 {strides = array<i32>} : memref<8x104x64xf32, #tpu.memory_space<vmem>>, vector<1x1x16xf32>,
        %add3A_1382 = arith.constant 2 : i32
        %add3A_1383 = arith.addi %mul3A_1183, %add3A_1382 : i32
        %get3A_1384 = arith.constant 5 : i32
        %get3A_1385 = arith.index_cast %get3A_1384 : i32 to index
        %get3A_1386 = arith.index_cast %add3A_1383 : i32 to index
        %get3A_1387 = arith.constant 32 : index
        %get3A_1388 = tpu.vector_load %arg8[%get3A_1385, %get3A_1386, %get3A_1387] {strides = array<i32>} : memref<8x104x64xf32, #tpu.memory_space<vmem>>, vector<1x1x16xf32>,
        %get3A_1389 = vector.shape_cast %get3A_1388 : vector<1x1x16xf32> to vector<16xf32>
        %mul3A_1390 = arith.constant 8.000000e+00 : f32
        %mul3A_1391 = vector.broadcast %mul3A_1390 : f32 to vector<16xf32>
        %mul3A_1392 = arith.mulf %get3A_1389, %mul3A_1391 : vector<16xf32>
        %add3A_1393 = arith.constant 2 : i32
        %add3A_1394 = arith.addi %mul3A_1183, %add3A_1393 : i32
        %swap3A_1395 = arith.constant 5 : i32
        %swap3A_1396 = arith.index_cast %swap3A_1395 : i32 to index
        %swap3A_1397 = arith.index_cast %add3A_1394 : i32 to index
        %swap3A_1398 = arith.constant 32 : index
        %swap3A_1399 = tpu.vector_load %arg8[%swap3A_1396, %swap3A_1397, %swap3A_1398] {strides = array<i32>} : memref<8x104x64xf32, #tpu.memory_space<vmem>>, vector<1x1x16xf32>,
        %swap3A_1400 = vector.shape_cast %swap3A_1399 : vector<1x1x16xf32> to vector<16xf32>
        %swap3A_1401 = vector.shape_cast %mul3A_1392 : vector<16xf32> to vector<1x1x16xf32>
        tpu.vector_store %arg8[%swap3A_1396, %swap3A_1397, %swap3A_1398], %swap3A_1401 {strides = array<i32>} : memref<8x104x64xf32, #tpu.memory_space<vmem>>, vector<1x1x16xf32>,
        %add3A_1402 = arith.constant 2 : i32
        %add3A_1403 = arith.addi %mul3A_1183, %add3A_1402 : i32
        %get3A_1404 = arith.constant 5 : i32
        %get3A_1405 = arith.index_cast %get3A_1404 : i32 to index
        %get3A_1406 = arith.index_cast %add3A_1403 : i32 to index
        %get3A_1407 = arith.constant 48 : index
        %get3A_1408 = tpu.vector_load %arg8[%get3A_1405, %get3A_1406, %get3A_1407] {strides = array<i32>} : memref<8x104x64xf32, #tpu.memory_space<vmem>>, vector<1x1x16xf32>,
        %get3A_1409 = vector.shape_cast %get3A_1408 : vector<1x1x16xf32> to vector<16xf32>
        %mul3A_1410 = arith.constant 8.000000e+00 : f32
        %mul3A_1411 = vector.broadcast %mul3A_1410 : f32 to vector<16xf32>
        %mul3A_1412 = arith.mulf %get3A_1409, %mul3A_1411 : vector<16xf32>
        %add3A_1413 = arith.constant 2 : i32
        %add3A_1414 = arith.addi %mul3A_1183, %add3A_1413 : i32
        %swap3A_1415 = arith.constant 5 : i32
        %swap3A_1416 = arith.index_cast %swap3A_1415 : i32 to index
        %swap3A_1417 = arith.index_cast %add3A_1414 : i32 to index
        %swap3A_1418 = arith.constant 48 : index
        %swap3A_1419 = tpu.vector_load %arg8[%swap3A_1416, %swap3A_1417, %swap3A_1418] {strides = array<i32>} : memref<8x104x64xf32, #tpu.memory_space<vmem>>, vector<1x1x16xf32>,
        %swap3A_1420 = vector.shape_cast %swap3A_1419 : vector<1x1x16xf32> to vector<16xf32>
        %swap3A_1421 = vector.shape_cast %mul3A_1412 : vector<16xf32> to vector<1x1x16xf32>
        tpu.vector_store %arg8[%swap3A_1416, %swap3A_1417, %swap3A_1418], %swap3A_1421 {strides = array<i32>} : memref<8x104x64xf32, #tpu.memory_space<vmem>>, vector<1x1x16xf32>,
        %add3A_1422 = arith.constant 3 : i32
        %add3A_1423 = arith.addi %mul3A_1183, %add3A_1422 : i32
        %get3A_1424 = arith.constant 5 : i32
        %get3A_1425 = arith.index_cast %get3A_1424 : i32 to index
        %get3A_1426 = arith.index_cast %add3A_1423 : i32 to index
        %get3A_1427 = arith.constant 0 : index
        %get3A_1428 = tpu.vector_load %arg8[%get3A_1425, %get3A_1426, %get3A_1427] {strides = array<i32>} : memref<8x104x64xf32, #tpu.memory_space<vmem>>, vector<1x1x16xf32>,
        %get3A_1429 = vector.shape_cast %get3A_1428 : vector<1x1x16xf32> to vector<16xf32>
        %mul3A_1430 = arith.constant 8.000000e+00 : f32
        %mul3A_1431 = vector.broadcast %mul3A_1430 : f32 to vector<16xf32>
        %mul3A_1432 = arith.mulf %get3A_1429, %mul3A_1431 : vector<16xf32>
        %add3A_1433 = arith.constant 3 : i32
        %add3A_1434 = arith.addi %mul3A_1183, %add3A_1433 : i32
        %swap3A_1435 = arith.constant 5 : i32
        %swap3A_1436 = arith.index_cast %swap3A_1435 : i32 to index
        %swap3A_1437 = arith.index_cast %add3A_1434 : i32 to index
        %swap3A_1438 = arith.constant 0 : index
        %swap3A_1439 = tpu.vector_load %arg8[%swap3A_1436, %swap3A_1437, %swap3A_1438] {strides = array<i32>} : memref<8x104x64xf32, #tpu.memory_space<vmem>>, vector<1x1x16xf32>,
        %swap3A_1440 = vector.shape_cast %swap3A_1439 : vector<1x1x16xf32> to vector<16xf32>
        %swap3A_1441 = vector.shape_cast %mul3A_1432 : vector<16xf32> to vector<1x1x16xf32>
        tpu.vector_store %arg8[%swap3A_1436, %swap3A_1437, %swap3A_1438], %swap3A_1441 {strides = array<i32>} : memref<8x104x64xf32, #tpu.memory_space<vmem>>, vector<1x1x16xf32>,
        %add3A_1442 = arith.constant 3 : i32
        %add3A_1443 = arith.addi %mul3A_1183, %add3A_1442 : i32
        %get3A_1444 = arith.constant 5 : i32
        %get3A_1445 = arith.index_cast %get3A_1444 : i32 to index
        %get3A_1446 = arith.index_cast %add3A_1443 : i32 to index
        %get3A_1447 = arith.constant 16 : index
        %get3A_1448 = tpu.vector_load %arg8[%get3A_1445, %get3A_1446, %get3A_1447] {strides = array<i32>} : memref<8x104x64xf32, #tpu.memory_space<vmem>>, vector<1x1x16xf32>,
        %get3A_1449 = vector.shape_cast %get3A_1448 : vector<1x1x16xf32> to vector<16xf32>
        %mul3A_1450 = arith.constant 8.000000e+00 : f32
        %mul3A_1451 = vector.broadcast %mul3A_1450 : f32 to vector<16xf32>
        %mul3A_1452 = arith.mulf %get3A_1449, %mul3A_1451 : vector<16xf32>
        %add3A_1453 = arith.constant 3 : i32
        %add3A_1454 = arith.addi %mul3A_1183, %add3A_1453 : i32
        %swap3A_1455 = arith.constant 5 : i32
        %swap3A_1456 = arith.index_cast %swap3A_1455 : i32 to index
        %swap3A_1457 = arith.index_cast %add3A_1454 : i32 to index
        %swap3A_1458 = arith.constant 16 : index
        %swap3A_1459 = tpu.vector_load %arg8[%swap3A_1456, %swap3A_1457, %swap3A_1458] {strides = array<i32>} : memref<8x104x64xf32, #tpu.memory_space<vmem>>, vector<1x1x16xf32>,
        %swap3A_1460 = vector.shape_cast %swap3A_1459 : vector<1x1x16xf32> to vector<16xf32>
        %swap3A_1461 = vector.shape_cast %mul3A_1452 : vector<16xf32> to vector<1x1x16xf32>
        tpu.vector_store %arg8[%swap3A_1456, %swap3A_1457, %swap3A_1458], %swap3A_1461 {strides = array<i32>} : memref<8x104x64xf32, #tpu.memory_space<vmem>>, vector<1x1x16xf32>,
        %add3A_1462 = arith.constant 3 : i32
        %add3A_1463 = arith.addi %mul3A_1183, %add3A_1462 : i32
        %get3A_1464 = arith.constant 5 : i32
        %get3A_1465 = arith.index_cast %get3A_1464 : i32 to index
        %get3A_1466 = arith.index_cast %add3A_1463 : i32 to index
        %get3A_1467 = arith.constant 32 : index
        %get3A_1468 = tpu.vector_load %arg8[%get3A_1465, %get3A_1466, %get3A_1467] {strides = array<i32>} : memref<8x104x64xf32, #tpu.memory_space<vmem>>, vector<1x1x16xf32>,
        %get3A_1469 = vector.shape_cast %get3A_1468 : vector<1x1x16xf32> to vector<16xf32>
        %mul3A_1470 = arith.constant 8.000000e+00 : f32
        %mul3A_1471 = vector.broadcast %mul3A_1470 : f32 to vector<16xf32>
        %mul3A_1472 = arith.mulf %get3A_1469, %mul3A_1471 : vector<16xf32>
        %add3A_1473 = arith.constant 3 : i32
        %add3A_1474 = arith.addi %mul3A_1183, %add3A_1473 : i32
        %swap3A_1475 = arith.constant 5 : i32
        %swap3A_1476 = arith.index_cast %swap3A_1475 : i32 to index
        %swap3A_1477 = arith.index_cast %add3A_1474 : i32 to index
        %swap3A_1478 = arith.constant 32 : index
        %swap3A_1479 = tpu.vector_load %arg8[%swap3A_1476, %swap3A_1477, %swap3A_1478] {strides = array<i32>} : memref<8x104x64xf32, #tpu.memory_space<vmem>>, vector<1x1x16xf32>,
        %swap3A_1480 = vector.shape_cast %swap3A_1479 : vector<1x1x16xf32> to vector<16xf32>
        %swap3A_1481 = vector.shape_cast %mul3A_1472 : vector<16xf32> to vector<1x1x16xf32>
        tpu.vector_store %arg8[%swap3A_1476, %swap3A_1477, %swap3A_1478], %swap3A_1481 {strides = array<i32>} : memref<8x104x64xf32, #tpu.memory_space<vmem>>, vector<1x1x16xf32>,
        %add3A_1482 = arith.constant 3 : i32
        %add3A_1483 = arith.addi %mul3A_1183, %add3A_1482 : i32
        %get3A_1484 = arith.constant 5 : i32
        %get3A_1485 = arith.index_cast %get3A_1484 : i32 to index
        %get3A_1486 = arith.index_cast %add3A_1483 : i32 to index
        %get3A_1487 = arith.constant 48 : index
        %get3A_1488 = tpu.vector_load %arg8[%get3A_1485, %get3A_1486, %get3A_1487] {strides = array<i32>} : memref<8x104x64xf32, #tpu.memory_space<vmem>>, vector<1x1x16xf32>,
        %get3A_1489 = vector.shape_cast %get3A_1488 : vector<1x1x16xf32> to vector<16xf32>
        %mul3A_1490 = arith.constant 8.000000e+00 : f32
        %mul3A_1491 = vector.broadcast %mul3A_1490 : f32 to vector<16xf32>
        %mul3A_1492 = arith.mulf %get3A_1489, %mul3A_1491 : vector<16xf32>
        %add3A_1493 = arith.constant 3 : i32
        %add3A_1494 = arith.addi %mul3A_1183, %add3A_1493 : i32
        %swap3A_1495 = arith.constant 5 : i32
        %swap3A_1496 = arith.index_cast %swap3A_1495 : i32 to index
        %swap3A_1497 = arith.index_cast %add3A_1494 : i32 to index
        %swap3A_1498 = arith.constant 48 : index
        %swap3A_1499 = tpu.vector_load %arg8[%swap3A_1496, %swap3A_1497, %swap3A_1498] {strides = array<i32>} : memref<8x104x64xf32, #tpu.memory_space<vmem>>, vector<1x1x16xf32>,
        %swap3A_1500 = vector.shape_cast %swap3A_1499 : vector<1x1x16xf32> to vector<16xf32>
        %swap3A_1501 = vector.shape_cast %mul3A_1492 : vector<16xf32> to vector<1x1x16xf32>
        tpu.vector_store %arg8[%swap3A_1496, %swap3A_1497, %swap3A_1498], %swap3A_1501 {strides = array<i32>} : memref<8x104x64xf32, #tpu.memory_space<vmem>>, vector<1x1x16xf32>,
      }
      %scan3A_817 = arith.constant 24 : i32
      %jit3A_818 = arith.constant 2 : i32
      %div3A_819 = arith.divsi %add3A_776, %jit3A_818 : i32
      %sign3A_820 = arith.constant 0 : i32
      %sign3A_821 = arith.cmpi sgt, %add3A_776, %sign3A_820 : i32
      %sign3A_822 = arith.extui %sign3A_821 : i1 to i32
      %sign3A_823 = arith.constant 0 : i32
      %sign3A_824 = arith.cmpi slt, %add3A_776, %sign3A_823 : i32
      %sign3A_825 = arith.extui %sign3A_824 : i1 to i32
      %sign3A_826 = arith.subi %sign3A_822, %sign3A_825 : i32
      %sign3A_827 = arith.constant 0 : i32
      %sign3A_828 = arith.cmpi sgt, %jit3A_818, %sign3A_827 : i32
      %sign3A_829 = arith.extui %sign3A_828 : i1 to i32
      %sign3A_830 = arith.constant 0 : i32
      %sign3A_831 = arith.cmpi slt, %jit3A_818, %sign3A_830 : i32
      %sign3A_832 = arith.extui %sign3A_831 : i1 to i32
      %sign3A_833 = arith.subi %sign3A_829, %sign3A_832 : i32
      %ne3A_834 = arith.cmpi ne, %sign3A_826, %sign3A_833 : i32
      %rem3A_835 = arith.remsi %add3A_776, %jit3A_818 : i32
      %ne3A_836 = arith.constant 0 : i32
      %ne3A_837 = arith.cmpi ne, %rem3A_835, %ne3A_836 : i32
      %and3A_838 = arith.andi %ne3A_834, %ne3A_837 : i1
      %sub3A_839 = arith.constant 1 : i32
      %sub3A_840 = arith.subi %div3A_819, %sub3A_839 : i32
      %select_n3A_841 = arith.select %and3A_838, %sub3A_840, %div3A_819 : i32
      %add3A_842 = arith.addi %mul3A_2, %select_n3A_841 : i32
      %mul3A_843 = arith.constant 200 : i32
      %mul3A_844 = arith.muli %add3A_842, %mul3A_843 : i32
      %add3A_845 = arith.constant 104 : i32
      %add3A_846 = arith.addi %mul3A_844, %add3A_845 : i32
      %dma_start3A_847 = arith.constant 5 : i32
      %dma_start3A_848 = arith.constant 0 : i32
      %dma_start3A_849 = arith.constant 0 : i32
      %dma_start3A_850 = tpu.memref_slice %arg8[%dma_start3A_847, %dma_start3A_848, %dma_start3A_849] : memref<8x104x64xf32, #tpu.memory_space<vmem>> -> memref<1x96x64xf32, #tpu.memory_space<vmem>>
      %dma_start3A_851 = tpu.memref_squeeze %dma_start3A_850 : memref<1x96x64xf32, #tpu.memory_space<vmem>> -> memref<96x64xf32, #tpu.memory_space<vmem>>
      %dma_start3A_852 = arith.constant 0 : i32
      %dma_start3A_853 = tpu.memref_slice %arg5[%add3A_846, %dma_start3A_852] : memref<819200x128xf32, #tpu.memory_space<hbm>> -> memref<96x64xf32, #tpu.memory_space<hbm>>
      %dma_start3A_854 = arith.constant 0 : i32
      %dma_start3A_855 = tpu.memref_slice %arg5[%add3A_846, %dma_start3A_854] : memref<819200x128xf32, #tpu.memory_space<hbm>> -> memref<96x64xf32, #tpu.memory_space<hbm>>
      %dma_start3A_856 = arith.constant 0 : i32
      %dma_start3A_857 = arith.constant 0 : i32
      %dma_start3A_858 = tpu.memref_slice %arg8[%dma_start3A_847, %dma_start3A_856, %dma_start3A_857] : memref<8x104x64xf32, #tpu.memory_space<vmem>> -> memref<1x96x64xf32, #tpu.memory_space<vmem>>
      %dma_start3A_859 = tpu.memref_squeeze %dma_start3A_858 : memref<1x96x64xf32, #tpu.memory_space<vmem>> -> memref<96x64xf32, #tpu.memory_space<vmem>>
      tpu.enqueue_dma source(%dma_start3A_859 : memref<96x64xf32, #tpu.memory_space<vmem>>) target(%dma_start3A_855 : memref<96x64xf32, #tpu.memory_space<hbm>>) target_semaphore(%arg22 : memref<!tpu.dma_semaphore, #tpu.memory_space<semaphore_mem>>)
      %sub3A_860 = arith.constant 1 : i32
      %sub3A_861 = arith.subi %add3A_776, %sub3A_860 : i32
      %jit3A_862 = arith.constant 2 : i32
      %div3A_863 = arith.divsi %sub3A_861, %jit3A_862 : i32
      %sign3A_864 = arith.constant 0 : i32
      %sign3A_865 = arith.cmpi sgt, %sub3A_861, %sign3A_864 : i32
      %sign3A_866 = arith.extui %sign3A_865 : i1 to i32
      %sign3A_867 = arith.constant 0 : i32
      %sign3A_868 = arith.cmpi slt, %sub3A_861, %sign3A_867 : i32
      %sign3A_869 = arith.extui %sign3A_868 : i1 to i32
      %sign3A_870 = arith.subi %sign3A_866, %sign3A_869 : i32
      %sign3A_871 = arith.constant 0 : i32
      %sign3A_872 = arith.cmpi sgt, %jit3A_862, %sign3A_871 : i32
      %sign3A_873 = arith.extui %sign3A_872 : i1 to i32
      %sign3A_874 = arith.constant 0 : i32
      %sign3A_875 = arith.cmpi slt, %jit3A_862, %sign3A_874 : i32
      %sign3A_876 = arith.extui %sign3A_875 : i1 to i32
      %sign3A_877 = arith.subi %sign3A_873, %sign3A_876 : i32
      %ne3A_878 = arith.cmpi ne, %sign3A_870, %sign3A_877 : i32
      %rem3A_879 = arith.remsi %sub3A_861, %jit3A_862 : i32
      %ne3A_880 = arith.constant 0 : i32
      %ne3A_881 = arith.cmpi ne, %rem3A_879, %ne3A_880 : i32
      %and3A_882 = arith.andi %ne3A_878, %ne3A_881 : i1
      %sub3A_883 = arith.constant 1 : i32
      %sub3A_884 = arith.subi %div3A_863, %sub3A_883 : i32
      %select_n3A_885 = arith.select %and3A_882, %sub3A_884, %div3A_863 : i32
      %add3A_886 = arith.addi %mul3A_2, %select_n3A_885 : i32
      %mul3A_887 = arith.constant 200 : i32
      %mul3A_888 = arith.muli %add3A_886, %mul3A_887 : i32
      %add3A_889 = arith.constant 0 : i32
      %add3A_890 = arith.addi %mul3A_888, %add3A_889 : i32
      %dma_wait3A_891 = arith.constant 4 : i32
      %dma_wait3A_892 = arith.constant 0 : i32
      %dma_wait3A_893 = arith.constant 0 : i32
      %dma_wait3A_894 = tpu.memref_slice %arg8[%dma_wait3A_891, %dma_wait3A_892, %dma_wait3A_893] : memref<8x104x64xf32, #tpu.memory_space<vmem>> -> memref<1x104x64xf32, #tpu.memory_space<vmem>>
      %dma_wait3A_895 = tpu.memref_squeeze %dma_wait3A_894 : memref<1x104x64xf32, #tpu.memory_space<vmem>> -> memref<104x64xf32, #tpu.memory_space<vmem>>
      %dma_wait3A_896 = arith.constant 0 : i32
      %dma_wait3A_897 = tpu.memref_slice %arg5[%add3A_890, %dma_wait3A_896] : memref<819200x128xf32, #tpu.memory_space<hbm>> -> memref<104x64xf32, #tpu.memory_space<hbm>>
      %dma_wait3A_898 = arith.constant 0 : i32
      %dma_wait3A_899 = tpu.memref_slice %arg5[%add3A_890, %dma_wait3A_898] : memref<819200x128xf32, #tpu.memory_space<hbm>> -> memref<104x64xf32, #tpu.memory_space<hbm>>
      %dma_wait3A_900 = arith.constant 0 : i32
      %dma_wait3A_901 = arith.constant 0 : i32
      %dma_wait3A_902 = tpu.memref_slice %arg8[%dma_wait3A_891, %dma_wait3A_900, %dma_wait3A_901] : memref<8x104x64xf32, #tpu.memory_space<vmem>> -> memref<1x104x64xf32, #tpu.memory_space<vmem>>
      %dma_wait3A_903 = tpu.memref_squeeze %dma_wait3A_902 : memref<1x104x64xf32, #tpu.memory_space<vmem>> -> memref<104x64xf32, #tpu.memory_space<vmem>>
      tpu.wait_dma2 semaphore(%arg21 : memref<!tpu.dma_semaphore, #tpu.memory_space<semaphore_mem>>) src(%dma_wait3A_903 : memref<104x64xf32, #tpu.memory_space<vmem>>) dst(%dma_wait3A_899 : memref<104x64xf32, #tpu.memory_space<hbm>>)
      %lt3A_904 = arith.constant 31 : i32
      %lt3A_905 = arith.cmpi slt, %scan3A_109, %lt3A_904 : i32
      %convert_element_type3A_906 = arith.extui %lt3A_905 : i1 to i32
      %cond3A_907 = arith.constant 0 : i32
      %cond3A_908 = arith.cmpi ne, %convert_element_type3A_906, %cond3A_907 : i32
      scf.if %cond3A_908 {
        %add3A_1181 = arith.constant 8 : i32
        %add3A_1182 = arith.addi %add3A_776, %add3A_1181 : i32
        %sub3A_1183 = arith.constant 1 : i32
        %sub3A_1184 = arith.subi %add3A_1182, %sub3A_1183 : i32
        %jit3A_1185 = arith.constant 2 : i32
        %div3A_1186 = arith.divsi %sub3A_1184, %jit3A_1185 : i32
        %sign3A_1187 = arith.constant 0 : i32
        %sign3A_1188 = arith.cmpi sgt, %sub3A_1184, %sign3A_1187 : i32
        %sign3A_1189 = arith.extui %sign3A_1188 : i1 to i32
        %sign3A_1190 = arith.constant 0 : i32
        %sign3A_1191 = arith.cmpi slt, %sub3A_1184, %sign3A_1190 : i32
        %sign3A_1192 = arith.extui %sign3A_1191 : i1 to i32
        %sign3A_1193 = arith.subi %sign3A_1189, %sign3A_1192 : i32
        %sign3A_1194 = arith.constant 0 : i32
        %sign3A_1195 = arith.cmpi sgt, %jit3A_1185, %sign3A_1194 : i32
        %sign3A_1196 = arith.extui %sign3A_1195 : i1 to i32
        %sign3A_1197 = arith.constant 0 : i32
        %sign3A_1198 = arith.cmpi slt, %jit3A_1185, %sign3A_1197 : i32
        %sign3A_1199 = arith.extui %sign3A_1198 : i1 to i32
        %sign3A_1200 = arith.subi %sign3A_1196, %sign3A_1199 : i32
        %ne3A_1201 = arith.cmpi ne, %sign3A_1193, %sign3A_1200 : i32
        %rem3A_1202 = arith.remsi %sub3A_1184, %jit3A_1185 : i32
        %ne3A_1203 = arith.constant 0 : i32
        %ne3A_1204 = arith.cmpi ne, %rem3A_1202, %ne3A_1203 : i32
        %and3A_1205 = arith.andi %ne3A_1201, %ne3A_1204 : i1
        %sub3A_1206 = arith.constant 1 : i32
        %sub3A_1207 = arith.subi %div3A_1186, %sub3A_1206 : i32
        %select_n3A_1208 = arith.select %and3A_1205, %sub3A_1207, %div3A_1186 : i32
        %dma_start3A_1209 = arith.constant 4 : i32
        %dma_start3A_1210 = arith.constant 0 : i32
        %dma_start3A_1211 = arith.constant 0 : i32
        %dma_start3A_1212 = tpu.memref_slice %arg8[%dma_start3A_1209, %dma_start3A_1210, %dma_start3A_1211] : memref<8x104x64xf32, #tpu.memory_space<vmem>> -> memref<1x104x64xf32, #tpu.memory_space<vmem>>
        %dma_start3A_1213 = tpu.memref_squeeze %dma_start3A_1212 : memref<1x104x64xf32, #tpu.memory_space<vmem>> -> memref<104x64xf32, #tpu.memory_space<vmem>>
        %dma_start3A_1214 = arith.constant 0 : i32
        %dma_start3A_1215 = tpu.memref_slice %arg6[%select_n3A_1208, %dma_start3A_1214] : memref<128x104xi32, #tpu.memory_space<vmem>> -> memref<1x104xi32, #tpu.memory_space<vmem>>
        %dma_start3A_1216 = tpu.memref_squeeze %dma_start3A_1215 : memref<1x104xi32, #tpu.memory_space<vmem>> -> memref<104xi32, #tpu.memory_space<vmem>>
        %dma_start3A_1217 = arith.constant 0 : i32
        %dma_start3A_1218 = arith.constant 0 : i32
        %dma_start3A_1219 = tpu.memref_slice %arg2[%dma_start3A_1217, %dma_start3A_1218] : memref<100000x64xf32, #tpu.memory_space<hbm>> -> memref<100000x64xf32, #tpu.memory_space<hbm>>
        tpu.enqueue_indirect_dma source(%dma_start3A_1219 : memref<100000x64xf32, #tpu.memory_space<hbm>>) target(%dma_start3A_1213 : memref<104x64xf32, #tpu.memory_space<vmem>>) offsets(%dma_start3A_1216 : memref<104xi32, #tpu.memory_space<vmem>>) semaphore(%arg13 : memref<!tpu.dma_semaphore, #tpu.memory_space<semaphore_mem>>)
      } else {
      }
      %mul3A_909 = arith.constant 8 : i32
      %mul3A_910 = arith.muli %mul3A_909, %scan3A_109 : i32
      %add3A_911 = arith.constant 6 : i32
      %add3A_912 = arith.addi %mul3A_910, %add3A_911 : i32
      %jit3A_913 = arith.constant 2 : i32
      %div3A_914 = arith.divsi %add3A_912, %jit3A_913 : i32
      %sign3A_915 = arith.constant 0 : i32
      %sign3A_916 = arith.cmpi sgt, %add3A_912, %sign3A_915 : i32
      %sign3A_917 = arith.extui %sign3A_916 : i1 to i32
      %sign3A_918 = arith.constant 0 : i32
      %sign3A_919 = arith.cmpi slt, %add3A_912, %sign3A_918 : i32
      %sign3A_920 = arith.extui %sign3A_919 : i1 to i32
      %sign3A_921 = arith.subi %sign3A_917, %sign3A_920 : i32
      %sign3A_922 = arith.constant 0 : i32
      %sign3A_923 = arith.cmpi sgt, %jit3A_913, %sign3A_922 : i32
      %sign3A_924 = arith.extui %sign3A_923 : i1 to i32
      %sign3A_925 = arith.constant 0 : i32
      %sign3A_926 = arith.cmpi slt, %jit3A_913, %sign3A_925 : i32
      %sign3A_927 = arith.extui %sign3A_926 : i1 to i32
      %sign3A_928 = arith.subi %sign3A_924, %sign3A_927 : i32
      %ne3A_929 = arith.cmpi ne, %sign3A_921, %sign3A_928 : i32
      %rem3A_930 = arith.remsi %add3A_912, %jit3A_913 : i32
      %ne3A_931 = arith.constant 0 : i32
      %ne3A_932 = arith.cmpi ne, %rem3A_930, %ne3A_931 : i32
      %and3A_933 = arith.andi %ne3A_929, %ne3A_932 : i1
      %sub3A_934 = arith.constant 1 : i32
      %sub3A_935 = arith.subi %div3A_914, %sub3A_934 : i32
      %select_n3A_936 = arith.select %and3A_933, %sub3A_935, %div3A_914 : i32
      %dma_wait3A_937 = arith.constant 6 : i32
      %dma_wait3A_938 = arith.constant 0 : i32
      %dma_wait3A_939 = arith.constant 0 : i32
      %dma_wait3A_940 = tpu.memref_slice %arg8[%dma_wait3A_937, %dma_wait3A_938, %dma_wait3A_939] : memref<8x104x64xf32, #tpu.memory_space<vmem>> -> memref<1x104x64xf32, #tpu.memory_space<vmem>>
      %dma_wait3A_941 = tpu.memref_squeeze %dma_wait3A_940 : memref<1x104x64xf32, #tpu.memory_space<vmem>> -> memref<104x64xf32, #tpu.memory_space<vmem>>
      %dma_wait3A_942 = arith.constant 0 : i32
      %dma_wait3A_943 = tpu.memref_slice %arg6[%select_n3A_936, %dma_wait3A_942] : memref<128x104xi32, #tpu.memory_space<vmem>> -> memref<1x104xi32, #tpu.memory_space<vmem>>
      %dma_wait3A_944 = tpu.memref_squeeze %dma_wait3A_943 : memref<1x104xi32, #tpu.memory_space<vmem>> -> memref<104xi32, #tpu.memory_space<vmem>>
      %dma_wait3A_945 = arith.constant 0 : i32
      %dma_wait3A_946 = arith.constant 0 : i32
      %dma_wait3A_947 = tpu.memref_slice %arg2[%dma_wait3A_945, %dma_wait3A_946] : memref<100000x64xf32, #tpu.memory_space<hbm>> -> memref<100000x64xf32, #tpu.memory_space<hbm>>
      tpu.wait_indirect_dma semaphore(%arg15 : memref<!tpu.dma_semaphore, #tpu.memory_space<semaphore_mem>>) src(%dma_wait3A_947 : memref<100000x64xf32, #tpu.memory_space<hbm>>) dst(%dma_wait3A_941 : memref<104x64xf32, #tpu.memory_space<vmem>>)
      %scan3A_948 = arith.constant 0 : i32
      %scan3A_949 = arith.constant 0 : i32
      %scan3A_950 = arith.constant 26 : i32
      %scan3A_951 = arith.addi %scan3A_949, %scan3A_950 : i32
      %scan3A_952 = arith.constant 1 : i32
      scf.for %scan3A_1181 = %scan3A_949 to %scan3A_951 step %scan3A_952  : i32 {
        %mul3A_1182 = arith.constant 4 : i32
        %mul3A_1183 = arith.muli %mul3A_1182, %scan3A_1181 : i32
        %add3A_1184 = arith.constant 0 : i32
        %add3A_1185 = arith.addi %mul3A_1183, %add3A_1184 : i32
        %get3A = arith.constant 6 : i32
        %get3A_1186 = arith.index_cast %get3A : i32 to index
        %get3A_1187 = arith.index_cast %add3A_1185 : i32 to index
        %get3A_1188 = arith.constant 0 : index
        %get3A_1189 = tpu.vector_load %arg8[%get3A_1186, %get3A_1187, %get3A_1188] {strides = array<i32>} : memref<8x104x64xf32, #tpu.memory_space<vmem>>, vector<1x1x16xf32>,
        %get3A_1190 = vector.shape_cast %get3A_1189 : vector<1x1x16xf32> to vector<16xf32>
        %mul3A_1191 = arith.constant 8.000000e+00 : f32
        %mul3A_1192 = vector.broadcast %mul3A_1191 : f32 to vector<16xf32>
        %mul3A_1193 = arith.mulf %get3A_1190, %mul3A_1192 : vector<16xf32>
        %add3A_1194 = arith.constant 0 : i32
        %add3A_1195 = arith.addi %mul3A_1183, %add3A_1194 : i32
        %swap3A = arith.constant 6 : i32
        %swap3A_1196 = arith.index_cast %swap3A : i32 to index
        %swap3A_1197 = arith.index_cast %add3A_1195 : i32 to index
        %swap3A_1198 = arith.constant 0 : index
        %swap3A_1199 = tpu.vector_load %arg8[%swap3A_1196, %swap3A_1197, %swap3A_1198] {strides = array<i32>} : memref<8x104x64xf32, #tpu.memory_space<vmem>>, vector<1x1x16xf32>,
        %swap3A_1200 = vector.shape_cast %swap3A_1199 : vector<1x1x16xf32> to vector<16xf32>
        %swap3A_1201 = vector.shape_cast %mul3A_1193 : vector<16xf32> to vector<1x1x16xf32>
        tpu.vector_store %arg8[%swap3A_1196, %swap3A_1197, %swap3A_1198], %swap3A_1201 {strides = array<i32>} : memref<8x104x64xf32, #tpu.memory_space<vmem>>, vector<1x1x16xf32>,
        %add3A_1202 = arith.constant 0 : i32
        %add3A_1203 = arith.addi %mul3A_1183, %add3A_1202 : i32
        %get3A_1204 = arith.constant 6 : i32
        %get3A_1205 = arith.index_cast %get3A_1204 : i32 to index
        %get3A_1206 = arith.index_cast %add3A_1203 : i32 to index
        %get3A_1207 = arith.constant 16 : index
        %get3A_1208 = tpu.vector_load %arg8[%get3A_1205, %get3A_1206, %get3A_1207] {strides = array<i32>} : memref<8x104x64xf32, #tpu.memory_space<vmem>>, vector<1x1x16xf32>,
        %get3A_1209 = vector.shape_cast %get3A_1208 : vector<1x1x16xf32> to vector<16xf32>
        %mul3A_1210 = arith.constant 8.000000e+00 : f32
        %mul3A_1211 = vector.broadcast %mul3A_1210 : f32 to vector<16xf32>
        %mul3A_1212 = arith.mulf %get3A_1209, %mul3A_1211 : vector<16xf32>
        %add3A_1213 = arith.constant 0 : i32
        %add3A_1214 = arith.addi %mul3A_1183, %add3A_1213 : i32
        %swap3A_1215 = arith.constant 6 : i32
        %swap3A_1216 = arith.index_cast %swap3A_1215 : i32 to index
        %swap3A_1217 = arith.index_cast %add3A_1214 : i32 to index
        %swap3A_1218 = arith.constant 16 : index
        %swap3A_1219 = tpu.vector_load %arg8[%swap3A_1216, %swap3A_1217, %swap3A_1218] {strides = array<i32>} : memref<8x104x64xf32, #tpu.memory_space<vmem>>, vector<1x1x16xf32>,
        %swap3A_1220 = vector.shape_cast %swap3A_1219 : vector<1x1x16xf32> to vector<16xf32>
        %swap3A_1221 = vector.shape_cast %mul3A_1212 : vector<16xf32> to vector<1x1x16xf32>
        tpu.vector_store %arg8[%swap3A_1216, %swap3A_1217, %swap3A_1218], %swap3A_1221 {strides = array<i32>} : memref<8x104x64xf32, #tpu.memory_space<vmem>>, vector<1x1x16xf32>,
        %add3A_1222 = arith.constant 0 : i32
        %add3A_1223 = arith.addi %mul3A_1183, %add3A_1222 : i32
        %get3A_1224 = arith.constant 6 : i32
        %get3A_1225 = arith.index_cast %get3A_1224 : i32 to index
        %get3A_1226 = arith.index_cast %add3A_1223 : i32 to index
        %get3A_1227 = arith.constant 32 : index
        %get3A_1228 = tpu.vector_load %arg8[%get3A_1225, %get3A_1226, %get3A_1227] {strides = array<i32>} : memref<8x104x64xf32, #tpu.memory_space<vmem>>, vector<1x1x16xf32>,
        %get3A_1229 = vector.shape_cast %get3A_1228 : vector<1x1x16xf32> to vector<16xf32>
        %mul3A_1230 = arith.constant 8.000000e+00 : f32
        %mul3A_1231 = vector.broadcast %mul3A_1230 : f32 to vector<16xf32>
        %mul3A_1232 = arith.mulf %get3A_1229, %mul3A_1231 : vector<16xf32>
        %add3A_1233 = arith.constant 0 : i32
        %add3A_1234 = arith.addi %mul3A_1183, %add3A_1233 : i32
        %swap3A_1235 = arith.constant 6 : i32
        %swap3A_1236 = arith.index_cast %swap3A_1235 : i32 to index
        %swap3A_1237 = arith.index_cast %add3A_1234 : i32 to index
        %swap3A_1238 = arith.constant 32 : index
        %swap3A_1239 = tpu.vector_load %arg8[%swap3A_1236, %swap3A_1237, %swap3A_1238] {strides = array<i32>} : memref<8x104x64xf32, #tpu.memory_space<vmem>>, vector<1x1x16xf32>,
        %swap3A_1240 = vector.shape_cast %swap3A_1239 : vector<1x1x16xf32> to vector<16xf32>
        %swap3A_1241 = vector.shape_cast %mul3A_1232 : vector<16xf32> to vector<1x1x16xf32>
        tpu.vector_store %arg8[%swap3A_1236, %swap3A_1237, %swap3A_1238], %swap3A_1241 {strides = array<i32>} : memref<8x104x64xf32, #tpu.memory_space<vmem>>, vector<1x1x16xf32>,
        %add3A_1242 = arith.constant 0 : i32
        %add3A_1243 = arith.addi %mul3A_1183, %add3A_1242 : i32
        %get3A_1244 = arith.constant 6 : i32
        %get3A_1245 = arith.index_cast %get3A_1244 : i32 to index
        %get3A_1246 = arith.index_cast %add3A_1243 : i32 to index
        %get3A_1247 = arith.constant 48 : index
        %get3A_1248 = tpu.vector_load %arg8[%get3A_1245, %get3A_1246, %get3A_1247] {strides = array<i32>} : memref<8x104x64xf32, #tpu.memory_space<vmem>>, vector<1x1x16xf32>,
        %get3A_1249 = vector.shape_cast %get3A_1248 : vector<1x1x16xf32> to vector<16xf32>
        %mul3A_1250 = arith.constant 8.000000e+00 : f32
        %mul3A_1251 = vector.broadcast %mul3A_1250 : f32 to vector<16xf32>
        %mul3A_1252 = arith.mulf %get3A_1249, %mul3A_1251 : vector<16xf32>
        %add3A_1253 = arith.constant 0 : i32
        %add3A_1254 = arith.addi %mul3A_1183, %add3A_1253 : i32
        %swap3A_1255 = arith.constant 6 : i32
        %swap3A_1256 = arith.index_cast %swap3A_1255 : i32 to index
        %swap3A_1257 = arith.index_cast %add3A_1254 : i32 to index
        %swap3A_1258 = arith.constant 48 : index
        %swap3A_1259 = tpu.vector_load %arg8[%swap3A_1256, %swap3A_1257, %swap3A_1258] {strides = array<i32>} : memref<8x104x64xf32, #tpu.memory_space<vmem>>, vector<1x1x16xf32>,
        %swap3A_1260 = vector.shape_cast %swap3A_1259 : vector<1x1x16xf32> to vector<16xf32>
        %swap3A_1261 = vector.shape_cast %mul3A_1252 : vector<16xf32> to vector<1x1x16xf32>
        tpu.vector_store %arg8[%swap3A_1256, %swap3A_1257, %swap3A_1258], %swap3A_1261 {strides = array<i32>} : memref<8x104x64xf32, #tpu.memory_space<vmem>>, vector<1x1x16xf32>,
        %add3A_1262 = arith.constant 1 : i32
        %add3A_1263 = arith.addi %mul3A_1183, %add3A_1262 : i32
        %get3A_1264 = arith.constant 6 : i32
        %get3A_1265 = arith.index_cast %get3A_1264 : i32 to index
        %get3A_1266 = arith.index_cast %add3A_1263 : i32 to index
        %get3A_1267 = arith.constant 0 : index
        %get3A_1268 = tpu.vector_load %arg8[%get3A_1265, %get3A_1266, %get3A_1267] {strides = array<i32>} : memref<8x104x64xf32, #tpu.memory_space<vmem>>, vector<1x1x16xf32>,
        %get3A_1269 = vector.shape_cast %get3A_1268 : vector<1x1x16xf32> to vector<16xf32>
        %mul3A_1270 = arith.constant 8.000000e+00 : f32
        %mul3A_1271 = vector.broadcast %mul3A_1270 : f32 to vector<16xf32>
        %mul3A_1272 = arith.mulf %get3A_1269, %mul3A_1271 : vector<16xf32>
        %add3A_1273 = arith.constant 1 : i32
        %add3A_1274 = arith.addi %mul3A_1183, %add3A_1273 : i32
        %swap3A_1275 = arith.constant 6 : i32
        %swap3A_1276 = arith.index_cast %swap3A_1275 : i32 to index
        %swap3A_1277 = arith.index_cast %add3A_1274 : i32 to index
        %swap3A_1278 = arith.constant 0 : index
        %swap3A_1279 = tpu.vector_load %arg8[%swap3A_1276, %swap3A_1277, %swap3A_1278] {strides = array<i32>} : memref<8x104x64xf32, #tpu.memory_space<vmem>>, vector<1x1x16xf32>,
        %swap3A_1280 = vector.shape_cast %swap3A_1279 : vector<1x1x16xf32> to vector<16xf32>
        %swap3A_1281 = vector.shape_cast %mul3A_1272 : vector<16xf32> to vector<1x1x16xf32>
        tpu.vector_store %arg8[%swap3A_1276, %swap3A_1277, %swap3A_1278], %swap3A_1281 {strides = array<i32>} : memref<8x104x64xf32, #tpu.memory_space<vmem>>, vector<1x1x16xf32>,
        %add3A_1282 = arith.constant 1 : i32
        %add3A_1283 = arith.addi %mul3A_1183, %add3A_1282 : i32
        %get3A_1284 = arith.constant 6 : i32
        %get3A_1285 = arith.index_cast %get3A_1284 : i32 to index
        %get3A_1286 = arith.index_cast %add3A_1283 : i32 to index
        %get3A_1287 = arith.constant 16 : index
        %get3A_1288 = tpu.vector_load %arg8[%get3A_1285, %get3A_1286, %get3A_1287] {strides = array<i32>} : memref<8x104x64xf32, #tpu.memory_space<vmem>>, vector<1x1x16xf32>,
        %get3A_1289 = vector.shape_cast %get3A_1288 : vector<1x1x16xf32> to vector<16xf32>
        %mul3A_1290 = arith.constant 8.000000e+00 : f32
        %mul3A_1291 = vector.broadcast %mul3A_1290 : f32 to vector<16xf32>
        %mul3A_1292 = arith.mulf %get3A_1289, %mul3A_1291 : vector<16xf32>
        %add3A_1293 = arith.constant 1 : i32
        %add3A_1294 = arith.addi %mul3A_1183, %add3A_1293 : i32
        %swap3A_1295 = arith.constant 6 : i32
        %swap3A_1296 = arith.index_cast %swap3A_1295 : i32 to index
        %swap3A_1297 = arith.index_cast %add3A_1294 : i32 to index
        %swap3A_1298 = arith.constant 16 : index
        %swap3A_1299 = tpu.vector_load %arg8[%swap3A_1296, %swap3A_1297, %swap3A_1298] {strides = array<i32>} : memref<8x104x64xf32, #tpu.memory_space<vmem>>, vector<1x1x16xf32>,
        %swap3A_1300 = vector.shape_cast %swap3A_1299 : vector<1x1x16xf32> to vector<16xf32>
        %swap3A_1301 = vector.shape_cast %mul3A_1292 : vector<16xf32> to vector<1x1x16xf32>
        tpu.vector_store %arg8[%swap3A_1296, %swap3A_1297, %swap3A_1298], %swap3A_1301 {strides = array<i32>} : memref<8x104x64xf32, #tpu.memory_space<vmem>>, vector<1x1x16xf32>,
        %add3A_1302 = arith.constant 1 : i32
        %add3A_1303 = arith.addi %mul3A_1183, %add3A_1302 : i32
        %get3A_1304 = arith.constant 6 : i32
        %get3A_1305 = arith.index_cast %get3A_1304 : i32 to index
        %get3A_1306 = arith.index_cast %add3A_1303 : i32 to index
        %get3A_1307 = arith.constant 32 : index
        %get3A_1308 = tpu.vector_load %arg8[%get3A_1305, %get3A_1306, %get3A_1307] {strides = array<i32>} : memref<8x104x64xf32, #tpu.memory_space<vmem>>, vector<1x1x16xf32>,
        %get3A_1309 = vector.shape_cast %get3A_1308 : vector<1x1x16xf32> to vector<16xf32>
        %mul3A_1310 = arith.constant 8.000000e+00 : f32
        %mul3A_1311 = vector.broadcast %mul3A_1310 : f32 to vector<16xf32>
        %mul3A_1312 = arith.mulf %get3A_1309, %mul3A_1311 : vector<16xf32>
        %add3A_1313 = arith.constant 1 : i32
        %add3A_1314 = arith.addi %mul3A_1183, %add3A_1313 : i32
        %swap3A_1315 = arith.constant 6 : i32
        %swap3A_1316 = arith.index_cast %swap3A_1315 : i32 to index
        %swap3A_1317 = arith.index_cast %add3A_1314 : i32 to index
        %swap3A_1318 = arith.constant 32 : index
        %swap3A_1319 = tpu.vector_load %arg8[%swap3A_1316, %swap3A_1317, %swap3A_1318] {strides = array<i32>} : memref<8x104x64xf32, #tpu.memory_space<vmem>>, vector<1x1x16xf32>,
        %swap3A_1320 = vector.shape_cast %swap3A_1319 : vector<1x1x16xf32> to vector<16xf32>
        %swap3A_1321 = vector.shape_cast %mul3A_1312 : vector<16xf32> to vector<1x1x16xf32>
        tpu.vector_store %arg8[%swap3A_1316, %swap3A_1317, %swap3A_1318], %swap3A_1321 {strides = array<i32>} : memref<8x104x64xf32, #tpu.memory_space<vmem>>, vector<1x1x16xf32>,
        %add3A_1322 = arith.constant 1 : i32
        %add3A_1323 = arith.addi %mul3A_1183, %add3A_1322 : i32
        %get3A_1324 = arith.constant 6 : i32
        %get3A_1325 = arith.index_cast %get3A_1324 : i32 to index
        %get3A_1326 = arith.index_cast %add3A_1323 : i32 to index
        %get3A_1327 = arith.constant 48 : index
        %get3A_1328 = tpu.vector_load %arg8[%get3A_1325, %get3A_1326, %get3A_1327] {strides = array<i32>} : memref<8x104x64xf32, #tpu.memory_space<vmem>>, vector<1x1x16xf32>,
        %get3A_1329 = vector.shape_cast %get3A_1328 : vector<1x1x16xf32> to vector<16xf32>
        %mul3A_1330 = arith.constant 8.000000e+00 : f32
        %mul3A_1331 = vector.broadcast %mul3A_1330 : f32 to vector<16xf32>
        %mul3A_1332 = arith.mulf %get3A_1329, %mul3A_1331 : vector<16xf32>
        %add3A_1333 = arith.constant 1 : i32
        %add3A_1334 = arith.addi %mul3A_1183, %add3A_1333 : i32
        %swap3A_1335 = arith.constant 6 : i32
        %swap3A_1336 = arith.index_cast %swap3A_1335 : i32 to index
        %swap3A_1337 = arith.index_cast %add3A_1334 : i32 to index
        %swap3A_1338 = arith.constant 48 : index
        %swap3A_1339 = tpu.vector_load %arg8[%swap3A_1336, %swap3A_1337, %swap3A_1338] {strides = array<i32>} : memref<8x104x64xf32, #tpu.memory_space<vmem>>, vector<1x1x16xf32>,
        %swap3A_1340 = vector.shape_cast %swap3A_1339 : vector<1x1x16xf32> to vector<16xf32>
        %swap3A_1341 = vector.shape_cast %mul3A_1332 : vector<16xf32> to vector<1x1x16xf32>
        tpu.vector_store %arg8[%swap3A_1336, %swap3A_1337, %swap3A_1338], %swap3A_1341 {strides = array<i32>} : memref<8x104x64xf32, #tpu.memory_space<vmem>>, vector<1x1x16xf32>,
        %add3A_1342 = arith.constant 2 : i32
        %add3A_1343 = arith.addi %mul3A_1183, %add3A_1342 : i32
        %get3A_1344 = arith.constant 6 : i32
        %get3A_1345 = arith.index_cast %get3A_1344 : i32 to index
        %get3A_1346 = arith.index_cast %add3A_1343 : i32 to index
        %get3A_1347 = arith.constant 0 : index
        %get3A_1348 = tpu.vector_load %arg8[%get3A_1345, %get3A_1346, %get3A_1347] {strides = array<i32>} : memref<8x104x64xf32, #tpu.memory_space<vmem>>, vector<1x1x16xf32>,
        %get3A_1349 = vector.shape_cast %get3A_1348 : vector<1x1x16xf32> to vector<16xf32>
        %mul3A_1350 = arith.constant 8.000000e+00 : f32
        %mul3A_1351 = vector.broadcast %mul3A_1350 : f32 to vector<16xf32>
        %mul3A_1352 = arith.mulf %get3A_1349, %mul3A_1351 : vector<16xf32>
        %add3A_1353 = arith.constant 2 : i32
        %add3A_1354 = arith.addi %mul3A_1183, %add3A_1353 : i32
        %swap3A_1355 = arith.constant 6 : i32
        %swap3A_1356 = arith.index_cast %swap3A_1355 : i32 to index
        %swap3A_1357 = arith.index_cast %add3A_1354 : i32 to index
        %swap3A_1358 = arith.constant 0 : index
        %swap3A_1359 = tpu.vector_load %arg8[%swap3A_1356, %swap3A_1357, %swap3A_1358] {strides = array<i32>} : memref<8x104x64xf32, #tpu.memory_space<vmem>>, vector<1x1x16xf32>,
        %swap3A_1360 = vector.shape_cast %swap3A_1359 : vector<1x1x16xf32> to vector<16xf32>
        %swap3A_1361 = vector.shape_cast %mul3A_1352 : vector<16xf32> to vector<1x1x16xf32>
        tpu.vector_store %arg8[%swap3A_1356, %swap3A_1357, %swap3A_1358], %swap3A_1361 {strides = array<i32>} : memref<8x104x64xf32, #tpu.memory_space<vmem>>, vector<1x1x16xf32>,
        %add3A_1362 = arith.constant 2 : i32
        %add3A_1363 = arith.addi %mul3A_1183, %add3A_1362 : i32
        %get3A_1364 = arith.constant 6 : i32
        %get3A_1365 = arith.index_cast %get3A_1364 : i32 to index
        %get3A_1366 = arith.index_cast %add3A_1363 : i32 to index
        %get3A_1367 = arith.constant 16 : index
        %get3A_1368 = tpu.vector_load %arg8[%get3A_1365, %get3A_1366, %get3A_1367] {strides = array<i32>} : memref<8x104x64xf32, #tpu.memory_space<vmem>>, vector<1x1x16xf32>,
        %get3A_1369 = vector.shape_cast %get3A_1368 : vector<1x1x16xf32> to vector<16xf32>
        %mul3A_1370 = arith.constant 8.000000e+00 : f32
        %mul3A_1371 = vector.broadcast %mul3A_1370 : f32 to vector<16xf32>
        %mul3A_1372 = arith.mulf %get3A_1369, %mul3A_1371 : vector<16xf32>
        %add3A_1373 = arith.constant 2 : i32
        %add3A_1374 = arith.addi %mul3A_1183, %add3A_1373 : i32
        %swap3A_1375 = arith.constant 6 : i32
        %swap3A_1376 = arith.index_cast %swap3A_1375 : i32 to index
        %swap3A_1377 = arith.index_cast %add3A_1374 : i32 to index
        %swap3A_1378 = arith.constant 16 : index
        %swap3A_1379 = tpu.vector_load %arg8[%swap3A_1376, %swap3A_1377, %swap3A_1378] {strides = array<i32>} : memref<8x104x64xf32, #tpu.memory_space<vmem>>, vector<1x1x16xf32>,
        %swap3A_1380 = vector.shape_cast %swap3A_1379 : vector<1x1x16xf32> to vector<16xf32>
        %swap3A_1381 = vector.shape_cast %mul3A_1372 : vector<16xf32> to vector<1x1x16xf32>
        tpu.vector_store %arg8[%swap3A_1376, %swap3A_1377, %swap3A_1378], %swap3A_1381 {strides = array<i32>} : memref<8x104x64xf32, #tpu.memory_space<vmem>>, vector<1x1x16xf32>,
        %add3A_1382 = arith.constant 2 : i32
        %add3A_1383 = arith.addi %mul3A_1183, %add3A_1382 : i32
        %get3A_1384 = arith.constant 6 : i32
        %get3A_1385 = arith.index_cast %get3A_1384 : i32 to index
        %get3A_1386 = arith.index_cast %add3A_1383 : i32 to index
        %get3A_1387 = arith.constant 32 : index
        %get3A_1388 = tpu.vector_load %arg8[%get3A_1385, %get3A_1386, %get3A_1387] {strides = array<i32>} : memref<8x104x64xf32, #tpu.memory_space<vmem>>, vector<1x1x16xf32>,
        %get3A_1389 = vector.shape_cast %get3A_1388 : vector<1x1x16xf32> to vector<16xf32>
        %mul3A_1390 = arith.constant 8.000000e+00 : f32
        %mul3A_1391 = vector.broadcast %mul3A_1390 : f32 to vector<16xf32>
        %mul3A_1392 = arith.mulf %get3A_1389, %mul3A_1391 : vector<16xf32>
        %add3A_1393 = arith.constant 2 : i32
        %add3A_1394 = arith.addi %mul3A_1183, %add3A_1393 : i32
        %swap3A_1395 = arith.constant 6 : i32
        %swap3A_1396 = arith.index_cast %swap3A_1395 : i32 to index
        %swap3A_1397 = arith.index_cast %add3A_1394 : i32 to index
        %swap3A_1398 = arith.constant 32 : index
        %swap3A_1399 = tpu.vector_load %arg8[%swap3A_1396, %swap3A_1397, %swap3A_1398] {strides = array<i32>} : memref<8x104x64xf32, #tpu.memory_space<vmem>>, vector<1x1x16xf32>,
        %swap3A_1400 = vector.shape_cast %swap3A_1399 : vector<1x1x16xf32> to vector<16xf32>
        %swap3A_1401 = vector.shape_cast %mul3A_1392 : vector<16xf32> to vector<1x1x16xf32>
        tpu.vector_store %arg8[%swap3A_1396, %swap3A_1397, %swap3A_1398], %swap3A_1401 {strides = array<i32>} : memref<8x104x64xf32, #tpu.memory_space<vmem>>, vector<1x1x16xf32>,
        %add3A_1402 = arith.constant 2 : i32
        %add3A_1403 = arith.addi %mul3A_1183, %add3A_1402 : i32
        %get3A_1404 = arith.constant 6 : i32
        %get3A_1405 = arith.index_cast %get3A_1404 : i32 to index
        %get3A_1406 = arith.index_cast %add3A_1403 : i32 to index
        %get3A_1407 = arith.constant 48 : index
        %get3A_1408 = tpu.vector_load %arg8[%get3A_1405, %get3A_1406, %get3A_1407] {strides = array<i32>} : memref<8x104x64xf32, #tpu.memory_space<vmem>>, vector<1x1x16xf32>,
        %get3A_1409 = vector.shape_cast %get3A_1408 : vector<1x1x16xf32> to vector<16xf32>
        %mul3A_1410 = arith.constant 8.000000e+00 : f32
        %mul3A_1411 = vector.broadcast %mul3A_1410 : f32 to vector<16xf32>
        %mul3A_1412 = arith.mulf %get3A_1409, %mul3A_1411 : vector<16xf32>
        %add3A_1413 = arith.constant 2 : i32
        %add3A_1414 = arith.addi %mul3A_1183, %add3A_1413 : i32
        %swap3A_1415 = arith.constant 6 : i32
        %swap3A_1416 = arith.index_cast %swap3A_1415 : i32 to index
        %swap3A_1417 = arith.index_cast %add3A_1414 : i32 to index
        %swap3A_1418 = arith.constant 48 : index
        %swap3A_1419 = tpu.vector_load %arg8[%swap3A_1416, %swap3A_1417, %swap3A_1418] {strides = array<i32>} : memref<8x104x64xf32, #tpu.memory_space<vmem>>, vector<1x1x16xf32>,
        %swap3A_1420 = vector.shape_cast %swap3A_1419 : vector<1x1x16xf32> to vector<16xf32>
        %swap3A_1421 = vector.shape_cast %mul3A_1412 : vector<16xf32> to vector<1x1x16xf32>
        tpu.vector_store %arg8[%swap3A_1416, %swap3A_1417, %swap3A_1418], %swap3A_1421 {strides = array<i32>} : memref<8x104x64xf32, #tpu.memory_space<vmem>>, vector<1x1x16xf32>,
        %add3A_1422 = arith.constant 3 : i32
        %add3A_1423 = arith.addi %mul3A_1183, %add3A_1422 : i32
        %get3A_1424 = arith.constant 6 : i32
        %get3A_1425 = arith.index_cast %get3A_1424 : i32 to index
        %get3A_1426 = arith.index_cast %add3A_1423 : i32 to index
        %get3A_1427 = arith.constant 0 : index
        %get3A_1428 = tpu.vector_load %arg8[%get3A_1425, %get3A_1426, %get3A_1427] {strides = array<i32>} : memref<8x104x64xf32, #tpu.memory_space<vmem>>, vector<1x1x16xf32>,
        %get3A_1429 = vector.shape_cast %get3A_1428 : vector<1x1x16xf32> to vector<16xf32>
        %mul3A_1430 = arith.constant 8.000000e+00 : f32
        %mul3A_1431 = vector.broadcast %mul3A_1430 : f32 to vector<16xf32>
        %mul3A_1432 = arith.mulf %get3A_1429, %mul3A_1431 : vector<16xf32>
        %add3A_1433 = arith.constant 3 : i32
        %add3A_1434 = arith.addi %mul3A_1183, %add3A_1433 : i32
        %swap3A_1435 = arith.constant 6 : i32
        %swap3A_1436 = arith.index_cast %swap3A_1435 : i32 to index
        %swap3A_1437 = arith.index_cast %add3A_1434 : i32 to index
        %swap3A_1438 = arith.constant 0 : index
        %swap3A_1439 = tpu.vector_load %arg8[%swap3A_1436, %swap3A_1437, %swap3A_1438] {strides = array<i32>} : memref<8x104x64xf32, #tpu.memory_space<vmem>>, vector<1x1x16xf32>,
        %swap3A_1440 = vector.shape_cast %swap3A_1439 : vector<1x1x16xf32> to vector<16xf32>
        %swap3A_1441 = vector.shape_cast %mul3A_1432 : vector<16xf32> to vector<1x1x16xf32>
        tpu.vector_store %arg8[%swap3A_1436, %swap3A_1437, %swap3A_1438], %swap3A_1441 {strides = array<i32>} : memref<8x104x64xf32, #tpu.memory_space<vmem>>, vector<1x1x16xf32>,
        %add3A_1442 = arith.constant 3 : i32
        %add3A_1443 = arith.addi %mul3A_1183, %add3A_1442 : i32
        %get3A_1444 = arith.constant 6 : i32
        %get3A_1445 = arith.index_cast %get3A_1444 : i32 to index
        %get3A_1446 = arith.index_cast %add3A_1443 : i32 to index
        %get3A_1447 = arith.constant 16 : index
        %get3A_1448 = tpu.vector_load %arg8[%get3A_1445, %get3A_1446, %get3A_1447] {strides = array<i32>} : memref<8x104x64xf32, #tpu.memory_space<vmem>>, vector<1x1x16xf32>,
        %get3A_1449 = vector.shape_cast %get3A_1448 : vector<1x1x16xf32> to vector<16xf32>
        %mul3A_1450 = arith.constant 8.000000e+00 : f32
        %mul3A_1451 = vector.broadcast %mul3A_1450 : f32 to vector<16xf32>
        %mul3A_1452 = arith.mulf %get3A_1449, %mul3A_1451 : vector<16xf32>
        %add3A_1453 = arith.constant 3 : i32
        %add3A_1454 = arith.addi %mul3A_1183, %add3A_1453 : i32
        %swap3A_1455 = arith.constant 6 : i32
        %swap3A_1456 = arith.index_cast %swap3A_1455 : i32 to index
        %swap3A_1457 = arith.index_cast %add3A_1454 : i32 to index
        %swap3A_1458 = arith.constant 16 : index
        %swap3A_1459 = tpu.vector_load %arg8[%swap3A_1456, %swap3A_1457, %swap3A_1458] {strides = array<i32>} : memref<8x104x64xf32, #tpu.memory_space<vmem>>, vector<1x1x16xf32>,
        %swap3A_1460 = vector.shape_cast %swap3A_1459 : vector<1x1x16xf32> to vector<16xf32>
        %swap3A_1461 = vector.shape_cast %mul3A_1452 : vector<16xf32> to vector<1x1x16xf32>
        tpu.vector_store %arg8[%swap3A_1456, %swap3A_1457, %swap3A_1458], %swap3A_1461 {strides = array<i32>} : memref<8x104x64xf32, #tpu.memory_space<vmem>>, vector<1x1x16xf32>,
        %add3A_1462 = arith.constant 3 : i32
        %add3A_1463 = arith.addi %mul3A_1183, %add3A_1462 : i32
        %get3A_1464 = arith.constant 6 : i32
        %get3A_1465 = arith.index_cast %get3A_1464 : i32 to index
        %get3A_1466 = arith.index_cast %add3A_1463 : i32 to index
        %get3A_1467 = arith.constant 32 : index
        %get3A_1468 = tpu.vector_load %arg8[%get3A_1465, %get3A_1466, %get3A_1467] {strides = array<i32>} : memref<8x104x64xf32, #tpu.memory_space<vmem>>, vector<1x1x16xf32>,
        %get3A_1469 = vector.shape_cast %get3A_1468 : vector<1x1x16xf32> to vector<16xf32>
        %mul3A_1470 = arith.constant 8.000000e+00 : f32
        %mul3A_1471 = vector.broadcast %mul3A_1470 : f32 to vector<16xf32>
        %mul3A_1472 = arith.mulf %get3A_1469, %mul3A_1471 : vector<16xf32>
        %add3A_1473 = arith.constant 3 : i32
        %add3A_1474 = arith.addi %mul3A_1183, %add3A_1473 : i32
        %swap3A_1475 = arith.constant 6 : i32
        %swap3A_1476 = arith.index_cast %swap3A_1475 : i32 to index
        %swap3A_1477 = arith.index_cast %add3A_1474 : i32 to index
        %swap3A_1478 = arith.constant 32 : index
        %swap3A_1479 = tpu.vector_load %arg8[%swap3A_1476, %swap3A_1477, %swap3A_1478] {strides = array<i32>} : memref<8x104x64xf32, #tpu.memory_space<vmem>>, vector<1x1x16xf32>,
        %swap3A_1480 = vector.shape_cast %swap3A_1479 : vector<1x1x16xf32> to vector<16xf32>
        %swap3A_1481 = vector.shape_cast %mul3A_1472 : vector<16xf32> to vector<1x1x16xf32>
        tpu.vector_store %arg8[%swap3A_1476, %swap3A_1477, %swap3A_1478], %swap3A_1481 {strides = array<i32>} : memref<8x104x64xf32, #tpu.memory_space<vmem>>, vector<1x1x16xf32>,
        %add3A_1482 = arith.constant 3 : i32
        %add3A_1483 = arith.addi %mul3A_1183, %add3A_1482 : i32
        %get3A_1484 = arith.constant 6 : i32
        %get3A_1485 = arith.index_cast %get3A_1484 : i32 to index
        %get3A_1486 = arith.index_cast %add3A_1483 : i32 to index
        %get3A_1487 = arith.constant 48 : index
        %get3A_1488 = tpu.vector_load %arg8[%get3A_1485, %get3A_1486, %get3A_1487] {strides = array<i32>} : memref<8x104x64xf32, #tpu.memory_space<vmem>>, vector<1x1x16xf32>,
        %get3A_1489 = vector.shape_cast %get3A_1488 : vector<1x1x16xf32> to vector<16xf32>
        %mul3A_1490 = arith.constant 8.000000e+00 : f32
        %mul3A_1491 = vector.broadcast %mul3A_1490 : f32 to vector<16xf32>
        %mul3A_1492 = arith.mulf %get3A_1489, %mul3A_1491 : vector<16xf32>
        %add3A_1493 = arith.constant 3 : i32
        %add3A_1494 = arith.addi %mul3A_1183, %add3A_1493 : i32
        %swap3A_1495 = arith.constant 6 : i32
        %swap3A_1496 = arith.index_cast %swap3A_1495 : i32 to index
        %swap3A_1497 = arith.index_cast %add3A_1494 : i32 to index
        %swap3A_1498 = arith.constant 48 : index
        %swap3A_1499 = tpu.vector_load %arg8[%swap3A_1496, %swap3A_1497, %swap3A_1498] {strides = array<i32>} : memref<8x104x64xf32, #tpu.memory_space<vmem>>, vector<1x1x16xf32>,
        %swap3A_1500 = vector.shape_cast %swap3A_1499 : vector<1x1x16xf32> to vector<16xf32>
        %swap3A_1501 = vector.shape_cast %mul3A_1492 : vector<16xf32> to vector<1x1x16xf32>
        tpu.vector_store %arg8[%swap3A_1496, %swap3A_1497, %swap3A_1498], %swap3A_1501 {strides = array<i32>} : memref<8x104x64xf32, #tpu.memory_space<vmem>>, vector<1x1x16xf32>,
      }
      %scan3A_953 = arith.constant 26 : i32
      %jit3A_954 = arith.constant 2 : i32
      %div3A_955 = arith.divsi %add3A_912, %jit3A_954 : i32
      %sign3A_956 = arith.constant 0 : i32
      %sign3A_957 = arith.cmpi sgt, %add3A_912, %sign3A_956 : i32
      %sign3A_958 = arith.extui %sign3A_957 : i1 to i32
      %sign3A_959 = arith.constant 0 : i32
      %sign3A_960 = arith.cmpi slt, %add3A_912, %sign3A_959 : i32
      %sign3A_961 = arith.extui %sign3A_960 : i1 to i32
      %sign3A_962 = arith.subi %sign3A_958, %sign3A_961 : i32
      %sign3A_963 = arith.constant 0 : i32
      %sign3A_964 = arith.cmpi sgt, %jit3A_954, %sign3A_963 : i32
      %sign3A_965 = arith.extui %sign3A_964 : i1 to i32
      %sign3A_966 = arith.constant 0 : i32
      %sign3A_967 = arith.cmpi slt, %jit3A_954, %sign3A_966 : i32
      %sign3A_968 = arith.extui %sign3A_967 : i1 to i32
      %sign3A_969 = arith.subi %sign3A_965, %sign3A_968 : i32
      %ne3A_970 = arith.cmpi ne, %sign3A_962, %sign3A_969 : i32
      %rem3A_971 = arith.remsi %add3A_912, %jit3A_954 : i32
      %ne3A_972 = arith.constant 0 : i32
      %ne3A_973 = arith.cmpi ne, %rem3A_971, %ne3A_972 : i32
      %and3A_974 = arith.andi %ne3A_970, %ne3A_973 : i1
      %sub3A_975 = arith.constant 1 : i32
      %sub3A_976 = arith.subi %div3A_955, %sub3A_975 : i32
      %select_n3A_977 = arith.select %and3A_974, %sub3A_976, %div3A_955 : i32
      %add3A_978 = arith.addi %mul3A_2, %select_n3A_977 : i32
      %mul3A_979 = arith.constant 200 : i32
      %mul3A_980 = arith.muli %add3A_978, %mul3A_979 : i32
      %add3A_981 = arith.constant 0 : i32
      %add3A_982 = arith.addi %mul3A_980, %add3A_981 : i32
      %dma_start3A_983 = arith.constant 6 : i32
      %dma_start3A_984 = arith.constant 0 : i32
      %dma_start3A_985 = arith.constant 0 : i32
      %dma_start3A_986 = tpu.memref_slice %arg8[%dma_start3A_983, %dma_start3A_984, %dma_start3A_985] : memref<8x104x64xf32, #tpu.memory_space<vmem>> -> memref<1x104x64xf32, #tpu.memory_space<vmem>>
      %dma_start3A_987 = tpu.memref_squeeze %dma_start3A_986 : memref<1x104x64xf32, #tpu.memory_space<vmem>> -> memref<104x64xf32, #tpu.memory_space<vmem>>
      %dma_start3A_988 = arith.constant 0 : i32
      %dma_start3A_989 = tpu.memref_slice %arg5[%add3A_982, %dma_start3A_988] : memref<819200x128xf32, #tpu.memory_space<hbm>> -> memref<104x64xf32, #tpu.memory_space<hbm>>
      %dma_start3A_990 = arith.constant 0 : i32
      %dma_start3A_991 = tpu.memref_slice %arg5[%add3A_982, %dma_start3A_990] : memref<819200x128xf32, #tpu.memory_space<hbm>> -> memref<104x64xf32, #tpu.memory_space<hbm>>
      %dma_start3A_992 = arith.constant 0 : i32
      %dma_start3A_993 = arith.constant 0 : i32
      %dma_start3A_994 = tpu.memref_slice %arg8[%dma_start3A_983, %dma_start3A_992, %dma_start3A_993] : memref<8x104x64xf32, #tpu.memory_space<vmem>> -> memref<1x104x64xf32, #tpu.memory_space<vmem>>
      %dma_start3A_995 = tpu.memref_squeeze %dma_start3A_994 : memref<1x104x64xf32, #tpu.memory_space<vmem>> -> memref<104x64xf32, #tpu.memory_space<vmem>>
      tpu.enqueue_dma source(%dma_start3A_995 : memref<104x64xf32, #tpu.memory_space<vmem>>) target(%dma_start3A_991 : memref<104x64xf32, #tpu.memory_space<hbm>>) target_semaphore(%arg23 : memref<!tpu.dma_semaphore, #tpu.memory_space<semaphore_mem>>)
      %sub3A_996 = arith.constant 1 : i32
      %sub3A_997 = arith.subi %add3A_912, %sub3A_996 : i32
      %jit3A_998 = arith.constant 2 : i32
      %div3A_999 = arith.divsi %sub3A_997, %jit3A_998 : i32
      %sign3A_1000 = arith.constant 0 : i32
      %sign3A_1001 = arith.cmpi sgt, %sub3A_997, %sign3A_1000 : i32
      %sign3A_1002 = arith.extui %sign3A_1001 : i1 to i32
      %sign3A_1003 = arith.constant 0 : i32
      %sign3A_1004 = arith.cmpi slt, %sub3A_997, %sign3A_1003 : i32
      %sign3A_1005 = arith.extui %sign3A_1004 : i1 to i32
      %sign3A_1006 = arith.subi %sign3A_1002, %sign3A_1005 : i32
      %sign3A_1007 = arith.constant 0 : i32
      %sign3A_1008 = arith.cmpi sgt, %jit3A_998, %sign3A_1007 : i32
      %sign3A_1009 = arith.extui %sign3A_1008 : i1 to i32
      %sign3A_1010 = arith.constant 0 : i32
      %sign3A_1011 = arith.cmpi slt, %jit3A_998, %sign3A_1010 : i32
      %sign3A_1012 = arith.extui %sign3A_1011 : i1 to i32
      %sign3A_1013 = arith.subi %sign3A_1009, %sign3A_1012 : i32
      %ne3A_1014 = arith.cmpi ne, %sign3A_1006, %sign3A_1013 : i32
      %rem3A_1015 = arith.remsi %sub3A_997, %jit3A_998 : i32
      %ne3A_1016 = arith.constant 0 : i32
      %ne3A_1017 = arith.cmpi ne, %rem3A_1015, %ne3A_1016 : i32
      %and3A_1018 = arith.andi %ne3A_1014, %ne3A_1017 : i1
      %sub3A_1019 = arith.constant 1 : i32
      %sub3A_1020 = arith.subi %div3A_999, %sub3A_1019 : i32
      %select_n3A_1021 = arith.select %and3A_1018, %sub3A_1020, %div3A_999 : i32
      %add3A_1022 = arith.addi %mul3A_2, %select_n3A_1021 : i32
      %mul3A_1023 = arith.constant 200 : i32
      %mul3A_1024 = arith.muli %add3A_1022, %mul3A_1023 : i32
      %add3A_1025 = arith.constant 104 : i32
      %add3A_1026 = arith.addi %mul3A_1024, %add3A_1025 : i32
      %dma_wait3A_1027 = arith.constant 5 : i32
      %dma_wait3A_1028 = arith.constant 0 : i32
      %dma_wait3A_1029 = arith.constant 0 : i32
      %dma_wait3A_1030 = tpu.memref_slice %arg8[%dma_wait3A_1027, %dma_wait3A_1028, %dma_wait3A_1029] : memref<8x104x64xf32, #tpu.memory_space<vmem>> -> memref<1x96x64xf32, #tpu.memory_space<vmem>>
      %dma_wait3A_1031 = tpu.memref_squeeze %dma_wait3A_1030 : memref<1x96x64xf32, #tpu.memory_space<vmem>> -> memref<96x64xf32, #tpu.memory_space<vmem>>
      %dma_wait3A_1032 = arith.constant 0 : i32
      %dma_wait3A_1033 = tpu.memref_slice %arg5[%add3A_1026, %dma_wait3A_1032] : memref<819200x128xf32, #tpu.memory_space<hbm>> -> memref<96x64xf32, #tpu.memory_space<hbm>>
      %dma_wait3A_1034 = arith.constant 0 : i32
      %dma_wait3A_1035 = tpu.memref_slice %arg5[%add3A_1026, %dma_wait3A_1034] : memref<819200x128xf32, #tpu.memory_space<hbm>> -> memref<96x64xf32, #tpu.memory_space<hbm>>
      %dma_wait3A_1036 = arith.constant 0 : i32
      %dma_wait3A_1037 = arith.constant 0 : i32
      %dma_wait3A_1038 = tpu.memref_slice %arg8[%dma_wait3A_1027, %dma_wait3A_1036, %dma_wait3A_1037] : memref<8x104x64xf32, #tpu.memory_space<vmem>> -> memref<1x96x64xf32, #tpu.memory_space<vmem>>
      %dma_wait3A_1039 = tpu.memref_squeeze %dma_wait3A_1038 : memref<1x96x64xf32, #tpu.memory_space<vmem>> -> memref<96x64xf32, #tpu.memory_space<vmem>>
      tpu.wait_dma2 semaphore(%arg22 : memref<!tpu.dma_semaphore, #tpu.memory_space<semaphore_mem>>) src(%dma_wait3A_1039 : memref<96x64xf32, #tpu.memory_space<vmem>>) dst(%dma_wait3A_1035 : memref<96x64xf32, #tpu.memory_space<hbm>>)
      %lt3A_1040 = arith.constant 31 : i32
      %lt3A_1041 = arith.cmpi slt, %scan3A_109, %lt3A_1040 : i32
      %convert_element_type3A_1042 = arith.extui %lt3A_1041 : i1 to i32
      %cond3A_1043 = arith.constant 0 : i32
      %cond3A_1044 = arith.cmpi ne, %convert_element_type3A_1042, %cond3A_1043 : i32
      scf.if %cond3A_1044 {
        %add3A_1181 = arith.constant 8 : i32
        %add3A_1182 = arith.addi %add3A_912, %add3A_1181 : i32
        %sub3A_1183 = arith.constant 1 : i32
        %sub3A_1184 = arith.subi %add3A_1182, %sub3A_1183 : i32
        %jit3A_1185 = arith.constant 2 : i32
        %div3A_1186 = arith.divsi %sub3A_1184, %jit3A_1185 : i32
        %sign3A_1187 = arith.constant 0 : i32
        %sign3A_1188 = arith.cmpi sgt, %sub3A_1184, %sign3A_1187 : i32
        %sign3A_1189 = arith.extui %sign3A_1188 : i1 to i32
        %sign3A_1190 = arith.constant 0 : i32
        %sign3A_1191 = arith.cmpi slt, %sub3A_1184, %sign3A_1190 : i32
        %sign3A_1192 = arith.extui %sign3A_1191 : i1 to i32
        %sign3A_1193 = arith.subi %sign3A_1189, %sign3A_1192 : i32
        %sign3A_1194 = arith.constant 0 : i32
        %sign3A_1195 = arith.cmpi sgt, %jit3A_1185, %sign3A_1194 : i32
        %sign3A_1196 = arith.extui %sign3A_1195 : i1 to i32
        %sign3A_1197 = arith.constant 0 : i32
        %sign3A_1198 = arith.cmpi slt, %jit3A_1185, %sign3A_1197 : i32
        %sign3A_1199 = arith.extui %sign3A_1198 : i1 to i32
        %sign3A_1200 = arith.subi %sign3A_1196, %sign3A_1199 : i32
        %ne3A_1201 = arith.cmpi ne, %sign3A_1193, %sign3A_1200 : i32
        %rem3A_1202 = arith.remsi %sub3A_1184, %jit3A_1185 : i32
        %ne3A_1203 = arith.constant 0 : i32
        %ne3A_1204 = arith.cmpi ne, %rem3A_1202, %ne3A_1203 : i32
        %and3A_1205 = arith.andi %ne3A_1201, %ne3A_1204 : i1
        %sub3A_1206 = arith.constant 1 : i32
        %sub3A_1207 = arith.subi %div3A_1186, %sub3A_1206 : i32
        %select_n3A_1208 = arith.select %and3A_1205, %sub3A_1207, %div3A_1186 : i32
        %dma_start3A_1209 = arith.constant 5 : i32
        %dma_start3A_1210 = arith.constant 0 : i32
        %dma_start3A_1211 = arith.constant 0 : i32
        %dma_start3A_1212 = tpu.memref_slice %arg8[%dma_start3A_1209, %dma_start3A_1210, %dma_start3A_1211] : memref<8x104x64xf32, #tpu.memory_space<vmem>> -> memref<1x96x64xf32, #tpu.memory_space<vmem>>
        %dma_start3A_1213 = tpu.memref_squeeze %dma_start3A_1212 : memref<1x96x64xf32, #tpu.memory_space<vmem>> -> memref<96x64xf32, #tpu.memory_space<vmem>>
        %dma_start3A_1214 = arith.constant 0 : i32
        %dma_start3A_1215 = tpu.memref_slice %arg7[%select_n3A_1208, %dma_start3A_1214] : memref<128x96xi32, #tpu.memory_space<vmem>> -> memref<1x96xi32, #tpu.memory_space<vmem>>
        %dma_start3A_1216 = tpu.memref_squeeze %dma_start3A_1215 : memref<1x96xi32, #tpu.memory_space<vmem>> -> memref<96xi32, #tpu.memory_space<vmem>>
        %dma_start3A_1217 = arith.constant 0 : i32
        %dma_start3A_1218 = arith.constant 0 : i32
        %dma_start3A_1219 = tpu.memref_slice %arg2[%dma_start3A_1217, %dma_start3A_1218] : memref<100000x64xf32, #tpu.memory_space<hbm>> -> memref<100000x64xf32, #tpu.memory_space<hbm>>
        tpu.enqueue_indirect_dma source(%dma_start3A_1219 : memref<100000x64xf32, #tpu.memory_space<hbm>>) target(%dma_start3A_1213 : memref<96x64xf32, #tpu.memory_space<vmem>>) offsets(%dma_start3A_1216 : memref<96xi32, #tpu.memory_space<vmem>>) semaphore(%arg14 : memref<!tpu.dma_semaphore, #tpu.memory_space<semaphore_mem>>)
      } else {
      }
      %mul3A_1045 = arith.constant 8 : i32
      %mul3A_1046 = arith.muli %mul3A_1045, %scan3A_109 : i32
      %add3A_1047 = arith.constant 7 : i32
      %add3A_1048 = arith.addi %mul3A_1046, %add3A_1047 : i32
      %jit3A_1049 = arith.constant 2 : i32
      %div3A_1050 = arith.divsi %add3A_1048, %jit3A_1049 : i32
      %sign3A_1051 = arith.constant 0 : i32
      %sign3A_1052 = arith.cmpi sgt, %add3A_1048, %sign3A_1051 : i32
      %sign3A_1053 = arith.extui %sign3A_1052 : i1 to i32
      %sign3A_1054 = arith.constant 0 : i32
      %sign3A_1055 = arith.cmpi slt, %add3A_1048, %sign3A_1054 : i32
      %sign3A_1056 = arith.extui %sign3A_1055 : i1 to i32
      %sign3A_1057 = arith.subi %sign3A_1053, %sign3A_1056 : i32
      %sign3A_1058 = arith.constant 0 : i32
      %sign3A_1059 = arith.cmpi sgt, %jit3A_1049, %sign3A_1058 : i32
      %sign3A_1060 = arith.extui %sign3A_1059 : i1 to i32
      %sign3A_1061 = arith.constant 0 : i32
      %sign3A_1062 = arith.cmpi slt, %jit3A_1049, %sign3A_1061 : i32
      %sign3A_1063 = arith.extui %sign3A_1062 : i1 to i32
      %sign3A_1064 = arith.subi %sign3A_1060, %sign3A_1063 : i32
      %ne3A_1065 = arith.cmpi ne, %sign3A_1057, %sign3A_1064 : i32
      %rem3A_1066 = arith.remsi %add3A_1048, %jit3A_1049 : i32
      %ne3A_1067 = arith.constant 0 : i32
      %ne3A_1068 = arith.cmpi ne, %rem3A_1066, %ne3A_1067 : i32
      %and3A_1069 = arith.andi %ne3A_1065, %ne3A_1068 : i1
      %sub3A_1070 = arith.constant 1 : i32
      %sub3A_1071 = arith.subi %div3A_1050, %sub3A_1070 : i32
      %select_n3A_1072 = arith.select %and3A_1069, %sub3A_1071, %div3A_1050 : i32
      %dma_wait3A_1073 = arith.constant 7 : i32
      %dma_wait3A_1074 = arith.constant 0 : i32
      %dma_wait3A_1075 = arith.constant 0 : i32
      %dma_wait3A_1076 = tpu.memref_slice %arg8[%dma_wait3A_1073, %dma_wait3A_1074, %dma_wait3A_1075] : memref<8x104x64xf32, #tpu.memory_space<vmem>> -> memref<1x96x64xf32, #tpu.memory_space<vmem>>
      %dma_wait3A_1077 = tpu.memref_squeeze %dma_wait3A_1076 : memref<1x96x64xf32, #tpu.memory_space<vmem>> -> memref<96x64xf32, #tpu.memory_space<vmem>>
      %dma_wait3A_1078 = arith.constant 0 : i32
      %dma_wait3A_1079 = tpu.memref_slice %arg7[%select_n3A_1072, %dma_wait3A_1078] : memref<128x96xi32, #tpu.memory_space<vmem>> -> memref<1x96xi32, #tpu.memory_space<vmem>>
      %dma_wait3A_1080 = tpu.memref_squeeze %dma_wait3A_1079 : memref<1x96xi32, #tpu.memory_space<vmem>> -> memref<96xi32, #tpu.memory_space<vmem>>
      %dma_wait3A_1081 = arith.constant 0 : i32
      %dma_wait3A_1082 = arith.constant 0 : i32
      %dma_wait3A_1083 = tpu.memref_slice %arg2[%dma_wait3A_1081, %dma_wait3A_1082] : memref<100000x64xf32, #tpu.memory_space<hbm>> -> memref<100000x64xf32, #tpu.memory_space<hbm>>
      tpu.wait_indirect_dma semaphore(%arg16 : memref<!tpu.dma_semaphore, #tpu.memory_space<semaphore_mem>>) src(%dma_wait3A_1083 : memref<100000x64xf32, #tpu.memory_space<hbm>>) dst(%dma_wait3A_1077 : memref<96x64xf32, #tpu.memory_space<vmem>>)
      %scan3A_1084 = arith.constant 0 : i32
      %scan3A_1085 = arith.constant 0 : i32
      %scan3A_1086 = arith.constant 24 : i32
      %scan3A_1087 = arith.addi %scan3A_1085, %scan3A_1086 : i32
      %scan3A_1088 = arith.constant 1 : i32
      scf.for %scan3A_1181 = %scan3A_1085 to %scan3A_1087 step %scan3A_1088  : i32 {
        %mul3A_1182 = arith.constant 4 : i32
        %mul3A_1183 = arith.muli %mul3A_1182, %scan3A_1181 : i32
        %add3A_1184 = arith.constant 0 : i32
        %add3A_1185 = arith.addi %mul3A_1183, %add3A_1184 : i32
        %get3A = arith.constant 7 : i32
        %get3A_1186 = arith.index_cast %get3A : i32 to index
        %get3A_1187 = arith.index_cast %add3A_1185 : i32 to index
        %get3A_1188 = arith.constant 0 : index
        %get3A_1189 = tpu.vector_load %arg8[%get3A_1186, %get3A_1187, %get3A_1188] {strides = array<i32>} : memref<8x104x64xf32, #tpu.memory_space<vmem>>, vector<1x1x16xf32>,
        %get3A_1190 = vector.shape_cast %get3A_1189 : vector<1x1x16xf32> to vector<16xf32>
        %mul3A_1191 = arith.constant 8.000000e+00 : f32
        %mul3A_1192 = vector.broadcast %mul3A_1191 : f32 to vector<16xf32>
        %mul3A_1193 = arith.mulf %get3A_1190, %mul3A_1192 : vector<16xf32>
        %add3A_1194 = arith.constant 0 : i32
        %add3A_1195 = arith.addi %mul3A_1183, %add3A_1194 : i32
        %swap3A = arith.constant 7 : i32
        %swap3A_1196 = arith.index_cast %swap3A : i32 to index
        %swap3A_1197 = arith.index_cast %add3A_1195 : i32 to index
        %swap3A_1198 = arith.constant 0 : index
        %swap3A_1199 = tpu.vector_load %arg8[%swap3A_1196, %swap3A_1197, %swap3A_1198] {strides = array<i32>} : memref<8x104x64xf32, #tpu.memory_space<vmem>>, vector<1x1x16xf32>,
        %swap3A_1200 = vector.shape_cast %swap3A_1199 : vector<1x1x16xf32> to vector<16xf32>
        %swap3A_1201 = vector.shape_cast %mul3A_1193 : vector<16xf32> to vector<1x1x16xf32>
        tpu.vector_store %arg8[%swap3A_1196, %swap3A_1197, %swap3A_1198], %swap3A_1201 {strides = array<i32>} : memref<8x104x64xf32, #tpu.memory_space<vmem>>, vector<1x1x16xf32>,
        %add3A_1202 = arith.constant 0 : i32
        %add3A_1203 = arith.addi %mul3A_1183, %add3A_1202 : i32
        %get3A_1204 = arith.constant 7 : i32
        %get3A_1205 = arith.index_cast %get3A_1204 : i32 to index
        %get3A_1206 = arith.index_cast %add3A_1203 : i32 to index
        %get3A_1207 = arith.constant 16 : index
        %get3A_1208 = tpu.vector_load %arg8[%get3A_1205, %get3A_1206, %get3A_1207] {strides = array<i32>} : memref<8x104x64xf32, #tpu.memory_space<vmem>>, vector<1x1x16xf32>,
        %get3A_1209 = vector.shape_cast %get3A_1208 : vector<1x1x16xf32> to vector<16xf32>
        %mul3A_1210 = arith.constant 8.000000e+00 : f32
        %mul3A_1211 = vector.broadcast %mul3A_1210 : f32 to vector<16xf32>
        %mul3A_1212 = arith.mulf %get3A_1209, %mul3A_1211 : vector<16xf32>
        %add3A_1213 = arith.constant 0 : i32
        %add3A_1214 = arith.addi %mul3A_1183, %add3A_1213 : i32
        %swap3A_1215 = arith.constant 7 : i32
        %swap3A_1216 = arith.index_cast %swap3A_1215 : i32 to index
        %swap3A_1217 = arith.index_cast %add3A_1214 : i32 to index
        %swap3A_1218 = arith.constant 16 : index
        %swap3A_1219 = tpu.vector_load %arg8[%swap3A_1216, %swap3A_1217, %swap3A_1218] {strides = array<i32>} : memref<8x104x64xf32, #tpu.memory_space<vmem>>, vector<1x1x16xf32>,
        %swap3A_1220 = vector.shape_cast %swap3A_1219 : vector<1x1x16xf32> to vector<16xf32>
        %swap3A_1221 = vector.shape_cast %mul3A_1212 : vector<16xf32> to vector<1x1x16xf32>
        tpu.vector_store %arg8[%swap3A_1216, %swap3A_1217, %swap3A_1218], %swap3A_1221 {strides = array<i32>} : memref<8x104x64xf32, #tpu.memory_space<vmem>>, vector<1x1x16xf32>,
        %add3A_1222 = arith.constant 0 : i32
        %add3A_1223 = arith.addi %mul3A_1183, %add3A_1222 : i32
        %get3A_1224 = arith.constant 7 : i32
        %get3A_1225 = arith.index_cast %get3A_1224 : i32 to index
        %get3A_1226 = arith.index_cast %add3A_1223 : i32 to index
        %get3A_1227 = arith.constant 32 : index
        %get3A_1228 = tpu.vector_load %arg8[%get3A_1225, %get3A_1226, %get3A_1227] {strides = array<i32>} : memref<8x104x64xf32, #tpu.memory_space<vmem>>, vector<1x1x16xf32>,
        %get3A_1229 = vector.shape_cast %get3A_1228 : vector<1x1x16xf32> to vector<16xf32>
        %mul3A_1230 = arith.constant 8.000000e+00 : f32
        %mul3A_1231 = vector.broadcast %mul3A_1230 : f32 to vector<16xf32>
        %mul3A_1232 = arith.mulf %get3A_1229, %mul3A_1231 : vector<16xf32>
        %add3A_1233 = arith.constant 0 : i32
        %add3A_1234 = arith.addi %mul3A_1183, %add3A_1233 : i32
        %swap3A_1235 = arith.constant 7 : i32
        %swap3A_1236 = arith.index_cast %swap3A_1235 : i32 to index
        %swap3A_1237 = arith.index_cast %add3A_1234 : i32 to index
        %swap3A_1238 = arith.constant 32 : index
        %swap3A_1239 = tpu.vector_load %arg8[%swap3A_1236, %swap3A_1237, %swap3A_1238] {strides = array<i32>} : memref<8x104x64xf32, #tpu.memory_space<vmem>>, vector<1x1x16xf32>,
        %swap3A_1240 = vector.shape_cast %swap3A_1239 : vector<1x1x16xf32> to vector<16xf32>
        %swap3A_1241 = vector.shape_cast %mul3A_1232 : vector<16xf32> to vector<1x1x16xf32>
        tpu.vector_store %arg8[%swap3A_1236, %swap3A_1237, %swap3A_1238], %swap3A_1241 {strides = array<i32>} : memref<8x104x64xf32, #tpu.memory_space<vmem>>, vector<1x1x16xf32>,
        %add3A_1242 = arith.constant 0 : i32
        %add3A_1243 = arith.addi %mul3A_1183, %add3A_1242 : i32
        %get3A_1244 = arith.constant 7 : i32
        %get3A_1245 = arith.index_cast %get3A_1244 : i32 to index
        %get3A_1246 = arith.index_cast %add3A_1243 : i32 to index
        %get3A_1247 = arith.constant 48 : index
        %get3A_1248 = tpu.vector_load %arg8[%get3A_1245, %get3A_1246, %get3A_1247] {strides = array<i32>} : memref<8x104x64xf32, #tpu.memory_space<vmem>>, vector<1x1x16xf32>,
        %get3A_1249 = vector.shape_cast %get3A_1248 : vector<1x1x16xf32> to vector<16xf32>
        %mul3A_1250 = arith.constant 8.000000e+00 : f32
        %mul3A_1251 = vector.broadcast %mul3A_1250 : f32 to vector<16xf32>
        %mul3A_1252 = arith.mulf %get3A_1249, %mul3A_1251 : vector<16xf32>
        %add3A_1253 = arith.constant 0 : i32
        %add3A_1254 = arith.addi %mul3A_1183, %add3A_1253 : i32
        %swap3A_1255 = arith.constant 7 : i32
        %swap3A_1256 = arith.index_cast %swap3A_1255 : i32 to index
        %swap3A_1257 = arith.index_cast %add3A_1254 : i32 to index
        %swap3A_1258 = arith.constant 48 : index
        %swap3A_1259 = tpu.vector_load %arg8[%swap3A_1256, %swap3A_1257, %swap3A_1258] {strides = array<i32>} : memref<8x104x64xf32, #tpu.memory_space<vmem>>, vector<1x1x16xf32>,
        %swap3A_1260 = vector.shape_cast %swap3A_1259 : vector<1x1x16xf32> to vector<16xf32>
        %swap3A_1261 = vector.shape_cast %mul3A_1252 : vector<16xf32> to vector<1x1x16xf32>
        tpu.vector_store %arg8[%swap3A_1256, %swap3A_1257, %swap3A_1258], %swap3A_1261 {strides = array<i32>} : memref<8x104x64xf32, #tpu.memory_space<vmem>>, vector<1x1x16xf32>,
        %add3A_1262 = arith.constant 1 : i32
        %add3A_1263 = arith.addi %mul3A_1183, %add3A_1262 : i32
        %get3A_1264 = arith.constant 7 : i32
        %get3A_1265 = arith.index_cast %get3A_1264 : i32 to index
        %get3A_1266 = arith.index_cast %add3A_1263 : i32 to index
        %get3A_1267 = arith.constant 0 : index
        %get3A_1268 = tpu.vector_load %arg8[%get3A_1265, %get3A_1266, %get3A_1267] {strides = array<i32>} : memref<8x104x64xf32, #tpu.memory_space<vmem>>, vector<1x1x16xf32>,
        %get3A_1269 = vector.shape_cast %get3A_1268 : vector<1x1x16xf32> to vector<16xf32>
        %mul3A_1270 = arith.constant 8.000000e+00 : f32
        %mul3A_1271 = vector.broadcast %mul3A_1270 : f32 to vector<16xf32>
        %mul3A_1272 = arith.mulf %get3A_1269, %mul3A_1271 : vector<16xf32>
        %add3A_1273 = arith.constant 1 : i32
        %add3A_1274 = arith.addi %mul3A_1183, %add3A_1273 : i32
        %swap3A_1275 = arith.constant 7 : i32
        %swap3A_1276 = arith.index_cast %swap3A_1275 : i32 to index
        %swap3A_1277 = arith.index_cast %add3A_1274 : i32 to index
        %swap3A_1278 = arith.constant 0 : index
        %swap3A_1279 = tpu.vector_load %arg8[%swap3A_1276, %swap3A_1277, %swap3A_1278] {strides = array<i32>} : memref<8x104x64xf32, #tpu.memory_space<vmem>>, vector<1x1x16xf32>,
        %swap3A_1280 = vector.shape_cast %swap3A_1279 : vector<1x1x16xf32> to vector<16xf32>
        %swap3A_1281 = vector.shape_cast %mul3A_1272 : vector<16xf32> to vector<1x1x16xf32>
        tpu.vector_store %arg8[%swap3A_1276, %swap3A_1277, %swap3A_1278], %swap3A_1281 {strides = array<i32>} : memref<8x104x64xf32, #tpu.memory_space<vmem>>, vector<1x1x16xf32>,
        %add3A_1282 = arith.constant 1 : i32
        %add3A_1283 = arith.addi %mul3A_1183, %add3A_1282 : i32
        %get3A_1284 = arith.constant 7 : i32
        %get3A_1285 = arith.index_cast %get3A_1284 : i32 to index
        %get3A_1286 = arith.index_cast %add3A_1283 : i32 to index
        %get3A_1287 = arith.constant 16 : index
        %get3A_1288 = tpu.vector_load %arg8[%get3A_1285, %get3A_1286, %get3A_1287] {strides = array<i32>} : memref<8x104x64xf32, #tpu.memory_space<vmem>>, vector<1x1x16xf32>,
        %get3A_1289 = vector.shape_cast %get3A_1288 : vector<1x1x16xf32> to vector<16xf32>
        %mul3A_1290 = arith.constant 8.000000e+00 : f32
        %mul3A_1291 = vector.broadcast %mul3A_1290 : f32 to vector<16xf32>
        %mul3A_1292 = arith.mulf %get3A_1289, %mul3A_1291 : vector<16xf32>
        %add3A_1293 = arith.constant 1 : i32
        %add3A_1294 = arith.addi %mul3A_1183, %add3A_1293 : i32
        %swap3A_1295 = arith.constant 7 : i32
        %swap3A_1296 = arith.index_cast %swap3A_1295 : i32 to index
        %swap3A_1297 = arith.index_cast %add3A_1294 : i32 to index
        %swap3A_1298 = arith.constant 16 : index
        %swap3A_1299 = tpu.vector_load %arg8[%swap3A_1296, %swap3A_1297, %swap3A_1298] {strides = array<i32>} : memref<8x104x64xf32, #tpu.memory_space<vmem>>, vector<1x1x16xf32>,
        %swap3A_1300 = vector.shape_cast %swap3A_1299 : vector<1x1x16xf32> to vector<16xf32>
        %swap3A_1301 = vector.shape_cast %mul3A_1292 : vector<16xf32> to vector<1x1x16xf32>
        tpu.vector_store %arg8[%swap3A_1296, %swap3A_1297, %swap3A_1298], %swap3A_1301 {strides = array<i32>} : memref<8x104x64xf32, #tpu.memory_space<vmem>>, vector<1x1x16xf32>,
        %add3A_1302 = arith.constant 1 : i32
        %add3A_1303 = arith.addi %mul3A_1183, %add3A_1302 : i32
        %get3A_1304 = arith.constant 7 : i32
        %get3A_1305 = arith.index_cast %get3A_1304 : i32 to index
        %get3A_1306 = arith.index_cast %add3A_1303 : i32 to index
        %get3A_1307 = arith.constant 32 : index
        %get3A_1308 = tpu.vector_load %arg8[%get3A_1305, %get3A_1306, %get3A_1307] {strides = array<i32>} : memref<8x104x64xf32, #tpu.memory_space<vmem>>, vector<1x1x16xf32>,
        %get3A_1309 = vector.shape_cast %get3A_1308 : vector<1x1x16xf32> to vector<16xf32>
        %mul3A_1310 = arith.constant 8.000000e+00 : f32
        %mul3A_1311 = vector.broadcast %mul3A_1310 : f32 to vector<16xf32>
        %mul3A_1312 = arith.mulf %get3A_1309, %mul3A_1311 : vector<16xf32>
        %add3A_1313 = arith.constant 1 : i32
        %add3A_1314 = arith.addi %mul3A_1183, %add3A_1313 : i32
        %swap3A_1315 = arith.constant 7 : i32
        %swap3A_1316 = arith.index_cast %swap3A_1315 : i32 to index
        %swap3A_1317 = arith.index_cast %add3A_1314 : i32 to index
        %swap3A_1318 = arith.constant 32 : index
        %swap3A_1319 = tpu.vector_load %arg8[%swap3A_1316, %swap3A_1317, %swap3A_1318] {strides = array<i32>} : memref<8x104x64xf32, #tpu.memory_space<vmem>>, vector<1x1x16xf32>,
        %swap3A_1320 = vector.shape_cast %swap3A_1319 : vector<1x1x16xf32> to vector<16xf32>
        %swap3A_1321 = vector.shape_cast %mul3A_1312 : vector<16xf32> to vector<1x1x16xf32>
        tpu.vector_store %arg8[%swap3A_1316, %swap3A_1317, %swap3A_1318], %swap3A_1321 {strides = array<i32>} : memref<8x104x64xf32, #tpu.memory_space<vmem>>, vector<1x1x16xf32>,
        %add3A_1322 = arith.constant 1 : i32
        %add3A_1323 = arith.addi %mul3A_1183, %add3A_1322 : i32
        %get3A_1324 = arith.constant 7 : i32
        %get3A_1325 = arith.index_cast %get3A_1324 : i32 to index
        %get3A_1326 = arith.index_cast %add3A_1323 : i32 to index
        %get3A_1327 = arith.constant 48 : index
        %get3A_1328 = tpu.vector_load %arg8[%get3A_1325, %get3A_1326, %get3A_1327] {strides = array<i32>} : memref<8x104x64xf32, #tpu.memory_space<vmem>>, vector<1x1x16xf32>,
        %get3A_1329 = vector.shape_cast %get3A_1328 : vector<1x1x16xf32> to vector<16xf32>
        %mul3A_1330 = arith.constant 8.000000e+00 : f32
        %mul3A_1331 = vector.broadcast %mul3A_1330 : f32 to vector<16xf32>
        %mul3A_1332 = arith.mulf %get3A_1329, %mul3A_1331 : vector<16xf32>
        %add3A_1333 = arith.constant 1 : i32
        %add3A_1334 = arith.addi %mul3A_1183, %add3A_1333 : i32
        %swap3A_1335 = arith.constant 7 : i32
        %swap3A_1336 = arith.index_cast %swap3A_1335 : i32 to index
        %swap3A_1337 = arith.index_cast %add3A_1334 : i32 to index
        %swap3A_1338 = arith.constant 48 : index
        %swap3A_1339 = tpu.vector_load %arg8[%swap3A_1336, %swap3A_1337, %swap3A_1338] {strides = array<i32>} : memref<8x104x64xf32, #tpu.memory_space<vmem>>, vector<1x1x16xf32>,
        %swap3A_1340 = vector.shape_cast %swap3A_1339 : vector<1x1x16xf32> to vector<16xf32>
        %swap3A_1341 = vector.shape_cast %mul3A_1332 : vector<16xf32> to vector<1x1x16xf32>
        tpu.vector_store %arg8[%swap3A_1336, %swap3A_1337, %swap3A_1338], %swap3A_1341 {strides = array<i32>} : memref<8x104x64xf32, #tpu.memory_space<vmem>>, vector<1x1x16xf32>,
        %add3A_1342 = arith.constant 2 : i32
        %add3A_1343 = arith.addi %mul3A_1183, %add3A_1342 : i32
        %get3A_1344 = arith.constant 7 : i32
        %get3A_1345 = arith.index_cast %get3A_1344 : i32 to index
        %get3A_1346 = arith.index_cast %add3A_1343 : i32 to index
        %get3A_1347 = arith.constant 0 : index
        %get3A_1348 = tpu.vector_load %arg8[%get3A_1345, %get3A_1346, %get3A_1347] {strides = array<i32>} : memref<8x104x64xf32, #tpu.memory_space<vmem>>, vector<1x1x16xf32>,
        %get3A_1349 = vector.shape_cast %get3A_1348 : vector<1x1x16xf32> to vector<16xf32>
        %mul3A_1350 = arith.constant 8.000000e+00 : f32
        %mul3A_1351 = vector.broadcast %mul3A_1350 : f32 to vector<16xf32>
        %mul3A_1352 = arith.mulf %get3A_1349, %mul3A_1351 : vector<16xf32>
        %add3A_1353 = arith.constant 2 : i32
        %add3A_1354 = arith.addi %mul3A_1183, %add3A_1353 : i32
        %swap3A_1355 = arith.constant 7 : i32
        %swap3A_1356 = arith.index_cast %swap3A_1355 : i32 to index
        %swap3A_1357 = arith.index_cast %add3A_1354 : i32 to index
        %swap3A_1358 = arith.constant 0 : index
        %swap3A_1359 = tpu.vector_load %arg8[%swap3A_1356, %swap3A_1357, %swap3A_1358] {strides = array<i32>} : memref<8x104x64xf32, #tpu.memory_space<vmem>>, vector<1x1x16xf32>,
        %swap3A_1360 = vector.shape_cast %swap3A_1359 : vector<1x1x16xf32> to vector<16xf32>
        %swap3A_1361 = vector.shape_cast %mul3A_1352 : vector<16xf32> to vector<1x1x16xf32>
        tpu.vector_store %arg8[%swap3A_1356, %swap3A_1357, %swap3A_1358], %swap3A_1361 {strides = array<i32>} : memref<8x104x64xf32, #tpu.memory_space<vmem>>, vector<1x1x16xf32>,
        %add3A_1362 = arith.constant 2 : i32
        %add3A_1363 = arith.addi %mul3A_1183, %add3A_1362 : i32
        %get3A_1364 = arith.constant 7 : i32
        %get3A_1365 = arith.index_cast %get3A_1364 : i32 to index
        %get3A_1366 = arith.index_cast %add3A_1363 : i32 to index
        %get3A_1367 = arith.constant 16 : index
        %get3A_1368 = tpu.vector_load %arg8[%get3A_1365, %get3A_1366, %get3A_1367] {strides = array<i32>} : memref<8x104x64xf32, #tpu.memory_space<vmem>>, vector<1x1x16xf32>,
        %get3A_1369 = vector.shape_cast %get3A_1368 : vector<1x1x16xf32> to vector<16xf32>
        %mul3A_1370 = arith.constant 8.000000e+00 : f32
        %mul3A_1371 = vector.broadcast %mul3A_1370 : f32 to vector<16xf32>
        %mul3A_1372 = arith.mulf %get3A_1369, %mul3A_1371 : vector<16xf32>
        %add3A_1373 = arith.constant 2 : i32
        %add3A_1374 = arith.addi %mul3A_1183, %add3A_1373 : i32
        %swap3A_1375 = arith.constant 7 : i32
        %swap3A_1376 = arith.index_cast %swap3A_1375 : i32 to index
        %swap3A_1377 = arith.index_cast %add3A_1374 : i32 to index
        %swap3A_1378 = arith.constant 16 : index
        %swap3A_1379 = tpu.vector_load %arg8[%swap3A_1376, %swap3A_1377, %swap3A_1378] {strides = array<i32>} : memref<8x104x64xf32, #tpu.memory_space<vmem>>, vector<1x1x16xf32>,
        %swap3A_1380 = vector.shape_cast %swap3A_1379 : vector<1x1x16xf32> to vector<16xf32>
        %swap3A_1381 = vector.shape_cast %mul3A_1372 : vector<16xf32> to vector<1x1x16xf32>
        tpu.vector_store %arg8[%swap3A_1376, %swap3A_1377, %swap3A_1378], %swap3A_1381 {strides = array<i32>} : memref<8x104x64xf32, #tpu.memory_space<vmem>>, vector<1x1x16xf32>,
        %add3A_1382 = arith.constant 2 : i32
        %add3A_1383 = arith.addi %mul3A_1183, %add3A_1382 : i32
        %get3A_1384 = arith.constant 7 : i32
        %get3A_1385 = arith.index_cast %get3A_1384 : i32 to index
        %get3A_1386 = arith.index_cast %add3A_1383 : i32 to index
        %get3A_1387 = arith.constant 32 : index
        %get3A_1388 = tpu.vector_load %arg8[%get3A_1385, %get3A_1386, %get3A_1387] {strides = array<i32>} : memref<8x104x64xf32, #tpu.memory_space<vmem>>, vector<1x1x16xf32>,
        %get3A_1389 = vector.shape_cast %get3A_1388 : vector<1x1x16xf32> to vector<16xf32>
        %mul3A_1390 = arith.constant 8.000000e+00 : f32
        %mul3A_1391 = vector.broadcast %mul3A_1390 : f32 to vector<16xf32>
        %mul3A_1392 = arith.mulf %get3A_1389, %mul3A_1391 : vector<16xf32>
        %add3A_1393 = arith.constant 2 : i32
        %add3A_1394 = arith.addi %mul3A_1183, %add3A_1393 : i32
        %swap3A_1395 = arith.constant 7 : i32
        %swap3A_1396 = arith.index_cast %swap3A_1395 : i32 to index
        %swap3A_1397 = arith.index_cast %add3A_1394 : i32 to index
        %swap3A_1398 = arith.constant 32 : index
        %swap3A_1399 = tpu.vector_load %arg8[%swap3A_1396, %swap3A_1397, %swap3A_1398] {strides = array<i32>} : memref<8x104x64xf32, #tpu.memory_space<vmem>>, vector<1x1x16xf32>,
        %swap3A_1400 = vector.shape_cast %swap3A_1399 : vector<1x1x16xf32> to vector<16xf32>
        %swap3A_1401 = vector.shape_cast %mul3A_1392 : vector<16xf32> to vector<1x1x16xf32>
        tpu.vector_store %arg8[%swap3A_1396, %swap3A_1397, %swap3A_1398], %swap3A_1401 {strides = array<i32>} : memref<8x104x64xf32, #tpu.memory_space<vmem>>, vector<1x1x16xf32>,
        %add3A_1402 = arith.constant 2 : i32
        %add3A_1403 = arith.addi %mul3A_1183, %add3A_1402 : i32
        %get3A_1404 = arith.constant 7 : i32
        %get3A_1405 = arith.index_cast %get3A_1404 : i32 to index
        %get3A_1406 = arith.index_cast %add3A_1403 : i32 to index
        %get3A_1407 = arith.constant 48 : index
        %get3A_1408 = tpu.vector_load %arg8[%get3A_1405, %get3A_1406, %get3A_1407] {strides = array<i32>} : memref<8x104x64xf32, #tpu.memory_space<vmem>>, vector<1x1x16xf32>,
        %get3A_1409 = vector.shape_cast %get3A_1408 : vector<1x1x16xf32> to vector<16xf32>
        %mul3A_1410 = arith.constant 8.000000e+00 : f32
        %mul3A_1411 = vector.broadcast %mul3A_1410 : f32 to vector<16xf32>
        %mul3A_1412 = arith.mulf %get3A_1409, %mul3A_1411 : vector<16xf32>
        %add3A_1413 = arith.constant 2 : i32
        %add3A_1414 = arith.addi %mul3A_1183, %add3A_1413 : i32
        %swap3A_1415 = arith.constant 7 : i32
        %swap3A_1416 = arith.index_cast %swap3A_1415 : i32 to index
        %swap3A_1417 = arith.index_cast %add3A_1414 : i32 to index
        %swap3A_1418 = arith.constant 48 : index
        %swap3A_1419 = tpu.vector_load %arg8[%swap3A_1416, %swap3A_1417, %swap3A_1418] {strides = array<i32>} : memref<8x104x64xf32, #tpu.memory_space<vmem>>, vector<1x1x16xf32>,
        %swap3A_1420 = vector.shape_cast %swap3A_1419 : vector<1x1x16xf32> to vector<16xf32>
        %swap3A_1421 = vector.shape_cast %mul3A_1412 : vector<16xf32> to vector<1x1x16xf32>
        tpu.vector_store %arg8[%swap3A_1416, %swap3A_1417, %swap3A_1418], %swap3A_1421 {strides = array<i32>} : memref<8x104x64xf32, #tpu.memory_space<vmem>>, vector<1x1x16xf32>,
        %add3A_1422 = arith.constant 3 : i32
        %add3A_1423 = arith.addi %mul3A_1183, %add3A_1422 : i32
        %get3A_1424 = arith.constant 7 : i32
        %get3A_1425 = arith.index_cast %get3A_1424 : i32 to index
        %get3A_1426 = arith.index_cast %add3A_1423 : i32 to index
        %get3A_1427 = arith.constant 0 : index
        %get3A_1428 = tpu.vector_load %arg8[%get3A_1425, %get3A_1426, %get3A_1427] {strides = array<i32>} : memref<8x104x64xf32, #tpu.memory_space<vmem>>, vector<1x1x16xf32>,
        %get3A_1429 = vector.shape_cast %get3A_1428 : vector<1x1x16xf32> to vector<16xf32>
        %mul3A_1430 = arith.constant 8.000000e+00 : f32
        %mul3A_1431 = vector.broadcast %mul3A_1430 : f32 to vector<16xf32>
        %mul3A_1432 = arith.mulf %get3A_1429, %mul3A_1431 : vector<16xf32>
        %add3A_1433 = arith.constant 3 : i32
        %add3A_1434 = arith.addi %mul3A_1183, %add3A_1433 : i32
        %swap3A_1435 = arith.constant 7 : i32
        %swap3A_1436 = arith.index_cast %swap3A_1435 : i32 to index
        %swap3A_1437 = arith.index_cast %add3A_1434 : i32 to index
        %swap3A_1438 = arith.constant 0 : index
        %swap3A_1439 = tpu.vector_load %arg8[%swap3A_1436, %swap3A_1437, %swap3A_1438] {strides = array<i32>} : memref<8x104x64xf32, #tpu.memory_space<vmem>>, vector<1x1x16xf32>,
        %swap3A_1440 = vector.shape_cast %swap3A_1439 : vector<1x1x16xf32> to vector<16xf32>
        %swap3A_1441 = vector.shape_cast %mul3A_1432 : vector<16xf32> to vector<1x1x16xf32>
        tpu.vector_store %arg8[%swap3A_1436, %swap3A_1437, %swap3A_1438], %swap3A_1441 {strides = array<i32>} : memref<8x104x64xf32, #tpu.memory_space<vmem>>, vector<1x1x16xf32>,
        %add3A_1442 = arith.constant 3 : i32
        %add3A_1443 = arith.addi %mul3A_1183, %add3A_1442 : i32
        %get3A_1444 = arith.constant 7 : i32
        %get3A_1445 = arith.index_cast %get3A_1444 : i32 to index
        %get3A_1446 = arith.index_cast %add3A_1443 : i32 to index
        %get3A_1447 = arith.constant 16 : index
        %get3A_1448 = tpu.vector_load %arg8[%get3A_1445, %get3A_1446, %get3A_1447] {strides = array<i32>} : memref<8x104x64xf32, #tpu.memory_space<vmem>>, vector<1x1x16xf32>,
        %get3A_1449 = vector.shape_cast %get3A_1448 : vector<1x1x16xf32> to vector<16xf32>
        %mul3A_1450 = arith.constant 8.000000e+00 : f32
        %mul3A_1451 = vector.broadcast %mul3A_1450 : f32 to vector<16xf32>
        %mul3A_1452 = arith.mulf %get3A_1449, %mul3A_1451 : vector<16xf32>
        %add3A_1453 = arith.constant 3 : i32
        %add3A_1454 = arith.addi %mul3A_1183, %add3A_1453 : i32
        %swap3A_1455 = arith.constant 7 : i32
        %swap3A_1456 = arith.index_cast %swap3A_1455 : i32 to index
        %swap3A_1457 = arith.index_cast %add3A_1454 : i32 to index
        %swap3A_1458 = arith.constant 16 : index
        %swap3A_1459 = tpu.vector_load %arg8[%swap3A_1456, %swap3A_1457, %swap3A_1458] {strides = array<i32>} : memref<8x104x64xf32, #tpu.memory_space<vmem>>, vector<1x1x16xf32>,
        %swap3A_1460 = vector.shape_cast %swap3A_1459 : vector<1x1x16xf32> to vector<16xf32>
        %swap3A_1461 = vector.shape_cast %mul3A_1452 : vector<16xf32> to vector<1x1x16xf32>
        tpu.vector_store %arg8[%swap3A_1456, %swap3A_1457, %swap3A_1458], %swap3A_1461 {strides = array<i32>} : memref<8x104x64xf32, #tpu.memory_space<vmem>>, vector<1x1x16xf32>,
        %add3A_1462 = arith.constant 3 : i32
        %add3A_1463 = arith.addi %mul3A_1183, %add3A_1462 : i32
        %get3A_1464 = arith.constant 7 : i32
        %get3A_1465 = arith.index_cast %get3A_1464 : i32 to index
        %get3A_1466 = arith.index_cast %add3A_1463 : i32 to index
        %get3A_1467 = arith.constant 32 : index
        %get3A_1468 = tpu.vector_load %arg8[%get3A_1465, %get3A_1466, %get3A_1467] {strides = array<i32>} : memref<8x104x64xf32, #tpu.memory_space<vmem>>, vector<1x1x16xf32>,
        %get3A_1469 = vector.shape_cast %get3A_1468 : vector<1x1x16xf32> to vector<16xf32>
        %mul3A_1470 = arith.constant 8.000000e+00 : f32
        %mul3A_1471 = vector.broadcast %mul3A_1470 : f32 to vector<16xf32>
        %mul3A_1472 = arith.mulf %get3A_1469, %mul3A_1471 : vector<16xf32>
        %add3A_1473 = arith.constant 3 : i32
        %add3A_1474 = arith.addi %mul3A_1183, %add3A_1473 : i32
        %swap3A_1475 = arith.constant 7 : i32
        %swap3A_1476 = arith.index_cast %swap3A_1475 : i32 to index
        %swap3A_1477 = arith.index_cast %add3A_1474 : i32 to index
        %swap3A_1478 = arith.constant 32 : index
        %swap3A_1479 = tpu.vector_load %arg8[%swap3A_1476, %swap3A_1477, %swap3A_1478] {strides = array<i32>} : memref<8x104x64xf32, #tpu.memory_space<vmem>>, vector<1x1x16xf32>,
        %swap3A_1480 = vector.shape_cast %swap3A_1479 : vector<1x1x16xf32> to vector<16xf32>
        %swap3A_1481 = vector.shape_cast %mul3A_1472 : vector<16xf32> to vector<1x1x16xf32>
        tpu.vector_store %arg8[%swap3A_1476, %swap3A_1477, %swap3A_1478], %swap3A_1481 {strides = array<i32>} : memref<8x104x64xf32, #tpu.memory_space<vmem>>, vector<1x1x16xf32>,
        %add3A_1482 = arith.constant 3 : i32
        %add3A_1483 = arith.addi %mul3A_1183, %add3A_1482 : i32
        %get3A_1484 = arith.constant 7 : i32
        %get3A_1485 = arith.index_cast %get3A_1484 : i32 to index
        %get3A_1486 = arith.index_cast %add3A_1483 : i32 to index
        %get3A_1487 = arith.constant 48 : index
        %get3A_1488 = tpu.vector_load %arg8[%get3A_1485, %get3A_1486, %get3A_1487] {strides = array<i32>} : memref<8x104x64xf32, #tpu.memory_space<vmem>>, vector<1x1x16xf32>,
        %get3A_1489 = vector.shape_cast %get3A_1488 : vector<1x1x16xf32> to vector<16xf32>
        %mul3A_1490 = arith.constant 8.000000e+00 : f32
        %mul3A_1491 = vector.broadcast %mul3A_1490 : f32 to vector<16xf32>
        %mul3A_1492 = arith.mulf %get3A_1489, %mul3A_1491 : vector<16xf32>
        %add3A_1493 = arith.constant 3 : i32
        %add3A_1494 = arith.addi %mul3A_1183, %add3A_1493 : i32
        %swap3A_1495 = arith.constant 7 : i32
        %swap3A_1496 = arith.index_cast %swap3A_1495 : i32 to index
        %swap3A_1497 = arith.index_cast %add3A_1494 : i32 to index
        %swap3A_1498 = arith.constant 48 : index
        %swap3A_1499 = tpu.vector_load %arg8[%swap3A_1496, %swap3A_1497, %swap3A_1498] {strides = array<i32>} : memref<8x104x64xf32, #tpu.memory_space<vmem>>, vector<1x1x16xf32>,
        %swap3A_1500 = vector.shape_cast %swap3A_1499 : vector<1x1x16xf32> to vector<16xf32>
        %swap3A_1501 = vector.shape_cast %mul3A_1492 : vector<16xf32> to vector<1x1x16xf32>
        tpu.vector_store %arg8[%swap3A_1496, %swap3A_1497, %swap3A_1498], %swap3A_1501 {strides = array<i32>} : memref<8x104x64xf32, #tpu.memory_space<vmem>>, vector<1x1x16xf32>,
      }
      %scan3A_1089 = arith.constant 24 : i32
      %jit3A_1090 = arith.constant 2 : i32
      %div3A_1091 = arith.divsi %add3A_1048, %jit3A_1090 : i32
      %sign3A_1092 = arith.constant 0 : i32
      %sign3A_1093 = arith.cmpi sgt, %add3A_1048, %sign3A_1092 : i32
      %sign3A_1094 = arith.extui %sign3A_1093 : i1 to i32
      %sign3A_1095 = arith.constant 0 : i32
      %sign3A_1096 = arith.cmpi slt, %add3A_1048, %sign3A_1095 : i32
      %sign3A_1097 = arith.extui %sign3A_1096 : i1 to i32
      %sign3A_1098 = arith.subi %sign3A_1094, %sign3A_1097 : i32
      %sign3A_1099 = arith.constant 0 : i32
      %sign3A_1100 = arith.cmpi sgt, %jit3A_1090, %sign3A_1099 : i32
      %sign3A_1101 = arith.extui %sign3A_1100 : i1 to i32
      %sign3A_1102 = arith.constant 0 : i32
      %sign3A_1103 = arith.cmpi slt, %jit3A_1090, %sign3A_1102 : i32
      %sign3A_1104 = arith.extui %sign3A_1103 : i1 to i32
      %sign3A_1105 = arith.subi %sign3A_1101, %sign3A_1104 : i32
      %ne3A_1106 = arith.cmpi ne, %sign3A_1098, %sign3A_1105 : i32
      %rem3A_1107 = arith.remsi %add3A_1048, %jit3A_1090 : i32
      %ne3A_1108 = arith.constant 0 : i32
      %ne3A_1109 = arith.cmpi ne, %rem3A_1107, %ne3A_1108 : i32
      %and3A_1110 = arith.andi %ne3A_1106, %ne3A_1109 : i1
      %sub3A_1111 = arith.constant 1 : i32
      %sub3A_1112 = arith.subi %div3A_1091, %sub3A_1111 : i32
      %select_n3A_1113 = arith.select %and3A_1110, %sub3A_1112, %div3A_1091 : i32
      %add3A_1114 = arith.addi %mul3A_2, %select_n3A_1113 : i32
      %mul3A_1115 = arith.constant 200 : i32
      %mul3A_1116 = arith.muli %add3A_1114, %mul3A_1115 : i32
      %add3A_1117 = arith.constant 104 : i32
      %add3A_1118 = arith.addi %mul3A_1116, %add3A_1117 : i32
      %dma_start3A_1119 = arith.constant 7 : i32
      %dma_start3A_1120 = arith.constant 0 : i32
      %dma_start3A_1121 = arith.constant 0 : i32
      %dma_start3A_1122 = tpu.memref_slice %arg8[%dma_start3A_1119, %dma_start3A_1120, %dma_start3A_1121] : memref<8x104x64xf32, #tpu.memory_space<vmem>> -> memref<1x96x64xf32, #tpu.memory_space<vmem>>
      %dma_start3A_1123 = tpu.memref_squeeze %dma_start3A_1122 : memref<1x96x64xf32, #tpu.memory_space<vmem>> -> memref<96x64xf32, #tpu.memory_space<vmem>>
      %dma_start3A_1124 = arith.constant 0 : i32
      %dma_start3A_1125 = tpu.memref_slice %arg5[%add3A_1118, %dma_start3A_1124] : memref<819200x128xf32, #tpu.memory_space<hbm>> -> memref<96x64xf32, #tpu.memory_space<hbm>>
      %dma_start3A_1126 = arith.constant 0 : i32
      %dma_start3A_1127 = tpu.memref_slice %arg5[%add3A_1118, %dma_start3A_1126] : memref<819200x128xf32, #tpu.memory_space<hbm>> -> memref<96x64xf32, #tpu.memory_space<hbm>>
      %dma_start3A_1128 = arith.constant 0 : i32
      %dma_start3A_1129 = arith.constant 0 : i32
      %dma_start3A_1130 = tpu.memref_slice %arg8[%dma_start3A_1119, %dma_start3A_1128, %dma_start3A_1129] : memref<8x104x64xf32, #tpu.memory_space<vmem>> -> memref<1x96x64xf32, #tpu.memory_space<vmem>>
      %dma_start3A_1131 = tpu.memref_squeeze %dma_start3A_1130 : memref<1x96x64xf32, #tpu.memory_space<vmem>> -> memref<96x64xf32, #tpu.memory_space<vmem>>
      tpu.enqueue_dma source(%dma_start3A_1131 : memref<96x64xf32, #tpu.memory_space<vmem>>) target(%dma_start3A_1127 : memref<96x64xf32, #tpu.memory_space<hbm>>) target_semaphore(%arg24 : memref<!tpu.dma_semaphore, #tpu.memory_space<semaphore_mem>>)
      %sub3A_1132 = arith.constant 1 : i32
      %sub3A_1133 = arith.subi %add3A_1048, %sub3A_1132 : i32
      %jit3A_1134 = arith.constant 2 : i32
      %div3A_1135 = arith.divsi %sub3A_1133, %jit3A_1134 : i32
      %sign3A_1136 = arith.constant 0 : i32
      %sign3A_1137 = arith.cmpi sgt, %sub3A_1133, %sign3A_1136 : i32
      %sign3A_1138 = arith.extui %sign3A_1137 : i1 to i32
      %sign3A_1139 = arith.constant 0 : i32
      %sign3A_1140 = arith.cmpi slt, %sub3A_1133, %sign3A_1139 : i32
      %sign3A_1141 = arith.extui %sign3A_1140 : i1 to i32
      %sign3A_1142 = arith.subi %sign3A_1138, %sign3A_1141 : i32
      %sign3A_1143 = arith.constant 0 : i32
      %sign3A_1144 = arith.cmpi sgt, %jit3A_1134, %sign3A_1143 : i32
      %sign3A_1145 = arith.extui %sign3A_1144 : i1 to i32
      %sign3A_1146 = arith.constant 0 : i32
      %sign3A_1147 = arith.cmpi slt, %jit3A_1134, %sign3A_1146 : i32
      %sign3A_1148 = arith.extui %sign3A_1147 : i1 to i32
      %sign3A_1149 = arith.subi %sign3A_1145, %sign3A_1148 : i32
      %ne3A_1150 = arith.cmpi ne, %sign3A_1142, %sign3A_1149 : i32
      %rem3A_1151 = arith.remsi %sub3A_1133, %jit3A_1134 : i32
      %ne3A_1152 = arith.constant 0 : i32
      %ne3A_1153 = arith.cmpi ne, %rem3A_1151, %ne3A_1152 : i32
      %and3A_1154 = arith.andi %ne3A_1150, %ne3A_1153 : i1
      %sub3A_1155 = arith.constant 1 : i32
      %sub3A_1156 = arith.subi %div3A_1135, %sub3A_1155 : i32
      %select_n3A_1157 = arith.select %and3A_1154, %sub3A_1156, %div3A_1135 : i32
      %add3A_1158 = arith.addi %mul3A_2, %select_n3A_1157 : i32
      %mul3A_1159 = arith.constant 200 : i32
      %mul3A_1160 = arith.muli %add3A_1158, %mul3A_1159 : i32
      %add3A_1161 = arith.constant 0 : i32
      %add3A_1162 = arith.addi %mul3A_1160, %add3A_1161 : i32
      %dma_wait3A_1163 = arith.constant 6 : i32
      %dma_wait3A_1164 = arith.constant 0 : i32
      %dma_wait3A_1165 = arith.constant 0 : i32
      %dma_wait3A_1166 = tpu.memref_slice %arg8[%dma_wait3A_1163, %dma_wait3A_1164, %dma_wait3A_1165] : memref<8x104x64xf32, #tpu.memory_space<vmem>> -> memref<1x104x64xf32, #tpu.memory_space<vmem>>
      %dma_wait3A_1167 = tpu.memref_squeeze %dma_wait3A_1166 : memref<1x104x64xf32, #tpu.memory_space<vmem>> -> memref<104x64xf32, #tpu.memory_space<vmem>>
      %dma_wait3A_1168 = arith.constant 0 : i32
      %dma_wait3A_1169 = tpu.memref_slice %arg5[%add3A_1162, %dma_wait3A_1168] : memref<819200x128xf32, #tpu.memory_space<hbm>> -> memref<104x64xf32, #tpu.memory_space<hbm>>
      %dma_wait3A_1170 = arith.constant 0 : i32
      %dma_wait3A_1171 = tpu.memref_slice %arg5[%add3A_1162, %dma_wait3A_1170] : memref<819200x128xf32, #tpu.memory_space<hbm>> -> memref<104x64xf32, #tpu.memory_space<hbm>>
      %dma_wait3A_1172 = arith.constant 0 : i32
      %dma_wait3A_1173 = arith.constant 0 : i32
      %dma_wait3A_1174 = tpu.memref_slice %arg8[%dma_wait3A_1163, %dma_wait3A_1172, %dma_wait3A_1173] : memref<8x104x64xf32, #tpu.memory_space<vmem>> -> memref<1x104x64xf32, #tpu.memory_space<vmem>>
      %dma_wait3A_1175 = tpu.memref_squeeze %dma_wait3A_1174 : memref<1x104x64xf32, #tpu.memory_space<vmem>> -> memref<104x64xf32, #tpu.memory_space<vmem>>
      tpu.wait_dma2 semaphore(%arg23 : memref<!tpu.dma_semaphore, #tpu.memory_space<semaphore_mem>>) src(%dma_wait3A_1175 : memref<104x64xf32, #tpu.memory_space<vmem>>) dst(%dma_wait3A_1171 : memref<104x64xf32, #tpu.memory_space<hbm>>)
      %lt3A_1176 = arith.constant 31 : i32
      %lt3A_1177 = arith.cmpi slt, %scan3A_109, %lt3A_1176 : i32
      %convert_element_type3A_1178 = arith.extui %lt3A_1177 : i1 to i32
      %cond3A_1179 = arith.constant 0 : i32
      %cond3A_1180 = arith.cmpi ne, %convert_element_type3A_1178, %cond3A_1179 : i32
      scf.if %cond3A_1180 {
        %add3A_1181 = arith.constant 8 : i32
        %add3A_1182 = arith.addi %add3A_1048, %add3A_1181 : i32
        %sub3A_1183 = arith.constant 1 : i32
        %sub3A_1184 = arith.subi %add3A_1182, %sub3A_1183 : i32
        %jit3A_1185 = arith.constant 2 : i32
        %div3A_1186 = arith.divsi %sub3A_1184, %jit3A_1185 : i32
        %sign3A_1187 = arith.constant 0 : i32
        %sign3A_1188 = arith.cmpi sgt, %sub3A_1184, %sign3A_1187 : i32
        %sign3A_1189 = arith.extui %sign3A_1188 : i1 to i32
        %sign3A_1190 = arith.constant 0 : i32
        %sign3A_1191 = arith.cmpi slt, %sub3A_1184, %sign3A_1190 : i32
        %sign3A_1192 = arith.extui %sign3A_1191 : i1 to i32
        %sign3A_1193 = arith.subi %sign3A_1189, %sign3A_1192 : i32
        %sign3A_1194 = arith.constant 0 : i32
        %sign3A_1195 = arith.cmpi sgt, %jit3A_1185, %sign3A_1194 : i32
        %sign3A_1196 = arith.extui %sign3A_1195 : i1 to i32
        %sign3A_1197 = arith.constant 0 : i32
        %sign3A_1198 = arith.cmpi slt, %jit3A_1185, %sign3A_1197 : i32
        %sign3A_1199 = arith.extui %sign3A_1198 : i1 to i32
        %sign3A_1200 = arith.subi %sign3A_1196, %sign3A_1199 : i32
        %ne3A_1201 = arith.cmpi ne, %sign3A_1193, %sign3A_1200 : i32
        %rem3A_1202 = arith.remsi %sub3A_1184, %jit3A_1185 : i32
        %ne3A_1203 = arith.constant 0 : i32
        %ne3A_1204 = arith.cmpi ne, %rem3A_1202, %ne3A_1203 : i32
        %and3A_1205 = arith.andi %ne3A_1201, %ne3A_1204 : i1
        %sub3A_1206 = arith.constant 1 : i32
        %sub3A_1207 = arith.subi %div3A_1186, %sub3A_1206 : i32
        %select_n3A_1208 = arith.select %and3A_1205, %sub3A_1207, %div3A_1186 : i32
        %dma_start3A_1209 = arith.constant 6 : i32
        %dma_start3A_1210 = arith.constant 0 : i32
        %dma_start3A_1211 = arith.constant 0 : i32
        %dma_start3A_1212 = tpu.memref_slice %arg8[%dma_start3A_1209, %dma_start3A_1210, %dma_start3A_1211] : memref<8x104x64xf32, #tpu.memory_space<vmem>> -> memref<1x104x64xf32, #tpu.memory_space<vmem>>
        %dma_start3A_1213 = tpu.memref_squeeze %dma_start3A_1212 : memref<1x104x64xf32, #tpu.memory_space<vmem>> -> memref<104x64xf32, #tpu.memory_space<vmem>>
        %dma_start3A_1214 = arith.constant 0 : i32
        %dma_start3A_1215 = tpu.memref_slice %arg6[%select_n3A_1208, %dma_start3A_1214] : memref<128x104xi32, #tpu.memory_space<vmem>> -> memref<1x104xi32, #tpu.memory_space<vmem>>
        %dma_start3A_1216 = tpu.memref_squeeze %dma_start3A_1215 : memref<1x104xi32, #tpu.memory_space<vmem>> -> memref<104xi32, #tpu.memory_space<vmem>>
        %dma_start3A_1217 = arith.constant 0 : i32
        %dma_start3A_1218 = arith.constant 0 : i32
        %dma_start3A_1219 = tpu.memref_slice %arg2[%dma_start3A_1217, %dma_start3A_1218] : memref<100000x64xf32, #tpu.memory_space<hbm>> -> memref<100000x64xf32, #tpu.memory_space<hbm>>
        tpu.enqueue_indirect_dma source(%dma_start3A_1219 : memref<100000x64xf32, #tpu.memory_space<hbm>>) target(%dma_start3A_1213 : memref<104x64xf32, #tpu.memory_space<vmem>>) offsets(%dma_start3A_1216 : memref<104xi32, #tpu.memory_space<vmem>>) semaphore(%arg15 : memref<!tpu.dma_semaphore, #tpu.memory_space<semaphore_mem>>)
      } else {
      }
    }
    %scan3A_90 = arith.constant 32 : i32
    %add3A_91 = arith.constant 127 : i32
    %add3A_92 = arith.addi %mul3A_2, %add3A_91 : i32
    %mul3A_93 = arith.constant 200 : i32
    %mul3A_94 = arith.muli %add3A_92, %mul3A_93 : i32
    %add3A_95 = arith.constant 104 : i32
    %add3A_96 = arith.addi %mul3A_94, %add3A_95 : i32
    %dma_wait3A = arith.constant 7 : i32
    %dma_wait3A_97 = arith.constant 0 : i32
    %dma_wait3A_98 = arith.constant 0 : i32
    %dma_wait3A_99 = tpu.memref_slice %arg8[%dma_wait3A, %dma_wait3A_97, %dma_wait3A_98] : memref<8x104x64xf32, #tpu.memory_space<vmem>> -> memref<1x96x64xf32, #tpu.memory_space<vmem>>
    %dma_wait3A_100 = tpu.memref_squeeze %dma_wait3A_99 : memref<1x96x64xf32, #tpu.memory_space<vmem>> -> memref<96x64xf32, #tpu.memory_space<vmem>>
    %dma_wait3A_101 = arith.constant 0 : i32
    %dma_wait3A_102 = tpu.memref_slice %arg5[%add3A_96, %dma_wait3A_101] : memref<819200x128xf32, #tpu.memory_space<hbm>> -> memref<96x64xf32, #tpu.memory_space<hbm>>
    %dma_wait3A_103 = arith.constant 0 : i32
    %dma_wait3A_104 = tpu.memref_slice %arg5[%add3A_96, %dma_wait3A_103] : memref<819200x128xf32, #tpu.memory_space<hbm>> -> memref<96x64xf32, #tpu.memory_space<hbm>>
    %dma_wait3A_105 = arith.constant 0 : i32
    %dma_wait3A_106 = arith.constant 0 : i32
    %dma_wait3A_107 = tpu.memref_slice %arg8[%dma_wait3A, %dma_wait3A_105, %dma_wait3A_106] : memref<8x104x64xf32, #tpu.memory_space<vmem>> -> memref<1x96x64xf32, #tpu.memory_space<vmem>>
    %dma_wait3A_108 = tpu.memref_squeeze %dma_wait3A_107 : memref<1x96x64xf32, #tpu.memory_space<vmem>> -> memref<96x64xf32, #tpu.memory_space<vmem>>
    tpu.wait_dma2 semaphore(%arg24 : memref<!tpu.dma_semaphore, #tpu.memory_space<semaphore_mem>>) src(%dma_wait3A_108 : memref<96x64xf32, #tpu.memory_space<vmem>>) dst(%dma_wait3A_104 : memref<96x64xf32, #tpu.memory_space<hbm>>)
    return
  }
}

</mosaic_0001>

<sc_bundles>
// kernel: kernel.3.cloned.1.call-start
scs
__scs_entry_jumppad:
0x0: {  	(pc) =	sbr.rel $0x88, $3  }
0x1: {  	(tag) =	ssettag $0x0;
	lr =	simm.s32 $0x1  }
0x2: {  	[smem:$0x3F9F] =	sst lr;
	_ =	strace $0xD0000000  }
0x3: {  	_ = 	snop  }
0x4: {  	_ = 	snop  }
0x5: {  	_ = 	snop  }
0x6: {  	_ = 	snop  }
0x7: {  	_ = 	snop  }
__scs_overlays_trampoline_lowered:
0x8: {  	[smem:$0x3FAE] =	sst s0  }
0x9: {  	[smem:$0x3FAF] =	sst s1  }
0xa: {  	[smem:$0x3FB0] =	sst s2  }
0xb: {  	[smem:$0x3FB1] =	sst s3  }
0xc: {  	[smem:$0x3FB2] =	sst s4  }
0xd: {  	[smem:$0x3FB3] =	sst s5  }
0xe: {  	[smem:$0x3FB4] =	sst s6  }
0xf: {  	[smem:$0x3FB5] =	sst s7  }
0x10: {  	[smem:$0x3FB6] =	sst s8  }
0x11: {  	[smem:$0x3FB7] =	sst s9;
	s0 =	simm.s32 @!p0 $0x0  }
0x12: {  	s1 =	sld [smem:$0x3F9D];
	s0 =	simm.s32 @p0 $0x1  }
0x13: {  	[smem:$0x3FB8] =	sst s0;
	s0 =	simm.s32 @!p1 $0x0  }
0x14: {  	s2 =	sld [smem:$0x3F9C];
	s0 =	simm.s32 @p1 $0x1  }
0x15: {  	[smem:$0x3FB9] =	sst s0;
	s0 =	simm.s32 @!p2 $0x0  }
0x16: {  	s3 =	sld [smem:$0x3FDB];
	s0 =	simm.s32 @p2 $0x1  }
0x17: {  	s4 =	simm.s32 $0x1BF5;
	[smem:$0x3FBB] =	sst s0  }
0x18: {  	s0 =	sld [smem:$0x3F9E];
	_ =	swait.ge [sflag:s4], $0x0  }
0x19: {  	s7 =	sld [smem:$0x3F9F]  }
0x1a: {  	s8 =	sadd.s32 $0xFFFFE003, lr  }
0x1b: {  	s9 =	sadd.s32 $0xFFFFFEF7, lr;
	s5 =	simm.s32 $0xFFFFFFFF;
	p2 =	slt.u32 s8, $0xFFFFF086  }
0x1c: {  	p1 =	slt.u32 s9, $0xF7A;
	s5 =	simm.s32 @!p2 $0x0  }
0x1d: {  	s5 =	simm.s32 @p1 $0x1;
	p0 =	seq.s32 s7, s2  }
0x1e: {  	s7 =	smul.u32 @!p0 $0xF7A, s2;
	p2 =	seq.s32 @!p0 s5, $0x0  }
0x1f: {  	s9 =	smul.u32 $0xF7A, s1;
	s8 =	simm.s32 @!p0 $0x1BF5;
	p2 =	por !p2, p0  }
0x20: {  	[sflag:s8] =	ssyncset.s32 @!p0 $0xFFFFF086;
	s6 =	sadd.s32 @!p0 s3, s7;
	s7 =	simm.s32 @!p0 $0x108  }
0x21: {  	s3 =	sadd.s32 s3, s9;
	s6 =	sadd.s32 @!p0 $0x88, s6;
	s7 =	simm.s32 @p2 $0x1082  }
0x22: {  	[simem:s7], [sflag:s8] =	dma.local @!p0 [hbm:s6], $0xF7A  }
0x23: {  	s9 =	sor.u32 $0xD0000000, s2;
	s6 =	simm.s32 $0x108;
	_ =	swait.ge @!p0 [sflag:s8], $0x0  }
0x24: {  	s3 =	sadd.s32 $0x88, s3;
	s6 =	simm.s32 @!p1 $0x1082;
	[sflag:s4] =	ssyncset.s32 $0xFFFFF086  }
0x25: {  	[simem:s6], [sflag:s4] =	dma.local [hbm:s3], $0xF7A  }
0x26: {  	[smem:$0x3F9F] =	sst s1;
	(tag) =	ssettag s2;
	_ =	strace s9  }
0x27: {  	s1 =	sld [smem:$0x3FAF]  }
0x28: {  	s2 =	sld [smem:$0x3FB0]  }
0x29: {  	s4 =	sld [smem:$0x3FB2]  }
0x2a: {  	p0 =	seq.s32 s5, $0x0;
	s5 =	sld [smem:$0x3FB3]  }
0x2b: {  	s6 =	sld [smem:$0x3FB4]  }
0x2c: {  	s7 =	sld [smem:$0x3FB5]  }
0x2d: {  	s3 =	simm.s32 $0x108;
	s8 =	sld [smem:$0x3FB6]  }
0x2e: {  	s3 =	simm.s32 @!p0 $0x1082;
	s9 =	sld [smem:$0x3FB7]  }
0x2f: {  	lr =	sadd.s32 s0, s3;
	s0 =	sld [smem:$0x3FAE]  }
0x30: {  	s3 =	sld [smem:$0x3FB1]  }
0x31: {  	[smem:$0x3FBA] =	sst s10  }
0x32: {  	s10 =	sld [smem:$0x3FB8];
	_ =	sdelay $0x3  }
0x33: {  	p0 =	seq.s32 s10, $0x1;
	s10 =	sld [smem:$0x3FBA];
	_ =	sdelay $0x3  }
0x34: {  	[smem:$0x3FBA] =	sst s10  }
0x35: {  	s10 =	sld [smem:$0x3FB9];
	_ =	sdelay $0x3  }
0x36: {  	p1 =	seq.s32 s10, $0x1;
	s10 =	sld [smem:$0x3FBA];
	_ =	sdelay $0x3  }
0x37: {  	[smem:$0x3FBA] =	sst s10  }
0x38: {  	s10 =	sld [smem:$0x3FBB]  }
0x39: {  	_ = 	snop;
	(pc) =	sbr.ind lr, $3  }
0x3a: {  	_ = 	snop  }
0x3b: {  	_ = 	snop  }
0x3c: {  	p2 =	seq.s32 s10, $0x1;
	s10 =	sld [smem:$0x3FBA]  }
0x3d: {  	_ =	shalt  }
0x3e: {  	_ =	shalt  }
0x3f: {  	_ =	shalt  }
0x40: {  	_ =	shalt  }
0x41: {  	_ =	shalt  }
0x42: {  	_ =	shalt  }
0x43: {  	_ =	shalt  }
0x44: {  	_ =	shalt  }
0x45: {  	_ =	shalt  }
0x46: {  	_ =	shalt  }
0x47: {  	_ =	shalt  }
0x48: {  	_ =	shalt  }
0x49: {  	_ =	shalt  }
0x4a: {  	_ =	shalt  }
0x4b: {  	_ =	shalt  }
0x4c: {  	_ =	shalt  }
0x4d: {  	_ =	shalt  }
0x4e: {  	_ =	shalt  }
0x4f: {  	_ =	shalt  }
0x50: {  	_ =	shalt  }
0x51: {  	_ =	shalt  }
0x52: {  	_ =	shalt  }
0x53: {  	_ =	shalt  }
0x54: {  	_ =	shalt  }
0x55: {  	_ =	shalt  }
0x56: {  	_ =	shalt  }
0x57: {  	_ =	shalt  }
0x58: {  	_ =	shalt  }
0x59: {  	_ =	shalt  }
0x5a: {  	_ =	shalt  }
0x5b: {  	_ =	shalt  }
0x5c: {  	_ =	shalt  }
0x5d: {  	_ =	shalt  }
0x5e: {  	_ =	shalt  }
0x5f: {  	_ =	shalt  }
0x60: {  	_ =	shalt  }
0x61: {  	_ =	shalt  }
0x62: {  	_ =	shalt  }
0x63: {  	_ =	shalt  }
0x64: {  	_ =	shalt  }
0x65: {  	_ =	shalt  }
0x66: {  	_ =	shalt  }
0x67: {  	_ =	shalt  }
0x68: {  	_ =	shalt  }
0x69: {  	_ =	shalt  }
0x6a: {  	_ =	shalt  }
0x6b: {  	_ =	shalt  }
0x6c: {  	_ =	shalt  }
0x6d: {  	_ =	shalt  }
0x6e: {  	_ =	shalt  }
0x6f: {  	_ =	shalt  }
0x70: {  	_ =	shalt  }
0x71: {  	_ =	shalt  }
0x72: {  	_ =	shalt  }
0x73: {  	_ =	shalt  }
0x74: {  	_ =	shalt  }
0x75: {  	_ =	shalt  }
0x76: {  	_ =	shalt  }
0x77: {  	_ =	shalt  }
0x78: {  	_ =	shalt  }
0x79: {  	_ =	shalt  }
0x7a: {  	_ =	shalt  }
0x7b: {  	_ =	shalt  }
0x7c: {  	_ =	shalt  }
0x7d: {  	_ =	shalt  }
0x7e: {  	_ =	shalt  }
0x7f: {  	_ =	shalt  }
0x80: {  	_ =	shalt  }
0x81: {  	_ =	shalt  }
0x82: {  	_ =	shalt  }
0x83: {  	_ =	shalt  }
0x84: {  	_ =	shalt  }
0x85: {  	_ =	shalt  }
0x86: {  	_ =	shalt  }
0x87: {  	_ =	shalt  }
.Lfunc_end0:
.L_simem_size_0:
called_computation.1_lowered:
.L_overlay_start_0:
0x88: {  	s2 =	sld [smem:$0x3FD9]  }
0x89: {  	s3 =	sld [smem:$0x3FFE];
	_ =	sdelay $0x1  }
0x8a: {  	s1 =	srdreg.scid  }
0x8b: {  	s0 =	sand.u32 $0x1, s1  }
0x8c: {  	s16 =	sshll.u32 s0, $0xA;
	s2 =	sadd.s32 s3, s2  }
0x8d: {  	s2 =	sadd.s32 s2, s16  }
0x8e: {  	[smem:$0x3FC6] =	sst s2  }
0x8f: {  	_ = 	snop  }
0x90: {  	(tm) =	ssettm $0x1  }
0x91: {  	s17 =	sld [smem:$0x3FFB];
	_ =	sdelay $0x3  }
0x92: {  	_ =	strace s17  }
0x93: {  	s2 =	sld [smem:$0x3FFC];
	_ =	sdelay $0x3  }
0x94: {  	_ =	strace s2  }
0x95: {  	s2 =	sld [smem:$0x3FFD];
	_ =	sdelay $0x3  }
0x96: {  	_ =	strace s2  }
0x97: {  	_ =	strace $0x8FFFFFFF  }
0x98: {  	s18 =	sld [smem:$0x3FDB];
	_ =	sdelay $0x1  }
0x99: {  	s19 =	simm.s32 $_scs_section_size  }
0x9a: {  	s4 =	simm.s32 $_size__tile_overlayer_lowered;
	s5 =	simm.s32 $_tile_overlayer_lowered  }
0x9b: {  	s22 =	simm.s32 $0x1BFF;
	s21 =	sshll.u32 s5, $0x1;
	s2 =	sadd.s32 s19, s18  }
0x9c: {  	s6 =	simm.s32 $0x0;
	s20 =	sshll.u32 s4, $0x1;
	s4 =	sadd.s32 s21, s2  }
0x9d: {  	[timem:s6], [sflag:s22] =	dma.local [hbm:s4], s20  }
0x9e: {  	_ =	swait.ge [sflag:s22], s20  }
0x9f: {  	s3 =	ssub.s32 $0x0, s20;
	[sflag:s22] =	ssyncset.done $0x0  }
0xa0: {  	[sflag:s22] =	ssyncadd.s32 s3;
	_ =	sdelay $0x1  }
0xa1: {  	s23 =	simm.s32 $0x1B8B  }
0xa2: {  	_ =	swait.ge [sflag:s23], $0x1  }
0xa3: {  	[sflag:s23] =	ssyncset.done $0x0  }
0xa4: {  	s25 =	simm.s32 $0x1B8E;
	s24 =	sld [smem:$0x3FFE];
	[sflag:s23] =	ssyncadd.s32 $0xFFFFFFFF  }
0xa5: {  	s26 =	simm.s32 $execute0_lowered;
	[smem:$0x3FD2] =	sst s25  }
0xa6: {  	s4 =	sshll.u32 s26, $0x1;
	_ =	strace $0x80000046;
	[dreg:$0x1] =	wrdreg $0xFFFFFFFF  }
0xa7: {  	s28 =	simm.s32 $_size_execute0_lowered;
	s2 =	sadd.s32 s2, s4;
	[dreg:$0x0] =	wrdreg $0x0  }
0xa8: {  	s4 =	sshll.u32 s28, $0x1;
	[dreg:$0x2] =	wrdreg s2  }
0xa9: {  	[dreg:$0x3] =	wrdreg s4  }
0xaa: {  	[dreg:$0x4] =	wrdreg $0xC0  }
0xab: {  	_ =	task [dreg:s6], $0x5FFFF  }
0xac: {  	[dreg:$0x1] =	wrdreg $0xFFFFFFFF  }
0xad: {  	[dreg:$0x0] =	wrdreg $0x60  }
0xae: {  	[dreg:$0x2] =	wrdreg s24  }
0xaf: {  	[dreg:$0x3] =	wrdreg $0x9  }
0xb0: {  	_ =	task.clear_ibuf [dreg:s6], $0x4FFFF;
	_ =	strace $0x90000046  }
0xb1: {  	s29 =	simm.s32 $0x9;
	_ =	strace $0x80000048  }
0xb2: {  	_ =	swait.ge [sflag:s29], $0x1  }
0xb3: {  	[sflag:s29] =	ssyncadd.s32 $0xFFFFFFFF  }
0xb4: {  	_ =	strace $0x90000048  }
0xb5: {  	_ =	sfence  }
0xb6: {  	s30 =	sld [smem:$0x0];
	_ =	sdelay $0x2  }
0xb7: {  	s31 =	sshll.u32 s1, $0xD;
	s1 =	sshrl.u32 s1, $0x2  }
0xb8: {  	s3 =	sand.u32 $0x4000, s31;
	s1 =	sadd.s32 s1, s30  }
0xb9: {  	s0 =	sor.u32 s3, s0;
	s1 =	sshll.u32 s1, $0x11  }
0xba: {  	s0 =	sor.u32 s1, s0  }
0xbb: {  	s0 =	sadd.s32 $0x8F2B, s0  }
0xbc: {  	[sflag:s0] =	ssyncadd.remote.s32 $0x1  }
0xbd: {  	_ =	sfence.sel $0xFFFF  }
0xbe: {  	[dreg:$0x0] =	wrdreg $0xFFFFFFFF;
	(pc) =	sbr.abs _section_cstart, $3  }
0xbf: {  	[dreg:$0x1] =	wrdreg $0xFFFFFFFF  }
0xc0: {  	_ =	task.clear_ibuf [dreg:s6], $0x2FFFF;
	_ =	strace $0x9FFFFFFF  }
0xc1: {  	(tm) =	ssettm $0x7FFFFFFF  }
tec
execute0_lowered:
.L_overlay_start_1:
0x0: {  	(tag) =	ssettag $0x1  }
0x1: {  	s0 =	srdreg.scid  }
0x2: {  	s2 =	stileid.u32;
	s1 =	rddreg [dreg:$0x0];
	s4 =	simm.s32 $0x0  }
0x3: {  	s17 =	simm.s32 $0x10000;
	s28 =	simm.s32 $0x11A00;
	s29 =	simm.s32 $0x2  }
0x4: {  	s30 =	simm.s32 $0x9;
	s31 =	simm.s32 $0x3;
	s16 =	simm.s32 $0xB  }
0x5: {  	s18 =	simm.s32 $0x5;
	s20 =	simm.s32 $0xC;
	s22 =	simm.s32 $0x6  }
0x6: {  	s10 =	simm.s32 $0xD;
	s7 =	simm.s32 $0xE;
	s0 =	sand.u32 $0x1, s0  }
0x7: {  	s8 =	simm.s32 $0x8;
	s2 =	sshll.u32 s2, $0x8;
	s3 =	sshll.u32 s0, $0x7  }
0x8: {  	s12 =	simm.s32 $0x0;
	s0 =	ssub.s32 $0x2, s0;
	s3 =	sor.u32 s3, s2  }
0x9: {  	[smem:$0x7FF] =	sst s4;
	s24 =	sshrl.u32 s0, $0x1;
	s2 =	smul.u32 $0xD, s3  }
0xa: {  	s4 =	sadd.s32 $0x1A000, s1;
	s5 =	smul.u32 $0xC, s3;
	s0 =	ssub.s32 s0, s24  }
0xb: {  	_ =	strace $0x80000047;
	s24 =	simm.s32 $0x1;
	s0 =	smax.u32 s0, $0x1  }
.Ltmp0:
0xc: {  	s2 =	sadd.s32 s2, s1;
	s6 =	sadd.s32 s5, s1;
	(pc) =	sbr.rel .LBB2_1-.Ltmp0, $4  }
0xd: {  	s5 =	sadd.s32 $0xDD600, s1;
	[dreg:$0x4] =	wrdreg s0;
	s1 =	simm.s32 $0xA  }
0xe: {  	s0 =	simm.s32 $0x4;
	s25 =	sadd.s32 $0xD000, s2;
	s26 =	sadd.s32 $0x1000, s6  }
0xf: {  	s6 =	simm.s32 $0x7;
	s2 =	simm.s32 $0xF;
	[dreg:$0x2] =	wrdreg s25  }
0x10: {  	[dreg:$0x3] =	wrdreg s26;
	s25 =	simm.s32 $0x40;
	s26 =	simm.s32 $0x80  }
.LBB2_20:
0x11: {  	s11 =	simm.s32 $0x10  }
0x12: {  	_ =	swait.ge [sflag:s11], $0x1800  }
0x13: {  	s12 =	rddreg [dreg:$0x5]  }
0x14: {  	s9 =	rddreg [dreg:$0x4];
	s12 =	sadd.s32 $0x1, s12  }
0x15: {  	p0 =	sne.s32 s12, s9  }
.Ltmp1:
0x16: {  	_ = 	snop;
	(pc) =	sbr.rel @!p0 .LBB2_21-.Ltmp1, $3  }
0x17: {  	_ =	sdelay $0x1  }
0x18: {  	[sflag:s11] =	ssyncset.done $0x0  }
0x19: {  	[sflag:s11] =	ssyncadd.s32 $0xFFFFE800  }
.LBB2_1:
0x1a: {  	[dreg:$0x5] =	wrdreg s12  }
0x1b: {  	s9 =	simm.s32 $0x0;
	s11 =	rddreg [dreg:$0x2];
	s21 =	simm.s32 $0x11  }
0x1c: {  	[tilespmem:s9], [sflag:$0x11] =	stream.linear.gather [hbm4b:s11+s9], $0x3400, $0x38;
	[tilespmem:$0x13400] =	vst v63  }
0x1d: {  	_ =	swait.ge [sflag:s21], $0x3400  }
0x1e: {  	[sflag:s21] =	ssyncset.done $0x0  }
0x1f: {  	s13 =	simm.s32 $0x3400;
	s23 =	rddreg [dreg:$0x3];
	[sflag:s21] =	ssyncadd.s32 $0xFFFFCC00  }
0x20: {  	[tilespmem:s13], [sflag:$0x11] =	stream.linear.gather [hbm4b:s23+s9], $0x3000, $0x38;
	[tilespmem:$0x13400] =	vst v63  }
0x21: {  	_ =	swait.ge [sflag:s21], $0x3000  }
0x22: {  	[sflag:s21] =	ssyncset.done $0x0  }
0x23: {  	s14 =	simm.s32 $0x6400;
	s11 =	simm.s32 $0x68;
	[sflag:s21] =	ssyncadd.s32 $0xFFFFD000  }
0x24: {  	[tilespmem:s14], [sflag:$0x1] =	stream.indirect.gather [hbm4b:s4+s11], $0x40, s9, s11, $0xb8;
	[tilespmem:$0x13400] =	vst v63  }
0x25: {  	s15 =	simm.s32 $0x7E00;
	s9 =	simm.s32 $0x60  }
0x26: {  	[tilespmem:s15], [sflag:$0x2] =	stream.indirect.gather [hbm4b:s4+s9], $0x40, s13, s9, $0xb8;
	[tilespmem:$0x13400] =	vst v63  }
0x27: {  	s19 =	simm.s32 $0x9800  }
0x28: {  	[tilespmem:s19], [sflag:$0x3] =	stream.indirect.gather [hbm4b:s4+s11], $0x40, s11, s11, $0xb8;
	[tilespmem:$0x13400] =	vst v63  }
0x29: {  	s23 =	simm.s32 $0xB200;
	s21 =	simm.s32 $0x3460  }
0x2a: {  	[tilespmem:s23], [sflag:$0x4] =	stream.indirect.gather [hbm4b:s4+s9], $0x40, s21, s9, $0xb8;
	[tilespmem:$0x13400] =	vst v63  }
0x2b: {  	s14 =	simm.s32 $0xD0;
	s15 =	simm.s32 $0xCC00  }
0x2c: {  	[tilespmem:s15], [sflag:$0x5] =	stream.indirect.gather [hbm4b:s4+s11], $0x40, s14, s11, $0xb8;
	[tilespmem:$0x13400] =	vst v63  }
0x2d: {  	s19 =	simm.s32 $0x34C0;
	s21 =	simm.s32 $0xE600  }
0x2e: {  	[tilespmem:s21], [sflag:$0x6] =	stream.indirect.gather [hbm4b:s4+s9], $0x40, s19, s9, $0xb8;
	[tilespmem:$0x13400] =	vst v63  }
0x2f: {  	s23 =	simm.s32 $0x138;
	s9 =	simm.s32 $0x0  }
0x30: {  	[tilespmem:s17], [sflag:$0x7] =	stream.indirect.gather [hbm4b:s4+s11], $0x40, s23, s11, $0xb8;
	[tilespmem:$0x13400] =	vst v63  }
.LBB2_2:
0x31: {  	_ =	swait.ge [sflag:s24], $0x1A00  }
0x32: {  	[sflag:s24] =	ssyncset.done $0x0  }
0x33: {  	s12 =	simm.s32 $0x0;
	[sflag:s24] =	ssyncadd.s32 $0xFFFFE600  }
0x34: {  	v0 =	vld [tilespmem:s12+$0x6400]  }
0x35: {  	v1 =	vld [tilespmem:s12+$0x6410]  }
0x36: {  	v2 =	vld [tilespmem:s12+$0x6420]  }
0x37: {  	v3 =	vld [tilespmem:s12+$0x6430]  }
0x38: {  	v4 =	vld [tilespmem:s12+$0x6440]  }
0x39: {  	v5 =	vld [tilespmem:s12+$0x6450];
	v0 =	vmul.f32 $8.000000000e+00, v0  }
0x3a: {  	v6 =	vld [tilespmem:s12+$0x6460];
	v1 =	vmul.f32 $8.000000000e+00, v1  }
0x3b: {  	v7 =	vld [tilespmem:s12+$0x6470];
	[tilespmem:s12+$0x6400] =	vst v0;
	v0 =	vmul.f32 $8.000000000e+00, v2  }
0x3c: {  	v8 =	vld [tilespmem:s12+$0x6480];
	[tilespmem:s12+$0x6410] =	vst v1;
	v1 =	vmul.f32 $8.000000000e+00, v3  }
0x3d: {  	v9 =	vld [tilespmem:s12+$0x6490];
	[tilespmem:s12+$0x6420] =	vst v0;
	v0 =	vmul.f32 $8.000000000e+00, v4  }
0x3e: {  	v2 =	vmul.f32 $8.000000000e+00, v5;
	[tilespmem:s12+$0x6430] =	vst v1;
	v1 =	vld [tilespmem:s12+$0x64A0]  }
0x3f: {  	v3 =	vmul.f32 $8.000000000e+00, v6;
	[tilespmem:s12+$0x6440] =	vst v0;
	v0 =	vld [tilespmem:s12+$0x64B0]  }
0x40: {  	[tilespmem:s12+$0x6450] =	vst v2;
	v2 =	vld [tilespmem:s12+$0x64C0];
	v4 =	vmul.f32 $8.000000000e+00, v7  }
0x41: {  	v6 =	vmul.f32 $8.000000000e+00, v8;
	[tilespmem:s12+$0x6460] =	vst v3;
	v3 =	vld [tilespmem:s12+$0x64D0]  }
0x42: {  	s11 =	simm.s32 $0x400;
	v5 =	vmul.f32 $8.000000000e+00, v9;
	[tilespmem:s12+$0x6470] =	vst v4;
	v4 =	vld [tilespmem:s12+$0x64E0]  }
.LBB2_3:
0x43: {  	s13 =	sshra.s32 s11, $0x2;
	p0 =	sne.s32 s11, $0x6400;
	[tilespmem:s12+$0x6480] =	vst v6;
	v1 =	vmul.f32 $8.000000000e+00, v1;
	v6 =	vld [tilespmem:s12+$0x64F0]  }
0x44: {  	v7 =	vld [tilespmem:s13+$0x6400];
	[tilespmem:s12+$0x6490] =	vst v5;
	v0 =	vmul.f32 $8.000000000e+00, v0  }
0x45: {  	v5 =	vld [tilespmem:s13+$0x6410];
	[tilespmem:s12+$0x64A0] =	vst v1;
	v1 =	vmul.f32 $8.000000000e+00, v2  }
0x46: {  	v2 =	vld [tilespmem:s13+$0x6420];
	[tilespmem:s12+$0x64B0] =	vst v0;
	v0 =	vmul.f32 $8.000000000e+00, v3  }
0x47: {  	v3 =	vld [tilespmem:s13+$0x6430];
	[tilespmem:s12+$0x64C0] =	vst v1;
	v1 =	vmul.f32 $8.000000000e+00, v4  }
0x48: {  	v4 =	vld [tilespmem:s13+$0x6440];
	[tilespmem:s12+$0x64D0] =	vst v0;
	v0 =	vmul.f32 $8.000000000e+00, v6  }
0x49: {  	v6 =	vmul.f32 $8.000000000e+00, v7;
	v7 =	vld [tilespmem:s13+$0x6450];
	[tilespmem:s12+$0x64E0] =	vst v1  }
0x4a: {  	v1 =	vmul.f32 $8.000000000e+00, v5;
	v5 =	vld [tilespmem:s13+$0x6460];
	[tilespmem:s12+$0x64F0] =	vst v0;
	s12 =	smov.u32 s13  }
0x4b: {  	[tilespmem:s12+$0x6400] =	vst v6;
	v0 =	vmul.f32 $8.000000000e+00, v2;
	v2 =	vld [tilespmem:s12+$0x6470]  }
0x4c: {  	[tilespmem:s12+$0x6410] =	vst v1;
	v1 =	vmul.f32 $8.000000000e+00, v3;
	v3 =	vld [tilespmem:s12+$0x6480]  }
0x4d: {  	[tilespmem:s12+$0x6420] =	vst v0;
	v0 =	vmul.f32 $8.000000000e+00, v4;
	v4 =	vld [tilespmem:s12+$0x6490]  }
.Ltmp2:
0x4e: {  	[tilespmem:s12+$0x6430] =	vst v1;
	v6 =	vmul.f32 $8.000000000e+00, v7;
	v1 =	vld [tilespmem:s12+$0x64A0];
	(pc) =	sbr.rel @p0 .LBB2_3-.Ltmp2, $4  }
0x4f: {  	[tilespmem:s12+$0x6440] =	vst v0;
	v5 =	vmul.f32 $8.000000000e+00, v5;
	v0 =	vld [tilespmem:s12+$0x64B0]  }
0x50: {  	[tilespmem:s12+$0x6450] =	vst v6;
	v7 =	vmul.f32 $8.000000000e+00, v2;
	v2 =	vld [tilespmem:s12+$0x64C0]  }
0x51: {  	[tilespmem:s12+$0x6460] =	vst v5;
	v6 =	vmul.f32 $8.000000000e+00, v3;
	v3 =	vld [tilespmem:s12+$0x64D0]  }
0x52: {  	s11 =	sadd.s32 $0x400, s11;
	[tilespmem:s12+$0x6470] =	vst v7;
	v5 =	vmul.f32 $8.000000000e+00, v4;
	v4 =	vld [tilespmem:s12+$0x64E0]  }
0x53: {  	[tilespmem:s12+$0x6480] =	vst v6;
	v1 =	vmul.f32 $8.000000000e+00, v1;
	v6 =	vld [tilespmem:s12+$0x64F0]  }
0x54: {  	[tilespmem:s12+$0x6490] =	vst v5;
	v0 =	vmul.f32 $8.000000000e+00, v0  }
0x55: {  	[tilespmem:s12+$0x64A0] =	vst v1;
	v1 =	vmul.f32 $8.000000000e+00, v2  }
0x56: {  	s11 =	sshll.u32 s9, $0x2;
	[tilespmem:s12+$0x64B0] =	vst v0;
	v0 =	vmul.f32 $8.000000000e+00, v3  }
0x57: {  	s15 =	sor.u32 s3, s11;
	[tilespmem:s12+$0x64C0] =	vst v1;
	v1 =	vmul.f32 $8.000000000e+00, v4  }
0x58: {  	s13 =	smul.u32 $0xC80, s15;
	[tilespmem:s12+$0x64D0] =	vst v0;
	v0 =	vmul.f32 $8.000000000e+00, v6  }
0x59: {  	[tilespmem:s12+$0x64E0] =	vst v1  }
0x5a: {  	s17 =	simm.s32 $0x6400;
	s14 =	sadd.s32 s5, s13;
	[tilespmem:s12+$0x64F0] =	vst v0  }
0x5b: {  	[hbm4b:s14+s25] =	stream.strided.scatter [tilespmem:s17], [sflag:$0x9], $0x1A00, s26, s25, $0x38;
	[tilespmem:$0x13400] =	vst v63  }
0x5c: {  	p0 =	seq.s32 s9, $0x0;
	s14 =	sor.u32 $0x3, s11  }
0x5d: {  	s11 =	simm.s32 @!p0 $0x10;
	s19 =	smul.u32 $0x180, s14  }
0x5e: {  	_ =	swait.ge @!p0 [sflag:s11], $0x1800  }
0x5f: {  	[sflag:s11] =	ssyncset.done @!p0 $0x0;
	s12 =	sshra.s32 s19, $0x2  }
0x60: {  	s23 =	simm.s32 $0x60;
	[sflag:s11] =	ssyncadd.s32 @!p0 $0xFFFFE800;
	s21 =	sadd.s32 $0x3400, s12  }
0x61: {  	[tilespmem:s28], [sflag:$0x8] =	stream.indirect.gather [hbm4b:s4+s23], $0x40, s21, s23, $0xb8;
	[tilespmem:$0x13400] =	vst v63  }
0x62: {  	_ =	swait.ge [sflag:s29], $0x1800  }
0x63: {  	[sflag:s29] =	ssyncset.done $0x0  }
0x64: {  	s17 =	simm.s32 $0x0;
	[sflag:s29] =	ssyncadd.s32 $0xFFFFE800  }
0x65: {  	v0 =	vld [tilespmem:s17+$0x7E00]  }
0x66: {  	v1 =	vld [tilespmem:s17+$0x7E10]  }
0x67: {  	v2 =	vld [tilespmem:s17+$0x7E20]  }
0x68: {  	v3 =	vld [tilespmem:s17+$0x7E30]  }
0x69: {  	v4 =	vld [tilespmem:s17+$0x7E40]  }
0x6a: {  	v5 =	vld [tilespmem:s17+$0x7E50];
	v0 =	vmul.f32 $8.000000000e+00, v0  }
0x6b: {  	v6 =	vld [tilespmem:s17+$0x7E60];
	v1 =	vmul.f32 $8.000000000e+00, v1  }
0x6c: {  	v7 =	vld [tilespmem:s17+$0x7E70];
	[tilespmem:s17+$0x7E00] =	vst v0;
	v0 =	vmul.f32 $8.000000000e+00, v2  }
0x6d: {  	v8 =	vld [tilespmem:s17+$0x7E80];
	[tilespmem:s17+$0x7E10] =	vst v1;
	v1 =	vmul.f32 $8.000000000e+00, v3  }
0x6e: {  	v9 =	vld [tilespmem:s17+$0x7E90];
	[tilespmem:s17+$0x7E20] =	vst v0;
	v0 =	vmul.f32 $8.000000000e+00, v4  }
0x6f: {  	v2 =	vmul.f32 $8.000000000e+00, v5;
	[tilespmem:s17+$0x7E30] =	vst v1;
	v1 =	vld [tilespmem:s17+$0x7EA0]  }
0x70: {  	v3 =	vmul.f32 $8.000000000e+00, v6;
	[tilespmem:s17+$0x7E40] =	vst v0;
	v0 =	vld [tilespmem:s17+$0x7EB0]  }
0x71: {  	[tilespmem:s17+$0x7E50] =	vst v2;
	v2 =	vld [tilespmem:s17+$0x7EC0];
	v4 =	vmul.f32 $8.000000000e+00, v7  }
0x72: {  	v6 =	vmul.f32 $8.000000000e+00, v8;
	[tilespmem:s17+$0x7E60] =	vst v3;
	v3 =	vld [tilespmem:s17+$0x7ED0]  }
0x73: {  	s11 =	simm.s32 $0x400;
	s12 =	sshll.u32 s9, $0x3;
	v5 =	vmul.f32 $8.000000000e+00, v9;
	[tilespmem:s17+$0x7E70] =	vst v4;
	v4 =	vld [tilespmem:s17+$0x7EE0]  }
.LBB2_5:
0x74: {  	s13 =	sshra.s32 s11, $0x2;
	p0 =	sne.s32 s11, $0x5C00;
	[tilespmem:s17+$0x7E80] =	vst v6;
	v1 =	vmul.f32 $8.000000000e+00, v1;
	v6 =	vld [tilespmem:s17+$0x7EF0]  }
0x75: {  	v7 =	vld [tilespmem:s13+$0x7E00];
	[tilespmem:s17+$0x7E90] =	vst v5;
	v0 =	vmul.f32 $8.000000000e+00, v0  }
0x76: {  	v5 =	vld [tilespmem:s13+$0x7E10];
	[tilespmem:s17+$0x7EA0] =	vst v1;
	v1 =	vmul.f32 $8.000000000e+00, v2  }
0x77: {  	v2 =	vld [tilespmem:s13+$0x7E20];
	[tilespmem:s17+$0x7EB0] =	vst v0;
	v0 =	vmul.f32 $8.000000000e+00, v3  }
0x78: {  	v3 =	vld [tilespmem:s13+$0x7E30];
	[tilespmem:s17+$0x7EC0] =	vst v1;
	v1 =	vmul.f32 $8.000000000e+00, v4  }
0x79: {  	v4 =	vld [tilespmem:s13+$0x7E40];
	[tilespmem:s17+$0x7ED0] =	vst v0;
	v0 =	vmul.f32 $8.000000000e+00, v6  }
0x7a: {  	v6 =	vmul.f32 $8.000000000e+00, v7;
	v7 =	vld [tilespmem:s13+$0x7E50];
	[tilespmem:s17+$0x7EE0] =	vst v1  }
0x7b: {  	v1 =	vmul.f32 $8.000000000e+00, v5;
	v5 =	vld [tilespmem:s13+$0x7E60];
	[tilespmem:s17+$0x7EF0] =	vst v0;
	s17 =	smov.u32 s13  }
0x7c: {  	[tilespmem:s17+$0x7E00] =	vst v6;
	v0 =	vmul.f32 $8.000000000e+00, v2;
	v2 =	vld [tilespmem:s17+$0x7E70]  }
0x7d: {  	[tilespmem:s17+$0x7E10] =	vst v1;
	v1 =	vmul.f32 $8.000000000e+00, v3;
	v3 =	vld [tilespmem:s17+$0x7E80]  }
0x7e: {  	[tilespmem:s17+$0x7E20] =	vst v0;
	v0 =	vmul.f32 $8.000000000e+00, v4;
	v4 =	vld [tilespmem:s17+$0x7E90]  }
.Ltmp3:
0x7f: {  	[tilespmem:s17+$0x7E30] =	vst v1;
	v6 =	vmul.f32 $8.000000000e+00, v7;
	v1 =	vld [tilespmem:s17+$0x7EA0];
	(pc) =	sbr.rel @p0 .LBB2_5-.Ltmp3, $4  }
0x80: {  	[tilespmem:s17+$0x7E40] =	vst v0;
	v5 =	vmul.f32 $8.000000000e+00, v5;
	v0 =	vld [tilespmem:s17+$0x7EB0]  }
0x81: {  	[tilespmem:s17+$0x7E50] =	vst v6;
	v7 =	vmul.f32 $8.000000000e+00, v2;
	v2 =	vld [tilespmem:s17+$0x7EC0]  }
0x82: {  	[tilespmem:s17+$0x7E60] =	vst v5;
	v6 =	vmul.f32 $8.000000000e+00, v3;
	v3 =	vld [tilespmem:s17+$0x7ED0]  }
0x83: {  	s11 =	sadd.s32 $0x400, s11;
	[tilespmem:s17+$0x7E70] =	vst v7;
	v5 =	vmul.f32 $8.000000000e+00, v4;
	v4 =	vld [tilespmem:s17+$0x7EE0]  }
0x84: {  	[tilespmem:s17+$0x7E80] =	vst v6;
	v1 =	vmul.f32 $8.000000000e+00, v1;
	v6 =	vld [tilespmem:s17+$0x7EF0]  }
0x85: {  	[tilespmem:s17+$0x7E90] =	vst v5;
	v0 =	vmul.f32 $8.000000000e+00, v0  }
0x86: {  	[tilespmem:s17+$0x7EA0] =	vst v1;
	v1 =	vmul.f32 $8.000000000e+00, v2  }
0x87: {  	s11 =	smul.u32 $0x6400, s15;
	[tilespmem:s17+$0x7EB0] =	vst v0;
	v0 =	vmul.f32 $8.000000000e+00, v3  }
0x88: {  	[tilespmem:s17+$0x7EC0] =	vst v1;
	v1 =	vmul.f32 $8.000000000e+00, v4  }
0x89: {  	p0 =	seq.s32 s9, $0x1F;
	s11 =	sshrl.u32 s11, $0x3;
	[tilespmem:s17+$0x7ED0] =	vst v0;
	v0 =	vmul.f32 $8.000000000e+00, v6  }
0x8a: {  	s19 =	sshrl.u32 @!p0 s12, $0x1;
	s11 =	sadd.s32 s5, s11;
	[tilespmem:s17+$0x7EE0] =	vst v1  }
0x8b: {  	s13 =	simm.s32 $0x7E00;
	s11 =	sadd.s32 $0x680, s11;
	[tilespmem:s17+$0x7EF0] =	vst v0;
	s17 =	smul.u32 @!p0 $0x1A0, s19  }
0x8c: {  	[hbm4b:s11+s25] =	stream.strided.scatter [tilespmem:s13], [sflag:$0xA], $0x1800, s26, s25, $0x38;
	[tilespmem:$0x13400] =	vst v63  }
0x8d: {  	_ =	swait.ge [sflag:s30], $0x1A00  }
0x8e: {  	s21 =	simm.s32 @!p0 $0x6400;
	s11 =	sadd.s32 @!p0 $0x680, s17;
	[sflag:s30] =	ssyncset.done $0x0  }
0x8f: {  	s13 =	simm.s32 @!p0 $0x68;
	s11 =	sshra.s32 @!p0 s11, $0x2;
	[sflag:s30] =	ssyncadd.s32 $0xFFFFE600  }
0x90: {  	[tilespmem:s21], [sflag:$0x1] =	stream.indirect.gather @!p0 [hbm4b:s4+s13], $0x40, s11, s13, $0xb8;
	[tilespmem:$0x13400] =	vst v63  }
0x91: {  	_ =	swait.ge [sflag:s31], $0x1A00  }
0x92: {  	[sflag:s31] =	ssyncset.done $0x0  }
0x93: {  	s11 =	simm.s32 $0x0;
	[sflag:s31] =	ssyncadd.s32 $0xFFFFE600  }
0x94: {  	v0 =	vld [tilespmem:s11+$0x9800]  }
0x95: {  	v1 =	vld [tilespmem:s11+$0x9810]  }
0x96: {  	v2 =	vld [tilespmem:s11+$0x9820]  }
0x97: {  	v3 =	vld [tilespmem:s11+$0x9830]  }
0x98: {  	v4 =	vld [tilespmem:s11+$0x9840]  }
0x99: {  	v5 =	vld [tilespmem:s11+$0x9850];
	v0 =	vmul.f32 $8.000000000e+00, v0  }
0x9a: {  	v6 =	vld [tilespmem:s11+$0x9860];
	v1 =	vmul.f32 $8.000000000e+00, v1  }
0x9b: {  	v7 =	vld [tilespmem:s11+$0x9870];
	[tilespmem:s11+$0x9800] =	vst v0;
	v0 =	vmul.f32 $8.000000000e+00, v2  }
0x9c: {  	v8 =	vld [tilespmem:s11+$0x9880];
	[tilespmem:s11+$0x9810] =	vst v1;
	v1 =	vmul.f32 $8.000000000e+00, v3  }
0x9d: {  	v9 =	vld [tilespmem:s11+$0x9890];
	[tilespmem:s11+$0x9820] =	vst v0;
	v0 =	vmul.f32 $8.000000000e+00, v4  }
0x9e: {  	v2 =	vmul.f32 $8.000000000e+00, v5;
	[tilespmem:s11+$0x9830] =	vst v1;
	v1 =	vld [tilespmem:s11+$0x98A0]  }
0x9f: {  	v3 =	vmul.f32 $8.000000000e+00, v6;
	[tilespmem:s11+$0x9840] =	vst v0;
	v0 =	vld [tilespmem:s11+$0x98B0]  }
0xa0: {  	[tilespmem:s11+$0x9850] =	vst v2;
	v2 =	vld [tilespmem:s11+$0x98C0];
	v4 =	vmul.f32 $8.000000000e+00, v7  }
0xa1: {  	v6 =	vmul.f32 $8.000000000e+00, v8;
	[tilespmem:s11+$0x9860] =	vst v3;
	v3 =	vld [tilespmem:s11+$0x98D0]  }
0xa2: {  	s21 =	simm.s32 $0x400;
	v5 =	vmul.f32 $8.000000000e+00, v9;
	[tilespmem:s11+$0x9870] =	vst v4;
	v4 =	vld [tilespmem:s11+$0x98E0]  }
.LBB2_7:
0xa3: {  	s13 =	sshra.s32 s21, $0x2;
	p1 =	sne.s32 s21, $0x6400;
	[tilespmem:s11+$0x9880] =	vst v6;
	v1 =	vmul.f32 $8.000000000e+00, v1;
	v6 =	vld [tilespmem:s11+$0x98F0]  }
0xa4: {  	v7 =	vld [tilespmem:s13+$0x9800];
	[tilespmem:s11+$0x9890] =	vst v5;
	v0 =	vmul.f32 $8.000000000e+00, v0  }
0xa5: {  	v5 =	vld [tilespmem:s13+$0x9810];
	[tilespmem:s11+$0x98A0] =	vst v1;
	v1 =	vmul.f32 $8.000000000e+00, v2  }
0xa6: {  	v2 =	vld [tilespmem:s13+$0x9820];
	[tilespmem:s11+$0x98B0] =	vst v0;
	v0 =	vmul.f32 $8.000000000e+00, v3  }
0xa7: {  	v3 =	vld [tilespmem:s13+$0x9830];
	[tilespmem:s11+$0x98C0] =	vst v1;
	v1 =	vmul.f32 $8.000000000e+00, v4  }
0xa8: {  	v4 =	vld [tilespmem:s13+$0x9840];
	[tilespmem:s11+$0x98D0] =	vst v0;
	v0 =	vmul.f32 $8.000000000e+00, v6  }
0xa9: {  	v6 =	vmul.f32 $8.000000000e+00, v7;
	v7 =	vld [tilespmem:s13+$0x9850];
	[tilespmem:s11+$0x98E0] =	vst v1  }
0xaa: {  	v1 =	vmul.f32 $8.000000000e+00, v5;
	v5 =	vld [tilespmem:s13+$0x9860];
	[tilespmem:s11+$0x98F0] =	vst v0;
	s11 =	smov.u32 s13  }
0xab: {  	[tilespmem:s11+$0x9800] =	vst v6;
	v0 =	vmul.f32 $8.000000000e+00, v2;
	v2 =	vld [tilespmem:s11+$0x9870]  }
0xac: {  	[tilespmem:s11+$0x9810] =	vst v1;
	v1 =	vmul.f32 $8.000000000e+00, v3;
	v3 =	vld [tilespmem:s11+$0x9880]  }
0xad: {  	[tilespmem:s11+$0x9820] =	vst v0;
	v0 =	vmul.f32 $8.000000000e+00, v4;
	v4 =	vld [tilespmem:s11+$0x9890]  }
.Ltmp4:
0xae: {  	[tilespmem:s11+$0x9830] =	vst v1;
	v6 =	vmul.f32 $8.000000000e+00, v7;
	v1 =	vld [tilespmem:s11+$0x98A0];
	(pc) =	sbr.rel @p1 .LBB2_7-.Ltmp4, $4  }
0xaf: {  	[tilespmem:s11+$0x9840] =	vst v0;
	v5 =	vmul.f32 $8.000000000e+00, v5;
	v0 =	vld [tilespmem:s11+$0x98B0]  }
0xb0: {  	[tilespmem:s11+$0x9850] =	vst v6;
	v7 =	vmul.f32 $8.000000000e+00, v2;
	v2 =	vld [tilespmem:s11+$0x98C0]  }
0xb1: {  	[tilespmem:s11+$0x9860] =	vst v5;
	v6 =	vmul.f32 $8.000000000e+00, v3;
	v3 =	vld [tilespmem:s11+$0x98D0]  }
0xb2: {  	s21 =	sadd.s32 $0x400, s21;
	[tilespmem:s11+$0x9870] =	vst v7;
	v5 =	vmul.f32 $8.000000000e+00, v4;
	v4 =	vld [tilespmem:s11+$0x98E0]  }
0xb3: {  	[tilespmem:s11+$0x9880] =	vst v6;
	v1 =	vmul.f32 $8.000000000e+00, v1;
	v6 =	vld [tilespmem:s11+$0x98F0]  }
0xb4: {  	[tilespmem:s11+$0x9890] =	vst v5;
	v0 =	vmul.f32 $8.000000000e+00, v0  }
0xb5: {  	[tilespmem:s11+$0x98A0] =	vst v1;
	v1 =	vmul.f32 $8.000000000e+00, v2  }
0xb6: {  	[tilespmem:s11+$0x98B0] =	vst v0;
	v0 =	vmul.f32 $8.000000000e+00, v3  }
0xb7: {  	s21 =	sor.u32 $0x1, s15;
	[tilespmem:s11+$0x98C0] =	vst v1;
	v1 =	vmul.f32 $8.000000000e+00, v4  }
0xb8: {  	s13 =	smul.u32 $0xC80, s21;
	[tilespmem:s11+$0x98D0] =	vst v0;
	v0 =	vmul.f32 $8.000000000e+00, v6  }
0xb9: {  	[tilespmem:s11+$0x98E0] =	vst v1  }
0xba: {  	s23 =	simm.s32 $0x9800;
	s19 =	smul.u32 @!p0 $0x180, s19;
	s13 =	sadd.s32 s5, s13;
	[tilespmem:s11+$0x98F0] =	vst v0  }
0xbb: {  	[hbm4b:s13+s25] =	stream.strided.scatter [tilespmem:s23], [sflag:$0xB], $0x1A00, s26, s25, $0x38;
	[tilespmem:$0x13400] =	vst v63  }
0xbc: {  	s11 =	sadd.s32 @!p0 $0x600, s19;
	_ =	swait.ge [sflag:s1], $0x1800  }
0xbd: {  	s11 =	sshra.s32 @!p0 s11, $0x2;
	s13 =	simm.s32 @!p0 $0x60;
	[sflag:s1] =	ssyncset.done $0x0  }
0xbe: {  	s23 =	simm.s32 @!p0 $0x7E00;
	s11 =	sadd.s32 @!p0 $0x3400, s11;
	[sflag:s1] =	ssyncadd.s32 $0xFFFFE800  }
0xbf: {  	[tilespmem:s23], [sflag:$0x2] =	stream.indirect.gather @!p0 [hbm4b:s4+s13], $0x40, s11, s13, $0xb8;
	[tilespmem:$0x13400] =	vst v63  }
0xc0: {  	_ =	swait.ge [sflag:s0], $0x1800  }
0xc1: {  	[sflag:s0] =	ssyncset.done $0x0  }
0xc2: {  	s11 =	simm.s32 $0x0;
	[sflag:s0] =	ssyncadd.s32 $0xFFFFE800  }
0xc3: {  	v0 =	vld [tilespmem:s11+$0xB200]  }
0xc4: {  	v1 =	vld [tilespmem:s11+$0xB210]  }
0xc5: {  	v2 =	vld [tilespmem:s11+$0xB220]  }
0xc6: {  	v3 =	vld [tilespmem:s11+$0xB230]  }
0xc7: {  	v4 =	vld [tilespmem:s11+$0xB240]  }
0xc8: {  	v5 =	vld [tilespmem:s11+$0xB250];
	v0 =	vmul.f32 $8.000000000e+00, v0  }
0xc9: {  	v6 =	vld [tilespmem:s11+$0xB260];
	v1 =	vmul.f32 $8.000000000e+00, v1  }
0xca: {  	v7 =	vld [tilespmem:s11+$0xB270];
	[tilespmem:s11+$0xB200] =	vst v0;
	v0 =	vmul.f32 $8.000000000e+00, v2  }
0xcb: {  	v8 =	vld [tilespmem:s11+$0xB280];
	[tilespmem:s11+$0xB210] =	vst v1;
	v1 =	vmul.f32 $8.000000000e+00, v3  }
0xcc: {  	v9 =	vld [tilespmem:s11+$0xB290];
	[tilespmem:s11+$0xB220] =	vst v0;
	v0 =	vmul.f32 $8.000000000e+00, v4  }
0xcd: {  	v2 =	vmul.f32 $8.000000000e+00, v5;
	[tilespmem:s11+$0xB230] =	vst v1;
	v1 =	vld [tilespmem:s11+$0xB2A0]  }
0xce: {  	v3 =	vmul.f32 $8.000000000e+00, v6;
	[tilespmem:s11+$0xB240] =	vst v0;
	v0 =	vld [tilespmem:s11+$0xB2B0]  }
0xcf: {  	[tilespmem:s11+$0xB250] =	vst v2;
	v2 =	vld [tilespmem:s11+$0xB2C0];
	v4 =	vmul.f32 $8.000000000e+00, v7  }
0xd0: {  	v6 =	vmul.f32 $8.000000000e+00, v8;
	[tilespmem:s11+$0xB260] =	vst v3;
	v3 =	vld [tilespmem:s11+$0xB2D0]  }
0xd1: {  	s13 =	simm.s32 $0x400;
	v5 =	vmul.f32 $8.000000000e+00, v9;
	[tilespmem:s11+$0xB270] =	vst v4;
	v4 =	vld [tilespmem:s11+$0xB2E0]  }
.LBB2_9:
0xd2: {  	s23 =	sshra.s32 s13, $0x2;
	p1 =	sne.s32 s13, $0x5C00;
	[tilespmem:s11+$0xB280] =	vst v6;
	v1 =	vmul.f32 $8.000000000e+00, v1;
	v6 =	vld [tilespmem:s11+$0xB2F0]  }
0xd3: {  	v7 =	vld [tilespmem:s23+$0xB200];
	[tilespmem:s11+$0xB290] =	vst v5;
	v0 =	vmul.f32 $8.000000000e+00, v0  }
0xd4: {  	v5 =	vld [tilespmem:s23+$0xB210];
	[tilespmem:s11+$0xB2A0] =	vst v1;
	v1 =	vmul.f32 $8.000000000e+00, v2  }
0xd5: {  	v2 =	vld [tilespmem:s23+$0xB220];
	[tilespmem:s11+$0xB2B0] =	vst v0;
	v0 =	vmul.f32 $8.000000000e+00, v3  }
0xd6: {  	v3 =	vld [tilespmem:s23+$0xB230];
	[tilespmem:s11+$0xB2C0] =	vst v1;
	v1 =	vmul.f32 $8.000000000e+00, v4  }
0xd7: {  	v4 =	vld [tilespmem:s23+$0xB240];
	[tilespmem:s11+$0xB2D0] =	vst v0;
	v0 =	vmul.f32 $8.000000000e+00, v6  }
0xd8: {  	v6 =	vmul.f32 $8.000000000e+00, v7;
	v7 =	vld [tilespmem:s23+$0xB250];
	[tilespmem:s11+$0xB2E0] =	vst v1  }
0xd9: {  	v1 =	vmul.f32 $8.000000000e+00, v5;
	v5 =	vld [tilespmem:s23+$0xB260];
	[tilespmem:s11+$0xB2F0] =	vst v0;
	s11 =	smov.u32 s23  }
0xda: {  	[tilespmem:s11+$0xB200] =	vst v6;
	v0 =	vmul.f32 $8.000000000e+00, v2;
	v2 =	vld [tilespmem:s11+$0xB270]  }
0xdb: {  	[tilespmem:s11+$0xB210] =	vst v1;
	v1 =	vmul.f32 $8.000000000e+00, v3;
	v3 =	vld [tilespmem:s11+$0xB280]  }
0xdc: {  	[tilespmem:s11+$0xB220] =	vst v0;
	v0 =	vmul.f32 $8.000000000e+00, v4;
	v4 =	vld [tilespmem:s11+$0xB290]  }
.Ltmp5:
0xdd: {  	[tilespmem:s11+$0xB230] =	vst v1;
	v6 =	vmul.f32 $8.000000000e+00, v7;
	v1 =	vld [tilespmem:s11+$0xB2A0];
	(pc) =	sbr.rel @p1 .LBB2_9-.Ltmp5, $4  }
0xde: {  	[tilespmem:s11+$0xB240] =	vst v0;
	v5 =	vmul.f32 $8.000000000e+00, v5;
	v0 =	vld [tilespmem:s11+$0xB2B0]  }
0xdf: {  	[tilespmem:s11+$0xB250] =	vst v6;
	v7 =	vmul.f32 $8.000000000e+00, v2;
	v2 =	vld [tilespmem:s11+$0xB2C0]  }
0xe0: {  	[tilespmem:s11+$0xB260] =	vst v5;
	v6 =	vmul.f32 $8.000000000e+00, v3;
	v3 =	vld [tilespmem:s11+$0xB2D0]  }
0xe1: {  	s13 =	sadd.s32 $0x400, s13;
	[tilespmem:s11+$0xB270] =	vst v7;
	v5 =	vmul.f32 $8.000000000e+00, v4;
	v4 =	vld [tilespmem:s11+$0xB2E0]  }
0xe2: {  	[tilespmem:s11+$0xB280] =	vst v6;
	v1 =	vmul.f32 $8.000000000e+00, v1;
	v6 =	vld [tilespmem:s11+$0xB2F0]  }
0xe3: {  	[tilespmem:s11+$0xB290] =	vst v5;
	v0 =	vmul.f32 $8.000000000e+00, v0  }
0xe4: {  	[tilespmem:s11+$0xB2A0] =	vst v1;
	v1 =	vmul.f32 $8.000000000e+00, v2  }
0xe5: {  	s13 =	smul.u32 $0x6400, s21;
	[tilespmem:s11+$0xB2B0] =	vst v0;
	v0 =	vmul.f32 $8.000000000e+00, v3  }
0xe6: {  	[tilespmem:s11+$0xB2C0] =	vst v1;
	v1 =	vmul.f32 $8.000000000e+00, v4  }
0xe7: {  	s13 =	sshrl.u32 s13, $0x3;
	[tilespmem:s11+$0xB2D0] =	vst v0;
	v0 =	vmul.f32 $8.000000000e+00, v6  }
0xe8: {  	s13 =	sadd.s32 s5, s13;
	[tilespmem:s11+$0xB2E0] =	vst v1  }
0xe9: {  	s23 =	simm.s32 $0xB200;
	s21 =	sadd.s32 $0x680, s13;
	[tilespmem:s11+$0xB2F0] =	vst v0;
	s11 =	sadd.s32 @!p0 $0xA, s12  }
0xea: {  	[hbm4b:s21+s25] =	stream.strided.scatter [tilespmem:s23], [sflag:$0xC], $0x1800, s26, s25, $0x38;
	[tilespmem:$0x13400] =	vst v63  }
0xeb: {  	s21 =	sshrl.u32 @!p0 s11, $0x1  }
0xec: {  	_ =	swait.ge [sflag:s16], $0x1A00;
	s11 =	smul.u32 @!p0 $0x1A0, s21  }
0xed: {  	s13 =	simm.s32 @!p0 $0x68;
	[sflag:s16] =	ssyncset.done $0x0  }
0xee: {  	s23 =	simm.s32 @!p0 $0x9800;
	[sflag:s16] =	ssyncadd.s32 $0xFFFFE600;
	s11 =	sshra.s32 @!p0 s11, $0x2  }
0xef: {  	[tilespmem:s23], [sflag:$0x3] =	stream.indirect.gather @!p0 [hbm4b:s4+s13], $0x40, s11, s13, $0xb8;
	[tilespmem:$0x13400] =	vst v63  }
0xf0: {  	_ =	swait.ge [sflag:s18], $0x1A00  }
0xf1: {  	[sflag:s18] =	ssyncset.done $0x0  }
0xf2: {  	s11 =	simm.s32 $0x0;
	[sflag:s18] =	ssyncadd.s32 $0xFFFFE600  }
0xf3: {  	v0 =	vld [tilespmem:s11+$0xCC00]  }
0xf4: {  	v1 =	vld [tilespmem:s11+$0xCC10]  }
0xf5: {  	v2 =	vld [tilespmem:s11+$0xCC20]  }
0xf6: {  	v3 =	vld [tilespmem:s11+$0xCC30]  }
0xf7: {  	v4 =	vld [tilespmem:s11+$0xCC40]  }
0xf8: {  	v5 =	vld [tilespmem:s11+$0xCC50];
	v0 =	vmul.f32 $8.000000000e+00, v0  }
0xf9: {  	v6 =	vld [tilespmem:s11+$0xCC60];
	v1 =	vmul.f32 $8.000000000e+00, v1  }
0xfa: {  	v7 =	vld [tilespmem:s11+$0xCC70];
	[tilespmem:s11+$0xCC00] =	vst v0;
	v0 =	vmul.f32 $8.000000000e+00, v2  }
0xfb: {  	v8 =	vld [tilespmem:s11+$0xCC80];
	[tilespmem:s11+$0xCC10] =	vst v1;
	v1 =	vmul.f32 $8.000000000e+00, v3  }
0xfc: {  	v9 =	vld [tilespmem:s11+$0xCC90];
	[tilespmem:s11+$0xCC20] =	vst v0;
	v0 =	vmul.f32 $8.000000000e+00, v4  }
0xfd: {  	v2 =	vmul.f32 $8.000000000e+00, v5;
	[tilespmem:s11+$0xCC30] =	vst v1;
	v1 =	vld [tilespmem:s11+$0xCCA0]  }
0xfe: {  	v3 =	vmul.f32 $8.000000000e+00, v6;
	[tilespmem:s11+$0xCC40] =	vst v0;
	v0 =	vld [tilespmem:s11+$0xCCB0]  }
0xff: {  	[tilespmem:s11+$0xCC50] =	vst v2;
	v2 =	vld [tilespmem:s11+$0xCCC0];
	v4 =	vmul.f32 $8.000000000e+00, v7  }
0x100: {  	v6 =	vmul.f32 $8.000000000e+00, v8;
	[tilespmem:s11+$0xCC60] =	vst v3;
	v3 =	vld [tilespmem:s11+$0xCCD0]  }
0x101: {  	s13 =	simm.s32 $0x400;
	v5 =	vmul.f32 $8.000000000e+00, v9;
	[tilespmem:s11+$0xCC70] =	vst v4;
	v4 =	vld [tilespmem:s11+$0xCCE0]  }
.LBB2_11:
0x102: {  	s23 =	sshra.s32 s13, $0x2;
	p1 =	sne.s32 s13, $0x6400;
	[tilespmem:s11+$0xCC80] =	vst v6;
	v1 =	vmul.f32 $8.000000000e+00, v1;
	v6 =	vld [tilespmem:s11+$0xCCF0]  }
0x103: {  	v7 =	vld [tilespmem:s23+$0xCC00];
	[tilespmem:s11+$0xCC90] =	vst v5;
	v0 =	vmul.f32 $8.000000000e+00, v0  }
0x104: {  	v5 =	vld [tilespmem:s23+$0xCC10];
	[tilespmem:s11+$0xCCA0] =	vst v1;
	v1 =	vmul.f32 $8.000000000e+00, v2  }
0x105: {  	v2 =	vld [tilespmem:s23+$0xCC20];
	[tilespmem:s11+$0xCCB0] =	vst v0;
	v0 =	vmul.f32 $8.000000000e+00, v3  }
0x106: {  	v3 =	vld [tilespmem:s23+$0xCC30];
	[tilespmem:s11+$0xCCC0] =	vst v1;
	v1 =	vmul.f32 $8.000000000e+00, v4  }
0x107: {  	v4 =	vld [tilespmem:s23+$0xCC40];
	[tilespmem:s11+$0xCCD0] =	vst v0;
	v0 =	vmul.f32 $8.000000000e+00, v6  }
0x108: {  	v6 =	vmul.f32 $8.000000000e+00, v7;
	v7 =	vld [tilespmem:s23+$0xCC50];
	[tilespmem:s11+$0xCCE0] =	vst v1  }
0x109: {  	v1 =	vmul.f32 $8.000000000e+00, v5;
	v5 =	vld [tilespmem:s23+$0xCC60];
	[tilespmem:s11+$0xCCF0] =	vst v0;
	s11 =	smov.u32 s23  }
0x10a: {  	[tilespmem:s11+$0xCC00] =	vst v6;
	v0 =	vmul.f32 $8.000000000e+00, v2;
	v2 =	vld [tilespmem:s11+$0xCC70]  }
0x10b: {  	[tilespmem:s11+$0xCC10] =	vst v1;
	v1 =	vmul.f32 $8.000000000e+00, v3;
	v3 =	vld [tilespmem:s11+$0xCC80]  }
0x10c: {  	[tilespmem:s11+$0xCC20] =	vst v0;
	v0 =	vmul.f32 $8.000000000e+00, v4;
	v4 =	vld [tilespmem:s11+$0xCC90]  }
.Ltmp6:
0x10d: {  	[tilespmem:s11+$0xCC30] =	vst v1;
	v6 =	vmul.f32 $8.000000000e+00, v7;
	v1 =	vld [tilespmem:s11+$0xCCA0];
	(pc) =	sbr.rel @p1 .LBB2_11-.Ltmp6, $4  }
0x10e: {  	[tilespmem:s11+$0xCC40] =	vst v0;
	v5 =	vmul.f32 $8.000000000e+00, v5;
	v0 =	vld [tilespmem:s11+$0xCCB0]  }
0x10f: {  	[tilespmem:s11+$0xCC50] =	vst v6;
	v7 =	vmul.f32 $8.000000000e+00, v2;
	v2 =	vld [tilespmem:s11+$0xCCC0]  }
0x110: {  	[tilespmem:s11+$0xCC60] =	vst v5;
	v6 =	vmul.f32 $8.000000000e+00, v3;
	v3 =	vld [tilespmem:s11+$0xCCD0]  }
0x111: {  	s13 =	sadd.s32 $0x400, s13;
	[tilespmem:s11+$0xCC70] =	vst v7;
	v5 =	vmul.f32 $8.000000000e+00, v4;
	v4 =	vld [tilespmem:s11+$0xCCE0]  }
0x112: {  	[tilespmem:s11+$0xCC80] =	vst v6;
	v1 =	vmul.f32 $8.000000000e+00, v1;
	v6 =	vld [tilespmem:s11+$0xCCF0]  }
0x113: {  	[tilespmem:s11+$0xCC90] =	vst v5;
	v0 =	vmul.f32 $8.000000000e+00, v0  }
0x114: {  	[tilespmem:s11+$0xCCA0] =	vst v1;
	v1 =	vmul.f32 $8.000000000e+00, v2  }
0x115: {  	[tilespmem:s11+$0xCCB0] =	vst v0;
	v0 =	vmul.f32 $8.000000000e+00, v3  }
0x116: {  	s15 =	sor.u32 $0x2, s15;
	[tilespmem:s11+$0xCCC0] =	vst v1;
	v1 =	vmul.f32 $8.000000000e+00, v4  }
0x117: {  	s13 =	smul.u32 $0xC80, s15;
	[tilespmem:s11+$0xCCD0] =	vst v0;
	v0 =	vmul.f32 $8.000000000e+00, v6  }
0x118: {  	[tilespmem:s11+$0xCCE0] =	vst v1  }
0x119: {  	s23 =	simm.s32 $0xCC00;
	s13 =	sadd.s32 s5, s13;
	[tilespmem:s11+$0xCCF0] =	vst v0;
	s11 =	smul.u32 @!p0 $0x180, s21  }
0x11a: {  	[hbm4b:s13+s25] =	stream.strided.scatter [tilespmem:s23], [sflag:$0xD], $0x1A00, s26, s25, $0x38;
	[tilespmem:$0x13400] =	vst v63  }
0x11b: {  	_ =	swait.ge [sflag:s20], $0x1800  }
0x11c: {  	s21 =	simm.s32 @!p0 $0xB200;
	s11 =	sshra.s32 @!p0 s11, $0x2;
	[sflag:s20] =	ssyncset.done $0x0  }
0x11d: {  	s13 =	simm.s32 @!p0 $0x60;
	s11 =	sadd.s32 @!p0 $0x3400, s11;
	[sflag:s20] =	ssyncadd.s32 $0xFFFFE800  }
0x11e: {  	[tilespmem:s21], [sflag:$0x4] =	stream.indirect.gather @!p0 [hbm4b:s4+s13], $0x40, s11, s13, $0xb8;
	[tilespmem:$0x13400] =	vst v63  }
0x11f: {  	_ =	swait.ge [sflag:s22], $0x1800  }
0x120: {  	[sflag:s22] =	ssyncset.done $0x0  }
0x121: {  	s11 =	simm.s32 $0x0;
	[sflag:s22] =	ssyncadd.s32 $0xFFFFE800  }
0x122: {  	v0 =	vld [tilespmem:s11+$0xE600]  }
0x123: {  	v1 =	vld [tilespmem:s11+$0xE610]  }
0x124: {  	v2 =	vld [tilespmem:s11+$0xE620]  }
0x125: {  	v3 =	vld [tilespmem:s11+$0xE630]  }
0x126: {  	v4 =	vld [tilespmem:s11+$0xE640]  }
0x127: {  	v5 =	vld [tilespmem:s11+$0xE650];
	v0 =	vmul.f32 $8.000000000e+00, v0  }
0x128: {  	v6 =	vld [tilespmem:s11+$0xE660];
	v1 =	vmul.f32 $8.000000000e+00, v1  }
0x129: {  	v7 =	vld [tilespmem:s11+$0xE670];
	[tilespmem:s11+$0xE600] =	vst v0;
	v0 =	vmul.f32 $8.000000000e+00, v2  }
0x12a: {  	v8 =	vld [tilespmem:s11+$0xE680];
	[tilespmem:s11+$0xE610] =	vst v1;
	v1 =	vmul.f32 $8.000000000e+00, v3  }
0x12b: {  	v9 =	vld [tilespmem:s11+$0xE690];
	[tilespmem:s11+$0xE620] =	vst v0;
	v0 =	vmul.f32 $8.000000000e+00, v4  }
0x12c: {  	v2 =	vmul.f32 $8.000000000e+00, v5;
	[tilespmem:s11+$0xE630] =	vst v1;
	v1 =	vld [tilespmem:s11+$0xE6A0]  }
0x12d: {  	v3 =	vmul.f32 $8.000000000e+00, v6;
	[tilespmem:s11+$0xE640] =	vst v0;
	v0 =	vld [tilespmem:s11+$0xE6B0]  }
0x12e: {  	[tilespmem:s11+$0xE650] =	vst v2;
	v2 =	vld [tilespmem:s11+$0xE6C0];
	v4 =	vmul.f32 $8.000000000e+00, v7  }
0x12f: {  	v6 =	vmul.f32 $8.000000000e+00, v8;
	[tilespmem:s11+$0xE660] =	vst v3;
	v3 =	vld [tilespmem:s11+$0xE6D0]  }
0x130: {  	s13 =	simm.s32 $0x400;
	v5 =	vmul.f32 $8.000000000e+00, v9;
	[tilespmem:s11+$0xE670] =	vst v4;
	v4 =	vld [tilespmem:s11+$0xE6E0]  }
.LBB2_13:
0x131: {  	s21 =	sshra.s32 s13, $0x2;
	p1 =	sne.s32 s13, $0x5C00;
	[tilespmem:s11+$0xE680] =	vst v6;
	v1 =	vmul.f32 $8.000000000e+00, v1;
	v6 =	vld [tilespmem:s11+$0xE6F0]  }
0x132: {  	v7 =	vld [tilespmem:s21+$0xE600];
	[tilespmem:s11+$0xE690] =	vst v5;
	v0 =	vmul.f32 $8.000000000e+00, v0  }
0x133: {  	v5 =	vld [tilespmem:s21+$0xE610];
	[tilespmem:s11+$0xE6A0] =	vst v1;
	v1 =	vmul.f32 $8.000000000e+00, v2  }
0x134: {  	v2 =	vld [tilespmem:s21+$0xE620];
	[tilespmem:s11+$0xE6B0] =	vst v0;
	v0 =	vmul.f32 $8.000000000e+00, v3  }
0x135: {  	v3 =	vld [tilespmem:s21+$0xE630];
	[tilespmem:s11+$0xE6C0] =	vst v1;
	v1 =	vmul.f32 $8.000000000e+00, v4  }
0x136: {  	v4 =	vld [tilespmem:s21+$0xE640];
	[tilespmem:s11+$0xE6D0] =	vst v0;
	v0 =	vmul.f32 $8.000000000e+00, v6  }
0x137: {  	v6 =	vmul.f32 $8.000000000e+00, v7;
	v7 =	vld [tilespmem:s21+$0xE650];
	[tilespmem:s11+$0xE6E0] =	vst v1  }
0x138: {  	v1 =	vmul.f32 $8.000000000e+00, v5;
	v5 =	vld [tilespmem:s21+$0xE660];
	[tilespmem:s11+$0xE6F0] =	vst v0;
	s11 =	smov.u32 s21  }
0x139: {  	[tilespmem:s11+$0xE600] =	vst v6;
	v0 =	vmul.f32 $8.000000000e+00, v2;
	v2 =	vld [tilespmem:s11+$0xE670]  }
0x13a: {  	[tilespmem:s11+$0xE610] =	vst v1;
	v1 =	vmul.f32 $8.000000000e+00, v3;
	v3 =	vld [tilespmem:s11+$0xE680]  }
0x13b: {  	[tilespmem:s11+$0xE620] =	vst v0;
	v0 =	vmul.f32 $8.000000000e+00, v4;
	v4 =	vld [tilespmem:s11+$0xE690]  }
.Ltmp7:
0x13c: {  	[tilespmem:s11+$0xE630] =	vst v1;
	v6 =	vmul.f32 $8.000000000e+00, v7;
	v1 =	vld [tilespmem:s11+$0xE6A0];
	(pc) =	sbr.rel @p1 .LBB2_13-.Ltmp7, $4  }
0x13d: {  	[tilespmem:s11+$0xE640] =	vst v0;
	v5 =	vmul.f32 $8.000000000e+00, v5;
	v0 =	vld [tilespmem:s11+$0xE6B0]  }
0x13e: {  	[tilespmem:s11+$0xE650] =	vst v6;
	v7 =	vmul.f32 $8.000000000e+00, v2;
	v2 =	vld [tilespmem:s11+$0xE6C0]  }
0x13f: {  	[tilespmem:s11+$0xE660] =	vst v5;
	v6 =	vmul.f32 $8.000000000e+00, v3;
	v3 =	vld [tilespmem:s11+$0xE6D0]  }
0x140: {  	s13 =	sadd.s32 $0x400, s13;
	[tilespmem:s11+$0xE670] =	vst v7;
	v5 =	vmul.f32 $8.000000000e+00, v4;
	v4 =	vld [tilespmem:s11+$0xE6E0]  }
0x141: {  	[tilespmem:s11+$0xE680] =	vst v6;
	v1 =	vmul.f32 $8.000000000e+00, v1;
	v6 =	vld [tilespmem:s11+$0xE6F0]  }
0x142: {  	[tilespmem:s11+$0xE690] =	vst v5;
	v0 =	vmul.f32 $8.000000000e+00, v0  }
0x143: {  	[tilespmem:s11+$0xE6A0] =	vst v1;
	v1 =	vmul.f32 $8.000000000e+00, v2  }
0x144: {  	s13 =	smul.u32 $0x6400, s15;
	[tilespmem:s11+$0xE6B0] =	vst v0;
	v0 =	vmul.f32 $8.000000000e+00, v3  }
0x145: {  	[tilespmem:s11+$0xE6C0] =	vst v1;
	v1 =	vmul.f32 $8.000000000e+00, v4  }
0x146: {  	s13 =	sshrl.u32 s13, $0x3;
	[tilespmem:s11+$0xE6D0] =	vst v0;
	v0 =	vmul.f32 $8.000000000e+00, v6  }
0x147: {  	s13 =	sadd.s32 s5, s13;
	[tilespmem:s11+$0xE6E0] =	vst v1  }
0x148: {  	s23 =	simm.s32 $0xE600;
	s21 =	sadd.s32 $0x680, s13;
	[tilespmem:s11+$0xE6F0] =	vst v0  }
0x149: {  	[hbm4b:s21+s25] =	stream.strided.scatter [tilespmem:s23], [sflag:$0xE], $0x1800, s26, s25, $0x38;
	[tilespmem:$0x13400] =	vst v63  }
0x14a: {  	_ =	swait.ge [sflag:s10], $0x1A00  }
0x14b: {  	s15 =	simm.s32 @!p0 $0xCC00;
	s11 =	sadd.s32 @!p0 $0x9C0, s17;
	[sflag:s10] =	ssyncset.done $0x0  }
0x14c: {  	s13 =	simm.s32 @!p0 $0x68;
	s11 =	sshra.s32 @!p0 s11, $0x2;
	[sflag:s10] =	ssyncadd.s32 $0xFFFFE600  }
0x14d: {  	[tilespmem:s15], [sflag:$0x5] =	stream.indirect.gather @!p0 [hbm4b:s4+s13], $0x40, s11, s13, $0xb8;
	[tilespmem:$0x13400] =	vst v63  }
0x14e: {  	_ =	swait.ge [sflag:s6], $0x1A00  }
0x14f: {  	[sflag:s6] =	ssyncset.done $0x0  }
0x150: {  	s11 =	simm.s32 $0x0;
	[sflag:s6] =	ssyncadd.s32 $0xFFFFE600  }
0x151: {  	v0 =	vld [tilespmem:s11+$0x10000]  }
0x152: {  	v1 =	vld [tilespmem:s11+$0x10010]  }
0x153: {  	v2 =	vld [tilespmem:s11+$0x10020]  }
0x154: {  	v3 =	vld [tilespmem:s11+$0x10030]  }
0x155: {  	v4 =	vld [tilespmem:s11+$0x10040]  }
0x156: {  	v5 =	vld [tilespmem:s11+$0x10050];
	v0 =	vmul.f32 $8.000000000e+00, v0  }
0x157: {  	v6 =	vld [tilespmem:s11+$0x10060];
	v1 =	vmul.f32 $8.000000000e+00, v1  }
0x158: {  	v7 =	vld [tilespmem:s11+$0x10070];
	[tilespmem:s11+$0x10000] =	vst v0;
	v0 =	vmul.f32 $8.000000000e+00, v2  }
0x159: {  	v8 =	vld [tilespmem:s11+$0x10080];
	[tilespmem:s11+$0x10010] =	vst v1;
	v1 =	vmul.f32 $8.000000000e+00, v3  }
0x15a: {  	v9 =	vld [tilespmem:s11+$0x10090];
	[tilespmem:s11+$0x10020] =	vst v0;
	v0 =	vmul.f32 $8.000000000e+00, v4  }
0x15b: {  	v2 =	vmul.f32 $8.000000000e+00, v5;
	[tilespmem:s11+$0x10030] =	vst v1;
	v1 =	vld [tilespmem:s11+$0x100A0]  }
0x15c: {  	v3 =	vmul.f32 $8.000000000e+00, v6;
	[tilespmem:s11+$0x10040] =	vst v0;
	v0 =	vld [tilespmem:s11+$0x100B0]  }
0x15d: {  	[tilespmem:s11+$0x10050] =	vst v2;
	v2 =	vld [tilespmem:s11+$0x100C0];
	v4 =	vmul.f32 $8.000000000e+00, v7  }
0x15e: {  	v6 =	vmul.f32 $8.000000000e+00, v8;
	[tilespmem:s11+$0x10060] =	vst v3;
	v3 =	vld [tilespmem:s11+$0x100D0]  }
0x15f: {  	s13 =	simm.s32 $0x400;
	v5 =	vmul.f32 $8.000000000e+00, v9;
	[tilespmem:s11+$0x10070] =	vst v4;
	v4 =	vld [tilespmem:s11+$0x100E0]  }
.LBB2_15:
0x160: {  	s15 =	sshra.s32 s13, $0x2;
	p1 =	sne.s32 s13, $0x6400;
	[tilespmem:s11+$0x10080] =	vst v6;
	v1 =	vmul.f32 $8.000000000e+00, v1;
	v6 =	vld [tilespmem:s11+$0x100F0]  }
0x161: {  	v7 =	vld [tilespmem:s15+$0x10000];
	[tilespmem:s11+$0x10090] =	vst v5;
	v0 =	vmul.f32 $8.000000000e+00, v0  }
0x162: {  	v5 =	vld [tilespmem:s15+$0x10010];
	[tilespmem:s11+$0x100A0] =	vst v1;
	v1 =	vmul.f32 $8.000000000e+00, v2  }
0x163: {  	v2 =	vld [tilespmem:s15+$0x10020];
	[tilespmem:s11+$0x100B0] =	vst v0;
	v0 =	vmul.f32 $8.000000000e+00, v3  }
0x164: {  	v3 =	vld [tilespmem:s15+$0x10030];
	[tilespmem:s11+$0x100C0] =	vst v1;
	v1 =	vmul.f32 $8.000000000e+00, v4  }
0x165: {  	v4 =	vld [tilespmem:s15+$0x10040];
	[tilespmem:s11+$0x100D0] =	vst v0;
	v0 =	vmul.f32 $8.000000000e+00, v6  }
0x166: {  	v6 =	vmul.f32 $8.000000000e+00, v7;
	v7 =	vld [tilespmem:s15+$0x10050];
	[tilespmem:s11+$0x100E0] =	vst v1  }
0x167: {  	v1 =	vmul.f32 $8.000000000e+00, v5;
	v5 =	vld [tilespmem:s15+$0x10060];
	[tilespmem:s11+$0x100F0] =	vst v0;
	s11 =	smov.u32 s15  }
0x168: {  	[tilespmem:s11+$0x10000] =	vst v6;
	v0 =	vmul.f32 $8.000000000e+00, v2;
	v2 =	vld [tilespmem:s11+$0x10070]  }
0x169: {  	[tilespmem:s11+$0x10010] =	vst v1;
	v1 =	vmul.f32 $8.000000000e+00, v3;
	v3 =	vld [tilespmem:s11+$0x10080]  }
0x16a: {  	[tilespmem:s11+$0x10020] =	vst v0;
	v0 =	vmul.f32 $8.000000000e+00, v4;
	v4 =	vld [tilespmem:s11+$0x10090]  }
.Ltmp8:
0x16b: {  	[tilespmem:s11+$0x10030] =	vst v1;
	v6 =	vmul.f32 $8.000000000e+00, v7;
	v1 =	vld [tilespmem:s11+$0x100A0];
	(pc) =	sbr.rel @p1 .LBB2_15-.Ltmp8, $4  }
0x16c: {  	[tilespmem:s11+$0x10040] =	vst v0;
	v5 =	vmul.f32 $8.000000000e+00, v5;
	v0 =	vld [tilespmem:s11+$0x100B0]  }
0x16d: {  	[tilespmem:s11+$0x10050] =	vst v6;
	v7 =	vmul.f32 $8.000000000e+00, v2;
	v2 =	vld [tilespmem:s11+$0x100C0]  }
0x16e: {  	[tilespmem:s11+$0x10060] =	vst v5;
	v6 =	vmul.f32 $8.000000000e+00, v3;
	v3 =	vld [tilespmem:s11+$0x100D0]  }
0x16f: {  	s13 =	sadd.s32 $0x400, s13;
	[tilespmem:s11+$0x10070] =	vst v7;
	v5 =	vmul.f32 $8.000000000e+00, v4;
	v4 =	vld [tilespmem:s11+$0x100E0]  }
0x170: {  	[tilespmem:s11+$0x10080] =	vst v6;
	v1 =	vmul.f32 $8.000000000e+00, v1;
	v6 =	vld [tilespmem:s11+$0x100F0]  }
0x171: {  	[tilespmem:s11+$0x10090] =	vst v5;
	v0 =	vmul.f32 $8.000000000e+00, v0  }
0x172: {  	[tilespmem:s11+$0x100A0] =	vst v1;
	v1 =	vmul.f32 $8.000000000e+00, v2  }
0x173: {  	[tilespmem:s11+$0x100B0] =	vst v0;
	v0 =	vmul.f32 $8.000000000e+00, v3  }
0x174: {  	s14 =	sor.u32 s3, s14;
	[tilespmem:s11+$0x100C0] =	vst v1;
	v1 =	vmul.f32 $8.000000000e+00, v4  }
0x175: {  	s13 =	smul.u32 $0xC80, s14;
	[tilespmem:s11+$0x100D0] =	vst v0;
	v0 =	vmul.f32 $8.000000000e+00, v6  }
0x176: {  	[tilespmem:s11+$0x100E0] =	vst v1  }
0x177: {  	s17 =	simm.s32 $0x10000;
	s23 =	sadd.s32 s5, s13;
	[tilespmem:s11+$0x100F0] =	vst v0  }
0x178: {  	[hbm4b:s23+s25] =	stream.strided.scatter [tilespmem:s17], [sflag:$0xF], $0x1A00, s26, s25, $0x38;
	[tilespmem:$0x13400] =	vst v63  }
0x179: {  	s11 =	sadd.s32 @!p0 $0x900, s19;
	_ =	swait.ge [sflag:s7], $0x1800  }
0x17a: {  	s15 =	simm.s32 @!p0 $0xE600;
	s11 =	sshra.s32 @!p0 s11, $0x2;
	[sflag:s7] =	ssyncset.done $0x0  }
0x17b: {  	s13 =	simm.s32 @!p0 $0x60;
	s11 =	sadd.s32 @!p0 $0x3400, s11;
	[sflag:s7] =	ssyncadd.s32 $0xFFFFE800  }
0x17c: {  	[tilespmem:s15], [sflag:$0x6] =	stream.indirect.gather @!p0 [hbm4b:s4+s13], $0x40, s11, s13, $0xb8;
	[tilespmem:$0x13400] =	vst v63  }
0x17d: {  	_ =	swait.ge [sflag:s8], $0x1800  }
0x17e: {  	[sflag:s8] =	ssyncset.done $0x0  }
0x17f: {  	s11 =	simm.s32 $0x0;
	[sflag:s8] =	ssyncadd.s32 $0xFFFFE800  }
0x180: {  	v0 =	vld [tilespmem:s11+$0x11A00]  }
0x181: {  	v1 =	vld [tilespmem:s11+$0x11A10]  }
0x182: {  	v2 =	vld [tilespmem:s11+$0x11A20]  }
0x183: {  	v3 =	vld [tilespmem:s11+$0x11A30]  }
0x184: {  	v4 =	vld [tilespmem:s11+$0x11A40]  }
0x185: {  	v5 =	vld [tilespmem:s11+$0x11A50];
	v0 =	vmul.f32 $8.000000000e+00, v0  }
0x186: {  	v6 =	vld [tilespmem:s11+$0x11A60];
	v1 =	vmul.f32 $8.000000000e+00, v1  }
0x187: {  	v7 =	vld [tilespmem:s11+$0x11A70];
	[tilespmem:s11+$0x11A00] =	vst v0;
	v0 =	vmul.f32 $8.000000000e+00, v2  }
0x188: {  	v8 =	vld [tilespmem:s11+$0x11A80];
	[tilespmem:s11+$0x11A10] =	vst v1;
	v1 =	vmul.f32 $8.000000000e+00, v3  }
0x189: {  	v9 =	vld [tilespmem:s11+$0x11A90];
	[tilespmem:s11+$0x11A20] =	vst v0;
	v0 =	vmul.f32 $8.000000000e+00, v4  }
0x18a: {  	v2 =	vmul.f32 $8.000000000e+00, v5;
	[tilespmem:s11+$0x11A30] =	vst v1;
	v1 =	vld [tilespmem:s11+$0x11AA0]  }
0x18b: {  	v3 =	vmul.f32 $8.000000000e+00, v6;
	[tilespmem:s11+$0x11A40] =	vst v0;
	v0 =	vld [tilespmem:s11+$0x11AB0]  }
0x18c: {  	[tilespmem:s11+$0x11A50] =	vst v2;
	v2 =	vld [tilespmem:s11+$0x11AC0];
	v4 =	vmul.f32 $8.000000000e+00, v7  }
0x18d: {  	v6 =	vmul.f32 $8.000000000e+00, v8;
	[tilespmem:s11+$0x11A60] =	vst v3;
	v3 =	vld [tilespmem:s11+$0x11AD0]  }
0x18e: {  	s13 =	simm.s32 $0x400;
	v5 =	vmul.f32 $8.000000000e+00, v9;
	[tilespmem:s11+$0x11A70] =	vst v4;
	v4 =	vld [tilespmem:s11+$0x11AE0]  }
.LBB2_17:
0x18f: {  	s15 =	sshra.s32 s13, $0x2;
	p1 =	sne.s32 s13, $0x5C00;
	[tilespmem:s11+$0x11A80] =	vst v6;
	v1 =	vmul.f32 $8.000000000e+00, v1;
	v6 =	vld [tilespmem:s11+$0x11AF0]  }
0x190: {  	v7 =	vld [tilespmem:s15+$0x11A00];
	[tilespmem:s11+$0x11A90] =	vst v5;
	v0 =	vmul.f32 $8.000000000e+00, v0  }
0x191: {  	v5 =	vld [tilespmem:s15+$0x11A10];
	[tilespmem:s11+$0x11AA0] =	vst v1;
	v1 =	vmul.f32 $8.000000000e+00, v2  }
0x192: {  	v2 =	vld [tilespmem:s15+$0x11A20];
	[tilespmem:s11+$0x11AB0] =	vst v0;
	v0 =	vmul.f32 $8.000000000e+00, v3  }
0x193: {  	v3 =	vld [tilespmem:s15+$0x11A30];
	[tilespmem:s11+$0x11AC0] =	vst v1;
	v1 =	vmul.f32 $8.000000000e+00, v4  }
0x194: {  	v4 =	vld [tilespmem:s15+$0x11A40];
	[tilespmem:s11+$0x11AD0] =	vst v0;
	v0 =	vmul.f32 $8.000000000e+00, v6  }
0x195: {  	v6 =	vmul.f32 $8.000000000e+00, v7;
	v7 =	vld [tilespmem:s15+$0x11A50];
	[tilespmem:s11+$0x11AE0] =	vst v1  }
0x196: {  	v1 =	vmul.f32 $8.000000000e+00, v5;
	v5 =	vld [tilespmem:s15+$0x11A60];
	[tilespmem:s11+$0x11AF0] =	vst v0;
	s11 =	smov.u32 s15  }
0x197: {  	[tilespmem:s11+$0x11A00] =	vst v6;
	v0 =	vmul.f32 $8.000000000e+00, v2;
	v2 =	vld [tilespmem:s11+$0x11A70]  }
0x198: {  	[tilespmem:s11+$0x11A10] =	vst v1;
	v1 =	vmul.f32 $8.000000000e+00, v3;
	v3 =	vld [tilespmem:s11+$0x11A80]  }
0x199: {  	[tilespmem:s11+$0x11A20] =	vst v0;
	v0 =	vmul.f32 $8.000000000e+00, v4;
	v4 =	vld [tilespmem:s11+$0x11A90]  }
.Ltmp9:
0x19a: {  	[tilespmem:s11+$0x11A30] =	vst v1;
	v6 =	vmul.f32 $8.000000000e+00, v7;
	v1 =	vld [tilespmem:s11+$0x11AA0];
	(pc) =	sbr.rel @p1 .LBB2_17-.Ltmp9, $4  }
0x19b: {  	[tilespmem:s11+$0x11A40] =	vst v0;
	v5 =	vmul.f32 $8.000000000e+00, v5;
	v0 =	vld [tilespmem:s11+$0x11AB0]  }
0x19c: {  	[tilespmem:s11+$0x11A50] =	vst v6;
	v7 =	vmul.f32 $8.000000000e+00, v2;
	v2 =	vld [tilespmem:s11+$0x11AC0]  }
0x19d: {  	[tilespmem:s11+$0x11A60] =	vst v5;
	v6 =	vmul.f32 $8.000000000e+00, v3;
	v3 =	vld [tilespmem:s11+$0x11AD0]  }
0x19e: {  	s13 =	sadd.s32 $0x400, s13;
	[tilespmem:s11+$0x11A70] =	vst v7;
	v5 =	vmul.f32 $8.000000000e+00, v4;
	v4 =	vld [tilespmem:s11+$0x11AE0]  }
0x19f: {  	[tilespmem:s11+$0x11A80] =	vst v6;
	v1 =	vmul.f32 $8.000000000e+00, v1;
	v59 =	vld [tilespmem:s11+$0x11AF0]  }
0x1a0: {  	[tilespmem:s11+$0x11A90] =	vst v5;
	v0 =	vmul.f32 $8.000000000e+00, v0  }
0x1a1: {  	[tilespmem:s11+$0x11AA0] =	vst v1;
	v60 =	vmul.f32 $8.000000000e+00, v2  }
0x1a2: {  	s13 =	smul.u32 $0x6400, s14;
	[tilespmem:s11+$0x11AB0] =	vst v0;
	v61 =	vmul.f32 $8.000000000e+00, v3  }
0x1a3: {  	[tilespmem:s11+$0x11AC0] =	vst v60;
	v62 =	vmul.f32 $8.000000000e+00, v4  }
0x1a4: {  	s13 =	sshrl.u32 s13, $0x3;
	[tilespmem:s11+$0x11AD0] =	vst v61;
	v63 =	vmul.f32 $8.000000000e+00, v59  }
0x1a5: {  	s13 =	sadd.s32 s5, s13;
	[tilespmem:s11+$0x11AE0] =	vst v62  }
.Ltmp10:
0x1a6: {  	s23 =	sadd.s32 $0x680, s13;
	[tilespmem:s11+$0x11AF0] =	vst v63;
	(pc) =	sbr.rel @p0 .LBB2_20-.Ltmp10, $4  }
0x1a7: {  	[hbm4b:s23+s25] =	stream.strided.scatter [tilespmem:s28], [sflag:$0x10], $0x1800, s26, s25, $0x38;
	[tilespmem:$0x13400] =	vst v63  }
0x1a8: {  	_ =	swait.ge [sflag:s2], $0x1A00  }
0x1a9: {  	[sflag:s2] =	ssyncset.done $0x0  }
0x1aa: {  	[sflag:s2] =	ssyncadd.s32 $0xFFFFE600  }
0x1ab: {  	s11 =	sadd.s32 $0xE, s12  }
.Ltmp11:
0x1ac: {  	s11 =	sshrl.u32 s11, $0x1;
	(pc) =	sbr.rel .LBB2_2-.Ltmp11, $3  }
0x1ad: {  	s11 =	smul.u32 $0x1A0, s11;
	_ =	sdelay $0x1  }
0x1ae: {  	s23 =	simm.s32 $0x68;
	s9 =	sadd.s32 $0x1, s9;
	s11 =	sshra.s32 s11, $0x2  }
0x1af: {  	[tilespmem:s17], [sflag:$0x7] =	stream.indirect.gather [hbm4b:s4+s23], $0x40, s11, s23, $0xb8;
	[tilespmem:$0x13400] =	vst v63  }
.LBB2_21:
0x1b0: {  	_ =	sfence.sel $0x180000  }
0x1b1: {  	[bflag:$0x0] =	sbarrier.arrive $0xFFFF  }
0x1b2: {  	_ =	strace $0x90000047  }
0x1b3: {  	s0 =	stileid.u32;
	[bflag:$0x2] =	sbarrier.arrive $0xFFFF  }
0x1b4: {  	p0 =	sne.s32 s0, $0x0;
	s0 =	rddreg [dreg:$0x1]  }
0x1b5: {  	s0 =	sadd.s32 @!p0 $0x100000, s0  }
0x1b6: {  	[sflag:s0] =	ssyncadd.tile.s32 @!p0 $0x1;
	_ =	shalt  }
.Lfunc_end2:
_tile_overlayer_lowered:
.L_overlay_start_2:
0x1b7: {  	(tag) =	ssettag $0x2  }
0x1b8: {  	s0 =	rddreg [dreg:$0x0];
	s2 =	stileid.u32  }
0x1b9: {  	s1 =	rddreg [dreg:$0x1];
	p0 =	sne.s32 s2, $0x0  }
0x1ba: {  	s3 =	rddreg [dreg:$0x2];
	[bflag:$0x3] =	sbarrier.arrive $0xFFFF;
	s2 =	simm.s32 @!p0 $0x1C11  }
0x1bb: {  	[timem:s3], [sflag:s2] =	dma.local @!p0 [hbm:s0], s1  }
0x1bc: {  	s0 =	simm.s32 @!p0 $0x11  }
0x1bd: {  	_ =	swait.ge @!p0 [sflag:s0], s1  }
0x1be: {  	s1 =	ssub.s32 @!p0 $0x0, s1;
	[sflag:s0] =	ssyncset.done @!p0 $0x0  }
0x1bf: {  	[sflag:s0] =	ssyncadd.s32 @!p0 s1  }
0x1c0: {  	[bflag:$0x3] =	sbarrier.arrive $0xFFFF  }
0x1c1: {  	_ =	shalt  }

// kernel: sparse-core-data-format-call.cloned.1.call-start
scs
called_computation_lowered:
.L_overlay_start_0:
0x0: {  	s2 =	sld [smem:$0x3FD9]  }
0x1: {  	s3 =	sld [smem:$0x3FFE];
	_ =	sdelay $0x1  }
0x2: {  	s1 =	srdreg.scid  }
0x3: {  	s0 =	sand.u32 $0x1, s1  }
0x4: {  	s18 =	sshll.u32 s0, $0xA;
	s2 =	sadd.s32 s3, s2  }
0x5: {  	s2 =	sadd.s32 s2, s18  }
0x6: {  	[smem:$0x3FC6] =	sst s2  }
0x7: {  	_ = 	snop  }
0x8: {  	s2 =	sld [smem:$0x3FD0];
	(tm) =	ssettm $0x1  }
0x9: {  	s19 =	sld [smem:$0x3FFB];
	_ =	sdelay $0x3  }
0xa: {  	_ =	strace s19  }
0xb: {  	s3 =	sld [smem:$0x3FFC];
	_ =	sdelay $0x3  }
0xc: {  	_ =	strace s3  }
0xd: {  	s3 =	sld [smem:$0x3FFD];
	_ =	sdelay $0x3  }
0xe: {  	_ =	strace s3  }
0xf: {  	_ =	strace $0x8FFFFFFF  }
0x10: {  	s20 =	sld [smem:$0x3FDB];
	_ =	sdelay $0x1  }
0x11: {  	s4 =	simm.s32 $_scs_section_size  }
0x12: {  	s5 =	simm.s32 $_size__tile_overlayer_lowered;
	s6 =	simm.s32 $_tile_overlayer_lowered  }
0x13: {  	s23 =	simm.s32 $0x1BFF;
	s22 =	sshll.u32 s6, $0x1;
	s3 =	sadd.s32 s4, s20  }
0x14: {  	s7 =	simm.s32 $0x0;
	s21 =	sshll.u32 s5, $0x1;
	s5 =	sadd.s32 s22, s3  }
0x15: {  	[timem:s7], [sflag:s23] =	dma.local [hbm:s5], s21  }
0x16: {  	_ =	swait.ge [sflag:s23], s21  }
0x17: {  	s4 =	ssub.s32 $0x0, s21;
	[sflag:s23] =	ssyncset.done $0x0  }
0x18: {  	[sflag:s23] =	ssyncadd.s32 s4;
	_ =	sdelay $0x1  }
0x19: {  	s24 =	simm.s32 $0x1B8B  }
0x1a: {  	_ =	swait.ge [sflag:s24], $0x1  }
0x1b: {  	[sflag:s24] =	ssyncset.done $0x0  }
0x1c: {  	s26 =	simm.s32 $0x1B8E;
	s25 =	sld [smem:$0x3FFE];
	[sflag:s24] =	ssyncadd.s32 $0xFFFFFFFF  }
0x1d: {  	s27 =	simm.s32 $execute0_lowered;
	[smem:$0x3FD2] =	sst s26  }
0x1e: {  	s5 =	sshll.u32 s27, $0x1;
	_ =	strace $0x80000049;
	[dreg:$0x1] =	wrdreg $0xFFFFFFFF  }
0x1f: {  	s28 =	simm.s32 $_size_execute0_lowered;
	s3 =	sadd.s32 s3, s5;
	[dreg:$0x0] =	wrdreg $0x0  }
0x20: {  	s5 =	sshll.u32 s28, $0x1;
	[dreg:$0x2] =	wrdreg s3  }
0x21: {  	[dreg:$0x3] =	wrdreg s5  }
0x22: {  	[dreg:$0x4] =	wrdreg $0xC0  }
0x23: {  	_ =	task [dreg:s7], $0x5FFFF  }
0x24: {  	[dreg:$0x1] =	wrdreg $0xFFFFFFFF  }
0x25: {  	[dreg:$0x0] =	wrdreg $0x60  }
0x26: {  	[dreg:$0x2] =	wrdreg s25  }
0x27: {  	[dreg:$0x3] =	wrdreg s2  }
0x28: {  	[dreg:$0x4] =	wrdreg $0x9  }
0x29: {  	_ =	task.clear_ibuf [dreg:s7], $0x5FFFF;
	_ =	strace $0x90000049  }
0x2a: {  	s29 =	simm.s32 $0x9;
	_ =	strace $0x8000004B  }
0x2b: {  	_ =	swait.ge [sflag:s29], $0x1  }
0x2c: {  	[sflag:s29] =	ssyncadd.s32 $0xFFFFFFFF  }
0x2d: {  	_ =	strace $0x9000004B  }
0x2e: {  	_ =	sfence  }
0x2f: {  	s30 =	sld [smem:$0x0];
	_ =	sdelay $0x2  }
0x30: {  	s31 =	sshll.u32 s1, $0xD;
	s1 =	sshrl.u32 s1, $0x2  }
0x31: {  	s3 =	sand.u32 $0x4000, s31;
	s1 =	sadd.s32 s1, s30  }
0x32: {  	s0 =	sor.u32 s3, s0;
	s1 =	sshll.u32 s1, $0x11  }
0x33: {  	s0 =	sor.u32 s1, s0  }
0x34: {  	s0 =	sadd.s32 $0x8F2B, s0  }
0x35: {  	[sflag:s0] =	ssyncadd.remote.s32 $0x1  }
0x36: {  	_ =	sfence.sel $0xFFFF  }
0x37: {  	[dreg:$0x0] =	wrdreg $0xFFFFFFFF;
	(pc) =	sbr.abs _section_cstart, $3  }
0x38: {  	[dreg:$0x1] =	wrdreg $0xFFFFFFFF  }
0x39: {  	_ =	task.clear_ibuf [dreg:s7], $0x2FFFF;
	_ =	strace $0x9FFFFFFF  }
0x3a: {  	(tm) =	ssettm $0x7FFFFFFF  }
0x3b: {  	_ =	shalt  }
tec
execute0_lowered:
.L_overlay_start_1:
0x0: {  	(tag) =	ssettag $0x1  }
0x1: {  	s0 =	srdreg.scid  }
0x2: {  	s1 =	sshll.u32 s0, $0x4  }
0x3: {  	s0 =	stileid.u32;
	s1 =	sand.u32 $0x10, s1  }
0x4: {  	s1 =	sor.u32 s0, s1  }
0x5: {  	s6 =	rddreg [dreg:$0x0];
	s4 =	simm.s32 $0x1;
	s2 =	sshll.u32 s1, $0x7  }
0x6: {  	s7 =	simm.s32 $0x2;
	s12 =	simm.s32 $0x0;
	s1 =	ssub.s32 $0x1000, s2  }
0x7: {  	s8 =	simm.s32 $0x8000;
	s13 =	simm.s32 $0x0;
	s3 =	sand.u32 $0xF80, s1  }
0x8: {  	s9 =	simm.s32 $0x0;
	s5 =	sshrl.u32 s1, $0xC;
	p0 =	sne.s32 s3, $0x0  }
.Ltmp0:
0x9: {  	s1 =	rddreg [dreg:$0x2];
	s4 =	simm.s32 @!p0 $0x0;
	(pc) =	sbr.rel .LBB1_1-.Ltmp0, $4  }
0xa: {  	s11 =	simm.s32 $0x0;
	s3 =	rddreg [dreg:$0x1];
	s5 =	sadd.s32 s4, s5  }
0xb: {  	_ =	strace $0x8000004A;
	s4 =	simm.s32 $0x1;
	s5 =	smul.u32 $0xC8, s5  }
0xc: {  	s6 =	sadd.s32 $0xDD600, s6;
	s10 =	smov.u32 s2;
	[sflag:s4] =	ssyncpa.u1 $0x0  }
0xd: {  	p0 =	por $0x0, $0x0;
	[sflag:s7] =	ssyncpa.u1 $0x0;
	s7 =	sor.u32 $0x1, s5  }
.LBB1_4:
0xe: {  	s16 =	sshll.u32 s13, $0x3;
	s17 =	sand.u32 $0x78, s13  }
0xf: {  	s30 =	sand.u32 $0x7E00, s13;
	s12 =	sshll.u32 s12, $0xF;
	s16 =	sand.u32 $0xC00, s16  }
0x10: {  	[tilespmem:s15+$0x810 ss:$0x81] =	vst.msk $0xffff, v2;
	s31 =	sand.u32 $0x7, s13;
	s16 =	sor.u32 s17, s16;
	s17 =	sadd.s32 s3, s30  }
0x11: {  	[tilespmem:s15+$0x1020 ss:$0x81] =	vst.msk $0xffff, v0;
	s13 =	sshll.u32 s31, $0x12;
	s12 =	sadd.s32 s12, s17;
	s16 =	sshrl.u32 s16, $0x3  }
0x12: {  	[tilespmem:s15+$0x0 ss:$0x81] =	vst.msk $0xffff, v1;
	s13 =	sor.u32 $0x400, s13;
	s12 =	sadd.s32 s16, s12  }
0x13: {  	[hbm4b:s12+s13] =	stream.strided.scatter [tilespmem:s14], [sflag:$0x2], $0x2000, s8, s13, $0x20;
	[tilespmem:$0x8080] =	vst v63  }
.LBB1_5:
0x14: {  	s14 =	sadd.s32 $0x1, s9  }
0x15: {  	s12 =	sadd.s32 $0x1000, s10;
	s16 =	smov.u32 s10;
	p2 =	sgt.s32 s14, $0xC7  }
0x16: {  	s16 =	smov.u32 @p2 s12  }
0x17: {  	s14 =	simm.s32 @p2 $0x0;
	p2 =	sgt.s32 s16, $0xFFF  }
0x18: {  	s16 =	smov.u32 @p2 s2;
	p2 =	sne.s32 s11, s7  }
.Ltmp1:
0x19: {  	p1 =	slt.u32 s11, $0x2;
	(pc) =	sbr.rel @!p2 .LBB1_6-.Ltmp1, $4  }
0x1a: {  	s15 =	simm.s32 @!p1 $0x2  }
0x1b: {  	s13 =	smov.u32 s10;
	p0 =	por !p0, !p0;
	_ =	swait.ge @!p1 [sflag:s15], $0x2000  }
0x1c: {  	s12 =	smov.u32 s9;
	[sflag:s15] =	ssyncset.done @!p1 $0x0;
	s9 =	smov.u32 s14  }
0x1d: {  	s11 =	sadd.s32 $0x1, s11;
	[sflag:s15] =	ssyncadd.s32 @!p1 $0xFFFFE000;
	s10 =	smov.u32 s16  }
.LBB1_1:
0x1e: {  	p1 =	sge.u32 s11, s5  }
0x1f: {  	s14 =	sand.u32 @!p1 $0x1FFFFFF, s9  }
0x20: {  	s15 =	smulhi.u32 @!p1 $0x147AE15, s14;
	_ =	sdelay $0x1  }
0x21: {  	s15 =	smul.u32 @!p1 $0xC8, s15  }
0x22: {  	s16 =	sxor.u32 @!p1 $0xFFFFFFFF, s11;
	s17 =	smul.u32 @!p1 $0xC80, s10  }
0x23: {  	s31 =	sadd.s32 $0xFFFFFFFF, s11;
	s16 =	sshll.u32 @!p1 s16, $0xD;
	s14 =	ssub.s32 @!p1 s14, s15  }
0x24: {  	s15 =	sand.u32 @!p1 $0x2000, s16;
	s16 =	sadd.s32 @!p1 s6, s17;
	s14 =	sshll.u32 @!p1 s14, $0x4  }
0x25: {  	s17 =	simm.s32 @!p1 $0x6400;
	s14 =	sadd.s32 @!p1 s14, s16;
	s16 =	simm.s32 @!p1 $0x40  }
0x26: {  	[tilespmem:s15], [sflag:$0x1] =	stream.strided.gather @!p1 [hbm4b:s14+s16], $0x2000, s17, s16, $0x38;
	[tilespmem:$0x8080] =	vst v63  }
0x27: {  	p1 =	sge.u32 s31, s5  }
.Ltmp2:
0x28: {  	_ = 	snop;
	(pc) =	sbr.rel @p1 .LBB1_5-.Ltmp2, $1  }
0x29: {  	_ =	sdelay $0x3  }
0x2a: {  	s14 =	simm.s32 $0x1  }
0x2b: {  	_ =	swait.ge [sflag:s4], $0x2000;
	s14 =	simm.s32 @!p0 $0x0  }
0x2c: {  	[sflag:s4] =	ssyncset.done $0x0;
	s15 =	sshll.u32 s14, $0xD  }
0x2d: {  	[sflag:s4] =	ssyncadd.s32 $0xFFFFE000;
	s18 =	sor.u32 $0x20, s15  }
0x2e: {  	s14 =	smul.u32 $0x8100, s14;
	v3 =	vld [tilespmem:s18+$0x10]  }
0x2f: {  	s30 =	sand.u32 $0x1, s11;
	v2 =	vld [tilespmem:s18+$0xFFFFFFF0]  }
0x30: {  	s15 =	smul.u32 $0x8100, s30;
	s14 =	sshrl.u32 s14, $0x2;
	v0 =	vld [tilespmem:s18+$0x0]  }
0x31: {  	v1 =	vld [tilespmem:s18+$0xFFFFFFE0];
	s16 =	sor.u32 $0x4000, s14  }
0x32: {  	s31 =	sshrl.u32 s15, $0x2;
	s15 =	sadd.s32 $0x0, s16  }
0x33: {  	s17 =	simm.s32 $0x4;
	s18 =	sadd.s32 $0x40, s18;
	s14 =	sor.u32 $0x4000, s31;
	[tilespmem:s15+$0x1830 ss:$0x81] =	vst.msk $0xffff, v3  }
.LBB1_3:
0x34: {  	v3 =	vld [tilespmem:s18+$0x10];
	p1 =	sne.s32 s17, $0x1FC;
	[tilespmem:s15+$0x810 ss:$0x81] =	vst.msk $0xffff, v2;
	s19 =	smov.u32 s17;
	s17 =	sadd.s32 $0x4, s17  }
.Ltmp3:
0x35: {  	v2 =	vld [tilespmem:s18+$0xFFFFFFF0];
	[tilespmem:s15+$0x1020 ss:$0x81] =	vst.msk $0xffff, v0;
	(pc) =	sbr.rel @p1 .LBB1_3-.Ltmp3, $4  }
0x36: {  	v0 =	vld [tilespmem:s18+$0x0];
	[tilespmem:s15+$0x0 ss:$0x81] =	vst.msk $0xffff, v1  }
0x37: {  	s15 =	sshra.s32 s19, $0x2;
	v1 =	vld [tilespmem:s18+$0xFFFFFFE0]  }
0x38: {  	s15 =	sadd.s32 s15, s16  }
0x39: {  	s18 =	sadd.s32 $0x40, s18;
	[tilespmem:s15+$0x1830 ss:$0x81] =	vst.msk $0xffff, v3  }
.Ltmp4:
0x3a: {  	_ = 	snop;
	(pc) =	sbr.rel .LBB1_4-.Ltmp4, $1  }
0x3b: {  	_ =	sdelay $0x3  }
.LBB1_6:
0x3c: {  	_ =	sfence.sel $0x180000  }
0x3d: {  	s2 =	simm.s32 $0x1;
	[bflag:$0x0] =	sbarrier.arrive $0xFFFF  }
0x3e: {  	s31 =	simm.s32 $0x2;
	[sflag:s2] =	ssyncpa.u1 $0x1  }
0x3f: {  	[sflag:s31] =	ssyncpa.u1 $0x1  }
0x40: {  	p0 =	sne.s32 s0, $0x0;
	_ =	strace $0x9000004A  }
0x41: {  	s0 =	sadd.s32 @!p0 $0x100000, s1;
	[bflag:$0x2] =	sbarrier.arrive $0xFFFF  }
0x42: {  	[sflag:s0] =	ssyncadd.tile.s32 @!p0 $0x1;
	_ =	shalt  }
.Lfunc_end1:
_tile_overlayer_lowered:
.L_overlay_start_2:
0x43: {  	(tag) =	ssettag $0x2  }
0x44: {  	s0 =	rddreg [dreg:$0x0];
	s2 =	stileid.u32  }
0x45: {  	s1 =	rddreg [dreg:$0x1];
	p0 =	sne.s32 s2, $0x0  }
0x46: {  	s3 =	rddreg [dreg:$0x2];
	[bflag:$0x3] =	sbarrier.arrive $0xFFFF;
	s2 =	simm.s32 @!p0 $0x1C01  }
0x47: {  	[timem:s3], [sflag:s2] =	dma.local @!p0 [hbm:s0], s1  }
0x48: {  	s0 =	simm.s32 @!p0 $0x1  }
0x49: {  	_ =	swait.ge @!p0 [sflag:s0], s1  }
0x4a: {  	s1 =	ssub.s32 @!p0 $0x0, s1;
	[sflag:s0] =	ssyncset.done @!p0 $0x0  }
0x4b: {  	[sflag:s0] =	ssyncadd.s32 @!p0 s1  }
0x4c: {  	[bflag:$0x3] =	sbarrier.arrive $0xFFFF  }
0x4d: {  	_ =	shalt  }

</sc_bundles>
